<compile_context>
chip_gen: v7x
topology: tpu7x:2x2x1
jax: 0.10.2.dev20260603
libtpu: 0.0.44.dev20260713+nightly
codegen_flags: <defaults>
</compile_context>

<pallas_src>
import functools

import jax
import jax.numpy as jnp
from jax import lax
from jax.experimental import pallas as pl
from jax.experimental.pallas import tpu as pltpu
from jax.experimental.pallas import tpu_sc as plsc

NUM_USER = 20000
NUM_ITEM = 30000
N_NODES = NUM_USER + NUM_ITEM
N_EDGES = 800000
DIM_FEAT = 128
DIM_LATENT = 64
QW = 16

EBLK = 128
NBLK = 6400
PAD_E = NBLK * EBLK
BLK_PER_TILE = NBLK // 16
DEG_BLK_PER_TILE = NBLK // 32
ACC_ROWS = 51200
ROWS_PER_TILE = ACC_ROWS // 16
DUMMY_ROW = N_NODES
FQ = ACC_ROWS * QW // 128
ROW_BLK = 2000
GRID = N_NODES // ROW_BLK
PBLK = 1600
PGRID = ACC_ROWS // PBLK
WBLK = PBLK * QW // 128
SWB = 800
SGRID = FQ // SWB

_mesh = plsc.VectorSubcoreMesh(core_axis_name="c", subcore_axis_name="s")
_sc_params = pltpu.CompilerParams(use_tc_tiling_on_sc=False)


@functools.partial(
    pl.kernel,
    out_type=jax.ShapeDtypeStruct((2, ACC_ROWS, 16), jnp.float32),
    mesh=_mesh,
    scratch_types=[
        pltpu.VMEM((40, EBLK), jnp.int32),
        pltpu.VMEM((EBLK, 16), jnp.float32),
        pltpu.VMEM((EBLK, 16), jnp.float32),
        pltpu.VMEM_SHARED((ACC_ROWS, 16), jnp.float32),
    ],
    compiler_params=_sc_params,
)
def _deg_kernel(row2d, out_hbm, idx_v, ones_v, zero_v, acc_sh):
    cid = lax.axis_index("c")
    sid = lax.axis_index("s")

    def _fill(i, _):
        ones_v[i] = jnp.full((16,), 1.0, jnp.float32)
        zero_v[i] = jnp.zeros((16,), jnp.float32)
        return 0

    lax.fori_loop(0, EBLK, _fill, 0)

    base_row = sid * ROWS_PER_TILE

    def _z(k, _):
        pltpu.sync_copy(zero_v, acc_sh.at[pl.ds(base_row + k * EBLK, EBLK)])
        return 0

    lax.fori_loop(0, 25, _z, 0)
    plsc.subcore_barrier()

    blk0 = cid * (NBLK // 2) + sid * DEG_BLK_PER_TILE

    def _chunk(ci, _):
        pltpu.sync_copy(row2d.at[pl.ds(blk0 + ci * 40, 40)], idx_v)

        def _scat(j, _):
            pltpu.sync_copy(ones_v, acc_sh.at[idx_v.at[j]], add=True)
            return 0

        lax.fori_loop(0, 40, _scat, 0)
        return 0

    lax.fori_loop(0, 5, _chunk, 0)
    plsc.subcore_barrier()

    pltpu.sync_copy(acc_sh.at[pl.ds(base_row, ROWS_PER_TILE)],
                    out_hbm.at[cid, pl.ds(base_row, ROWS_PER_TILE)])


@functools.partial(
    pl.kernel,
    out_type=jax.ShapeDtypeStruct((4, ACC_ROWS, QW), jnp.float32),
    mesh=_mesh,
    scratch_types=(
        [pltpu.VMEM((40, EBLK), jnp.int32)] * 2
        + [pltpu.VMEM((EBLK, QW), jnp.float32)] * 8
        + [pltpu.VMEM_SHARED((ACC_ROWS, QW), jnp.float32)]
        + [pltpu.SemaphoreType.DMA] * 16
    ),
    compiler_params=_sc_params,
)
def _conv_kernel(col2d, row2d, y0, y1, y2, y3, out_hbm,
                 colv, rowv, *rest):
    bufs = rest[:8]
    acc_sh = rest[8]
    gsems = rest[9:17]
    tsems = rest[17:25]
    cid = lax.axis_index("c")
    sid = lax.axis_index("s")
    ys = (y0, y1, y2, y3)
    base_row = sid * ROWS_PER_TILE

    def _wait_scat(i):
        pltpu.make_async_copy(bufs[i], acc_sh.at[rowv.at[0]], tsems[i]).wait()

    blk0 = sid * BLK_PER_TILE

    for p in range(2):
        def _fill(i, _):
            bufs[0][i] = jnp.zeros((16,), jnp.float32)
            return 0

        lax.fori_loop(0, EBLK, _fill, 0)

        def _z(k, _):
            pltpu.sync_copy(bufs[0],
                            acc_sh.at[pl.ds(base_row + k * EBLK, EBLK)])
            return 0

        lax.fori_loop(0, 25, _z, 0)
        plsc.subcore_barrier()

        def _chunk(ci, _):
            @pl.when(ci > 0)
            def _():
                for i in range(8):
                    _wait_scat(i)

            pltpu.sync_copy(col2d.at[pl.ds(blk0 + ci * 40, 40)], colv)
            pltpu.sync_copy(row2d.at[pl.ds(blk0 + ci * 40, 40)], rowv)

            def _group(g, _):
                for par in range(2):
                    @pl.when(g % 2 == par)
                    def _(par=par):
                        b0 = par * 4
                        for i in range(4):
                            jc = g * 4 + i

                            @pl.when(g >= 2)
                            def _(i=i, b0=b0):
                                _wait_scat(b0 + i)

                            @pl.when(cid == 0)
                            def _(jc=jc, k=b0 + i):
                                pltpu.async_copy(ys[p].at[colv.at[jc]],
                                                 bufs[k], gsems[k])

                            @pl.when(cid == 1)
                            def _(jc=jc, k=b0 + i):
                                pltpu.async_copy(ys[2 + p].at[colv.at[jc]],
                                                 bufs[k], gsems[k])
                        for i in range(4):
                            jc = g * 4 + i
                            k = b0 + i
                            pltpu.make_async_copy(
                                ys[p].at[colv.at[jc]], bufs[k],
                                gsems[k]).wait()
                            pltpu.async_copy(
                                bufs[k], acc_sh.at[rowv.at[jc]],
                                tsems[k], add=True)
                return 0

            lax.fori_loop(0, 10, _group, 0)
            return 0

        lax.fori_loop(0, 10, _chunk, 0)
        for i in range(8):
            _wait_scat(i)
        plsc.subcore_barrier()

        pltpu.sync_copy(acc_sh.at[pl.ds(base_row, ROWS_PER_TILE)],
                        out_hbm.at[2 * cid + p, pl.ds(base_row, ROWS_PER_TILE)])


def _n2w(x):
    x3 = jnp.reshape(x, (WBLK, 8, QW))
    return jnp.concatenate([x3[:, s, :] for s in range(8)], axis=1)


def _dis_wide(dp0, dp1):
    deg = dp0 + dp1
    return jnp.where(deg > 0, lax.rsqrt(jnp.maximum(deg, 1e-30)), 0.0)


def _mlp_body(feat_ref, pref_ref, w_ref, b_ref, w1_ref, b1_ref, x_ref):
    i = pl.program_id(0)

    def _finish(xb):
        nrm = jnp.maximum(
            jnp.sqrt(jnp.sum(xb * xb, axis=1, keepdims=True)), 1e-12)
        x_ref[...] = xb / nrm

    @pl.when(i < NUM_USER // ROW_BLK)
    def _():
        _finish(pref_ref[...])

    @pl.when(i >= NUM_USER // ROW_BLK)
    def _():
        h = feat_ref[...] @ w_ref[...] + b_ref[0]
        h = jnp.where(h > 0, h, 0.01 * h)
        _finish(h @ w1_ref[...] + b1_ref[0])


def _pack_body(x_ref, dp0_ref, dp1_ref, x0_ref, x1_ref, x2_ref, x3_ref,
               y0_ref, y1_ref, y2_ref, y3_ref):
    dis = _dis_wide(dp0_ref[...], dp1_ref[...])
    x = x_ref[...]
    for q, (xr, yr) in enumerate(zip((x0_ref, x1_ref, x2_ref, x3_ref),
                                     (y0_ref, y1_ref, y2_ref, y3_ref))):
        xq = _n2w(x[:, q * QW:(q + 1) * QW])
        xr[...] = xq
        yr[...] = xq * dis


def _scale_body(s0_ref, s1_ref, s2_ref, s3_ref, dp0_ref, dp1_ref,
                h0_ref, h1_ref, h2_ref, h3_ref,
                y0_ref, y1_ref, y2_ref, y3_ref):
    dis = _dis_wide(dp0_ref[...], dp1_ref[...])
    for sr, hr, yr in zip((s0_ref, s1_ref, s2_ref, s3_ref),
                          (h0_ref, h1_ref, h2_ref, h3_ref),
                          (y0_ref, y1_ref, y2_ref, y3_ref)):
        h = sr[...] * dis
        hr[...] = h
        yr[...] = h * dis


def _final_body(x0_ref, x1_ref, x2_ref, x3_ref, h0_ref, h1_ref, h2_ref,
                h3_ref, s0_ref, s1_ref, s2_ref, s3_ref, dp0_ref, dp1_ref,
                o0_ref, o1_ref, o2_ref, o3_ref):
    dis = _dis_wide(dp0_ref[...], dp1_ref[...])
    for xr, hr, sr, orf in zip((x0_ref, x1_ref, x2_ref, x3_ref),
                               (h0_ref, h1_ref, h2_ref, h3_ref),
                               (s0_ref, s1_ref, s2_ref, s3_ref),
                               (o0_ref, o1_ref, o2_ref, o3_ref)):
        orf[...] = xr[...] + hr[...] + sr[...] * dis


def _wide_spec(plane_of_grid, blk=None):
    b = blk or WBLK
    n = FQ // b
    return pl.BlockSpec((b, 128), lambda i, p=plane_of_grid, n=n: (p * n + i, 0))


def _q_spec():
    return pl.BlockSpec((WBLK, 128), lambda i: (i, 0))


def _x_spec():
    return pl.BlockSpec((PBLK, DIM_LATENT), lambda i: (i, 0))


def _q_outs():
    return [jax.ShapeDtypeStruct((FQ, 128), jnp.float32) for _ in range(4)]


def kernel(edge_index_drop, edge_index, features, preference,
           W_mlp, b_mlp, W_mlp1, b_mlp1):
    del edge_index_drop
    row = edge_index[0].astype(jnp.int32)
    col = edge_index[1].astype(jnp.int32)
    pad = PAD_E - N_EDGES
    row2d = jnp.concatenate(
        [row, jnp.full((pad,), DUMMY_ROW, jnp.int32)]).reshape(NBLK, EBLK)
    col2d = jnp.concatenate(
        [col, jnp.zeros((pad,), jnp.int32)]).reshape(NBLK, EBLK)

    degp = _deg_kernel(row2d)
    degp_flat = jnp.reshape(degp, (2 * FQ, 128))

    x = pl.pallas_call(
        _mlp_body,
        grid=(GRID,),
        in_specs=[
            pl.BlockSpec((ROW_BLK, DIM_FEAT),
                         lambda i: (jnp.clip(i - NUM_USER // ROW_BLK, 0,
                                             NUM_ITEM // ROW_BLK - 1), 0)),
            pl.BlockSpec((ROW_BLK, DIM_LATENT),
                         lambda i: (jnp.minimum(i, NUM_USER // ROW_BLK - 1), 0)),
            pl.BlockSpec((DIM_FEAT, 4 * DIM_LATENT), lambda i: (0, 0)),
            pl.BlockSpec((1, 4 * DIM_LATENT), lambda i: (0, 0)),
            pl.BlockSpec((4 * DIM_LATENT, DIM_LATENT), lambda i: (0, 0)),
            pl.BlockSpec((1, DIM_LATENT), lambda i: (0, 0)),
        ],
        out_specs=pl.BlockSpec((ROW_BLK, DIM_LATENT), lambda i: (i, 0)),
        out_shape=jax.ShapeDtypeStruct((N_NODES, DIM_LATENT), jnp.float32),
    )(features, preference, W_mlp, b_mlp.reshape(1, -1),
      W_mlp1, b_mlp1.reshape(1, -1))

    xq_ya = pl.pallas_call(
        _pack_body,
        grid=(PGRID,),
        in_specs=[_x_spec(), _wide_spec(0), _wide_spec(1)],
        out_specs=[_q_spec()] * 8,
        out_shape=_q_outs() + _q_outs(),
    )(x, degp_flat, degp_flat)
    xq, ya = xq_ya[:4], xq_ya[4:]

    s1 = _conv_kernel(col2d, row2d,
                      *(jnp.reshape(y, (ACC_ROWS, QW)) for y in ya))
    s1_flat = jnp.reshape(s1, (4 * FQ, 128))

    h_and_y2 = pl.pallas_call(
        _scale_body,
        grid=(SGRID,),
        in_specs=[_wide_spec(0, SWB), _wide_spec(1, SWB), _wide_spec(2, SWB),
                  _wide_spec(3, SWB), _wide_spec(0, SWB), _wide_spec(1, SWB)],
        out_specs=[pl.BlockSpec((SWB, 128), lambda i: (i, 0))] * 8,
        out_shape=_q_outs() + _q_outs(),
    )(s1_flat, s1_flat, s1_flat, s1_flat, degp_flat, degp_flat)
    hq, yb = h_and_y2[:4], h_and_y2[4:]

    s2 = _conv_kernel(col2d, row2d,
                      *(jnp.reshape(y, (ACC_ROWS, QW)) for y in yb))
    s2_flat = jnp.reshape(s2, (4 * FQ, 128))

    sspec = pl.BlockSpec((SWB, 128), lambda i: (i, 0))
    oq = pl.pallas_call(
        _final_body,
        grid=(SGRID,),
        in_specs=[sspec] * 8
        + [_wide_spec(0, SWB), _wide_spec(1, SWB), _wide_spec(2, SWB),
           _wide_spec(3, SWB), _wide_spec(0, SWB), _wide_spec(1, SWB)],
        out_specs=[sspec] * 4,
        out_shape=_q_outs(),
    )(*xq, *hq, s2_flat, s2_flat, s2_flat, s2_flat, degp_flat, degp_flat)

    x_hat = jnp.concatenate(
        [jnp.reshape(q, (ACC_ROWS, QW)) for q in oq], axis=1)[:N_NODES]
    return (x_hat, preference)

# --- scband reference (transcript-rebuilt; emitter-appended) ---
"""Pipeline reference for scband-dual-gnn-10746008175453 (READ-ONLY COPY).

The authoritative reference and input builder live on the scoring server;
editing this copy changes nothing except your own understanding.
"""

import jax, jax.numpy as jnp
import numpy as np

NUM_USER = 20000
NUM_ITEM = 30000
N_NODES = NUM_USER + NUM_ITEM
N_EDGES = 800000
DIM_FEAT = 128
DIM_LATENT = 64


def setup_inputs(seed: int = 0) -> dict:
    key = jax.random.key(seed)
    k1, k2, k3, k4, k5, k6, k7, k8 = jax.random.split(key, 8)
    features = jax.random.normal(k1, (NUM_ITEM, DIM_FEAT), dtype=jnp.float32)
    edge_index = jax.random.randint(k2, (2, N_EDGES), 0, N_NODES, dtype=jnp.int64)
    edge_index_drop = jax.random.randint(k3, (2, N_EDGES), 0, N_NODES, dtype=jnp.int64)
    # learned params (per GCN modality branch of DualGNN)
    preference = jax.random.normal(k4, (NUM_USER, DIM_LATENT), dtype=jnp.float32) * (1.0 / np.sqrt(DIM_LATENT))
    W_mlp = jax.random.normal(k5, (DIM_FEAT, 4 * DIM_LATENT), dtype=jnp.float32) * (1.0 / np.sqrt(DIM_FEAT))
    b_mlp = jnp.zeros((4 * DIM_LATENT,), dtype=jnp.float32)
    W_mlp1 = jax.random.normal(k6, (4 * DIM_LATENT, DIM_LATENT), dtype=jnp.float32) * (1.0 / np.sqrt(4 * DIM_LATENT))
    b_mlp1 = jnp.zeros((DIM_LATENT,), dtype=jnp.float32)
    return {
        'edge_index_drop': edge_index_drop,
        'edge_index': edge_index,
        'features': features,
        'preference': preference,
        'W_mlp': W_mlp,
        'b_mlp': b_mlp,
        'W_mlp1': W_mlp1,
        'b_mlp1': b_mlp1,
    }


def _gcn_conv(x, edge_index, num_nodes):
    # Base_gcn: symmetric-normalized message passing (no linear weight), aggr='add'
    row = edge_index[0]
    col = edge_index[1]
    ones = jnp.ones((edge_index.shape[1],), dtype=x.dtype)
    deg = jax.ops.segment_sum(ones, row, num_segments=num_nodes)
    deg_inv_sqrt = jnp.where(deg > 0, deg ** -0.5, 0.0)
    norm = deg_inv_sqrt[row] * deg_inv_sqrt[col]
    msgs = jnp.take(x, col, axis=0) * norm[:, None]
    return jax.ops.segment_sum(msgs, row, num_segments=num_nodes)


def reference(edge_index_drop, edge_index, features, preference, W_mlp, b_mlp, W_mlp1, b_mlp1):
    # temp_features = MLP_1(leaky_relu(MLP(features)))
    h_mlp = jax.nn.leaky_relu(features @ W_mlp + b_mlp, negative_slope=0.01)
    temp_features = h_mlp @ W_mlp1 + b_mlp1
    x = jnp.concatenate((preference, temp_features), axis=0)
    # F.normalize (L2 per-row, eps=1e-12)
    nrm = jnp.maximum(jnp.linalg.norm(x, axis=1, keepdims=True), 1e-12)
    x = x / nrm
    h = _gcn_conv(x, edge_index, N_NODES)
    h_1 = _gcn_conv(h, edge_index, N_NODES)
    x_hat = h + x + h_1
    return (x_hat, preference)

if __name__ == "__main__":
    import jax
    _d = setup_inputs()
    print(jax.jit(kernel)(*tuple(_d.values())))

</pallas_src>

<mosaic_0001>
#map = affine_map<(d0, d1) -> (0, 0)>
#map1 = affine_map<(d0, d1) -> (0, 0, 0)>
module attributes {stable_mosaic.version = 14 : i64} {
  func.func @_deg_kernel(%arg0: i32, %arg1: i32, %arg2: memref<6400x128xi32, #tpu.memory_space<hbm>>, %arg3: memref<2x51200x16xf32, #tpu.memory_space<hbm>>, %arg4: memref<40x128xi32, #tpu.memory_space<vmem>>, %arg5: memref<128x16xf32, #tpu.memory_space<vmem>>, %arg6: memref<128x16xf32, #tpu.memory_space<vmem>>, %arg7: memref<51200x16xf32, #tpu.memory_space<vmem_shared>>) attributes {dimension_semantics = [#tpu.dimension_semantics<core_parallel>, #tpu.dimension_semantics<subcore_parallel>], iteration_bounds = array<i64: 2, 16>, scalar_prefetch = 0 : i64, scratch_operands = 4 : i64, tpu.core_type = #tpu.core_type<sc_vector_subcore>, window_params = [{transform_indices = #map}, {transform_indices = #map1}]} {
    %scan3A = arith.constant 0 : i32
    %scan3A_0 = arith.constant 0 : i32
    %scan3A_1 = arith.constant 128 : i32
    %scan3A_2 = arith.addi %scan3A_0, %scan3A_1 : i32
    %scan3A_3 = arith.constant 1 : i32
    %scan3A_4 = scf.for %scan3A_26 = %scan3A_0 to %scan3A_2 step %scan3A_3 iter_args(%scan3A_27 = %scan3A) -> (i32)  : i32 {
      %broadcast_in_dim3A = arith.constant 1.000000e+00 : f32
      %broadcast_in_dim3A_28 = vector.broadcast %broadcast_in_dim3A : f32 to vector<16xf32>
      %swap3A = arith.index_cast %scan3A_26 : i32 to index
      %swap3A_29 = arith.constant 0 : index
      %swap3A_30 = tpu.vector_load %arg5[%swap3A, %swap3A_29] {strides = array<i32>} : memref<128x16xf32, #tpu.memory_space<vmem>>, vector<1x16xf32>,
      %swap3A_31 = vector.shape_cast %swap3A_30 : vector<1x16xf32> to vector<16xf32>
      %swap3A_32 = vector.shape_cast %broadcast_in_dim3A_28 : vector<16xf32> to vector<1x16xf32>
      tpu.vector_store %arg5[%swap3A, %swap3A_29], %swap3A_32 {strides = array<i32>} : memref<128x16xf32, #tpu.memory_space<vmem>>, vector<1x16xf32>,
      %broadcast_in_dim3A_33 = arith.constant 0.000000e+00 : f32
      %broadcast_in_dim3A_34 = vector.broadcast %broadcast_in_dim3A_33 : f32 to vector<16xf32>
      %swap3A_35 = arith.index_cast %scan3A_26 : i32 to index
      %swap3A_36 = arith.constant 0 : index
      %swap3A_37 = tpu.vector_load %arg6[%swap3A_35, %swap3A_36] {strides = array<i32>} : memref<128x16xf32, #tpu.memory_space<vmem>>, vector<1x16xf32>,
      %swap3A_38 = vector.shape_cast %swap3A_37 : vector<1x16xf32> to vector<16xf32>
      %swap3A_39 = vector.shape_cast %broadcast_in_dim3A_34 : vector<16xf32> to vector<1x16xf32>
      tpu.vector_store %arg6[%swap3A_35, %swap3A_36], %swap3A_39 {strides = array<i32>} : memref<128x16xf32, #tpu.memory_space<vmem>>, vector<1x16xf32>,
      %scan3A_40 = arith.constant 0 : i32
      scf.yield %scan3A_40 : i32
    }
    %scan3A_5 = arith.constant 128 : i32
    %mul3A = arith.constant 3200 : i32
    %mul3A_6 = arith.muli %arg1, %mul3A : i32
    %scan3A_7 = arith.constant 0 : i32
    %scan3A_8 = arith.constant 0 : i32
    %scan3A_9 = arith.constant 25 : i32
    %scan3A_10 = arith.addi %scan3A_8, %scan3A_9 : i32
    %scan3A_11 = arith.constant 1 : i32
    %scan3A_12 = scf.for %scan3A_26 = %scan3A_8 to %scan3A_10 step %scan3A_11 iter_args(%scan3A_27 = %scan3A_7) -> (i32)  : i32 {
      %mul3A_28 = arith.constant 128 : i32
      %mul3A_29 = arith.muli %scan3A_26, %mul3A_28 : i32
      %add3A_30 = arith.addi %mul3A_6, %mul3A_29 : i32
      "tpu.region"() ({
        %run_scoped3A = tpu.sem_alloc : memref<!tpu.dma_semaphore, #tpu.memory_space<semaphore_mem>>
        %dma_start3A = arith.constant 0 : i32
        %dma_start3A_32 = tpu.memref_slice %arg7[%add3A_30, %dma_start3A] : memref<51200x16xf32, #tpu.memory_space<vmem_shared>> -> memref<128x16xf32, #tpu.memory_space<vmem_shared>>
        %dma_start3A_33 = arith.constant 0 : i32
        %dma_start3A_34 = tpu.memref_slice %arg7[%add3A_30, %dma_start3A_33] : memref<51200x16xf32, #tpu.memory_space<vmem_shared>> -> memref<128x16xf32, #tpu.memory_space<vmem_shared>>
        tpu.enqueue_dma source(%arg6 : memref<128x16xf32, #tpu.memory_space<vmem>>) target(%dma_start3A_34 : memref<128x16xf32, #tpu.memory_space<vmem_shared>>) target_semaphore(%run_scoped3A : memref<!tpu.dma_semaphore, #tpu.memory_space<semaphore_mem>>)
        %dma_wait3A = arith.constant 0 : i32
        %dma_wait3A_35 = tpu.memref_slice %arg7[%add3A_30, %dma_wait3A] : memref<51200x16xf32, #tpu.memory_space<vmem_shared>> -> memref<128x16xf32, #tpu.memory_space<vmem_shared>>
        %dma_wait3A_36 = arith.constant 0 : i32
        %dma_wait3A_37 = tpu.memref_slice %arg7[%add3A_30, %dma_wait3A_36] : memref<51200x16xf32, #tpu.memory_space<vmem_shared>> -> memref<128x16xf32, #tpu.memory_space<vmem_shared>>
        tpu.wait_dma2 semaphore(%run_scoped3A : memref<!tpu.dma_semaphore, #tpu.memory_space<semaphore_mem>>) src(%arg6 : memref<128x16xf32, #tpu.memory_space<vmem>>) dst(%dma_wait3A_37 : memref<128x16xf32, #tpu.memory_space<vmem_shared>>)
        tpu.yield
      }) : () -> ()
      %scan3A_31 = arith.constant 0 : i32
      scf.yield %scan3A_31 : i32
    }
    %scan3A_13 = arith.constant 25 : i32
    %barrier3A = arith.constant 0 : index
    tpu.barrier barrier_id(%barrier3A)
    %mul3A_14 = arith.constant 3200 : i32
    %mul3A_15 = arith.muli %arg0, %mul3A_14 : i32
    %mul3A_16 = arith.constant 200 : i32
    %mul3A_17 = arith.muli %arg1, %mul3A_16 : i32
    %add3A = arith.addi %mul3A_15, %mul3A_17 : i32
    %scan3A_18 = arith.constant 0 : i32
    %scan3A_19 = arith.constant 0 : i32
    %scan3A_20 = arith.constant 5 : i32
    %scan3A_21 = arith.addi %scan3A_19, %scan3A_20 : i32
    %scan3A_22 = arith.constant 1 : i32
    %scan3A_23 = scf.for %scan3A_26 = %scan3A_19 to %scan3A_21 step %scan3A_22 iter_args(%scan3A_27 = %scan3A_18) -> (i32)  : i32 {
      %mul3A_28 = arith.constant 40 : i32
      %mul3A_29 = arith.muli %scan3A_26, %mul3A_28 : i32
      %add3A_30 = arith.addi %add3A, %mul3A_29 : i32
      "tpu.region"() ({
        %run_scoped3A = tpu.sem_alloc : memref<!tpu.dma_semaphore, #tpu.memory_space<semaphore_mem>>
        %dma_start3A = arith.constant 0 : i32
        %dma_start3A_39 = tpu.memref_slice %arg2[%add3A_30, %dma_start3A] : memref<6400x128xi32, #tpu.memory_space<hbm>> -> memref<40x128xi32, #tpu.memory_space<hbm>>
        %dma_start3A_40 = arith.constant 0 : i32
        %dma_start3A_41 = tpu.memref_slice %arg2[%add3A_30, %dma_start3A_40] : memref<6400x128xi32, #tpu.memory_space<hbm>> -> memref<40x128xi32, #tpu.memory_space<hbm>>
        tpu.enqueue_dma source(%dma_start3A_41 : memref<40x128xi32, #tpu.memory_space<hbm>>) target(%arg4 : memref<40x128xi32, #tpu.memory_space<vmem>>) target_semaphore(%run_scoped3A : memref<!tpu.dma_semaphore, #tpu.memory_space<semaphore_mem>>)
        %dma_wait3A = arith.constant 0 : i32
        %dma_wait3A_42 = tpu.memref_slice %arg2[%add3A_30, %dma_wait3A] : memref<6400x128xi32, #tpu.memory_space<hbm>> -> memref<40x128xi32, #tpu.memory_space<hbm>>
        %dma_wait3A_43 = arith.constant 0 : i32
        %dma_wait3A_44 = tpu.memref_slice %arg2[%add3A_30, %dma_wait3A_43] : memref<6400x128xi32, #tpu.memory_space<hbm>> -> memref<40x128xi32, #tpu.memory_space<hbm>>
        tpu.wait_dma2 semaphore(%run_scoped3A : memref<!tpu.dma_semaphore, #tpu.memory_space<semaphore_mem>>) src(%dma_wait3A_44 : memref<40x128xi32, #tpu.memory_space<hbm>>) dst(%arg4 : memref<40x128xi32, #tpu.memory_space<vmem>>)
        tpu.yield
      }) : () -> ()
      %scan3A_31 = arith.constant 0 : i32
      %scan3A_32 = arith.constant 0 : i32
      %scan3A_33 = arith.constant 40 : i32
      %scan3A_34 = arith.addi %scan3A_32, %scan3A_33 : i32
      %scan3A_35 = arith.constant 1 : i32
      %scan3A_36 = scf.for %scan3A_39 = %scan3A_32 to %scan3A_34 step %scan3A_35 iter_args(%scan3A_40 = %scan3A_31) -> (i32)  : i32 {
        "tpu.region"() ({
          %run_scoped3A = tpu.sem_alloc : memref<!tpu.dma_semaphore, #tpu.memory_space<semaphore_mem>>
          %dma_start3A = arith.constant 0 : i32
          %dma_start3A_42 = tpu.memref_slice %arg4[%scan3A_39, %dma_start3A] : memref<40x128xi32, #tpu.memory_space<vmem>> -> memref<1x128xi32, #tpu.memory_space<vmem>>
          %dma_start3A_43 = tpu.memref_squeeze %dma_start3A_42 : memref<1x128xi32, #tpu.memory_space<vmem>> -> memref<128xi32, #tpu.memory_space<vmem>>
          %dma_start3A_44 = arith.constant 0 : i32
          %dma_start3A_45 = arith.constant 0 : i32
          %dma_start3A_46 = tpu.memref_slice %arg7[%dma_start3A_44, %dma_start3A_45] : memref<51200x16xf32, #tpu.memory_space<vmem_shared>> -> memref<51200x16xf32, #tpu.memory_space<vmem_shared>>
          tpu.enqueue_indirect_dma source(%arg5 : memref<128x16xf32, #tpu.memory_space<vmem>>) target(%dma_start3A_46 : memref<51200x16xf32, #tpu.memory_space<vmem_shared>>) offsets(%dma_start3A_43 : memref<128xi32, #tpu.memory_space<vmem>>) semaphore(%run_scoped3A : memref<!tpu.dma_semaphore, #tpu.memory_space<semaphore_mem>>) {add = true}
          %dma_wait3A = arith.constant 0 : i32
          %dma_wait3A_47 = tpu.memref_slice %arg4[%scan3A_39, %dma_wait3A] : memref<40x128xi32, #tpu.memory_space<vmem>> -> memref<1x128xi32, #tpu.memory_space<vmem>>
          %dma_wait3A_48 = tpu.memref_squeeze %dma_wait3A_47 : memref<1x128xi32, #tpu.memory_space<vmem>> -> memref<128xi32, #tpu.memory_space<vmem>>
          %dma_wait3A_49 = arith.constant 0 : i32
          %dma_wait3A_50 = arith.constant 0 : i32
          %dma_wait3A_51 = tpu.memref_slice %arg7[%dma_wait3A_49, %dma_wait3A_50] : memref<51200x16xf32, #tpu.memory_space<vmem_shared>> -> memref<51200x16xf32, #tpu.memory_space<vmem_shared>>
          tpu.wait_indirect_dma semaphore(%run_scoped3A : memref<!tpu.dma_semaphore, #tpu.memory_space<semaphore_mem>>) src(%arg5 : memref<128x16xf32, #tpu.memory_space<vmem>>) dst(%dma_wait3A_51 : memref<51200x16xf32, #tpu.memory_space<vmem_shared>>)
          tpu.yield
        }) : () -> ()
        %scan3A_41 = arith.constant 0 : i32
        scf.yield %scan3A_41 : i32
      }
      %scan3A_37 = arith.constant 40 : i32
      %scan3A_38 = arith.constant 0 : i32
      scf.yield %scan3A_38 : i32
    }
    %scan3A_24 = arith.constant 5 : i32
    %barrier3A_25 = arith.constant 0 : index
    tpu.barrier barrier_id(%barrier3A_25)
    "tpu.region"() ({
      %run_scoped3A = tpu.sem_alloc : memref<!tpu.dma_semaphore, #tpu.memory_space<semaphore_mem>>
      %dma_start3A = arith.constant 0 : i32
      %dma_start3A_26 = tpu.memref_slice %arg3[%arg0, %mul3A_6, %dma_start3A] : memref<2x51200x16xf32, #tpu.memory_space<hbm>> -> memref<1x3200x16xf32, #tpu.memory_space<hbm>>
      %dma_start3A_27 = tpu.memref_squeeze %dma_start3A_26 : memref<1x3200x16xf32, #tpu.memory_space<hbm>> -> memref<3200x16xf32, #tpu.memory_space<hbm>>
      %dma_start3A_28 = arith.constant 0 : i32
      %dma_start3A_29 = tpu.memref_slice %arg7[%mul3A_6, %dma_start3A_28] : memref<51200x16xf32, #tpu.memory_space<vmem_shared>> -> memref<3200x16xf32, #tpu.memory_space<vmem_shared>>
      tpu.enqueue_dma source(%dma_start3A_29 : memref<3200x16xf32, #tpu.memory_space<vmem_shared>>) target(%dma_start3A_27 : memref<3200x16xf32, #tpu.memory_space<hbm>>) target_semaphore(%run_scoped3A : memref<!tpu.dma_semaphore, #tpu.memory_space<semaphore_mem>>)
      %dma_wait3A = arith.constant 0 : i32
      %dma_wait3A_30 = tpu.memref_slice %arg3[%arg0, %mul3A_6, %dma_wait3A] : memref<2x51200x16xf32, #tpu.memory_space<hbm>> -> memref<1x3200x16xf32, #tpu.memory_space<hbm>>
      %dma_wait3A_31 = tpu.memref_squeeze %dma_wait3A_30 : memref<1x3200x16xf32, #tpu.memory_space<hbm>> -> memref<3200x16xf32, #tpu.memory_space<hbm>>
      %dma_wait3A_32 = arith.constant 0 : i32
      %dma_wait3A_33 = tpu.memref_slice %arg7[%mul3A_6, %dma_wait3A_32] : memref<51200x16xf32, #tpu.memory_space<vmem_shared>> -> memref<3200x16xf32, #tpu.memory_space<vmem_shared>>
      tpu.wait_dma2 semaphore(%run_scoped3A : memref<!tpu.dma_semaphore, #tpu.memory_space<semaphore_mem>>) src(%dma_wait3A_33 : memref<3200x16xf32, #tpu.memory_space<vmem_shared>>) dst(%dma_wait3A_31 : memref<3200x16xf32, #tpu.memory_space<hbm>>)
      tpu.yield
    }) : () -> ()
    return
  }
}

#map = affine_map<(d0, d1) -> (0, 0)>
#map1 = affine_map<(d0, d1) -> (0, 0, 0)>
module attributes {stable_mosaic.version = 14 : i64} {
  func.func @_conv_kernel(%arg0: i32, %arg1: i32, %arg2: memref<6400x128xi32, #tpu.memory_space<hbm>>, %arg3: memref<6400x128xi32, #tpu.memory_space<hbm>>, %arg4: memref<51200x16xf32, #tpu.memory_space<hbm>>, %arg5: memref<51200x16xf32, #tpu.memory_space<hbm>>, %arg6: memref<51200x16xf32, #tpu.memory_space<hbm>>, %arg7: memref<51200x16xf32, #tpu.memory_space<hbm>>, %arg8: memref<4x51200x16xf32, #tpu.memory_space<hbm>>, %arg9: memref<40x128xi32, #tpu.memory_space<vmem>>, %arg10: memref<40x128xi32, #tpu.memory_space<vmem>>, %arg11: memref<128x16xf32, #tpu.memory_space<vmem>>, %arg12: memref<128x16xf32, #tpu.memory_space<vmem>>, %arg13: memref<128x16xf32, #tpu.memory_space<vmem>>, %arg14: memref<128x16xf32, #tpu.memory_space<vmem>>, %arg15: memref<128x16xf32, #tpu.memory_space<vmem>>, %arg16: memref<128x16xf32, #tpu.memory_space<vmem>>, %arg17: memref<128x16xf32, #tpu.memory_space<vmem>>, %arg18: memref<128x16xf32, #tpu.memory_space<vmem>>, %arg19: memref<51200x16xf32, #tpu.memory_space<vmem_shared>>, %arg20: memref<!tpu.dma_semaphore, #tpu.memory_space<semaphore_mem>>, %arg21: memref<!tpu.dma_semaphore, #tpu.memory_space<semaphore_mem>>, %arg22: memref<!tpu.dma_semaphore, #tpu.memory_space<semaphore_mem>>, %arg23: memref<!tpu.dma_semaphore, #tpu.memory_space<semaphore_mem>>, %arg24: memref<!tpu.dma_semaphore, #tpu.memory_space<semaphore_mem>>, %arg25: memref<!tpu.dma_semaphore, #tpu.memory_space<semaphore_mem>>, %arg26: memref<!tpu.dma_semaphore, #tpu.memory_space<semaphore_mem>>, %arg27: memref<!tpu.dma_semaphore, #tpu.memory_space<semaphore_mem>>, %arg28: memref<!tpu.dma_semaphore, #tpu.memory_space<semaphore_mem>>, %arg29: memref<!tpu.dma_semaphore, #tpu.memory_space<semaphore_mem>>, %arg30: memref<!tpu.dma_semaphore, #tpu.memory_space<semaphore_mem>>, %arg31: memref<!tpu.dma_semaphore, #tpu.memory_space<semaphore_mem>>, %arg32: memref<!tpu.dma_semaphore, #tpu.memory_space<semaphore_mem>>, %arg33: memref<!tpu.dma_semaphore, #tpu.memory_space<semaphore_mem>>, %arg34: memref<!tpu.dma_semaphore, #tpu.memory_space<semaphore_mem>>, %arg35: memref<!tpu.dma_semaphore, #tpu.memory_space<semaphore_mem>>) attributes {dimension_semantics = [#tpu.dimension_semantics<core_parallel>, #tpu.dimension_semantics<subcore_parallel>], iteration_bounds = array<i64: 2, 16>, scalar_prefetch = 0 : i64, scratch_operands = 27 : i64, tpu.core_type = #tpu.core_type<sc_vector_subcore>, window_params = [{transform_indices = #map}, {transform_indices = #map}, {transform_indices = #map}, {transform_indices = #map}, {transform_indices = #map}, {transform_indices = #map}, {transform_indices = #map1}]} {
    %mul3A = arith.constant 3200 : i32
    %mul3A_0 = arith.muli %arg1, %mul3A : i32
    %mul3A_1 = arith.constant 400 : i32
    %mul3A_2 = arith.muli %arg1, %mul3A_1 : i32
    %scan3A = arith.constant 0 : i32
    %scan3A_3 = arith.constant 0 : i32
    %scan3A_4 = arith.constant 128 : i32
    %scan3A_5 = arith.addi %scan3A_3, %scan3A_4 : i32
    %scan3A_6 = arith.constant 1 : i32
    %scan3A_7 = scf.for %scan3A_165 = %scan3A_3 to %scan3A_5 step %scan3A_6 iter_args(%scan3A_166 = %scan3A) -> (i32)  : i32 {
      %broadcast_in_dim3A = arith.constant 0.000000e+00 : f32
      %broadcast_in_dim3A_167 = vector.broadcast %broadcast_in_dim3A : f32 to vector<16xf32>
      %swap3A = arith.index_cast %scan3A_165 : i32 to index
      %swap3A_168 = arith.constant 0 : index
      %swap3A_169 = tpu.vector_load %arg11[%swap3A, %swap3A_168] {strides = array<i32>} : memref<128x16xf32, #tpu.memory_space<vmem>>, vector<1x16xf32>,
      %swap3A_170 = vector.shape_cast %swap3A_169 : vector<1x16xf32> to vector<16xf32>
      %swap3A_171 = vector.shape_cast %broadcast_in_dim3A_167 : vector<16xf32> to vector<1x16xf32>
      tpu.vector_store %arg11[%swap3A, %swap3A_168], %swap3A_171 {strides = array<i32>} : memref<128x16xf32, #tpu.memory_space<vmem>>, vector<1x16xf32>,
      %scan3A_172 = arith.constant 0 : i32
      scf.yield %scan3A_172 : i32
    }
    %scan3A_8 = arith.constant 128 : i32
    %scan3A_9 = arith.constant 0 : i32
    %scan3A_10 = arith.constant 0 : i32
    %scan3A_11 = arith.constant 25 : i32
    %scan3A_12 = arith.addi %scan3A_10, %scan3A_11 : i32
    %scan3A_13 = arith.constant 1 : i32
    %scan3A_14 = scf.for %scan3A_165 = %scan3A_10 to %scan3A_12 step %scan3A_13 iter_args(%scan3A_166 = %scan3A_9) -> (i32)  : i32 {
      %mul3A_167 = arith.constant 128 : i32
      %mul3A_168 = arith.muli %scan3A_165, %mul3A_167 : i32
      %add3A_169 = arith.addi %mul3A_0, %mul3A_168 : i32
      "tpu.region"() ({
        %run_scoped3A = tpu.sem_alloc : memref<!tpu.dma_semaphore, #tpu.memory_space<semaphore_mem>>
        %dma_start3A = arith.constant 0 : i32
        %dma_start3A_171 = tpu.memref_slice %arg19[%add3A_169, %dma_start3A] : memref<51200x16xf32, #tpu.memory_space<vmem_shared>> -> memref<128x16xf32, #tpu.memory_space<vmem_shared>>
        %dma_start3A_172 = arith.constant 0 : i32
        %dma_start3A_173 = tpu.memref_slice %arg19[%add3A_169, %dma_start3A_172] : memref<51200x16xf32, #tpu.memory_space<vmem_shared>> -> memref<128x16xf32, #tpu.memory_space<vmem_shared>>
        tpu.enqueue_dma source(%arg11 : memref<128x16xf32, #tpu.memory_space<vmem>>) target(%dma_start3A_173 : memref<128x16xf32, #tpu.memory_space<vmem_shared>>) target_semaphore(%run_scoped3A : memref<!tpu.dma_semaphore, #tpu.memory_space<semaphore_mem>>)
        %dma_wait3A_174 = arith.constant 0 : i32
        %dma_wait3A_175 = tpu.memref_slice %arg19[%add3A_169, %dma_wait3A_174] : memref<51200x16xf32, #tpu.memory_space<vmem_shared>> -> memref<128x16xf32, #tpu.memory_space<vmem_shared>>
        %dma_wait3A_176 = arith.constant 0 : i32
        %dma_wait3A_177 = tpu.memref_slice %arg19[%add3A_169, %dma_wait3A_176] : memref<51200x16xf32, #tpu.memory_space<vmem_shared>> -> memref<128x16xf32, #tpu.memory_space<vmem_shared>>
        tpu.wait_dma2 semaphore(%run_scoped3A : memref<!tpu.dma_semaphore, #tpu.memory_space<semaphore_mem>>) src(%arg11 : memref<128x16xf32, #tpu.memory_space<vmem>>) dst(%dma_wait3A_177 : memref<128x16xf32, #tpu.memory_space<vmem_shared>>)
        tpu.yield
      }) : () -> ()
      %scan3A_170 = arith.constant 0 : i32
      scf.yield %scan3A_170 : i32
    }
    %scan3A_15 = arith.constant 25 : i32
    %barrier3A = arith.constant 0 : index
    tpu.barrier barrier_id(%barrier3A)
    %scan3A_16 = arith.constant 0 : i32
    %scan3A_17 = arith.constant 0 : i32
    %scan3A_18 = arith.constant 10 : i32
    %scan3A_19 = arith.addi %scan3A_17, %scan3A_18 : i32
    %scan3A_20 = arith.constant 1 : i32
    %scan3A_21 = scf.for %scan3A_165 = %scan3A_17 to %scan3A_19 step %scan3A_20 iter_args(%scan3A_166 = %scan3A_16) -> (i32)  : i32 {
      %gt3A = arith.constant 0 : i32
      %gt3A_167 = arith.cmpi sgt, %scan3A_165, %gt3A : i32
      %convert_element_type3A = arith.extui %gt3A_167 : i1 to i32
      %cond3A = arith.constant 0 : i32
      %cond3A_168 = arith.cmpi ne, %convert_element_type3A, %cond3A : i32
      scf.if %cond3A_168 {
        %dma_wait3A_183 = arith.constant 0 : i32
        %dma_wait3A_184 = arith.constant 0 : i32
        %dma_wait3A_185 = tpu.memref_slice %arg10[%dma_wait3A_183, %dma_wait3A_184] : memref<40x128xi32, #tpu.memory_space<vmem>> -> memref<1x128xi32, #tpu.memory_space<vmem>>
        %dma_wait3A_186 = tpu.memref_squeeze %dma_wait3A_185 : memref<1x128xi32, #tpu.memory_space<vmem>> -> memref<128xi32, #tpu.memory_space<vmem>>
        %dma_wait3A_187 = arith.constant 0 : i32
        %dma_wait3A_188 = arith.constant 0 : i32
        %dma_wait3A_189 = tpu.memref_slice %arg19[%dma_wait3A_187, %dma_wait3A_188] : memref<51200x16xf32, #tpu.memory_space<vmem_shared>> -> memref<51200x16xf32, #tpu.memory_space<vmem_shared>>
        tpu.wait_indirect_dma semaphore(%arg28 : memref<!tpu.dma_semaphore, #tpu.memory_space<semaphore_mem>>) src(%arg11 : memref<128x16xf32, #tpu.memory_space<vmem>>) dst(%dma_wait3A_189 : memref<51200x16xf32, #tpu.memory_space<vmem_shared>>)
        %dma_wait3A_190 = arith.constant 0 : i32
        %dma_wait3A_191 = arith.constant 0 : i32
        %dma_wait3A_192 = tpu.memref_slice %arg10[%dma_wait3A_190, %dma_wait3A_191] : memref<40x128xi32, #tpu.memory_space<vmem>> -> memref<1x128xi32, #tpu.memory_space<vmem>>
        %dma_wait3A_193 = tpu.memref_squeeze %dma_wait3A_192 : memref<1x128xi32, #tpu.memory_space<vmem>> -> memref<128xi32, #tpu.memory_space<vmem>>
        %dma_wait3A_194 = arith.constant 0 : i32
        %dma_wait3A_195 = arith.constant 0 : i32
        %dma_wait3A_196 = tpu.memref_slice %arg19[%dma_wait3A_194, %dma_wait3A_195] : memref<51200x16xf32, #tpu.memory_space<vmem_shared>> -> memref<51200x16xf32, #tpu.memory_space<vmem_shared>>
        tpu.wait_indirect_dma semaphore(%arg29 : memref<!tpu.dma_semaphore, #tpu.memory_space<semaphore_mem>>) src(%arg12 : memref<128x16xf32, #tpu.memory_space<vmem>>) dst(%dma_wait3A_196 : memref<51200x16xf32, #tpu.memory_space<vmem_shared>>)
        %dma_wait3A_197 = arith.constant 0 : i32
        %dma_wait3A_198 = arith.constant 0 : i32
        %dma_wait3A_199 = tpu.memref_slice %arg10[%dma_wait3A_197, %dma_wait3A_198] : memref<40x128xi32, #tpu.memory_space<vmem>> -> memref<1x128xi32, #tpu.memory_space<vmem>>
        %dma_wait3A_200 = tpu.memref_squeeze %dma_wait3A_199 : memref<1x128xi32, #tpu.memory_space<vmem>> -> memref<128xi32, #tpu.memory_space<vmem>>
        %dma_wait3A_201 = arith.constant 0 : i32
        %dma_wait3A_202 = arith.constant 0 : i32
        %dma_wait3A_203 = tpu.memref_slice %arg19[%dma_wait3A_201, %dma_wait3A_202] : memref<51200x16xf32, #tpu.memory_space<vmem_shared>> -> memref<51200x16xf32, #tpu.memory_space<vmem_shared>>
        tpu.wait_indirect_dma semaphore(%arg30 : memref<!tpu.dma_semaphore, #tpu.memory_space<semaphore_mem>>) src(%arg13 : memref<128x16xf32, #tpu.memory_space<vmem>>) dst(%dma_wait3A_203 : memref<51200x16xf32, #tpu.memory_space<vmem_shared>>)
        %dma_wait3A_204 = arith.constant 0 : i32
        %dma_wait3A_205 = arith.constant 0 : i32
        %dma_wait3A_206 = tpu.memref_slice %arg10[%dma_wait3A_204, %dma_wait3A_205] : memref<40x128xi32, #tpu.memory_space<vmem>> -> memref<1x128xi32, #tpu.memory_space<vmem>>
        %dma_wait3A_207 = tpu.memref_squeeze %dma_wait3A_206 : memref<1x128xi32, #tpu.memory_space<vmem>> -> memref<128xi32, #tpu.memory_space<vmem>>
        %dma_wait3A_208 = arith.constant 0 : i32
        %dma_wait3A_209 = arith.constant 0 : i32
        %dma_wait3A_210 = tpu.memref_slice %arg19[%dma_wait3A_208, %dma_wait3A_209] : memref<51200x16xf32, #tpu.memory_space<vmem_shared>> -> memref<51200x16xf32, #tpu.memory_space<vmem_shared>>
        tpu.wait_indirect_dma semaphore(%arg31 : memref<!tpu.dma_semaphore, #tpu.memory_space<semaphore_mem>>) src(%arg14 : memref<128x16xf32, #tpu.memory_space<vmem>>) dst(%dma_wait3A_210 : memref<51200x16xf32, #tpu.memory_space<vmem_shared>>)
        %dma_wait3A_211 = arith.constant 0 : i32
        %dma_wait3A_212 = arith.constant 0 : i32
        %dma_wait3A_213 = tpu.memref_slice %arg10[%dma_wait3A_211, %dma_wait3A_212] : memref<40x128xi32, #tpu.memory_space<vmem>> -> memref<1x128xi32, #tpu.memory_space<vmem>>
        %dma_wait3A_214 = tpu.memref_squeeze %dma_wait3A_213 : memref<1x128xi32, #tpu.memory_space<vmem>> -> memref<128xi32, #tpu.memory_space<vmem>>
        %dma_wait3A_215 = arith.constant 0 : i32
        %dma_wait3A_216 = arith.constant 0 : i32
        %dma_wait3A_217 = tpu.memref_slice %arg19[%dma_wait3A_215, %dma_wait3A_216] : memref<51200x16xf32, #tpu.memory_space<vmem_shared>> -> memref<51200x16xf32, #tpu.memory_space<vmem_shared>>
        tpu.wait_indirect_dma semaphore(%arg32 : memref<!tpu.dma_semaphore, #tpu.memory_space<semaphore_mem>>) src(%arg15 : memref<128x16xf32, #tpu.memory_space<vmem>>) dst(%dma_wait3A_217 : memref<51200x16xf32, #tpu.memory_space<vmem_shared>>)
        %dma_wait3A_218 = arith.constant 0 : i32
        %dma_wait3A_219 = arith.constant 0 : i32
        %dma_wait3A_220 = tpu.memref_slice %arg10[%dma_wait3A_218, %dma_wait3A_219] : memref<40x128xi32, #tpu.memory_space<vmem>> -> memref<1x128xi32, #tpu.memory_space<vmem>>
        %dma_wait3A_221 = tpu.memref_squeeze %dma_wait3A_220 : memref<1x128xi32, #tpu.memory_space<vmem>> -> memref<128xi32, #tpu.memory_space<vmem>>
        %dma_wait3A_222 = arith.constant 0 : i32
        %dma_wait3A_223 = arith.constant 0 : i32
        %dma_wait3A_224 = tpu.memref_slice %arg19[%dma_wait3A_222, %dma_wait3A_223] : memref<51200x16xf32, #tpu.memory_space<vmem_shared>> -> memref<51200x16xf32, #tpu.memory_space<vmem_shared>>
        tpu.wait_indirect_dma semaphore(%arg33 : memref<!tpu.dma_semaphore, #tpu.memory_space<semaphore_mem>>) src(%arg16 : memref<128x16xf32, #tpu.memory_space<vmem>>) dst(%dma_wait3A_224 : memref<51200x16xf32, #tpu.memory_space<vmem_shared>>)
        %dma_wait3A_225 = arith.constant 0 : i32
        %dma_wait3A_226 = arith.constant 0 : i32
        %dma_wait3A_227 = tpu.memref_slice %arg10[%dma_wait3A_225, %dma_wait3A_226] : memref<40x128xi32, #tpu.memory_space<vmem>> -> memref<1x128xi32, #tpu.memory_space<vmem>>
        %dma_wait3A_228 = tpu.memref_squeeze %dma_wait3A_227 : memref<1x128xi32, #tpu.memory_space<vmem>> -> memref<128xi32, #tpu.memory_space<vmem>>
        %dma_wait3A_229 = arith.constant 0 : i32
        %dma_wait3A_230 = arith.constant 0 : i32
        %dma_wait3A_231 = tpu.memref_slice %arg19[%dma_wait3A_229, %dma_wait3A_230] : memref<51200x16xf32, #tpu.memory_space<vmem_shared>> -> memref<51200x16xf32, #tpu.memory_space<vmem_shared>>
        tpu.wait_indirect_dma semaphore(%arg34 : memref<!tpu.dma_semaphore, #tpu.memory_space<semaphore_mem>>) src(%arg17 : memref<128x16xf32, #tpu.memory_space<vmem>>) dst(%dma_wait3A_231 : memref<51200x16xf32, #tpu.memory_space<vmem_shared>>)
        %dma_wait3A_232 = arith.constant 0 : i32
        %dma_wait3A_233 = arith.constant 0 : i32
        %dma_wait3A_234 = tpu.memref_slice %arg10[%dma_wait3A_232, %dma_wait3A_233] : memref<40x128xi32, #tpu.memory_space<vmem>> -> memref<1x128xi32, #tpu.memory_space<vmem>>
        %dma_wait3A_235 = tpu.memref_squeeze %dma_wait3A_234 : memref<1x128xi32, #tpu.memory_space<vmem>> -> memref<128xi32, #tpu.memory_space<vmem>>
        %dma_wait3A_236 = arith.constant 0 : i32
        %dma_wait3A_237 = arith.constant 0 : i32
        %dma_wait3A_238 = tpu.memref_slice %arg19[%dma_wait3A_236, %dma_wait3A_237] : memref<51200x16xf32, #tpu.memory_space<vmem_shared>> -> memref<51200x16xf32, #tpu.memory_space<vmem_shared>>
        tpu.wait_indirect_dma semaphore(%arg35 : memref<!tpu.dma_semaphore, #tpu.memory_space<semaphore_mem>>) src(%arg18 : memref<128x16xf32, #tpu.memory_space<vmem>>) dst(%dma_wait3A_238 : memref<51200x16xf32, #tpu.memory_space<vmem_shared>>)
      } else {
      }
      %mul3A_169 = arith.constant 40 : i32
      %mul3A_170 = arith.muli %scan3A_165, %mul3A_169 : i32
      %add3A_171 = arith.addi %mul3A_2, %mul3A_170 : i32
      "tpu.region"() ({
        %run_scoped3A = tpu.sem_alloc : memref<!tpu.dma_semaphore, #tpu.memory_space<semaphore_mem>>
        %dma_start3A = arith.constant 0 : i32
        %dma_start3A_183 = tpu.memref_slice %arg2[%add3A_171, %dma_start3A] : memref<6400x128xi32, #tpu.memory_space<hbm>> -> memref<40x128xi32, #tpu.memory_space<hbm>>
        %dma_start3A_184 = arith.constant 0 : i32
        %dma_start3A_185 = tpu.memref_slice %arg2[%add3A_171, %dma_start3A_184] : memref<6400x128xi32, #tpu.memory_space<hbm>> -> memref<40x128xi32, #tpu.memory_space<hbm>>
        tpu.enqueue_dma source(%dma_start3A_185 : memref<40x128xi32, #tpu.memory_space<hbm>>) target(%arg9 : memref<40x128xi32, #tpu.memory_space<vmem>>) target_semaphore(%run_scoped3A : memref<!tpu.dma_semaphore, #tpu.memory_space<semaphore_mem>>)
        %dma_wait3A_186 = arith.constant 0 : i32
        %dma_wait3A_187 = tpu.memref_slice %arg2[%add3A_171, %dma_wait3A_186] : memref<6400x128xi32, #tpu.memory_space<hbm>> -> memref<40x128xi32, #tpu.memory_space<hbm>>
        %dma_wait3A_188 = arith.constant 0 : i32
        %dma_wait3A_189 = tpu.memref_slice %arg2[%add3A_171, %dma_wait3A_188] : memref<6400x128xi32, #tpu.memory_space<hbm>> -> memref<40x128xi32, #tpu.memory_space<hbm>>
        tpu.wait_dma2 semaphore(%run_scoped3A : memref<!tpu.dma_semaphore, #tpu.memory_space<semaphore_mem>>) src(%dma_wait3A_189 : memref<40x128xi32, #tpu.memory_space<hbm>>) dst(%arg9 : memref<40x128xi32, #tpu.memory_space<vmem>>)
        tpu.yield
      }) : () -> ()
      %mul3A_172 = arith.constant 40 : i32
      %mul3A_173 = arith.muli %scan3A_165, %mul3A_172 : i32
      %add3A_174 = arith.addi %mul3A_2, %mul3A_173 : i32
      "tpu.region"() ({
        %run_scoped3A = tpu.sem_alloc : memref<!tpu.dma_semaphore, #tpu.memory_space<semaphore_mem>>
        %dma_start3A = arith.constant 0 : i32
        %dma_start3A_183 = tpu.memref_slice %arg3[%add3A_174, %dma_start3A] : memref<6400x128xi32, #tpu.memory_space<hbm>> -> memref<40x128xi32, #tpu.memory_space<hbm>>
        %dma_start3A_184 = arith.constant 0 : i32
        %dma_start3A_185 = tpu.memref_slice %arg3[%add3A_174, %dma_start3A_184] : memref<6400x128xi32, #tpu.memory_space<hbm>> -> memref<40x128xi32, #tpu.memory_space<hbm>>
        tpu.enqueue_dma source(%dma_start3A_185 : memref<40x128xi32, #tpu.memory_space<hbm>>) target(%arg10 : memref<40x128xi32, #tpu.memory_space<vmem>>) target_semaphore(%run_scoped3A : memref<!tpu.dma_semaphore, #tpu.memory_space<semaphore_mem>>)
        %dma_wait3A_186 = arith.constant 0 : i32
        %dma_wait3A_187 = tpu.memref_slice %arg3[%add3A_174, %dma_wait3A_186] : memref<6400x128xi32, #tpu.memory_space<hbm>> -> memref<40x128xi32, #tpu.memory_space<hbm>>
        %dma_wait3A_188 = arith.constant 0 : i32
        %dma_wait3A_189 = tpu.memref_slice %arg3[%add3A_174, %dma_wait3A_188] : memref<6400x128xi32, #tpu.memory_space<hbm>> -> memref<40x128xi32, #tpu.memory_space<hbm>>
        tpu.wait_dma2 semaphore(%run_scoped3A : memref<!tpu.dma_semaphore, #tpu.memory_space<semaphore_mem>>) src(%dma_wait3A_189 : memref<40x128xi32, #tpu.memory_space<hbm>>) dst(%arg10 : memref<40x128xi32, #tpu.memory_space<vmem>>)
        tpu.yield
      }) : () -> ()
      %scan3A_175 = arith.constant 0 : i32
      %scan3A_176 = arith.constant 0 : i32
      %scan3A_177 = arith.constant 10 : i32
      %scan3A_178 = arith.addi %scan3A_176, %scan3A_177 : i32
      %scan3A_179 = arith.constant 1 : i32
      %scan3A_180 = scf.for %scan3A_183 = %scan3A_176 to %scan3A_178 step %scan3A_179 iter_args(%scan3A_184 = %scan3A_175) -> (i32)  : i32 {
        %jit3A = arith.constant 2 : i32
        %eq3A = arith.constant 0 : i32
        %eq3A_185 = arith.cmpi eq, %jit3A, %eq3A : i32
        %jit3A_186 = arith.constant 1 : i32
        %select_n3A = arith.select %eq3A_185, %jit3A_186, %jit3A : i32
        %rem3A = arith.remsi %scan3A_183, %select_n3A : i32
        %ne3A = arith.constant 0 : i32
        %ne3A_187 = arith.cmpi ne, %rem3A, %ne3A : i32
        %lt3A = arith.constant 0 : i32
        %lt3A_188 = arith.cmpi slt, %rem3A, %lt3A : i32
        %lt3A_189 = arith.constant 0 : i32
        %lt3A_190 = arith.cmpi slt, %select_n3A, %lt3A_189 : i32
        %ne3A_191 = arith.xori %lt3A_188, %lt3A_190 : i1
        %and3A = arith.andi %ne3A_191, %ne3A_187 : i1
        %add3A_192 = arith.addi %rem3A, %select_n3A : i32
        %select_n3A_193 = arith.select %and3A, %add3A_192, %rem3A : i32
        %eq3A_194 = arith.constant 0 : i32
        %eq3A_195 = arith.cmpi eq, %select_n3A_193, %eq3A_194 : i32
        %convert_element_type3A_196 = arith.extui %eq3A_195 : i1 to i32
        %cond3A_197 = arith.constant 0 : i32
        %cond3A_198 = arith.cmpi ne, %convert_element_type3A_196, %cond3A_197 : i32
        scf.if %cond3A_198 {
          %mul3A_221 = arith.constant 4 : i32
          %mul3A_222 = arith.muli %scan3A_183, %mul3A_221 : i32
          %add3A_223 = arith.constant 0 : i32
          %add3A_224 = arith.addi %mul3A_222, %add3A_223 : i32
          %ge3A = arith.constant 2 : i32
          %ge3A_225 = arith.cmpi sge, %scan3A_183, %ge3A : i32
          %convert_element_type3A_226 = arith.extui %ge3A_225 : i1 to i32
          %cond3A_227 = arith.constant 0 : i32
          %cond3A_228 = arith.cmpi ne, %convert_element_type3A_226, %cond3A_227 : i32
          scf.if %cond3A_228 {
            %dma_wait3A_359 = arith.constant 0 : i32
            %dma_wait3A_360 = arith.constant 0 : i32
            %dma_wait3A_361 = tpu.memref_slice %arg10[%dma_wait3A_359, %dma_wait3A_360] : memref<40x128xi32, #tpu.memory_space<vmem>> -> memref<1x128xi32, #tpu.memory_space<vmem>>
            %dma_wait3A_362 = tpu.memref_squeeze %dma_wait3A_361 : memref<1x128xi32, #tpu.memory_space<vmem>> -> memref<128xi32, #tpu.memory_space<vmem>>
            %dma_wait3A_363 = arith.constant 0 : i32
            %dma_wait3A_364 = arith.constant 0 : i32
            %dma_wait3A_365 = tpu.memref_slice %arg19[%dma_wait3A_363, %dma_wait3A_364] : memref<51200x16xf32, #tpu.memory_space<vmem_shared>> -> memref<51200x16xf32, #tpu.memory_space<vmem_shared>>
            tpu.wait_indirect_dma semaphore(%arg28 : memref<!tpu.dma_semaphore, #tpu.memory_space<semaphore_mem>>) src(%arg11 : memref<128x16xf32, #tpu.memory_space<vmem>>) dst(%dma_wait3A_365 : memref<51200x16xf32, #tpu.memory_space<vmem_shared>>)
          } else {
          }
          %eq3A_229 = arith.constant 0 : i32
          %eq3A_230 = arith.cmpi eq, %arg0, %eq3A_229 : i32
          %convert_element_type3A_231 = arith.extui %eq3A_230 : i1 to i32
          %cond3A_232 = arith.constant 0 : i32
          %cond3A_233 = arith.cmpi ne, %convert_element_type3A_231, %cond3A_232 : i32
          scf.if %cond3A_233 {
            %dma_start3A_359 = arith.constant 0 : i32
            %dma_start3A_360 = tpu.memref_slice %arg9[%add3A_224, %dma_start3A_359] : memref<40x128xi32, #tpu.memory_space<vmem>> -> memref<1x128xi32, #tpu.memory_space<vmem>>
            %dma_start3A_361 = tpu.memref_squeeze %dma_start3A_360 : memref<1x128xi32, #tpu.memory_space<vmem>> -> memref<128xi32, #tpu.memory_space<vmem>>
            %dma_start3A_362 = arith.constant 0 : i32
            %dma_start3A_363 = arith.constant 0 : i32
            %dma_start3A_364 = tpu.memref_slice %arg4[%dma_start3A_362, %dma_start3A_363] : memref<51200x16xf32, #tpu.memory_space<hbm>> -> memref<51200x16xf32, #tpu.memory_space<hbm>>
            tpu.enqueue_indirect_dma source(%dma_start3A_364 : memref<51200x16xf32, #tpu.memory_space<hbm>>) target(%arg11 : memref<128x16xf32, #tpu.memory_space<vmem>>) offsets(%dma_start3A_361 : memref<128xi32, #tpu.memory_space<vmem>>) semaphore(%arg20 : memref<!tpu.dma_semaphore, #tpu.memory_space<semaphore_mem>>)
          } else {
          }
          %eq3A_234 = arith.constant 1 : i32
          %eq3A_235 = arith.cmpi eq, %arg0, %eq3A_234 : i32
          %convert_element_type3A_236 = arith.extui %eq3A_235 : i1 to i32
          %cond3A_237 = arith.constant 0 : i32
          %cond3A_238 = arith.cmpi ne, %convert_element_type3A_236, %cond3A_237 : i32
          scf.if %cond3A_238 {
            %dma_start3A_359 = arith.constant 0 : i32
            %dma_start3A_360 = tpu.memref_slice %arg9[%add3A_224, %dma_start3A_359] : memref<40x128xi32, #tpu.memory_space<vmem>> -> memref<1x128xi32, #tpu.memory_space<vmem>>
            %dma_start3A_361 = tpu.memref_squeeze %dma_start3A_360 : memref<1x128xi32, #tpu.memory_space<vmem>> -> memref<128xi32, #tpu.memory_space<vmem>>
            %dma_start3A_362 = arith.constant 0 : i32
            %dma_start3A_363 = arith.constant 0 : i32
            %dma_start3A_364 = tpu.memref_slice %arg6[%dma_start3A_362, %dma_start3A_363] : memref<51200x16xf32, #tpu.memory_space<hbm>> -> memref<51200x16xf32, #tpu.memory_space<hbm>>
            tpu.enqueue_indirect_dma source(%dma_start3A_364 : memref<51200x16xf32, #tpu.memory_space<hbm>>) target(%arg11 : memref<128x16xf32, #tpu.memory_space<vmem>>) offsets(%dma_start3A_361 : memref<128xi32, #tpu.memory_space<vmem>>) semaphore(%arg20 : memref<!tpu.dma_semaphore, #tpu.memory_space<semaphore_mem>>)
          } else {
          }
          %mul3A_239 = arith.constant 4 : i32
          %mul3A_240 = arith.muli %scan3A_183, %mul3A_239 : i32
          %add3A_241 = arith.constant 1 : i32
          %add3A_242 = arith.addi %mul3A_240, %add3A_241 : i32
          %ge3A_243 = arith.constant 2 : i32
          %ge3A_244 = arith.cmpi sge, %scan3A_183, %ge3A_243 : i32
          %convert_element_type3A_245 = arith.extui %ge3A_244 : i1 to i32
          %cond3A_246 = arith.constant 0 : i32
          %cond3A_247 = arith.cmpi ne, %convert_element_type3A_245, %cond3A_246 : i32
          scf.if %cond3A_247 {
            %dma_wait3A_359 = arith.constant 0 : i32
            %dma_wait3A_360 = arith.constant 0 : i32
            %dma_wait3A_361 = tpu.memref_slice %arg10[%dma_wait3A_359, %dma_wait3A_360] : memref<40x128xi32, #tpu.memory_space<vmem>> -> memref<1x128xi32, #tpu.memory_space<vmem>>
            %dma_wait3A_362 = tpu.memref_squeeze %dma_wait3A_361 : memref<1x128xi32, #tpu.memory_space<vmem>> -> memref<128xi32, #tpu.memory_space<vmem>>
            %dma_wait3A_363 = arith.constant 0 : i32
            %dma_wait3A_364 = arith.constant 0 : i32
            %dma_wait3A_365 = tpu.memref_slice %arg19[%dma_wait3A_363, %dma_wait3A_364] : memref<51200x16xf32, #tpu.memory_space<vmem_shared>> -> memref<51200x16xf32, #tpu.memory_space<vmem_shared>>
            tpu.wait_indirect_dma semaphore(%arg29 : memref<!tpu.dma_semaphore, #tpu.memory_space<semaphore_mem>>) src(%arg12 : memref<128x16xf32, #tpu.memory_space<vmem>>) dst(%dma_wait3A_365 : memref<51200x16xf32, #tpu.memory_space<vmem_shared>>)
          } else {
          }
          %eq3A_248 = arith.constant 0 : i32
          %eq3A_249 = arith.cmpi eq, %arg0, %eq3A_248 : i32
          %convert_element_type3A_250 = arith.extui %eq3A_249 : i1 to i32
          %cond3A_251 = arith.constant 0 : i32
          %cond3A_252 = arith.cmpi ne, %convert_element_type3A_250, %cond3A_251 : i32
          scf.if %cond3A_252 {
            %dma_start3A_359 = arith.constant 0 : i32
            %dma_start3A_360 = tpu.memref_slice %arg9[%add3A_242, %dma_start3A_359] : memref<40x128xi32, #tpu.memory_space<vmem>> -> memref<1x128xi32, #tpu.memory_space<vmem>>
            %dma_start3A_361 = tpu.memref_squeeze %dma_start3A_360 : memref<1x128xi32, #tpu.memory_space<vmem>> -> memref<128xi32, #tpu.memory_space<vmem>>
            %dma_start3A_362 = arith.constant 0 : i32
            %dma_start3A_363 = arith.constant 0 : i32
            %dma_start3A_364 = tpu.memref_slice %arg4[%dma_start3A_362, %dma_start3A_363] : memref<51200x16xf32, #tpu.memory_space<hbm>> -> memref<51200x16xf32, #tpu.memory_space<hbm>>
            tpu.enqueue_indirect_dma source(%dma_start3A_364 : memref<51200x16xf32, #tpu.memory_space<hbm>>) target(%arg12 : memref<128x16xf32, #tpu.memory_space<vmem>>) offsets(%dma_start3A_361 : memref<128xi32, #tpu.memory_space<vmem>>) semaphore(%arg21 : memref<!tpu.dma_semaphore, #tpu.memory_space<semaphore_mem>>)
          } else {
          }
          %eq3A_253 = arith.constant 1 : i32
          %eq3A_254 = arith.cmpi eq, %arg0, %eq3A_253 : i32
          %convert_element_type3A_255 = arith.extui %eq3A_254 : i1 to i32
          %cond3A_256 = arith.constant 0 : i32
          %cond3A_257 = arith.cmpi ne, %convert_element_type3A_255, %cond3A_256 : i32
          scf.if %cond3A_257 {
            %dma_start3A_359 = arith.constant 0 : i32
            %dma_start3A_360 = tpu.memref_slice %arg9[%add3A_242, %dma_start3A_359] : memref<40x128xi32, #tpu.memory_space<vmem>> -> memref<1x128xi32, #tpu.memory_space<vmem>>
            %dma_start3A_361 = tpu.memref_squeeze %dma_start3A_360 : memref<1x128xi32, #tpu.memory_space<vmem>> -> memref<128xi32, #tpu.memory_space<vmem>>
            %dma_start3A_362 = arith.constant 0 : i32
            %dma_start3A_363 = arith.constant 0 : i32
            %dma_start3A_364 = tpu.memref_slice %arg6[%dma_start3A_362, %dma_start3A_363] : memref<51200x16xf32, #tpu.memory_space<hbm>> -> memref<51200x16xf32, #tpu.memory_space<hbm>>
            tpu.enqueue_indirect_dma source(%dma_start3A_364 : memref<51200x16xf32, #tpu.memory_space<hbm>>) target(%arg12 : memref<128x16xf32, #tpu.memory_space<vmem>>) offsets(%dma_start3A_361 : memref<128xi32, #tpu.memory_space<vmem>>) semaphore(%arg21 : memref<!tpu.dma_semaphore, #tpu.memory_space<semaphore_mem>>)
          } else {
          }
          %mul3A_258 = arith.constant 4 : i32
          %mul3A_259 = arith.muli %scan3A_183, %mul3A_258 : i32
          %add3A_260 = arith.constant 2 : i32
          %add3A_261 = arith.addi %mul3A_259, %add3A_260 : i32
          %ge3A_262 = arith.constant 2 : i32
          %ge3A_263 = arith.cmpi sge, %scan3A_183, %ge3A_262 : i32
          %convert_element_type3A_264 = arith.extui %ge3A_263 : i1 to i32
          %cond3A_265 = arith.constant 0 : i32
          %cond3A_266 = arith.cmpi ne, %convert_element_type3A_264, %cond3A_265 : i32
          scf.if %cond3A_266 {
            %dma_wait3A_359 = arith.constant 0 : i32
            %dma_wait3A_360 = arith.constant 0 : i32
            %dma_wait3A_361 = tpu.memref_slice %arg10[%dma_wait3A_359, %dma_wait3A_360] : memref<40x128xi32, #tpu.memory_space<vmem>> -> memref<1x128xi32, #tpu.memory_space<vmem>>
            %dma_wait3A_362 = tpu.memref_squeeze %dma_wait3A_361 : memref<1x128xi32, #tpu.memory_space<vmem>> -> memref<128xi32, #tpu.memory_space<vmem>>
            %dma_wait3A_363 = arith.constant 0 : i32
            %dma_wait3A_364 = arith.constant 0 : i32
            %dma_wait3A_365 = tpu.memref_slice %arg19[%dma_wait3A_363, %dma_wait3A_364] : memref<51200x16xf32, #tpu.memory_space<vmem_shared>> -> memref<51200x16xf32, #tpu.memory_space<vmem_shared>>
            tpu.wait_indirect_dma semaphore(%arg30 : memref<!tpu.dma_semaphore, #tpu.memory_space<semaphore_mem>>) src(%arg13 : memref<128x16xf32, #tpu.memory_space<vmem>>) dst(%dma_wait3A_365 : memref<51200x16xf32, #tpu.memory_space<vmem_shared>>)
          } else {
          }
          %eq3A_267 = arith.constant 0 : i32
          %eq3A_268 = arith.cmpi eq, %arg0, %eq3A_267 : i32
          %convert_element_type3A_269 = arith.extui %eq3A_268 : i1 to i32
          %cond3A_270 = arith.constant 0 : i32
          %cond3A_271 = arith.cmpi ne, %convert_element_type3A_269, %cond3A_270 : i32
          scf.if %cond3A_271 {
            %dma_start3A_359 = arith.constant 0 : i32
            %dma_start3A_360 = tpu.memref_slice %arg9[%add3A_261, %dma_start3A_359] : memref<40x128xi32, #tpu.memory_space<vmem>> -> memref<1x128xi32, #tpu.memory_space<vmem>>
            %dma_start3A_361 = tpu.memref_squeeze %dma_start3A_360 : memref<1x128xi32, #tpu.memory_space<vmem>> -> memref<128xi32, #tpu.memory_space<vmem>>
            %dma_start3A_362 = arith.constant 0 : i32
            %dma_start3A_363 = arith.constant 0 : i32
            %dma_start3A_364 = tpu.memref_slice %arg4[%dma_start3A_362, %dma_start3A_363] : memref<51200x16xf32, #tpu.memory_space<hbm>> -> memref<51200x16xf32, #tpu.memory_space<hbm>>
            tpu.enqueue_indirect_dma source(%dma_start3A_364 : memref<51200x16xf32, #tpu.memory_space<hbm>>) target(%arg13 : memref<128x16xf32, #tpu.memory_space<vmem>>) offsets(%dma_start3A_361 : memref<128xi32, #tpu.memory_space<vmem>>) semaphore(%arg22 : memref<!tpu.dma_semaphore, #tpu.memory_space<semaphore_mem>>)
          } else {
          }
          %eq3A_272 = arith.constant 1 : i32
          %eq3A_273 = arith.cmpi eq, %arg0, %eq3A_272 : i32
          %convert_element_type3A_274 = arith.extui %eq3A_273 : i1 to i32
          %cond3A_275 = arith.constant 0 : i32
          %cond3A_276 = arith.cmpi ne, %convert_element_type3A_274, %cond3A_275 : i32
          scf.if %cond3A_276 {
            %dma_start3A_359 = arith.constant 0 : i32
            %dma_start3A_360 = tpu.memref_slice %arg9[%add3A_261, %dma_start3A_359] : memref<40x128xi32, #tpu.memory_space<vmem>> -> memref<1x128xi32, #tpu.memory_space<vmem>>
            %dma_start3A_361 = tpu.memref_squeeze %dma_start3A_360 : memref<1x128xi32, #tpu.memory_space<vmem>> -> memref<128xi32, #tpu.memory_space<vmem>>
            %dma_start3A_362 = arith.constant 0 : i32
            %dma_start3A_363 = arith.constant 0 : i32
            %dma_start3A_364 = tpu.memref_slice %arg6[%dma_start3A_362, %dma_start3A_363] : memref<51200x16xf32, #tpu.memory_space<hbm>> -> memref<51200x16xf32, #tpu.memory_space<hbm>>
            tpu.enqueue_indirect_dma source(%dma_start3A_364 : memref<51200x16xf32, #tpu.memory_space<hbm>>) target(%arg13 : memref<128x16xf32, #tpu.memory_space<vmem>>) offsets(%dma_start3A_361 : memref<128xi32, #tpu.memory_space<vmem>>) semaphore(%arg22 : memref<!tpu.dma_semaphore, #tpu.memory_space<semaphore_mem>>)
          } else {
          }
          %mul3A_277 = arith.constant 4 : i32
          %mul3A_278 = arith.muli %scan3A_183, %mul3A_277 : i32
          %add3A_279 = arith.constant 3 : i32
          %add3A_280 = arith.addi %mul3A_278, %add3A_279 : i32
          %ge3A_281 = arith.constant 2 : i32
          %ge3A_282 = arith.cmpi sge, %scan3A_183, %ge3A_281 : i32
          %convert_element_type3A_283 = arith.extui %ge3A_282 : i1 to i32
          %cond3A_284 = arith.constant 0 : i32
          %cond3A_285 = arith.cmpi ne, %convert_element_type3A_283, %cond3A_284 : i32
          scf.if %cond3A_285 {
            %dma_wait3A_359 = arith.constant 0 : i32
            %dma_wait3A_360 = arith.constant 0 : i32
            %dma_wait3A_361 = tpu.memref_slice %arg10[%dma_wait3A_359, %dma_wait3A_360] : memref<40x128xi32, #tpu.memory_space<vmem>> -> memref<1x128xi32, #tpu.memory_space<vmem>>
            %dma_wait3A_362 = tpu.memref_squeeze %dma_wait3A_361 : memref<1x128xi32, #tpu.memory_space<vmem>> -> memref<128xi32, #tpu.memory_space<vmem>>
            %dma_wait3A_363 = arith.constant 0 : i32
            %dma_wait3A_364 = arith.constant 0 : i32
            %dma_wait3A_365 = tpu.memref_slice %arg19[%dma_wait3A_363, %dma_wait3A_364] : memref<51200x16xf32, #tpu.memory_space<vmem_shared>> -> memref<51200x16xf32, #tpu.memory_space<vmem_shared>>
            tpu.wait_indirect_dma semaphore(%arg31 : memref<!tpu.dma_semaphore, #tpu.memory_space<semaphore_mem>>) src(%arg14 : memref<128x16xf32, #tpu.memory_space<vmem>>) dst(%dma_wait3A_365 : memref<51200x16xf32, #tpu.memory_space<vmem_shared>>)
          } else {
          }
          %eq3A_286 = arith.constant 0 : i32
          %eq3A_287 = arith.cmpi eq, %arg0, %eq3A_286 : i32
          %convert_element_type3A_288 = arith.extui %eq3A_287 : i1 to i32
          %cond3A_289 = arith.constant 0 : i32
          %cond3A_290 = arith.cmpi ne, %convert_element_type3A_288, %cond3A_289 : i32
          scf.if %cond3A_290 {
            %dma_start3A_359 = arith.constant 0 : i32
            %dma_start3A_360 = tpu.memref_slice %arg9[%add3A_280, %dma_start3A_359] : memref<40x128xi32, #tpu.memory_space<vmem>> -> memref<1x128xi32, #tpu.memory_space<vmem>>
            %dma_start3A_361 = tpu.memref_squeeze %dma_start3A_360 : memref<1x128xi32, #tpu.memory_space<vmem>> -> memref<128xi32, #tpu.memory_space<vmem>>
            %dma_start3A_362 = arith.constant 0 : i32
            %dma_start3A_363 = arith.constant 0 : i32
            %dma_start3A_364 = tpu.memref_slice %arg4[%dma_start3A_362, %dma_start3A_363] : memref<51200x16xf32, #tpu.memory_space<hbm>> -> memref<51200x16xf32, #tpu.memory_space<hbm>>
            tpu.enqueue_indirect_dma source(%dma_start3A_364 : memref<51200x16xf32, #tpu.memory_space<hbm>>) target(%arg14 : memref<128x16xf32, #tpu.memory_space<vmem>>) offsets(%dma_start3A_361 : memref<128xi32, #tpu.memory_space<vmem>>) semaphore(%arg23 : memref<!tpu.dma_semaphore, #tpu.memory_space<semaphore_mem>>)
          } else {
          }
          %eq3A_291 = arith.constant 1 : i32
          %eq3A_292 = arith.cmpi eq, %arg0, %eq3A_291 : i32
          %convert_element_type3A_293 = arith.extui %eq3A_292 : i1 to i32
          %cond3A_294 = arith.constant 0 : i32
          %cond3A_295 = arith.cmpi ne, %convert_element_type3A_293, %cond3A_294 : i32
          scf.if %cond3A_295 {
            %dma_start3A_359 = arith.constant 0 : i32
            %dma_start3A_360 = tpu.memref_slice %arg9[%add3A_280, %dma_start3A_359] : memref<40x128xi32, #tpu.memory_space<vmem>> -> memref<1x128xi32, #tpu.memory_space<vmem>>
            %dma_start3A_361 = tpu.memref_squeeze %dma_start3A_360 : memref<1x128xi32, #tpu.memory_space<vmem>> -> memref<128xi32, #tpu.memory_space<vmem>>
            %dma_start3A_362 = arith.constant 0 : i32
            %dma_start3A_363 = arith.constant 0 : i32
            %dma_start3A_364 = tpu.memref_slice %arg6[%dma_start3A_362, %dma_start3A_363] : memref<51200x16xf32, #tpu.memory_space<hbm>> -> memref<51200x16xf32, #tpu.memory_space<hbm>>
            tpu.enqueue_indirect_dma source(%dma_start3A_364 : memref<51200x16xf32, #tpu.memory_space<hbm>>) target(%arg14 : memref<128x16xf32, #tpu.memory_space<vmem>>) offsets(%dma_start3A_361 : memref<128xi32, #tpu.memory_space<vmem>>) semaphore(%arg23 : memref<!tpu.dma_semaphore, #tpu.memory_space<semaphore_mem>>)
          } else {
          }
          %mul3A_296 = arith.constant 4 : i32
          %mul3A_297 = arith.muli %scan3A_183, %mul3A_296 : i32
          %add3A_298 = arith.constant 0 : i32
          %add3A_299 = arith.addi %mul3A_297, %add3A_298 : i32
          %dma_wait3A_300 = arith.constant 0 : i32
          %dma_wait3A_301 = tpu.memref_slice %arg9[%add3A_299, %dma_wait3A_300] : memref<40x128xi32, #tpu.memory_space<vmem>> -> memref<1x128xi32, #tpu.memory_space<vmem>>
          %dma_wait3A_302 = tpu.memref_squeeze %dma_wait3A_301 : memref<1x128xi32, #tpu.memory_space<vmem>> -> memref<128xi32, #tpu.memory_space<vmem>>
          %dma_wait3A_303 = arith.constant 0 : i32
          %dma_wait3A_304 = arith.constant 0 : i32
          %dma_wait3A_305 = tpu.memref_slice %arg4[%dma_wait3A_303, %dma_wait3A_304] : memref<51200x16xf32, #tpu.memory_space<hbm>> -> memref<51200x16xf32, #tpu.memory_space<hbm>>
          tpu.wait_indirect_dma semaphore(%arg20 : memref<!tpu.dma_semaphore, #tpu.memory_space<semaphore_mem>>) src(%dma_wait3A_305 : memref<51200x16xf32, #tpu.memory_space<hbm>>) dst(%arg11 : memref<128x16xf32, #tpu.memory_space<vmem>>)
          %dma_start3A = arith.constant 0 : i32
          %dma_start3A_306 = tpu.memref_slice %arg10[%add3A_299, %dma_start3A] : memref<40x128xi32, #tpu.memory_space<vmem>> -> memref<1x128xi32, #tpu.memory_space<vmem>>
          %dma_start3A_307 = tpu.memref_squeeze %dma_start3A_306 : memref<1x128xi32, #tpu.memory_space<vmem>> -> memref<128xi32, #tpu.memory_space<vmem>>
          %dma_start3A_308 = arith.constant 0 : i32
          %dma_start3A_309 = arith.constant 0 : i32
          %dma_start3A_310 = tpu.memref_slice %arg19[%dma_start3A_308, %dma_start3A_309] : memref<51200x16xf32, #tpu.memory_space<vmem_shared>> -> memref<51200x16xf32, #tpu.memory_space<vmem_shared>>
          tpu.enqueue_indirect_dma source(%arg11 : memref<128x16xf32, #tpu.memory_space<vmem>>) target(%dma_start3A_310 : memref<51200x16xf32, #tpu.memory_space<vmem_shared>>) offsets(%dma_start3A_307 : memref<128xi32, #tpu.memory_space<vmem>>) semaphore(%arg28 : memref<!tpu.dma_semaphore, #tpu.memory_space<semaphore_mem>>) {add = true}
          %mul3A_311 = arith.constant 4 : i32
          %mul3A_312 = arith.muli %scan3A_183, %mul3A_311 : i32
          %add3A_313 = arith.constant 1 : i32
          %add3A_314 = arith.addi %mul3A_312, %add3A_313 : i32
          %dma_wait3A_315 = arith.constant 0 : i32
          %dma_wait3A_316 = tpu.memref_slice %arg9[%add3A_314, %dma_wait3A_315] : memref<40x128xi32, #tpu.memory_space<vmem>> -> memref<1x128xi32, #tpu.memory_space<vmem>>
          %dma_wait3A_317 = tpu.memref_squeeze %dma_wait3A_316 : memref<1x128xi32, #tpu.memory_space<vmem>> -> memref<128xi32, #tpu.memory_space<vmem>>
          %dma_wait3A_318 = arith.constant 0 : i32
          %dma_wait3A_319 = arith.constant 0 : i32
          %dma_wait3A_320 = tpu.memref_slice %arg4[%dma_wait3A_318, %dma_wait3A_319] : memref<51200x16xf32, #tpu.memory_space<hbm>> -> memref<51200x16xf32, #tpu.memory_space<hbm>>
          tpu.wait_indirect_dma semaphore(%arg21 : memref<!tpu.dma_semaphore, #tpu.memory_space<semaphore_mem>>) src(%dma_wait3A_320 : memref<51200x16xf32, #tpu.memory_space<hbm>>) dst(%arg12 : memref<128x16xf32, #tpu.memory_space<vmem>>)
          %dma_start3A_321 = arith.constant 0 : i32
          %dma_start3A_322 = tpu.memref_slice %arg10[%add3A_314, %dma_start3A_321] : memref<40x128xi32, #tpu.memory_space<vmem>> -> memref<1x128xi32, #tpu.memory_space<vmem>>
          %dma_start3A_323 = tpu.memref_squeeze %dma_start3A_322 : memref<1x128xi32, #tpu.memory_space<vmem>> -> memref<128xi32, #tpu.memory_space<vmem>>
          %dma_start3A_324 = arith.constant 0 : i32
          %dma_start3A_325 = arith.constant 0 : i32
          %dma_start3A_326 = tpu.memref_slice %arg19[%dma_start3A_324, %dma_start3A_325] : memref<51200x16xf32, #tpu.memory_space<vmem_shared>> -> memref<51200x16xf32, #tpu.memory_space<vmem_shared>>
          tpu.enqueue_indirect_dma source(%arg12 : memref<128x16xf32, #tpu.memory_space<vmem>>) target(%dma_start3A_326 : memref<51200x16xf32, #tpu.memory_space<vmem_shared>>) offsets(%dma_start3A_323 : memref<128xi32, #tpu.memory_space<vmem>>) semaphore(%arg29 : memref<!tpu.dma_semaphore, #tpu.memory_space<semaphore_mem>>) {add = true}
          %mul3A_327 = arith.constant 4 : i32
          %mul3A_328 = arith.muli %scan3A_183, %mul3A_327 : i32
          %add3A_329 = arith.constant 2 : i32
          %add3A_330 = arith.addi %mul3A_328, %add3A_329 : i32
          %dma_wait3A_331 = arith.constant 0 : i32
          %dma_wait3A_332 = tpu.memref_slice %arg9[%add3A_330, %dma_wait3A_331] : memref<40x128xi32, #tpu.memory_space<vmem>> -> memref<1x128xi32, #tpu.memory_space<vmem>>
          %dma_wait3A_333 = tpu.memref_squeeze %dma_wait3A_332 : memref<1x128xi32, #tpu.memory_space<vmem>> -> memref<128xi32, #tpu.memory_space<vmem>>
          %dma_wait3A_334 = arith.constant 0 : i32
          %dma_wait3A_335 = arith.constant 0 : i32
          %dma_wait3A_336 = tpu.memref_slice %arg4[%dma_wait3A_334, %dma_wait3A_335] : memref<51200x16xf32, #tpu.memory_space<hbm>> -> memref<51200x16xf32, #tpu.memory_space<hbm>>
          tpu.wait_indirect_dma semaphore(%arg22 : memref<!tpu.dma_semaphore, #tpu.memory_space<semaphore_mem>>) src(%dma_wait3A_336 : memref<51200x16xf32, #tpu.memory_space<hbm>>) dst(%arg13 : memref<128x16xf32, #tpu.memory_space<vmem>>)
          %dma_start3A_337 = arith.constant 0 : i32
          %dma_start3A_338 = tpu.memref_slice %arg10[%add3A_330, %dma_start3A_337] : memref<40x128xi32, #tpu.memory_space<vmem>> -> memref<1x128xi32, #tpu.memory_space<vmem>>
          %dma_start3A_339 = tpu.memref_squeeze %dma_start3A_338 : memref<1x128xi32, #tpu.memory_space<vmem>> -> memref<128xi32, #tpu.memory_space<vmem>>
          %dma_start3A_340 = arith.constant 0 : i32
          %dma_start3A_341 = arith.constant 0 : i32
          %dma_start3A_342 = tpu.memref_slice %arg19[%dma_start3A_340, %dma_start3A_341] : memref<51200x16xf32, #tpu.memory_space<vmem_shared>> -> memref<51200x16xf32, #tpu.memory_space<vmem_shared>>
          tpu.enqueue_indirect_dma source(%arg13 : memref<128x16xf32, #tpu.memory_space<vmem>>) target(%dma_start3A_342 : memref<51200x16xf32, #tpu.memory_space<vmem_shared>>) offsets(%dma_start3A_339 : memref<128xi32, #tpu.memory_space<vmem>>) semaphore(%arg30 : memref<!tpu.dma_semaphore, #tpu.memory_space<semaphore_mem>>) {add = true}
          %mul3A_343 = arith.constant 4 : i32
          %mul3A_344 = arith.muli %scan3A_183, %mul3A_343 : i32
          %add3A_345 = arith.constant 3 : i32
          %add3A_346 = arith.addi %mul3A_344, %add3A_345 : i32
          %dma_wait3A_347 = arith.constant 0 : i32
          %dma_wait3A_348 = tpu.memref_slice %arg9[%add3A_346, %dma_wait3A_347] : memref<40x128xi32, #tpu.memory_space<vmem>> -> memref<1x128xi32, #tpu.memory_space<vmem>>
          %dma_wait3A_349 = tpu.memref_squeeze %dma_wait3A_348 : memref<1x128xi32, #tpu.memory_space<vmem>> -> memref<128xi32, #tpu.memory_space<vmem>>
          %dma_wait3A_350 = arith.constant 0 : i32
          %dma_wait3A_351 = arith.constant 0 : i32
          %dma_wait3A_352 = tpu.memref_slice %arg4[%dma_wait3A_350, %dma_wait3A_351] : memref<51200x16xf32, #tpu.memory_space<hbm>> -> memref<51200x16xf32, #tpu.memory_space<hbm>>
          tpu.wait_indirect_dma semaphore(%arg23 : memref<!tpu.dma_semaphore, #tpu.memory_space<semaphore_mem>>) src(%dma_wait3A_352 : memref<51200x16xf32, #tpu.memory_space<hbm>>) dst(%arg14 : memref<128x16xf32, #tpu.memory_space<vmem>>)
          %dma_start3A_353 = arith.constant 0 : i32
          %dma_start3A_354 = tpu.memref_slice %arg10[%add3A_346, %dma_start3A_353] : memref<40x128xi32, #tpu.memory_space<vmem>> -> memref<1x128xi32, #tpu.memory_space<vmem>>
          %dma_start3A_355 = tpu.memref_squeeze %dma_start3A_354 : memref<1x128xi32, #tpu.memory_space<vmem>> -> memref<128xi32, #tpu.memory_space<vmem>>
          %dma_start3A_356 = arith.constant 0 : i32
          %dma_start3A_357 = arith.constant 0 : i32
          %dma_start3A_358 = tpu.memref_slice %arg19[%dma_start3A_356, %dma_start3A_357] : memref<51200x16xf32, #tpu.memory_space<vmem_shared>> -> memref<51200x16xf32, #tpu.memory_space<vmem_shared>>
          tpu.enqueue_indirect_dma source(%arg14 : memref<128x16xf32, #tpu.memory_space<vmem>>) target(%dma_start3A_358 : memref<51200x16xf32, #tpu.memory_space<vmem_shared>>) offsets(%dma_start3A_355 : memref<128xi32, #tpu.memory_space<vmem>>) semaphore(%arg31 : memref<!tpu.dma_semaphore, #tpu.memory_space<semaphore_mem>>) {add = true}
        } else {
        }
        %jit3A_199 = arith.constant 2 : i32
        %eq3A_200 = arith.constant 0 : i32
        %eq3A_201 = arith.cmpi eq, %jit3A_199, %eq3A_200 : i32
        %jit3A_202 = arith.constant 1 : i32
        %select_n3A_203 = arith.select %eq3A_201, %jit3A_202, %jit3A_199 : i32
        %rem3A_204 = arith.remsi %scan3A_183, %select_n3A_203 : i32
        %ne3A_205 = arith.constant 0 : i32
        %ne3A_206 = arith.cmpi ne, %rem3A_204, %ne3A_205 : i32
        %lt3A_207 = arith.constant 0 : i32
        %lt3A_208 = arith.cmpi slt, %rem3A_204, %lt3A_207 : i32
        %lt3A_209 = arith.constant 0 : i32
        %lt3A_210 = arith.cmpi slt, %select_n3A_203, %lt3A_209 : i32
        %ne3A_211 = arith.xori %lt3A_208, %lt3A_210 : i1
        %and3A_212 = arith.andi %ne3A_211, %ne3A_206 : i1
        %add3A_213 = arith.addi %rem3A_204, %select_n3A_203 : i32
        %select_n3A_214 = arith.select %and3A_212, %add3A_213, %rem3A_204 : i32
        %eq3A_215 = arith.constant 1 : i32
        %eq3A_216 = arith.cmpi eq, %select_n3A_214, %eq3A_215 : i32
        %convert_element_type3A_217 = arith.extui %eq3A_216 : i1 to i32
        %cond3A_218 = arith.constant 0 : i32
        %cond3A_219 = arith.cmpi ne, %convert_element_type3A_217, %cond3A_218 : i32
        scf.if %cond3A_219 {
          %mul3A_221 = arith.constant 4 : i32
          %mul3A_222 = arith.muli %scan3A_183, %mul3A_221 : i32
          %add3A_223 = arith.constant 0 : i32
          %add3A_224 = arith.addi %mul3A_222, %add3A_223 : i32
          %ge3A = arith.constant 2 : i32
          %ge3A_225 = arith.cmpi sge, %scan3A_183, %ge3A : i32
          %convert_element_type3A_226 = arith.extui %ge3A_225 : i1 to i32
          %cond3A_227 = arith.constant 0 : i32
          %cond3A_228 = arith.cmpi ne, %convert_element_type3A_226, %cond3A_227 : i32
          scf.if %cond3A_228 {
            %dma_wait3A_359 = arith.constant 0 : i32
            %dma_wait3A_360 = arith.constant 0 : i32
            %dma_wait3A_361 = tpu.memref_slice %arg10[%dma_wait3A_359, %dma_wait3A_360] : memref<40x128xi32, #tpu.memory_space<vmem>> -> memref<1x128xi32, #tpu.memory_space<vmem>>
            %dma_wait3A_362 = tpu.memref_squeeze %dma_wait3A_361 : memref<1x128xi32, #tpu.memory_space<vmem>> -> memref<128xi32, #tpu.memory_space<vmem>>
            %dma_wait3A_363 = arith.constant 0 : i32
            %dma_wait3A_364 = arith.constant 0 : i32
            %dma_wait3A_365 = tpu.memref_slice %arg19[%dma_wait3A_363, %dma_wait3A_364] : memref<51200x16xf32, #tpu.memory_space<vmem_shared>> -> memref<51200x16xf32, #tpu.memory_space<vmem_shared>>
            tpu.wait_indirect_dma semaphore(%arg32 : memref<!tpu.dma_semaphore, #tpu.memory_space<semaphore_mem>>) src(%arg15 : memref<128x16xf32, #tpu.memory_space<vmem>>) dst(%dma_wait3A_365 : memref<51200x16xf32, #tpu.memory_space<vmem_shared>>)
          } else {
          }
          %eq3A_229 = arith.constant 0 : i32
          %eq3A_230 = arith.cmpi eq, %arg0, %eq3A_229 : i32
          %convert_element_type3A_231 = arith.extui %eq3A_230 : i1 to i32
          %cond3A_232 = arith.constant 0 : i32
          %cond3A_233 = arith.cmpi ne, %convert_element_type3A_231, %cond3A_232 : i32
          scf.if %cond3A_233 {
            %dma_start3A_359 = arith.constant 0 : i32
            %dma_start3A_360 = tpu.memref_slice %arg9[%add3A_224, %dma_start3A_359] : memref<40x128xi32, #tpu.memory_space<vmem>> -> memref<1x128xi32, #tpu.memory_space<vmem>>
            %dma_start3A_361 = tpu.memref_squeeze %dma_start3A_360 : memref<1x128xi32, #tpu.memory_space<vmem>> -> memref<128xi32, #tpu.memory_space<vmem>>
            %dma_start3A_362 = arith.constant 0 : i32
            %dma_start3A_363 = arith.constant 0 : i32
            %dma_start3A_364 = tpu.memref_slice %arg4[%dma_start3A_362, %dma_start3A_363] : memref<51200x16xf32, #tpu.memory_space<hbm>> -> memref<51200x16xf32, #tpu.memory_space<hbm>>
            tpu.enqueue_indirect_dma source(%dma_start3A_364 : memref<51200x16xf32, #tpu.memory_space<hbm>>) target(%arg15 : memref<128x16xf32, #tpu.memory_space<vmem>>) offsets(%dma_start3A_361 : memref<128xi32, #tpu.memory_space<vmem>>) semaphore(%arg24 : memref<!tpu.dma_semaphore, #tpu.memory_space<semaphore_mem>>)
          } else {
          }
          %eq3A_234 = arith.constant 1 : i32
          %eq3A_235 = arith.cmpi eq, %arg0, %eq3A_234 : i32
          %convert_element_type3A_236 = arith.extui %eq3A_235 : i1 to i32
          %cond3A_237 = arith.constant 0 : i32
          %cond3A_238 = arith.cmpi ne, %convert_element_type3A_236, %cond3A_237 : i32
          scf.if %cond3A_238 {
            %dma_start3A_359 = arith.constant 0 : i32
            %dma_start3A_360 = tpu.memref_slice %arg9[%add3A_224, %dma_start3A_359] : memref<40x128xi32, #tpu.memory_space<vmem>> -> memref<1x128xi32, #tpu.memory_space<vmem>>
            %dma_start3A_361 = tpu.memref_squeeze %dma_start3A_360 : memref<1x128xi32, #tpu.memory_space<vmem>> -> memref<128xi32, #tpu.memory_space<vmem>>
            %dma_start3A_362 = arith.constant 0 : i32
            %dma_start3A_363 = arith.constant 0 : i32
            %dma_start3A_364 = tpu.memref_slice %arg6[%dma_start3A_362, %dma_start3A_363] : memref<51200x16xf32, #tpu.memory_space<hbm>> -> memref<51200x16xf32, #tpu.memory_space<hbm>>
            tpu.enqueue_indirect_dma source(%dma_start3A_364 : memref<51200x16xf32, #tpu.memory_space<hbm>>) target(%arg15 : memref<128x16xf32, #tpu.memory_space<vmem>>) offsets(%dma_start3A_361 : memref<128xi32, #tpu.memory_space<vmem>>) semaphore(%arg24 : memref<!tpu.dma_semaphore, #tpu.memory_space<semaphore_mem>>)
          } else {
          }
          %mul3A_239 = arith.constant 4 : i32
          %mul3A_240 = arith.muli %scan3A_183, %mul3A_239 : i32
          %add3A_241 = arith.constant 1 : i32
          %add3A_242 = arith.addi %mul3A_240, %add3A_241 : i32
          %ge3A_243 = arith.constant 2 : i32
          %ge3A_244 = arith.cmpi sge, %scan3A_183, %ge3A_243 : i32
          %convert_element_type3A_245 = arith.extui %ge3A_244 : i1 to i32
          %cond3A_246 = arith.constant 0 : i32
          %cond3A_247 = arith.cmpi ne, %convert_element_type3A_245, %cond3A_246 : i32
          scf.if %cond3A_247 {
            %dma_wait3A_359 = arith.constant 0 : i32
            %dma_wait3A_360 = arith.constant 0 : i32
            %dma_wait3A_361 = tpu.memref_slice %arg10[%dma_wait3A_359, %dma_wait3A_360] : memref<40x128xi32, #tpu.memory_space<vmem>> -> memref<1x128xi32, #tpu.memory_space<vmem>>
            %dma_wait3A_362 = tpu.memref_squeeze %dma_wait3A_361 : memref<1x128xi32, #tpu.memory_space<vmem>> -> memref<128xi32, #tpu.memory_space<vmem>>
            %dma_wait3A_363 = arith.constant 0 : i32
            %dma_wait3A_364 = arith.constant 0 : i32
            %dma_wait3A_365 = tpu.memref_slice %arg19[%dma_wait3A_363, %dma_wait3A_364] : memref<51200x16xf32, #tpu.memory_space<vmem_shared>> -> memref<51200x16xf32, #tpu.memory_space<vmem_shared>>
            tpu.wait_indirect_dma semaphore(%arg33 : memref<!tpu.dma_semaphore, #tpu.memory_space<semaphore_mem>>) src(%arg16 : memref<128x16xf32, #tpu.memory_space<vmem>>) dst(%dma_wait3A_365 : memref<51200x16xf32, #tpu.memory_space<vmem_shared>>)
          } else {
          }
          %eq3A_248 = arith.constant 0 : i32
          %eq3A_249 = arith.cmpi eq, %arg0, %eq3A_248 : i32
          %convert_element_type3A_250 = arith.extui %eq3A_249 : i1 to i32
          %cond3A_251 = arith.constant 0 : i32
          %cond3A_252 = arith.cmpi ne, %convert_element_type3A_250, %cond3A_251 : i32
          scf.if %cond3A_252 {
            %dma_start3A_359 = arith.constant 0 : i32
            %dma_start3A_360 = tpu.memref_slice %arg9[%add3A_242, %dma_start3A_359] : memref<40x128xi32, #tpu.memory_space<vmem>> -> memref<1x128xi32, #tpu.memory_space<vmem>>
            %dma_start3A_361 = tpu.memref_squeeze %dma_start3A_360 : memref<1x128xi32, #tpu.memory_space<vmem>> -> memref<128xi32, #tpu.memory_space<vmem>>
            %dma_start3A_362 = arith.constant 0 : i32
            %dma_start3A_363 = arith.constant 0 : i32
            %dma_start3A_364 = tpu.memref_slice %arg4[%dma_start3A_362, %dma_start3A_363] : memref<51200x16xf32, #tpu.memory_space<hbm>> -> memref<51200x16xf32, #tpu.memory_space<hbm>>
            tpu.enqueue_indirect_dma source(%dma_start3A_364 : memref<51200x16xf32, #tpu.memory_space<hbm>>) target(%arg16 : memref<128x16xf32, #tpu.memory_space<vmem>>) offsets(%dma_start3A_361 : memref<128xi32, #tpu.memory_space<vmem>>) semaphore(%arg25 : memref<!tpu.dma_semaphore, #tpu.memory_space<semaphore_mem>>)
          } else {
          }
          %eq3A_253 = arith.constant 1 : i32
          %eq3A_254 = arith.cmpi eq, %arg0, %eq3A_253 : i32
          %convert_element_type3A_255 = arith.extui %eq3A_254 : i1 to i32
          %cond3A_256 = arith.constant 0 : i32
          %cond3A_257 = arith.cmpi ne, %convert_element_type3A_255, %cond3A_256 : i32
          scf.if %cond3A_257 {
            %dma_start3A_359 = arith.constant 0 : i32
            %dma_start3A_360 = tpu.memref_slice %arg9[%add3A_242, %dma_start3A_359] : memref<40x128xi32, #tpu.memory_space<vmem>> -> memref<1x128xi32, #tpu.memory_space<vmem>>
            %dma_start3A_361 = tpu.memref_squeeze %dma_start3A_360 : memref<1x128xi32, #tpu.memory_space<vmem>> -> memref<128xi32, #tpu.memory_space<vmem>>
            %dma_start3A_362 = arith.constant 0 : i32
            %dma_start3A_363 = arith.constant 0 : i32
            %dma_start3A_364 = tpu.memref_slice %arg6[%dma_start3A_362, %dma_start3A_363] : memref<51200x16xf32, #tpu.memory_space<hbm>> -> memref<51200x16xf32, #tpu.memory_space<hbm>>
            tpu.enqueue_indirect_dma source(%dma_start3A_364 : memref<51200x16xf32, #tpu.memory_space<hbm>>) target(%arg16 : memref<128x16xf32, #tpu.memory_space<vmem>>) offsets(%dma_start3A_361 : memref<128xi32, #tpu.memory_space<vmem>>) semaphore(%arg25 : memref<!tpu.dma_semaphore, #tpu.memory_space<semaphore_mem>>)
          } else {
          }
          %mul3A_258 = arith.constant 4 : i32
          %mul3A_259 = arith.muli %scan3A_183, %mul3A_258 : i32
          %add3A_260 = arith.constant 2 : i32
          %add3A_261 = arith.addi %mul3A_259, %add3A_260 : i32
          %ge3A_262 = arith.constant 2 : i32
          %ge3A_263 = arith.cmpi sge, %scan3A_183, %ge3A_262 : i32
          %convert_element_type3A_264 = arith.extui %ge3A_263 : i1 to i32
          %cond3A_265 = arith.constant 0 : i32
          %cond3A_266 = arith.cmpi ne, %convert_element_type3A_264, %cond3A_265 : i32
          scf.if %cond3A_266 {
            %dma_wait3A_359 = arith.constant 0 : i32
            %dma_wait3A_360 = arith.constant 0 : i32
            %dma_wait3A_361 = tpu.memref_slice %arg10[%dma_wait3A_359, %dma_wait3A_360] : memref<40x128xi32, #tpu.memory_space<vmem>> -> memref<1x128xi32, #tpu.memory_space<vmem>>
            %dma_wait3A_362 = tpu.memref_squeeze %dma_wait3A_361 : memref<1x128xi32, #tpu.memory_space<vmem>> -> memref<128xi32, #tpu.memory_space<vmem>>
            %dma_wait3A_363 = arith.constant 0 : i32
            %dma_wait3A_364 = arith.constant 0 : i32
            %dma_wait3A_365 = tpu.memref_slice %arg19[%dma_wait3A_363, %dma_wait3A_364] : memref<51200x16xf32, #tpu.memory_space<vmem_shared>> -> memref<51200x16xf32, #tpu.memory_space<vmem_shared>>
            tpu.wait_indirect_dma semaphore(%arg34 : memref<!tpu.dma_semaphore, #tpu.memory_space<semaphore_mem>>) src(%arg17 : memref<128x16xf32, #tpu.memory_space<vmem>>) dst(%dma_wait3A_365 : memref<51200x16xf32, #tpu.memory_space<vmem_shared>>)
          } else {
          }
          %eq3A_267 = arith.constant 0 : i32
          %eq3A_268 = arith.cmpi eq, %arg0, %eq3A_267 : i32
          %convert_element_type3A_269 = arith.extui %eq3A_268 : i1 to i32
          %cond3A_270 = arith.constant 0 : i32
          %cond3A_271 = arith.cmpi ne, %convert_element_type3A_269, %cond3A_270 : i32
          scf.if %cond3A_271 {
            %dma_start3A_359 = arith.constant 0 : i32
            %dma_start3A_360 = tpu.memref_slice %arg9[%add3A_261, %dma_start3A_359] : memref<40x128xi32, #tpu.memory_space<vmem>> -> memref<1x128xi32, #tpu.memory_space<vmem>>
            %dma_start3A_361 = tpu.memref_squeeze %dma_start3A_360 : memref<1x128xi32, #tpu.memory_space<vmem>> -> memref<128xi32, #tpu.memory_space<vmem>>
            %dma_start3A_362 = arith.constant 0 : i32
            %dma_start3A_363 = arith.constant 0 : i32
            %dma_start3A_364 = tpu.memref_slice %arg4[%dma_start3A_362, %dma_start3A_363] : memref<51200x16xf32, #tpu.memory_space<hbm>> -> memref<51200x16xf32, #tpu.memory_space<hbm>>
            tpu.enqueue_indirect_dma source(%dma_start3A_364 : memref<51200x16xf32, #tpu.memory_space<hbm>>) target(%arg17 : memref<128x16xf32, #tpu.memory_space<vmem>>) offsets(%dma_start3A_361 : memref<128xi32, #tpu.memory_space<vmem>>) semaphore(%arg26 : memref<!tpu.dma_semaphore, #tpu.memory_space<semaphore_mem>>)
          } else {
          }
          %eq3A_272 = arith.constant 1 : i32
          %eq3A_273 = arith.cmpi eq, %arg0, %eq3A_272 : i32
          %convert_element_type3A_274 = arith.extui %eq3A_273 : i1 to i32
          %cond3A_275 = arith.constant 0 : i32
          %cond3A_276 = arith.cmpi ne, %convert_element_type3A_274, %cond3A_275 : i32
          scf.if %cond3A_276 {
            %dma_start3A_359 = arith.constant 0 : i32
            %dma_start3A_360 = tpu.memref_slice %arg9[%add3A_261, %dma_start3A_359] : memref<40x128xi32, #tpu.memory_space<vmem>> -> memref<1x128xi32, #tpu.memory_space<vmem>>
            %dma_start3A_361 = tpu.memref_squeeze %dma_start3A_360 : memref<1x128xi32, #tpu.memory_space<vmem>> -> memref<128xi32, #tpu.memory_space<vmem>>
            %dma_start3A_362 = arith.constant 0 : i32
            %dma_start3A_363 = arith.constant 0 : i32
            %dma_start3A_364 = tpu.memref_slice %arg6[%dma_start3A_362, %dma_start3A_363] : memref<51200x16xf32, #tpu.memory_space<hbm>> -> memref<51200x16xf32, #tpu.memory_space<hbm>>
            tpu.enqueue_indirect_dma source(%dma_start3A_364 : memref<51200x16xf32, #tpu.memory_space<hbm>>) target(%arg17 : memref<128x16xf32, #tpu.memory_space<vmem>>) offsets(%dma_start3A_361 : memref<128xi32, #tpu.memory_space<vmem>>) semaphore(%arg26 : memref<!tpu.dma_semaphore, #tpu.memory_space<semaphore_mem>>)
          } else {
          }
          %mul3A_277 = arith.constant 4 : i32
          %mul3A_278 = arith.muli %scan3A_183, %mul3A_277 : i32
          %add3A_279 = arith.constant 3 : i32
          %add3A_280 = arith.addi %mul3A_278, %add3A_279 : i32
          %ge3A_281 = arith.constant 2 : i32
          %ge3A_282 = arith.cmpi sge, %scan3A_183, %ge3A_281 : i32
          %convert_element_type3A_283 = arith.extui %ge3A_282 : i1 to i32
          %cond3A_284 = arith.constant 0 : i32
          %cond3A_285 = arith.cmpi ne, %convert_element_type3A_283, %cond3A_284 : i32
          scf.if %cond3A_285 {
            %dma_wait3A_359 = arith.constant 0 : i32
            %dma_wait3A_360 = arith.constant 0 : i32
            %dma_wait3A_361 = tpu.memref_slice %arg10[%dma_wait3A_359, %dma_wait3A_360] : memref<40x128xi32, #tpu.memory_space<vmem>> -> memref<1x128xi32, #tpu.memory_space<vmem>>
            %dma_wait3A_362 = tpu.memref_squeeze %dma_wait3A_361 : memref<1x128xi32, #tpu.memory_space<vmem>> -> memref<128xi32, #tpu.memory_space<vmem>>
            %dma_wait3A_363 = arith.constant 0 : i32
            %dma_wait3A_364 = arith.constant 0 : i32
            %dma_wait3A_365 = tpu.memref_slice %arg19[%dma_wait3A_363, %dma_wait3A_364] : memref<51200x16xf32, #tpu.memory_space<vmem_shared>> -> memref<51200x16xf32, #tpu.memory_space<vmem_shared>>
            tpu.wait_indirect_dma semaphore(%arg35 : memref<!tpu.dma_semaphore, #tpu.memory_space<semaphore_mem>>) src(%arg18 : memref<128x16xf32, #tpu.memory_space<vmem>>) dst(%dma_wait3A_365 : memref<51200x16xf32, #tpu.memory_space<vmem_shared>>)
          } else {
          }
          %eq3A_286 = arith.constant 0 : i32
          %eq3A_287 = arith.cmpi eq, %arg0, %eq3A_286 : i32
          %convert_element_type3A_288 = arith.extui %eq3A_287 : i1 to i32
          %cond3A_289 = arith.constant 0 : i32
          %cond3A_290 = arith.cmpi ne, %convert_element_type3A_288, %cond3A_289 : i32
          scf.if %cond3A_290 {
            %dma_start3A_359 = arith.constant 0 : i32
            %dma_start3A_360 = tpu.memref_slice %arg9[%add3A_280, %dma_start3A_359] : memref<40x128xi32, #tpu.memory_space<vmem>> -> memref<1x128xi32, #tpu.memory_space<vmem>>
            %dma_start3A_361 = tpu.memref_squeeze %dma_start3A_360 : memref<1x128xi32, #tpu.memory_space<vmem>> -> memref<128xi32, #tpu.memory_space<vmem>>
            %dma_start3A_362 = arith.constant 0 : i32
            %dma_start3A_363 = arith.constant 0 : i32
            %dma_start3A_364 = tpu.memref_slice %arg4[%dma_start3A_362, %dma_start3A_363] : memref<51200x16xf32, #tpu.memory_space<hbm>> -> memref<51200x16xf32, #tpu.memory_space<hbm>>
            tpu.enqueue_indirect_dma source(%dma_start3A_364 : memref<51200x16xf32, #tpu.memory_space<hbm>>) target(%arg18 : memref<128x16xf32, #tpu.memory_space<vmem>>) offsets(%dma_start3A_361 : memref<128xi32, #tpu.memory_space<vmem>>) semaphore(%arg27 : memref<!tpu.dma_semaphore, #tpu.memory_space<semaphore_mem>>)
          } else {
          }
          %eq3A_291 = arith.constant 1 : i32
          %eq3A_292 = arith.cmpi eq, %arg0, %eq3A_291 : i32
          %convert_element_type3A_293 = arith.extui %eq3A_292 : i1 to i32
          %cond3A_294 = arith.constant 0 : i32
          %cond3A_295 = arith.cmpi ne, %convert_element_type3A_293, %cond3A_294 : i32
          scf.if %cond3A_295 {
            %dma_start3A_359 = arith.constant 0 : i32
            %dma_start3A_360 = tpu.memref_slice %arg9[%add3A_280, %dma_start3A_359] : memref<40x128xi32, #tpu.memory_space<vmem>> -> memref<1x128xi32, #tpu.memory_space<vmem>>
            %dma_start3A_361 = tpu.memref_squeeze %dma_start3A_360 : memref<1x128xi32, #tpu.memory_space<vmem>> -> memref<128xi32, #tpu.memory_space<vmem>>
            %dma_start3A_362 = arith.constant 0 : i32
            %dma_start3A_363 = arith.constant 0 : i32
            %dma_start3A_364 = tpu.memref_slice %arg6[%dma_start3A_362, %dma_start3A_363] : memref<51200x16xf32, #tpu.memory_space<hbm>> -> memref<51200x16xf32, #tpu.memory_space<hbm>>
            tpu.enqueue_indirect_dma source(%dma_start3A_364 : memref<51200x16xf32, #tpu.memory_space<hbm>>) target(%arg18 : memref<128x16xf32, #tpu.memory_space<vmem>>) offsets(%dma_start3A_361 : memref<128xi32, #tpu.memory_space<vmem>>) semaphore(%arg27 : memref<!tpu.dma_semaphore, #tpu.memory_space<semaphore_mem>>)
          } else {
          }
          %mul3A_296 = arith.constant 4 : i32
          %mul3A_297 = arith.muli %scan3A_183, %mul3A_296 : i32
          %add3A_298 = arith.constant 0 : i32
          %add3A_299 = arith.addi %mul3A_297, %add3A_298 : i32
          %dma_wait3A_300 = arith.constant 0 : i32
          %dma_wait3A_301 = tpu.memref_slice %arg9[%add3A_299, %dma_wait3A_300] : memref<40x128xi32, #tpu.memory_space<vmem>> -> memref<1x128xi32, #tpu.memory_space<vmem>>
          %dma_wait3A_302 = tpu.memref_squeeze %dma_wait3A_301 : memref<1x128xi32, #tpu.memory_space<vmem>> -> memref<128xi32, #tpu.memory_space<vmem>>
          %dma_wait3A_303 = arith.constant 0 : i32
          %dma_wait3A_304 = arith.constant 0 : i32
          %dma_wait3A_305 = tpu.memref_slice %arg4[%dma_wait3A_303, %dma_wait3A_304] : memref<51200x16xf32, #tpu.memory_space<hbm>> -> memref<51200x16xf32, #tpu.memory_space<hbm>>
          tpu.wait_indirect_dma semaphore(%arg24 : memref<!tpu.dma_semaphore, #tpu.memory_space<semaphore_mem>>) src(%dma_wait3A_305 : memref<51200x16xf32, #tpu.memory_space<hbm>>) dst(%arg15 : memref<128x16xf32, #tpu.memory_space<vmem>>)
          %dma_start3A = arith.constant 0 : i32
          %dma_start3A_306 = tpu.memref_slice %arg10[%add3A_299, %dma_start3A] : memref<40x128xi32, #tpu.memory_space<vmem>> -> memref<1x128xi32, #tpu.memory_space<vmem>>
          %dma_start3A_307 = tpu.memref_squeeze %dma_start3A_306 : memref<1x128xi32, #tpu.memory_space<vmem>> -> memref<128xi32, #tpu.memory_space<vmem>>
          %dma_start3A_308 = arith.constant 0 : i32
          %dma_start3A_309 = arith.constant 0 : i32
          %dma_start3A_310 = tpu.memref_slice %arg19[%dma_start3A_308, %dma_start3A_309] : memref<51200x16xf32, #tpu.memory_space<vmem_shared>> -> memref<51200x16xf32, #tpu.memory_space<vmem_shared>>
          tpu.enqueue_indirect_dma source(%arg15 : memref<128x16xf32, #tpu.memory_space<vmem>>) target(%dma_start3A_310 : memref<51200x16xf32, #tpu.memory_space<vmem_shared>>) offsets(%dma_start3A_307 : memref<128xi32, #tpu.memory_space<vmem>>) semaphore(%arg32 : memref<!tpu.dma_semaphore, #tpu.memory_space<semaphore_mem>>) {add = true}
          %mul3A_311 = arith.constant 4 : i32
          %mul3A_312 = arith.muli %scan3A_183, %mul3A_311 : i32
          %add3A_313 = arith.constant 1 : i32
          %add3A_314 = arith.addi %mul3A_312, %add3A_313 : i32
          %dma_wait3A_315 = arith.constant 0 : i32
          %dma_wait3A_316 = tpu.memref_slice %arg9[%add3A_314, %dma_wait3A_315] : memref<40x128xi32, #tpu.memory_space<vmem>> -> memref<1x128xi32, #tpu.memory_space<vmem>>
          %dma_wait3A_317 = tpu.memref_squeeze %dma_wait3A_316 : memref<1x128xi32, #tpu.memory_space<vmem>> -> memref<128xi32, #tpu.memory_space<vmem>>
          %dma_wait3A_318 = arith.constant 0 : i32
          %dma_wait3A_319 = arith.constant 0 : i32
          %dma_wait3A_320 = tpu.memref_slice %arg4[%dma_wait3A_318, %dma_wait3A_319] : memref<51200x16xf32, #tpu.memory_space<hbm>> -> memref<51200x16xf32, #tpu.memory_space<hbm>>
          tpu.wait_indirect_dma semaphore(%arg25 : memref<!tpu.dma_semaphore, #tpu.memory_space<semaphore_mem>>) src(%dma_wait3A_320 : memref<51200x16xf32, #tpu.memory_space<hbm>>) dst(%arg16 : memref<128x16xf32, #tpu.memory_space<vmem>>)
          %dma_start3A_321 = arith.constant 0 : i32
          %dma_start3A_322 = tpu.memref_slice %arg10[%add3A_314, %dma_start3A_321] : memref<40x128xi32, #tpu.memory_space<vmem>> -> memref<1x128xi32, #tpu.memory_space<vmem>>
          %dma_start3A_323 = tpu.memref_squeeze %dma_start3A_322 : memref<1x128xi32, #tpu.memory_space<vmem>> -> memref<128xi32, #tpu.memory_space<vmem>>
          %dma_start3A_324 = arith.constant 0 : i32
          %dma_start3A_325 = arith.constant 0 : i32
          %dma_start3A_326 = tpu.memref_slice %arg19[%dma_start3A_324, %dma_start3A_325] : memref<51200x16xf32, #tpu.memory_space<vmem_shared>> -> memref<51200x16xf32, #tpu.memory_space<vmem_shared>>
          tpu.enqueue_indirect_dma source(%arg16 : memref<128x16xf32, #tpu.memory_space<vmem>>) target(%dma_start3A_326 : memref<51200x16xf32, #tpu.memory_space<vmem_shared>>) offsets(%dma_start3A_323 : memref<128xi32, #tpu.memory_space<vmem>>) semaphore(%arg33 : memref<!tpu.dma_semaphore, #tpu.memory_space<semaphore_mem>>) {add = true}
          %mul3A_327 = arith.constant 4 : i32
          %mul3A_328 = arith.muli %scan3A_183, %mul3A_327 : i32
          %add3A_329 = arith.constant 2 : i32
          %add3A_330 = arith.addi %mul3A_328, %add3A_329 : i32
          %dma_wait3A_331 = arith.constant 0 : i32
          %dma_wait3A_332 = tpu.memref_slice %arg9[%add3A_330, %dma_wait3A_331] : memref<40x128xi32, #tpu.memory_space<vmem>> -> memref<1x128xi32, #tpu.memory_space<vmem>>
          %dma_wait3A_333 = tpu.memref_squeeze %dma_wait3A_332 : memref<1x128xi32, #tpu.memory_space<vmem>> -> memref<128xi32, #tpu.memory_space<vmem>>
          %dma_wait3A_334 = arith.constant 0 : i32
          %dma_wait3A_335 = arith.constant 0 : i32
          %dma_wait3A_336 = tpu.memref_slice %arg4[%dma_wait3A_334, %dma_wait3A_335] : memref<51200x16xf32, #tpu.memory_space<hbm>> -> memref<51200x16xf32, #tpu.memory_space<hbm>>
          tpu.wait_indirect_dma semaphore(%arg26 : memref<!tpu.dma_semaphore, #tpu.memory_space<semaphore_mem>>) src(%dma_wait3A_336 : memref<51200x16xf32, #tpu.memory_space<hbm>>) dst(%arg17 : memref<128x16xf32, #tpu.memory_space<vmem>>)
          %dma_start3A_337 = arith.constant 0 : i32
          %dma_start3A_338 = tpu.memref_slice %arg10[%add3A_330, %dma_start3A_337] : memref<40x128xi32, #tpu.memory_space<vmem>> -> memref<1x128xi32, #tpu.memory_space<vmem>>
          %dma_start3A_339 = tpu.memref_squeeze %dma_start3A_338 : memref<1x128xi32, #tpu.memory_space<vmem>> -> memref<128xi32, #tpu.memory_space<vmem>>
          %dma_start3A_340 = arith.constant 0 : i32
          %dma_start3A_341 = arith.constant 0 : i32
          %dma_start3A_342 = tpu.memref_slice %arg19[%dma_start3A_340, %dma_start3A_341] : memref<51200x16xf32, #tpu.memory_space<vmem_shared>> -> memref<51200x16xf32, #tpu.memory_space<vmem_shared>>
          tpu.enqueue_indirect_dma source(%arg17 : memref<128x16xf32, #tpu.memory_space<vmem>>) target(%dma_start3A_342 : memref<51200x16xf32, #tpu.memory_space<vmem_shared>>) offsets(%dma_start3A_339 : memref<128xi32, #tpu.memory_space<vmem>>) semaphore(%arg34 : memref<!tpu.dma_semaphore, #tpu.memory_space<semaphore_mem>>) {add = true}
          %mul3A_343 = arith.constant 4 : i32
          %mul3A_344 = arith.muli %scan3A_183, %mul3A_343 : i32
          %add3A_345 = arith.constant 3 : i32
          %add3A_346 = arith.addi %mul3A_344, %add3A_345 : i32
          %dma_wait3A_347 = arith.constant 0 : i32
          %dma_wait3A_348 = tpu.memref_slice %arg9[%add3A_346, %dma_wait3A_347] : memref<40x128xi32, #tpu.memory_space<vmem>> -> memref<1x128xi32, #tpu.memory_space<vmem>>
          %dma_wait3A_349 = tpu.memref_squeeze %dma_wait3A_348 : memref<1x128xi32, #tpu.memory_space<vmem>> -> memref<128xi32, #tpu.memory_space<vmem>>
          %dma_wait3A_350 = arith.constant 0 : i32
          %dma_wait3A_351 = arith.constant 0 : i32
          %dma_wait3A_352 = tpu.memref_slice %arg4[%dma_wait3A_350, %dma_wait3A_351] : memref<51200x16xf32, #tpu.memory_space<hbm>> -> memref<51200x16xf32, #tpu.memory_space<hbm>>
          tpu.wait_indirect_dma semaphore(%arg27 : memref<!tpu.dma_semaphore, #tpu.memory_space<semaphore_mem>>) src(%dma_wait3A_352 : memref<51200x16xf32, #tpu.memory_space<hbm>>) dst(%arg18 : memref<128x16xf32, #tpu.memory_space<vmem>>)
          %dma_start3A_353 = arith.constant 0 : i32
          %dma_start3A_354 = tpu.memref_slice %arg10[%add3A_346, %dma_start3A_353] : memref<40x128xi32, #tpu.memory_space<vmem>> -> memref<1x128xi32, #tpu.memory_space<vmem>>
          %dma_start3A_355 = tpu.memref_squeeze %dma_start3A_354 : memref<1x128xi32, #tpu.memory_space<vmem>> -> memref<128xi32, #tpu.memory_space<vmem>>
          %dma_start3A_356 = arith.constant 0 : i32
          %dma_start3A_357 = arith.constant 0 : i32
          %dma_start3A_358 = tpu.memref_slice %arg19[%dma_start3A_356, %dma_start3A_357] : memref<51200x16xf32, #tpu.memory_space<vmem_shared>> -> memref<51200x16xf32, #tpu.memory_space<vmem_shared>>
          tpu.enqueue_indirect_dma source(%arg18 : memref<128x16xf32, #tpu.memory_space<vmem>>) target(%dma_start3A_358 : memref<51200x16xf32, #tpu.memory_space<vmem_shared>>) offsets(%dma_start3A_355 : memref<128xi32, #tpu.memory_space<vmem>>) semaphore(%arg35 : memref<!tpu.dma_semaphore, #tpu.memory_space<semaphore_mem>>) {add = true}
        } else {
        }
        %scan3A_220 = arith.constant 0 : i32
        scf.yield %scan3A_220 : i32
      }
      %scan3A_181 = arith.constant 10 : i32
      %scan3A_182 = arith.constant 0 : i32
      scf.yield %scan3A_182 : i32
    }
    %scan3A_22 = arith.constant 10 : i32
    %dma_wait3A = arith.constant 0 : i32
    %dma_wait3A_23 = arith.constant 0 : i32
    %dma_wait3A_24 = tpu.memref_slice %arg10[%dma_wait3A, %dma_wait3A_23] : memref<40x128xi32, #tpu.memory_space<vmem>> -> memref<1x128xi32, #tpu.memory_space<vmem>>
    %dma_wait3A_25 = tpu.memref_squeeze %dma_wait3A_24 : memref<1x128xi32, #tpu.memory_space<vmem>> -> memref<128xi32, #tpu.memory_space<vmem>>
    %dma_wait3A_26 = arith.constant 0 : i32
    %dma_wait3A_27 = arith.constant 0 : i32
    %dma_wait3A_28 = tpu.memref_slice %arg19[%dma_wait3A_26, %dma_wait3A_27] : memref<51200x16xf32, #tpu.memory_space<vmem_shared>> -> memref<51200x16xf32, #tpu.memory_space<vmem_shared>>
    tpu.wait_indirect_dma semaphore(%arg28 : memref<!tpu.dma_semaphore, #tpu.memory_space<semaphore_mem>>) src(%arg11 : memref<128x16xf32, #tpu.memory_space<vmem>>) dst(%dma_wait3A_28 : memref<51200x16xf32, #tpu.memory_space<vmem_shared>>)
    %dma_wait3A_29 = arith.constant 0 : i32
    %dma_wait3A_30 = arith.constant 0 : i32
    %dma_wait3A_31 = tpu.memref_slice %arg10[%dma_wait3A_29, %dma_wait3A_30] : memref<40x128xi32, #tpu.memory_space<vmem>> -> memref<1x128xi32, #tpu.memory_space<vmem>>
    %dma_wait3A_32 = tpu.memref_squeeze %dma_wait3A_31 : memref<1x128xi32, #tpu.memory_space<vmem>> -> memref<128xi32, #tpu.memory_space<vmem>>
    %dma_wait3A_33 = arith.constant 0 : i32
    %dma_wait3A_34 = arith.constant 0 : i32
    %dma_wait3A_35 = tpu.memref_slice %arg19[%dma_wait3A_33, %dma_wait3A_34] : memref<51200x16xf32, #tpu.memory_space<vmem_shared>> -> memref<51200x16xf32, #tpu.memory_space<vmem_shared>>
    tpu.wait_indirect_dma semaphore(%arg29 : memref<!tpu.dma_semaphore, #tpu.memory_space<semaphore_mem>>) src(%arg12 : memref<128x16xf32, #tpu.memory_space<vmem>>) dst(%dma_wait3A_35 : memref<51200x16xf32, #tpu.memory_space<vmem_shared>>)
    %dma_wait3A_36 = arith.constant 0 : i32
    %dma_wait3A_37 = arith.constant 0 : i32
    %dma_wait3A_38 = tpu.memref_slice %arg10[%dma_wait3A_36, %dma_wait3A_37] : memref<40x128xi32, #tpu.memory_space<vmem>> -> memref<1x128xi32, #tpu.memory_space<vmem>>
    %dma_wait3A_39 = tpu.memref_squeeze %dma_wait3A_38 : memref<1x128xi32, #tpu.memory_space<vmem>> -> memref<128xi32, #tpu.memory_space<vmem>>
    %dma_wait3A_40 = arith.constant 0 : i32
    %dma_wait3A_41 = arith.constant 0 : i32
    %dma_wait3A_42 = tpu.memref_slice %arg19[%dma_wait3A_40, %dma_wait3A_41] : memref<51200x16xf32, #tpu.memory_space<vmem_shared>> -> memref<51200x16xf32, #tpu.memory_space<vmem_shared>>
    tpu.wait_indirect_dma semaphore(%arg30 : memref<!tpu.dma_semaphore, #tpu.memory_space<semaphore_mem>>) src(%arg13 : memref<128x16xf32, #tpu.memory_space<vmem>>) dst(%dma_wait3A_42 : memref<51200x16xf32, #tpu.memory_space<vmem_shared>>)
    %dma_wait3A_43 = arith.constant 0 : i32
    %dma_wait3A_44 = arith.constant 0 : i32
    %dma_wait3A_45 = tpu.memref_slice %arg10[%dma_wait3A_43, %dma_wait3A_44] : memref<40x128xi32, #tpu.memory_space<vmem>> -> memref<1x128xi32, #tpu.memory_space<vmem>>
    %dma_wait3A_46 = tpu.memref_squeeze %dma_wait3A_45 : memref<1x128xi32, #tpu.memory_space<vmem>> -> memref<128xi32, #tpu.memory_space<vmem>>
    %dma_wait3A_47 = arith.constant 0 : i32
    %dma_wait3A_48 = arith.constant 0 : i32
    %dma_wait3A_49 = tpu.memref_slice %arg19[%dma_wait3A_47, %dma_wait3A_48] : memref<51200x16xf32, #tpu.memory_space<vmem_shared>> -> memref<51200x16xf32, #tpu.memory_space<vmem_shared>>
    tpu.wait_indirect_dma semaphore(%arg31 : memref<!tpu.dma_semaphore, #tpu.memory_space<semaphore_mem>>) src(%arg14 : memref<128x16xf32, #tpu.memory_space<vmem>>) dst(%dma_wait3A_49 : memref<51200x16xf32, #tpu.memory_space<vmem_shared>>)
    %dma_wait3A_50 = arith.constant 0 : i32
    %dma_wait3A_51 = arith.constant 0 : i32
    %dma_wait3A_52 = tpu.memref_slice %arg10[%dma_wait3A_50, %dma_wait3A_51] : memref<40x128xi32, #tpu.memory_space<vmem>> -> memref<1x128xi32, #tpu.memory_space<vmem>>
    %dma_wait3A_53 = tpu.memref_squeeze %dma_wait3A_52 : memref<1x128xi32, #tpu.memory_space<vmem>> -> memref<128xi32, #tpu.memory_space<vmem>>
    %dma_wait3A_54 = arith.constant 0 : i32
    %dma_wait3A_55 = arith.constant 0 : i32
    %dma_wait3A_56 = tpu.memref_slice %arg19[%dma_wait3A_54, %dma_wait3A_55] : memref<51200x16xf32, #tpu.memory_space<vmem_shared>> -> memref<51200x16xf32, #tpu.memory_space<vmem_shared>>
    tpu.wait_indirect_dma semaphore(%arg32 : memref<!tpu.dma_semaphore, #tpu.memory_space<semaphore_mem>>) src(%arg15 : memref<128x16xf32, #tpu.memory_space<vmem>>) dst(%dma_wait3A_56 : memref<51200x16xf32, #tpu.memory_space<vmem_shared>>)
    %dma_wait3A_57 = arith.constant 0 : i32
    %dma_wait3A_58 = arith.constant 0 : i32
    %dma_wait3A_59 = tpu.memref_slice %arg10[%dma_wait3A_57, %dma_wait3A_58] : memref<40x128xi32, #tpu.memory_space<vmem>> -> memref<1x128xi32, #tpu.memory_space<vmem>>
    %dma_wait3A_60 = tpu.memref_squeeze %dma_wait3A_59 : memref<1x128xi32, #tpu.memory_space<vmem>> -> memref<128xi32, #tpu.memory_space<vmem>>
    %dma_wait3A_61 = arith.constant 0 : i32
    %dma_wait3A_62 = arith.constant 0 : i32
    %dma_wait3A_63 = tpu.memref_slice %arg19[%dma_wait3A_61, %dma_wait3A_62] : memref<51200x16xf32, #tpu.memory_space<vmem_shared>> -> memref<51200x16xf32, #tpu.memory_space<vmem_shared>>
    tpu.wait_indirect_dma semaphore(%arg33 : memref<!tpu.dma_semaphore, #tpu.memory_space<semaphore_mem>>) src(%arg16 : memref<128x16xf32, #tpu.memory_space<vmem>>) dst(%dma_wait3A_63 : memref<51200x16xf32, #tpu.memory_space<vmem_shared>>)
    %dma_wait3A_64 = arith.constant 0 : i32
    %dma_wait3A_65 = arith.constant 0 : i32
    %dma_wait3A_66 = tpu.memref_slice %arg10[%dma_wait3A_64, %dma_wait3A_65] : memref<40x128xi32, #tpu.memory_space<vmem>> -> memref<1x128xi32, #tpu.memory_space<vmem>>
    %dma_wait3A_67 = tpu.memref_squeeze %dma_wait3A_66 : memref<1x128xi32, #tpu.memory_space<vmem>> -> memref<128xi32, #tpu.memory_space<vmem>>
    %dma_wait3A_68 = arith.constant 0 : i32
    %dma_wait3A_69 = arith.constant 0 : i32
    %dma_wait3A_70 = tpu.memref_slice %arg19[%dma_wait3A_68, %dma_wait3A_69] : memref<51200x16xf32, #tpu.memory_space<vmem_shared>> -> memref<51200x16xf32, #tpu.memory_space<vmem_shared>>
    tpu.wait_indirect_dma semaphore(%arg34 : memref<!tpu.dma_semaphore, #tpu.memory_space<semaphore_mem>>) src(%arg17 : memref<128x16xf32, #tpu.memory_space<vmem>>) dst(%dma_wait3A_70 : memref<51200x16xf32, #tpu.memory_space<vmem_shared>>)
    %dma_wait3A_71 = arith.constant 0 : i32
    %dma_wait3A_72 = arith.constant 0 : i32
    %dma_wait3A_73 = tpu.memref_slice %arg10[%dma_wait3A_71, %dma_wait3A_72] : memref<40x128xi32, #tpu.memory_space<vmem>> -> memref<1x128xi32, #tpu.memory_space<vmem>>
    %dma_wait3A_74 = tpu.memref_squeeze %dma_wait3A_73 : memref<1x128xi32, #tpu.memory_space<vmem>> -> memref<128xi32, #tpu.memory_space<vmem>>
    %dma_wait3A_75 = arith.constant 0 : i32
    %dma_wait3A_76 = arith.constant 0 : i32
    %dma_wait3A_77 = tpu.memref_slice %arg19[%dma_wait3A_75, %dma_wait3A_76] : memref<51200x16xf32, #tpu.memory_space<vmem_shared>> -> memref<51200x16xf32, #tpu.memory_space<vmem_shared>>
    tpu.wait_indirect_dma semaphore(%arg35 : memref<!tpu.dma_semaphore, #tpu.memory_space<semaphore_mem>>) src(%arg18 : memref<128x16xf32, #tpu.memory_space<vmem>>) dst(%dma_wait3A_77 : memref<51200x16xf32, #tpu.memory_space<vmem_shared>>)
    %barrier3A_78 = arith.constant 0 : index
    tpu.barrier barrier_id(%barrier3A_78)
    %mul3A_79 = arith.constant 2 : i32
    %mul3A_80 = arith.muli %mul3A_79, %arg0 : i32
    %add3A = arith.constant 0 : i32
    %add3A_81 = arith.addi %mul3A_80, %add3A : i32
    "tpu.region"() ({
      %run_scoped3A = tpu.sem_alloc : memref<!tpu.dma_semaphore, #tpu.memory_space<semaphore_mem>>
      %dma_start3A = arith.constant 0 : i32
      %dma_start3A_165 = tpu.memref_slice %arg8[%add3A_81, %mul3A_0, %dma_start3A] : memref<4x51200x16xf32, #tpu.memory_space<hbm>> -> memref<1x3200x16xf32, #tpu.memory_space<hbm>>
      %dma_start3A_166 = tpu.memref_squeeze %dma_start3A_165 : memref<1x3200x16xf32, #tpu.memory_space<hbm>> -> memref<3200x16xf32, #tpu.memory_space<hbm>>
      %dma_start3A_167 = arith.constant 0 : i32
      %dma_start3A_168 = tpu.memref_slice %arg19[%mul3A_0, %dma_start3A_167] : memref<51200x16xf32, #tpu.memory_space<vmem_shared>> -> memref<3200x16xf32, #tpu.memory_space<vmem_shared>>
      tpu.enqueue_dma source(%dma_start3A_168 : memref<3200x16xf32, #tpu.memory_space<vmem_shared>>) target(%dma_start3A_166 : memref<3200x16xf32, #tpu.memory_space<hbm>>) target_semaphore(%run_scoped3A : memref<!tpu.dma_semaphore, #tpu.memory_space<semaphore_mem>>)
      %dma_wait3A_169 = arith.constant 0 : i32
      %dma_wait3A_170 = tpu.memref_slice %arg8[%add3A_81, %mul3A_0, %dma_wait3A_169] : memref<4x51200x16xf32, #tpu.memory_space<hbm>> -> memref<1x3200x16xf32, #tpu.memory_space<hbm>>
      %dma_wait3A_171 = tpu.memref_squeeze %dma_wait3A_170 : memref<1x3200x16xf32, #tpu.memory_space<hbm>> -> memref<3200x16xf32, #tpu.memory_space<hbm>>
      %dma_wait3A_172 = arith.constant 0 : i32
      %dma_wait3A_173 = tpu.memref_slice %arg19[%mul3A_0, %dma_wait3A_172] : memref<51200x16xf32, #tpu.memory_space<vmem_shared>> -> memref<3200x16xf32, #tpu.memory_space<vmem_shared>>
      tpu.wait_dma2 semaphore(%run_scoped3A : memref<!tpu.dma_semaphore, #tpu.memory_space<semaphore_mem>>) src(%dma_wait3A_173 : memref<3200x16xf32, #tpu.memory_space<vmem_shared>>) dst(%dma_wait3A_171 : memref<3200x16xf32, #tpu.memory_space<hbm>>)
      tpu.yield
    }) : () -> ()
    %scan3A_82 = arith.constant 0 : i32
    %scan3A_83 = arith.constant 0 : i32
    %scan3A_84 = arith.constant 128 : i32
    %scan3A_85 = arith.addi %scan3A_83, %scan3A_84 : i32
    %scan3A_86 = arith.constant 1 : i32
    %scan3A_87 = scf.for %scan3A_165 = %scan3A_83 to %scan3A_85 step %scan3A_86 iter_args(%scan3A_166 = %scan3A_82) -> (i32)  : i32 {
      %broadcast_in_dim3A = arith.constant 0.000000e+00 : f32
      %broadcast_in_dim3A_167 = vector.broadcast %broadcast_in_dim3A : f32 to vector<16xf32>
      %swap3A = arith.index_cast %scan3A_165 : i32 to index
      %swap3A_168 = arith.constant 0 : index
      %swap3A_169 = tpu.vector_load %arg11[%swap3A, %swap3A_168] {strides = array<i32>} : memref<128x16xf32, #tpu.memory_space<vmem>>, vector<1x16xf32>,
      %swap3A_170 = vector.shape_cast %swap3A_169 : vector<1x16xf32> to vector<16xf32>
      %swap3A_171 = vector.shape_cast %broadcast_in_dim3A_167 : vector<16xf32> to vector<1x16xf32>
      tpu.vector_store %arg11[%swap3A, %swap3A_168], %swap3A_171 {strides = array<i32>} : memref<128x16xf32, #tpu.memory_space<vmem>>, vector<1x16xf32>,
      %scan3A_172 = arith.constant 0 : i32
      scf.yield %scan3A_172 : i32
    }
    %scan3A_88 = arith.constant 128 : i32
    %scan3A_89 = arith.constant 0 : i32
    %scan3A_90 = arith.constant 0 : i32
    %scan3A_91 = arith.constant 25 : i32
    %scan3A_92 = arith.addi %scan3A_90, %scan3A_91 : i32
    %scan3A_93 = arith.constant 1 : i32
    %scan3A_94 = scf.for %scan3A_165 = %scan3A_90 to %scan3A_92 step %scan3A_93 iter_args(%scan3A_166 = %scan3A_89) -> (i32)  : i32 {
      %mul3A_167 = arith.constant 128 : i32
      %mul3A_168 = arith.muli %scan3A_165, %mul3A_167 : i32
      %add3A_169 = arith.addi %mul3A_0, %mul3A_168 : i32
      "tpu.region"() ({
        %run_scoped3A = tpu.sem_alloc : memref<!tpu.dma_semaphore, #tpu.memory_space<semaphore_mem>>
        %dma_start3A = arith.constant 0 : i32
        %dma_start3A_171 = tpu.memref_slice %arg19[%add3A_169, %dma_start3A] : memref<51200x16xf32, #tpu.memory_space<vmem_shared>> -> memref<128x16xf32, #tpu.memory_space<vmem_shared>>
        %dma_start3A_172 = arith.constant 0 : i32
        %dma_start3A_173 = tpu.memref_slice %arg19[%add3A_169, %dma_start3A_172] : memref<51200x16xf32, #tpu.memory_space<vmem_shared>> -> memref<128x16xf32, #tpu.memory_space<vmem_shared>>
        tpu.enqueue_dma source(%arg11 : memref<128x16xf32, #tpu.memory_space<vmem>>) target(%dma_start3A_173 : memref<128x16xf32, #tpu.memory_space<vmem_shared>>) target_semaphore(%run_scoped3A : memref<!tpu.dma_semaphore, #tpu.memory_space<semaphore_mem>>)
        %dma_wait3A_174 = arith.constant 0 : i32
        %dma_wait3A_175 = tpu.memref_slice %arg19[%add3A_169, %dma_wait3A_174] : memref<51200x16xf32, #tpu.memory_space<vmem_shared>> -> memref<128x16xf32, #tpu.memory_space<vmem_shared>>
        %dma_wait3A_176 = arith.constant 0 : i32
        %dma_wait3A_177 = tpu.memref_slice %arg19[%add3A_169, %dma_wait3A_176] : memref<51200x16xf32, #tpu.memory_space<vmem_shared>> -> memref<128x16xf32, #tpu.memory_space<vmem_shared>>
        tpu.wait_dma2 semaphore(%run_scoped3A : memref<!tpu.dma_semaphore, #tpu.memory_space<semaphore_mem>>) src(%arg11 : memref<128x16xf32, #tpu.memory_space<vmem>>) dst(%dma_wait3A_177 : memref<128x16xf32, #tpu.memory_space<vmem_shared>>)
        tpu.yield
      }) : () -> ()
      %scan3A_170 = arith.constant 0 : i32
      scf.yield %scan3A_170 : i32
    }
    %scan3A_95 = arith.constant 25 : i32
    %barrier3A_96 = arith.constant 0 : index
    tpu.barrier barrier_id(%barrier3A_96)
    %scan3A_97 = arith.constant 0 : i32
    %scan3A_98 = arith.constant 0 : i32
    %scan3A_99 = arith.constant 10 : i32
    %scan3A_100 = arith.addi %scan3A_98, %scan3A_99 : i32
    %scan3A_101 = arith.constant 1 : i32
    %scan3A_102 = scf.for %scan3A_165 = %scan3A_98 to %scan3A_100 step %scan3A_101 iter_args(%scan3A_166 = %scan3A_97) -> (i32)  : i32 {
      %gt3A = arith.constant 0 : i32
      %gt3A_167 = arith.cmpi sgt, %scan3A_165, %gt3A : i32
      %convert_element_type3A = arith.extui %gt3A_167 : i1 to i32
      %cond3A = arith.constant 0 : i32
      %cond3A_168 = arith.cmpi ne, %convert_element_type3A, %cond3A : i32
      scf.if %cond3A_168 {
        %dma_wait3A_183 = arith.constant 0 : i32
        %dma_wait3A_184 = arith.constant 0 : i32
        %dma_wait3A_185 = tpu.memref_slice %arg10[%dma_wait3A_183, %dma_wait3A_184] : memref<40x128xi32, #tpu.memory_space<vmem>> -> memref<1x128xi32, #tpu.memory_space<vmem>>
        %dma_wait3A_186 = tpu.memref_squeeze %dma_wait3A_185 : memref<1x128xi32, #tpu.memory_space<vmem>> -> memref<128xi32, #tpu.memory_space<vmem>>
        %dma_wait3A_187 = arith.constant 0 : i32
        %dma_wait3A_188 = arith.constant 0 : i32
        %dma_wait3A_189 = tpu.memref_slice %arg19[%dma_wait3A_187, %dma_wait3A_188] : memref<51200x16xf32, #tpu.memory_space<vmem_shared>> -> memref<51200x16xf32, #tpu.memory_space<vmem_shared>>
        tpu.wait_indirect_dma semaphore(%arg28 : memref<!tpu.dma_semaphore, #tpu.memory_space<semaphore_mem>>) src(%arg11 : memref<128x16xf32, #tpu.memory_space<vmem>>) dst(%dma_wait3A_189 : memref<51200x16xf32, #tpu.memory_space<vmem_shared>>)
        %dma_wait3A_190 = arith.constant 0 : i32
        %dma_wait3A_191 = arith.constant 0 : i32
        %dma_wait3A_192 = tpu.memref_slice %arg10[%dma_wait3A_190, %dma_wait3A_191] : memref<40x128xi32, #tpu.memory_space<vmem>> -> memref<1x128xi32, #tpu.memory_space<vmem>>
        %dma_wait3A_193 = tpu.memref_squeeze %dma_wait3A_192 : memref<1x128xi32, #tpu.memory_space<vmem>> -> memref<128xi32, #tpu.memory_space<vmem>>
        %dma_wait3A_194 = arith.constant 0 : i32
        %dma_wait3A_195 = arith.constant 0 : i32
        %dma_wait3A_196 = tpu.memref_slice %arg19[%dma_wait3A_194, %dma_wait3A_195] : memref<51200x16xf32, #tpu.memory_space<vmem_shared>> -> memref<51200x16xf32, #tpu.memory_space<vmem_shared>>
        tpu.wait_indirect_dma semaphore(%arg29 : memref<!tpu.dma_semaphore, #tpu.memory_space<semaphore_mem>>) src(%arg12 : memref<128x16xf32, #tpu.memory_space<vmem>>) dst(%dma_wait3A_196 : memref<51200x16xf32, #tpu.memory_space<vmem_shared>>)
        %dma_wait3A_197 = arith.constant 0 : i32
        %dma_wait3A_198 = arith.constant 0 : i32
        %dma_wait3A_199 = tpu.memref_slice %arg10[%dma_wait3A_197, %dma_wait3A_198] : memref<40x128xi32, #tpu.memory_space<vmem>> -> memref<1x128xi32, #tpu.memory_space<vmem>>
        %dma_wait3A_200 = tpu.memref_squeeze %dma_wait3A_199 : memref<1x128xi32, #tpu.memory_space<vmem>> -> memref<128xi32, #tpu.memory_space<vmem>>
        %dma_wait3A_201 = arith.constant 0 : i32
        %dma_wait3A_202 = arith.constant 0 : i32
        %dma_wait3A_203 = tpu.memref_slice %arg19[%dma_wait3A_201, %dma_wait3A_202] : memref<51200x16xf32, #tpu.memory_space<vmem_shared>> -> memref<51200x16xf32, #tpu.memory_space<vmem_shared>>
        tpu.wait_indirect_dma semaphore(%arg30 : memref<!tpu.dma_semaphore, #tpu.memory_space<semaphore_mem>>) src(%arg13 : memref<128x16xf32, #tpu.memory_space<vmem>>) dst(%dma_wait3A_203 : memref<51200x16xf32, #tpu.memory_space<vmem_shared>>)
        %dma_wait3A_204 = arith.constant 0 : i32
        %dma_wait3A_205 = arith.constant 0 : i32
        %dma_wait3A_206 = tpu.memref_slice %arg10[%dma_wait3A_204, %dma_wait3A_205] : memref<40x128xi32, #tpu.memory_space<vmem>> -> memref<1x128xi32, #tpu.memory_space<vmem>>
        %dma_wait3A_207 = tpu.memref_squeeze %dma_wait3A_206 : memref<1x128xi32, #tpu.memory_space<vmem>> -> memref<128xi32, #tpu.memory_space<vmem>>
        %dma_wait3A_208 = arith.constant 0 : i32
        %dma_wait3A_209 = arith.constant 0 : i32
        %dma_wait3A_210 = tpu.memref_slice %arg19[%dma_wait3A_208, %dma_wait3A_209] : memref<51200x16xf32, #tpu.memory_space<vmem_shared>> -> memref<51200x16xf32, #tpu.memory_space<vmem_shared>>
        tpu.wait_indirect_dma semaphore(%arg31 : memref<!tpu.dma_semaphore, #tpu.memory_space<semaphore_mem>>) src(%arg14 : memref<128x16xf32, #tpu.memory_space<vmem>>) dst(%dma_wait3A_210 : memref<51200x16xf32, #tpu.memory_space<vmem_shared>>)
        %dma_wait3A_211 = arith.constant 0 : i32
        %dma_wait3A_212 = arith.constant 0 : i32
        %dma_wait3A_213 = tpu.memref_slice %arg10[%dma_wait3A_211, %dma_wait3A_212] : memref<40x128xi32, #tpu.memory_space<vmem>> -> memref<1x128xi32, #tpu.memory_space<vmem>>
        %dma_wait3A_214 = tpu.memref_squeeze %dma_wait3A_213 : memref<1x128xi32, #tpu.memory_space<vmem>> -> memref<128xi32, #tpu.memory_space<vmem>>
        %dma_wait3A_215 = arith.constant 0 : i32
        %dma_wait3A_216 = arith.constant 0 : i32
        %dma_wait3A_217 = tpu.memref_slice %arg19[%dma_wait3A_215, %dma_wait3A_216] : memref<51200x16xf32, #tpu.memory_space<vmem_shared>> -> memref<51200x16xf32, #tpu.memory_space<vmem_shared>>
        tpu.wait_indirect_dma semaphore(%arg32 : memref<!tpu.dma_semaphore, #tpu.memory_space<semaphore_mem>>) src(%arg15 : memref<128x16xf32, #tpu.memory_space<vmem>>) dst(%dma_wait3A_217 : memref<51200x16xf32, #tpu.memory_space<vmem_shared>>)
        %dma_wait3A_218 = arith.constant 0 : i32
        %dma_wait3A_219 = arith.constant 0 : i32
        %dma_wait3A_220 = tpu.memref_slice %arg10[%dma_wait3A_218, %dma_wait3A_219] : memref<40x128xi32, #tpu.memory_space<vmem>> -> memref<1x128xi32, #tpu.memory_space<vmem>>
        %dma_wait3A_221 = tpu.memref_squeeze %dma_wait3A_220 : memref<1x128xi32, #tpu.memory_space<vmem>> -> memref<128xi32, #tpu.memory_space<vmem>>
        %dma_wait3A_222 = arith.constant 0 : i32
        %dma_wait3A_223 = arith.constant 0 : i32
        %dma_wait3A_224 = tpu.memref_slice %arg19[%dma_wait3A_222, %dma_wait3A_223] : memref<51200x16xf32, #tpu.memory_space<vmem_shared>> -> memref<51200x16xf32, #tpu.memory_space<vmem_shared>>
        tpu.wait_indirect_dma semaphore(%arg33 : memref<!tpu.dma_semaphore, #tpu.memory_space<semaphore_mem>>) src(%arg16 : memref<128x16xf32, #tpu.memory_space<vmem>>) dst(%dma_wait3A_224 : memref<51200x16xf32, #tpu.memory_space<vmem_shared>>)
        %dma_wait3A_225 = arith.constant 0 : i32
        %dma_wait3A_226 = arith.constant 0 : i32
        %dma_wait3A_227 = tpu.memref_slice %arg10[%dma_wait3A_225, %dma_wait3A_226] : memref<40x128xi32, #tpu.memory_space<vmem>> -> memref<1x128xi32, #tpu.memory_space<vmem>>
        %dma_wait3A_228 = tpu.memref_squeeze %dma_wait3A_227 : memref<1x128xi32, #tpu.memory_space<vmem>> -> memref<128xi32, #tpu.memory_space<vmem>>
        %dma_wait3A_229 = arith.constant 0 : i32
        %dma_wait3A_230 = arith.constant 0 : i32
        %dma_wait3A_231 = tpu.memref_slice %arg19[%dma_wait3A_229, %dma_wait3A_230] : memref<51200x16xf32, #tpu.memory_space<vmem_shared>> -> memref<51200x16xf32, #tpu.memory_space<vmem_shared>>
        tpu.wait_indirect_dma semaphore(%arg34 : memref<!tpu.dma_semaphore, #tpu.memory_space<semaphore_mem>>) src(%arg17 : memref<128x16xf32, #tpu.memory_space<vmem>>) dst(%dma_wait3A_231 : memref<51200x16xf32, #tpu.memory_space<vmem_shared>>)
        %dma_wait3A_232 = arith.constant 0 : i32
        %dma_wait3A_233 = arith.constant 0 : i32
        %dma_wait3A_234 = tpu.memref_slice %arg10[%dma_wait3A_232, %dma_wait3A_233] : memref<40x128xi32, #tpu.memory_space<vmem>> -> memref<1x128xi32, #tpu.memory_space<vmem>>
        %dma_wait3A_235 = tpu.memref_squeeze %dma_wait3A_234 : memref<1x128xi32, #tpu.memory_space<vmem>> -> memref<128xi32, #tpu.memory_space<vmem>>
        %dma_wait3A_236 = arith.constant 0 : i32
        %dma_wait3A_237 = arith.constant 0 : i32
        %dma_wait3A_238 = tpu.memref_slice %arg19[%dma_wait3A_236, %dma_wait3A_237] : memref<51200x16xf32, #tpu.memory_space<vmem_shared>> -> memref<51200x16xf32, #tpu.memory_space<vmem_shared>>
        tpu.wait_indirect_dma semaphore(%arg35 : memref<!tpu.dma_semaphore, #tpu.memory_space<semaphore_mem>>) src(%arg18 : memref<128x16xf32, #tpu.memory_space<vmem>>) dst(%dma_wait3A_238 : memref<51200x16xf32, #tpu.memory_space<vmem_shared>>)
      } else {
      }
      %mul3A_169 = arith.constant 40 : i32
      %mul3A_170 = arith.muli %scan3A_165, %mul3A_169 : i32
      %add3A_171 = arith.addi %mul3A_2, %mul3A_170 : i32
      "tpu.region"() ({
        %run_scoped3A = tpu.sem_alloc : memref<!tpu.dma_semaphore, #tpu.memory_space<semaphore_mem>>
        %dma_start3A = arith.constant 0 : i32
        %dma_start3A_183 = tpu.memref_slice %arg2[%add3A_171, %dma_start3A] : memref<6400x128xi32, #tpu.memory_space<hbm>> -> memref<40x128xi32, #tpu.memory_space<hbm>>
        %dma_start3A_184 = arith.constant 0 : i32
        %dma_start3A_185 = tpu.memref_slice %arg2[%add3A_171, %dma_start3A_184] : memref<6400x128xi32, #tpu.memory_space<hbm>> -> memref<40x128xi32, #tpu.memory_space<hbm>>
        tpu.enqueue_dma source(%dma_start3A_185 : memref<40x128xi32, #tpu.memory_space<hbm>>) target(%arg9 : memref<40x128xi32, #tpu.memory_space<vmem>>) target_semaphore(%run_scoped3A : memref<!tpu.dma_semaphore, #tpu.memory_space<semaphore_mem>>)
        %dma_wait3A_186 = arith.constant 0 : i32
        %dma_wait3A_187 = tpu.memref_slice %arg2[%add3A_171, %dma_wait3A_186] : memref<6400x128xi32, #tpu.memory_space<hbm>> -> memref<40x128xi32, #tpu.memory_space<hbm>>
        %dma_wait3A_188 = arith.constant 0 : i32
        %dma_wait3A_189 = tpu.memref_slice %arg2[%add3A_171, %dma_wait3A_188] : memref<6400x128xi32, #tpu.memory_space<hbm>> -> memref<40x128xi32, #tpu.memory_space<hbm>>
        tpu.wait_dma2 semaphore(%run_scoped3A : memref<!tpu.dma_semaphore, #tpu.memory_space<semaphore_mem>>) src(%dma_wait3A_189 : memref<40x128xi32, #tpu.memory_space<hbm>>) dst(%arg9 : memref<40x128xi32, #tpu.memory_space<vmem>>)
        tpu.yield
      }) : () -> ()
      %mul3A_172 = arith.constant 40 : i32
      %mul3A_173 = arith.muli %scan3A_165, %mul3A_172 : i32
      %add3A_174 = arith.addi %mul3A_2, %mul3A_173 : i32
      "tpu.region"() ({
        %run_scoped3A = tpu.sem_alloc : memref<!tpu.dma_semaphore, #tpu.memory_space<semaphore_mem>>
        %dma_start3A = arith.constant 0 : i32
        %dma_start3A_183 = tpu.memref_slice %arg3[%add3A_174, %dma_start3A] : memref<6400x128xi32, #tpu.memory_space<hbm>> -> memref<40x128xi32, #tpu.memory_space<hbm>>
        %dma_start3A_184 = arith.constant 0 : i32
        %dma_start3A_185 = tpu.memref_slice %arg3[%add3A_174, %dma_start3A_184] : memref<6400x128xi32, #tpu.memory_space<hbm>> -> memref<40x128xi32, #tpu.memory_space<hbm>>
        tpu.enqueue_dma source(%dma_start3A_185 : memref<40x128xi32, #tpu.memory_space<hbm>>) target(%arg10 : memref<40x128xi32, #tpu.memory_space<vmem>>) target_semaphore(%run_scoped3A : memref<!tpu.dma_semaphore, #tpu.memory_space<semaphore_mem>>)
        %dma_wait3A_186 = arith.constant 0 : i32
        %dma_wait3A_187 = tpu.memref_slice %arg3[%add3A_174, %dma_wait3A_186] : memref<6400x128xi32, #tpu.memory_space<hbm>> -> memref<40x128xi32, #tpu.memory_space<hbm>>
        %dma_wait3A_188 = arith.constant 0 : i32
        %dma_wait3A_189 = tpu.memref_slice %arg3[%add3A_174, %dma_wait3A_188] : memref<6400x128xi32, #tpu.memory_space<hbm>> -> memref<40x128xi32, #tpu.memory_space<hbm>>
        tpu.wait_dma2 semaphore(%run_scoped3A : memref<!tpu.dma_semaphore, #tpu.memory_space<semaphore_mem>>) src(%dma_wait3A_189 : memref<40x128xi32, #tpu.memory_space<hbm>>) dst(%arg10 : memref<40x128xi32, #tpu.memory_space<vmem>>)
        tpu.yield
      }) : () -> ()
      %scan3A_175 = arith.constant 0 : i32
      %scan3A_176 = arith.constant 0 : i32
      %scan3A_177 = arith.constant 10 : i32
      %scan3A_178 = arith.addi %scan3A_176, %scan3A_177 : i32
      %scan3A_179 = arith.constant 1 : i32
      %scan3A_180 = scf.for %scan3A_183 = %scan3A_176 to %scan3A_178 step %scan3A_179 iter_args(%scan3A_184 = %scan3A_175) -> (i32)  : i32 {
        %jit3A = arith.constant 2 : i32
        %eq3A = arith.constant 0 : i32
        %eq3A_185 = arith.cmpi eq, %jit3A, %eq3A : i32
        %jit3A_186 = arith.constant 1 : i32
        %select_n3A = arith.select %eq3A_185, %jit3A_186, %jit3A : i32
        %rem3A = arith.remsi %scan3A_183, %select_n3A : i32
        %ne3A = arith.constant 0 : i32
        %ne3A_187 = arith.cmpi ne, %rem3A, %ne3A : i32
        %lt3A = arith.constant 0 : i32
        %lt3A_188 = arith.cmpi slt, %rem3A, %lt3A : i32
        %lt3A_189 = arith.constant 0 : i32
        %lt3A_190 = arith.cmpi slt, %select_n3A, %lt3A_189 : i32
        %ne3A_191 = arith.xori %lt3A_188, %lt3A_190 : i1
        %and3A = arith.andi %ne3A_191, %ne3A_187 : i1
        %add3A_192 = arith.addi %rem3A, %select_n3A : i32
        %select_n3A_193 = arith.select %and3A, %add3A_192, %rem3A : i32
        %eq3A_194 = arith.constant 0 : i32
        %eq3A_195 = arith.cmpi eq, %select_n3A_193, %eq3A_194 : i32
        %convert_element_type3A_196 = arith.extui %eq3A_195 : i1 to i32
        %cond3A_197 = arith.constant 0 : i32
        %cond3A_198 = arith.cmpi ne, %convert_element_type3A_196, %cond3A_197 : i32
        scf.if %cond3A_198 {
          %mul3A_221 = arith.constant 4 : i32
          %mul3A_222 = arith.muli %scan3A_183, %mul3A_221 : i32
          %add3A_223 = arith.constant 0 : i32
          %add3A_224 = arith.addi %mul3A_222, %add3A_223 : i32
          %ge3A = arith.constant 2 : i32
          %ge3A_225 = arith.cmpi sge, %scan3A_183, %ge3A : i32
          %convert_element_type3A_226 = arith.extui %ge3A_225 : i1 to i32
          %cond3A_227 = arith.constant 0 : i32
          %cond3A_228 = arith.cmpi ne, %convert_element_type3A_226, %cond3A_227 : i32
          scf.if %cond3A_228 {
            %dma_wait3A_359 = arith.constant 0 : i32
            %dma_wait3A_360 = arith.constant 0 : i32
            %dma_wait3A_361 = tpu.memref_slice %arg10[%dma_wait3A_359, %dma_wait3A_360] : memref<40x128xi32, #tpu.memory_space<vmem>> -> memref<1x128xi32, #tpu.memory_space<vmem>>
            %dma_wait3A_362 = tpu.memref_squeeze %dma_wait3A_361 : memref<1x128xi32, #tpu.memory_space<vmem>> -> memref<128xi32, #tpu.memory_space<vmem>>
            %dma_wait3A_363 = arith.constant 0 : i32
            %dma_wait3A_364 = arith.constant 0 : i32
            %dma_wait3A_365 = tpu.memref_slice %arg19[%dma_wait3A_363, %dma_wait3A_364] : memref<51200x16xf32, #tpu.memory_space<vmem_shared>> -> memref<51200x16xf32, #tpu.memory_space<vmem_shared>>
            tpu.wait_indirect_dma semaphore(%arg28 : memref<!tpu.dma_semaphore, #tpu.memory_space<semaphore_mem>>) src(%arg11 : memref<128x16xf32, #tpu.memory_space<vmem>>) dst(%dma_wait3A_365 : memref<51200x16xf32, #tpu.memory_space<vmem_shared>>)
          } else {
          }
          %eq3A_229 = arith.constant 0 : i32
          %eq3A_230 = arith.cmpi eq, %arg0, %eq3A_229 : i32
          %convert_element_type3A_231 = arith.extui %eq3A_230 : i1 to i32
          %cond3A_232 = arith.constant 0 : i32
          %cond3A_233 = arith.cmpi ne, %convert_element_type3A_231, %cond3A_232 : i32
          scf.if %cond3A_233 {
            %dma_start3A_359 = arith.constant 0 : i32
            %dma_start3A_360 = tpu.memref_slice %arg9[%add3A_224, %dma_start3A_359] : memref<40x128xi32, #tpu.memory_space<vmem>> -> memref<1x128xi32, #tpu.memory_space<vmem>>
            %dma_start3A_361 = tpu.memref_squeeze %dma_start3A_360 : memref<1x128xi32, #tpu.memory_space<vmem>> -> memref<128xi32, #tpu.memory_space<vmem>>
            %dma_start3A_362 = arith.constant 0 : i32
            %dma_start3A_363 = arith.constant 0 : i32
            %dma_start3A_364 = tpu.memref_slice %arg5[%dma_start3A_362, %dma_start3A_363] : memref<51200x16xf32, #tpu.memory_space<hbm>> -> memref<51200x16xf32, #tpu.memory_space<hbm>>
            tpu.enqueue_indirect_dma source(%dma_start3A_364 : memref<51200x16xf32, #tpu.memory_space<hbm>>) target(%arg11 : memref<128x16xf32, #tpu.memory_space<vmem>>) offsets(%dma_start3A_361 : memref<128xi32, #tpu.memory_space<vmem>>) semaphore(%arg20 : memref<!tpu.dma_semaphore, #tpu.memory_space<semaphore_mem>>)
          } else {
          }
          %eq3A_234 = arith.constant 1 : i32
          %eq3A_235 = arith.cmpi eq, %arg0, %eq3A_234 : i32
          %convert_element_type3A_236 = arith.extui %eq3A_235 : i1 to i32
          %cond3A_237 = arith.constant 0 : i32
          %cond3A_238 = arith.cmpi ne, %convert_element_type3A_236, %cond3A_237 : i32
          scf.if %cond3A_238 {
            %dma_start3A_359 = arith.constant 0 : i32
            %dma_start3A_360 = tpu.memref_slice %arg9[%add3A_224, %dma_start3A_359] : memref<40x128xi32, #tpu.memory_space<vmem>> -> memref<1x128xi32, #tpu.memory_space<vmem>>
            %dma_start3A_361 = tpu.memref_squeeze %dma_start3A_360 : memref<1x128xi32, #tpu.memory_space<vmem>> -> memref<128xi32, #tpu.memory_space<vmem>>
            %dma_start3A_362 = arith.constant 0 : i32
            %dma_start3A_363 = arith.constant 0 : i32
            %dma_start3A_364 = tpu.memref_slice %arg7[%dma_start3A_362, %dma_start3A_363] : memref<51200x16xf32, #tpu.memory_space<hbm>> -> memref<51200x16xf32, #tpu.memory_space<hbm>>
            tpu.enqueue_indirect_dma source(%dma_start3A_364 : memref<51200x16xf32, #tpu.memory_space<hbm>>) target(%arg11 : memref<128x16xf32, #tpu.memory_space<vmem>>) offsets(%dma_start3A_361 : memref<128xi32, #tpu.memory_space<vmem>>) semaphore(%arg20 : memref<!tpu.dma_semaphore, #tpu.memory_space<semaphore_mem>>)
          } else {
          }
          %mul3A_239 = arith.constant 4 : i32
          %mul3A_240 = arith.muli %scan3A_183, %mul3A_239 : i32
          %add3A_241 = arith.constant 1 : i32
          %add3A_242 = arith.addi %mul3A_240, %add3A_241 : i32
          %ge3A_243 = arith.constant 2 : i32
          %ge3A_244 = arith.cmpi sge, %scan3A_183, %ge3A_243 : i32
          %convert_element_type3A_245 = arith.extui %ge3A_244 : i1 to i32
          %cond3A_246 = arith.constant 0 : i32
          %cond3A_247 = arith.cmpi ne, %convert_element_type3A_245, %cond3A_246 : i32
          scf.if %cond3A_247 {
            %dma_wait3A_359 = arith.constant 0 : i32
            %dma_wait3A_360 = arith.constant 0 : i32
            %dma_wait3A_361 = tpu.memref_slice %arg10[%dma_wait3A_359, %dma_wait3A_360] : memref<40x128xi32, #tpu.memory_space<vmem>> -> memref<1x128xi32, #tpu.memory_space<vmem>>
            %dma_wait3A_362 = tpu.memref_squeeze %dma_wait3A_361 : memref<1x128xi32, #tpu.memory_space<vmem>> -> memref<128xi32, #tpu.memory_space<vmem>>
            %dma_wait3A_363 = arith.constant 0 : i32
            %dma_wait3A_364 = arith.constant 0 : i32
            %dma_wait3A_365 = tpu.memref_slice %arg19[%dma_wait3A_363, %dma_wait3A_364] : memref<51200x16xf32, #tpu.memory_space<vmem_shared>> -> memref<51200x16xf32, #tpu.memory_space<vmem_shared>>
            tpu.wait_indirect_dma semaphore(%arg29 : memref<!tpu.dma_semaphore, #tpu.memory_space<semaphore_mem>>) src(%arg12 : memref<128x16xf32, #tpu.memory_space<vmem>>) dst(%dma_wait3A_365 : memref<51200x16xf32, #tpu.memory_space<vmem_shared>>)
          } else {
          }
          %eq3A_248 = arith.constant 0 : i32
          %eq3A_249 = arith.cmpi eq, %arg0, %eq3A_248 : i32
          %convert_element_type3A_250 = arith.extui %eq3A_249 : i1 to i32
          %cond3A_251 = arith.constant 0 : i32
          %cond3A_252 = arith.cmpi ne, %convert_element_type3A_250, %cond3A_251 : i32
          scf.if %cond3A_252 {
            %dma_start3A_359 = arith.constant 0 : i32
            %dma_start3A_360 = tpu.memref_slice %arg9[%add3A_242, %dma_start3A_359] : memref<40x128xi32, #tpu.memory_space<vmem>> -> memref<1x128xi32, #tpu.memory_space<vmem>>
            %dma_start3A_361 = tpu.memref_squeeze %dma_start3A_360 : memref<1x128xi32, #tpu.memory_space<vmem>> -> memref<128xi32, #tpu.memory_space<vmem>>
            %dma_start3A_362 = arith.constant 0 : i32
            %dma_start3A_363 = arith.constant 0 : i32
            %dma_start3A_364 = tpu.memref_slice %arg5[%dma_start3A_362, %dma_start3A_363] : memref<51200x16xf32, #tpu.memory_space<hbm>> -> memref<51200x16xf32, #tpu.memory_space<hbm>>
            tpu.enqueue_indirect_dma source(%dma_start3A_364 : memref<51200x16xf32, #tpu.memory_space<hbm>>) target(%arg12 : memref<128x16xf32, #tpu.memory_space<vmem>>) offsets(%dma_start3A_361 : memref<128xi32, #tpu.memory_space<vmem>>) semaphore(%arg21 : memref<!tpu.dma_semaphore, #tpu.memory_space<semaphore_mem>>)
          } else {
          }
          %eq3A_253 = arith.constant 1 : i32
          %eq3A_254 = arith.cmpi eq, %arg0, %eq3A_253 : i32
          %convert_element_type3A_255 = arith.extui %eq3A_254 : i1 to i32
          %cond3A_256 = arith.constant 0 : i32
          %cond3A_257 = arith.cmpi ne, %convert_element_type3A_255, %cond3A_256 : i32
          scf.if %cond3A_257 {
            %dma_start3A_359 = arith.constant 0 : i32
            %dma_start3A_360 = tpu.memref_slice %arg9[%add3A_242, %dma_start3A_359] : memref<40x128xi32, #tpu.memory_space<vmem>> -> memref<1x128xi32, #tpu.memory_space<vmem>>
            %dma_start3A_361 = tpu.memref_squeeze %dma_start3A_360 : memref<1x128xi32, #tpu.memory_space<vmem>> -> memref<128xi32, #tpu.memory_space<vmem>>
            %dma_start3A_362 = arith.constant 0 : i32
            %dma_start3A_363 = arith.constant 0 : i32
            %dma_start3A_364 = tpu.memref_slice %arg7[%dma_start3A_362, %dma_start3A_363] : memref<51200x16xf32, #tpu.memory_space<hbm>> -> memref<51200x16xf32, #tpu.memory_space<hbm>>
            tpu.enqueue_indirect_dma source(%dma_start3A_364 : memref<51200x16xf32, #tpu.memory_space<hbm>>) target(%arg12 : memref<128x16xf32, #tpu.memory_space<vmem>>) offsets(%dma_start3A_361 : memref<128xi32, #tpu.memory_space<vmem>>) semaphore(%arg21 : memref<!tpu.dma_semaphore, #tpu.memory_space<semaphore_mem>>)
          } else {
          }
          %mul3A_258 = arith.constant 4 : i32
          %mul3A_259 = arith.muli %scan3A_183, %mul3A_258 : i32
          %add3A_260 = arith.constant 2 : i32
          %add3A_261 = arith.addi %mul3A_259, %add3A_260 : i32
          %ge3A_262 = arith.constant 2 : i32
          %ge3A_263 = arith.cmpi sge, %scan3A_183, %ge3A_262 : i32
          %convert_element_type3A_264 = arith.extui %ge3A_263 : i1 to i32
          %cond3A_265 = arith.constant 0 : i32
          %cond3A_266 = arith.cmpi ne, %convert_element_type3A_264, %cond3A_265 : i32
          scf.if %cond3A_266 {
            %dma_wait3A_359 = arith.constant 0 : i32
            %dma_wait3A_360 = arith.constant 0 : i32
            %dma_wait3A_361 = tpu.memref_slice %arg10[%dma_wait3A_359, %dma_wait3A_360] : memref<40x128xi32, #tpu.memory_space<vmem>> -> memref<1x128xi32, #tpu.memory_space<vmem>>
            %dma_wait3A_362 = tpu.memref_squeeze %dma_wait3A_361 : memref<1x128xi32, #tpu.memory_space<vmem>> -> memref<128xi32, #tpu.memory_space<vmem>>
            %dma_wait3A_363 = arith.constant 0 : i32
            %dma_wait3A_364 = arith.constant 0 : i32
            %dma_wait3A_365 = tpu.memref_slice %arg19[%dma_wait3A_363, %dma_wait3A_364] : memref<51200x16xf32, #tpu.memory_space<vmem_shared>> -> memref<51200x16xf32, #tpu.memory_space<vmem_shared>>
            tpu.wait_indirect_dma semaphore(%arg30 : memref<!tpu.dma_semaphore, #tpu.memory_space<semaphore_mem>>) src(%arg13 : memref<128x16xf32, #tpu.memory_space<vmem>>) dst(%dma_wait3A_365 : memref<51200x16xf32, #tpu.memory_space<vmem_shared>>)
          } else {
          }
          %eq3A_267 = arith.constant 0 : i32
          %eq3A_268 = arith.cmpi eq, %arg0, %eq3A_267 : i32
          %convert_element_type3A_269 = arith.extui %eq3A_268 : i1 to i32
          %cond3A_270 = arith.constant 0 : i32
          %cond3A_271 = arith.cmpi ne, %convert_element_type3A_269, %cond3A_270 : i32
          scf.if %cond3A_271 {
            %dma_start3A_359 = arith.constant 0 : i32
            %dma_start3A_360 = tpu.memref_slice %arg9[%add3A_261, %dma_start3A_359] : memref<40x128xi32, #tpu.memory_space<vmem>> -> memref<1x128xi32, #tpu.memory_space<vmem>>
            %dma_start3A_361 = tpu.memref_squeeze %dma_start3A_360 : memref<1x128xi32, #tpu.memory_space<vmem>> -> memref<128xi32, #tpu.memory_space<vmem>>
            %dma_start3A_362 = arith.constant 0 : i32
            %dma_start3A_363 = arith.constant 0 : i32
            %dma_start3A_364 = tpu.memref_slice %arg5[%dma_start3A_362, %dma_start3A_363] : memref<51200x16xf32, #tpu.memory_space<hbm>> -> memref<51200x16xf32, #tpu.memory_space<hbm>>
            tpu.enqueue_indirect_dma source(%dma_start3A_364 : memref<51200x16xf32, #tpu.memory_space<hbm>>) target(%arg13 : memref<128x16xf32, #tpu.memory_space<vmem>>) offsets(%dma_start3A_361 : memref<128xi32, #tpu.memory_space<vmem>>) semaphore(%arg22 : memref<!tpu.dma_semaphore, #tpu.memory_space<semaphore_mem>>)
          } else {
          }
          %eq3A_272 = arith.constant 1 : i32
          %eq3A_273 = arith.cmpi eq, %arg0, %eq3A_272 : i32
          %convert_element_type3A_274 = arith.extui %eq3A_273 : i1 to i32
          %cond3A_275 = arith.constant 0 : i32
          %cond3A_276 = arith.cmpi ne, %convert_element_type3A_274, %cond3A_275 : i32
          scf.if %cond3A_276 {
            %dma_start3A_359 = arith.constant 0 : i32
            %dma_start3A_360 = tpu.memref_slice %arg9[%add3A_261, %dma_start3A_359] : memref<40x128xi32, #tpu.memory_space<vmem>> -> memref<1x128xi32, #tpu.memory_space<vmem>>
            %dma_start3A_361 = tpu.memref_squeeze %dma_start3A_360 : memref<1x128xi32, #tpu.memory_space<vmem>> -> memref<128xi32, #tpu.memory_space<vmem>>
            %dma_start3A_362 = arith.constant 0 : i32
            %dma_start3A_363 = arith.constant 0 : i32
            %dma_start3A_364 = tpu.memref_slice %arg7[%dma_start3A_362, %dma_start3A_363] : memref<51200x16xf32, #tpu.memory_space<hbm>> -> memref<51200x16xf32, #tpu.memory_space<hbm>>
            tpu.enqueue_indirect_dma source(%dma_start3A_364 : memref<51200x16xf32, #tpu.memory_space<hbm>>) target(%arg13 : memref<128x16xf32, #tpu.memory_space<vmem>>) offsets(%dma_start3A_361 : memref<128xi32, #tpu.memory_space<vmem>>) semaphore(%arg22 : memref<!tpu.dma_semaphore, #tpu.memory_space<semaphore_mem>>)
          } else {
          }
          %mul3A_277 = arith.constant 4 : i32
          %mul3A_278 = arith.muli %scan3A_183, %mul3A_277 : i32
          %add3A_279 = arith.constant 3 : i32
          %add3A_280 = arith.addi %mul3A_278, %add3A_279 : i32
          %ge3A_281 = arith.constant 2 : i32
          %ge3A_282 = arith.cmpi sge, %scan3A_183, %ge3A_281 : i32
          %convert_element_type3A_283 = arith.extui %ge3A_282 : i1 to i32
          %cond3A_284 = arith.constant 0 : i32
          %cond3A_285 = arith.cmpi ne, %convert_element_type3A_283, %cond3A_284 : i32
          scf.if %cond3A_285 {
            %dma_wait3A_359 = arith.constant 0 : i32
            %dma_wait3A_360 = arith.constant 0 : i32
            %dma_wait3A_361 = tpu.memref_slice %arg10[%dma_wait3A_359, %dma_wait3A_360] : memref<40x128xi32, #tpu.memory_space<vmem>> -> memref<1x128xi32, #tpu.memory_space<vmem>>
            %dma_wait3A_362 = tpu.memref_squeeze %dma_wait3A_361 : memref<1x128xi32, #tpu.memory_space<vmem>> -> memref<128xi32, #tpu.memory_space<vmem>>
            %dma_wait3A_363 = arith.constant 0 : i32
            %dma_wait3A_364 = arith.constant 0 : i32
            %dma_wait3A_365 = tpu.memref_slice %arg19[%dma_wait3A_363, %dma_wait3A_364] : memref<51200x16xf32, #tpu.memory_space<vmem_shared>> -> memref<51200x16xf32, #tpu.memory_space<vmem_shared>>
            tpu.wait_indirect_dma semaphore(%arg31 : memref<!tpu.dma_semaphore, #tpu.memory_space<semaphore_mem>>) src(%arg14 : memref<128x16xf32, #tpu.memory_space<vmem>>) dst(%dma_wait3A_365 : memref<51200x16xf32, #tpu.memory_space<vmem_shared>>)
          } else {
          }
          %eq3A_286 = arith.constant 0 : i32
          %eq3A_287 = arith.cmpi eq, %arg0, %eq3A_286 : i32
          %convert_element_type3A_288 = arith.extui %eq3A_287 : i1 to i32
          %cond3A_289 = arith.constant 0 : i32
          %cond3A_290 = arith.cmpi ne, %convert_element_type3A_288, %cond3A_289 : i32
          scf.if %cond3A_290 {
            %dma_start3A_359 = arith.constant 0 : i32
            %dma_start3A_360 = tpu.memref_slice %arg9[%add3A_280, %dma_start3A_359] : memref<40x128xi32, #tpu.memory_space<vmem>> -> memref<1x128xi32, #tpu.memory_space<vmem>>
            %dma_start3A_361 = tpu.memref_squeeze %dma_start3A_360 : memref<1x128xi32, #tpu.memory_space<vmem>> -> memref<128xi32, #tpu.memory_space<vmem>>
            %dma_start3A_362 = arith.constant 0 : i32
            %dma_start3A_363 = arith.constant 0 : i32
            %dma_start3A_364 = tpu.memref_slice %arg5[%dma_start3A_362, %dma_start3A_363] : memref<51200x16xf32, #tpu.memory_space<hbm>> -> memref<51200x16xf32, #tpu.memory_space<hbm>>
            tpu.enqueue_indirect_dma source(%dma_start3A_364 : memref<51200x16xf32, #tpu.memory_space<hbm>>) target(%arg14 : memref<128x16xf32, #tpu.memory_space<vmem>>) offsets(%dma_start3A_361 : memref<128xi32, #tpu.memory_space<vmem>>) semaphore(%arg23 : memref<!tpu.dma_semaphore, #tpu.memory_space<semaphore_mem>>)
          } else {
          }
          %eq3A_291 = arith.constant 1 : i32
          %eq3A_292 = arith.cmpi eq, %arg0, %eq3A_291 : i32
          %convert_element_type3A_293 = arith.extui %eq3A_292 : i1 to i32
          %cond3A_294 = arith.constant 0 : i32
          %cond3A_295 = arith.cmpi ne, %convert_element_type3A_293, %cond3A_294 : i32
          scf.if %cond3A_295 {
            %dma_start3A_359 = arith.constant 0 : i32
            %dma_start3A_360 = tpu.memref_slice %arg9[%add3A_280, %dma_start3A_359] : memref<40x128xi32, #tpu.memory_space<vmem>> -> memref<1x128xi32, #tpu.memory_space<vmem>>
            %dma_start3A_361 = tpu.memref_squeeze %dma_start3A_360 : memref<1x128xi32, #tpu.memory_space<vmem>> -> memref<128xi32, #tpu.memory_space<vmem>>
            %dma_start3A_362 = arith.constant 0 : i32
            %dma_start3A_363 = arith.constant 0 : i32
            %dma_start3A_364 = tpu.memref_slice %arg7[%dma_start3A_362, %dma_start3A_363] : memref<51200x16xf32, #tpu.memory_space<hbm>> -> memref<51200x16xf32, #tpu.memory_space<hbm>>
            tpu.enqueue_indirect_dma source(%dma_start3A_364 : memref<51200x16xf32, #tpu.memory_space<hbm>>) target(%arg14 : memref<128x16xf32, #tpu.memory_space<vmem>>) offsets(%dma_start3A_361 : memref<128xi32, #tpu.memory_space<vmem>>) semaphore(%arg23 : memref<!tpu.dma_semaphore, #tpu.memory_space<semaphore_mem>>)
          } else {
          }
          %mul3A_296 = arith.constant 4 : i32
          %mul3A_297 = arith.muli %scan3A_183, %mul3A_296 : i32
          %add3A_298 = arith.constant 0 : i32
          %add3A_299 = arith.addi %mul3A_297, %add3A_298 : i32
          %dma_wait3A_300 = arith.constant 0 : i32
          %dma_wait3A_301 = tpu.memref_slice %arg9[%add3A_299, %dma_wait3A_300] : memref<40x128xi32, #tpu.memory_space<vmem>> -> memref<1x128xi32, #tpu.memory_space<vmem>>
          %dma_wait3A_302 = tpu.memref_squeeze %dma_wait3A_301 : memref<1x128xi32, #tpu.memory_space<vmem>> -> memref<128xi32, #tpu.memory_space<vmem>>
          %dma_wait3A_303 = arith.constant 0 : i32
          %dma_wait3A_304 = arith.constant 0 : i32
          %dma_wait3A_305 = tpu.memref_slice %arg5[%dma_wait3A_303, %dma_wait3A_304] : memref<51200x16xf32, #tpu.memory_space<hbm>> -> memref<51200x16xf32, #tpu.memory_space<hbm>>
          tpu.wait_indirect_dma semaphore(%arg20 : memref<!tpu.dma_semaphore, #tpu.memory_space<semaphore_mem>>) src(%dma_wait3A_305 : memref<51200x16xf32, #tpu.memory_space<hbm>>) dst(%arg11 : memref<128x16xf32, #tpu.memory_space<vmem>>)
          %dma_start3A = arith.constant 0 : i32
          %dma_start3A_306 = tpu.memref_slice %arg10[%add3A_299, %dma_start3A] : memref<40x128xi32, #tpu.memory_space<vmem>> -> memref<1x128xi32, #tpu.memory_space<vmem>>
          %dma_start3A_307 = tpu.memref_squeeze %dma_start3A_306 : memref<1x128xi32, #tpu.memory_space<vmem>> -> memref<128xi32, #tpu.memory_space<vmem>>
          %dma_start3A_308 = arith.constant 0 : i32
          %dma_start3A_309 = arith.constant 0 : i32
          %dma_start3A_310 = tpu.memref_slice %arg19[%dma_start3A_308, %dma_start3A_309] : memref<51200x16xf32, #tpu.memory_space<vmem_shared>> -> memref<51200x16xf32, #tpu.memory_space<vmem_shared>>
          tpu.enqueue_indirect_dma source(%arg11 : memref<128x16xf32, #tpu.memory_space<vmem>>) target(%dma_start3A_310 : memref<51200x16xf32, #tpu.memory_space<vmem_shared>>) offsets(%dma_start3A_307 : memref<128xi32, #tpu.memory_space<vmem>>) semaphore(%arg28 : memref<!tpu.dma_semaphore, #tpu.memory_space<semaphore_mem>>) {add = true}
          %mul3A_311 = arith.constant 4 : i32
          %mul3A_312 = arith.muli %scan3A_183, %mul3A_311 : i32
          %add3A_313 = arith.constant 1 : i32
          %add3A_314 = arith.addi %mul3A_312, %add3A_313 : i32
          %dma_wait3A_315 = arith.constant 0 : i32
          %dma_wait3A_316 = tpu.memref_slice %arg9[%add3A_314, %dma_wait3A_315] : memref<40x128xi32, #tpu.memory_space<vmem>> -> memref<1x128xi32, #tpu.memory_space<vmem>>
          %dma_wait3A_317 = tpu.memref_squeeze %dma_wait3A_316 : memref<1x128xi32, #tpu.memory_space<vmem>> -> memref<128xi32, #tpu.memory_space<vmem>>
          %dma_wait3A_318 = arith.constant 0 : i32
          %dma_wait3A_319 = arith.constant 0 : i32
          %dma_wait3A_320 = tpu.memref_slice %arg5[%dma_wait3A_318, %dma_wait3A_319] : memref<51200x16xf32, #tpu.memory_space<hbm>> -> memref<51200x16xf32, #tpu.memory_space<hbm>>
          tpu.wait_indirect_dma semaphore(%arg21 : memref<!tpu.dma_semaphore, #tpu.memory_space<semaphore_mem>>) src(%dma_wait3A_320 : memref<51200x16xf32, #tpu.memory_space<hbm>>) dst(%arg12 : memref<128x16xf32, #tpu.memory_space<vmem>>)
          %dma_start3A_321 = arith.constant 0 : i32
          %dma_start3A_322 = tpu.memref_slice %arg10[%add3A_314, %dma_start3A_321] : memref<40x128xi32, #tpu.memory_space<vmem>> -> memref<1x128xi32, #tpu.memory_space<vmem>>
          %dma_start3A_323 = tpu.memref_squeeze %dma_start3A_322 : memref<1x128xi32, #tpu.memory_space<vmem>> -> memref<128xi32, #tpu.memory_space<vmem>>
          %dma_start3A_324 = arith.constant 0 : i32
          %dma_start3A_325 = arith.constant 0 : i32
          %dma_start3A_326 = tpu.memref_slice %arg19[%dma_start3A_324, %dma_start3A_325] : memref<51200x16xf32, #tpu.memory_space<vmem_shared>> -> memref<51200x16xf32, #tpu.memory_space<vmem_shared>>
          tpu.enqueue_indirect_dma source(%arg12 : memref<128x16xf32, #tpu.memory_space<vmem>>) target(%dma_start3A_326 : memref<51200x16xf32, #tpu.memory_space<vmem_shared>>) offsets(%dma_start3A_323 : memref<128xi32, #tpu.memory_space<vmem>>) semaphore(%arg29 : memref<!tpu.dma_semaphore, #tpu.memory_space<semaphore_mem>>) {add = true}
          %mul3A_327 = arith.constant 4 : i32
          %mul3A_328 = arith.muli %scan3A_183, %mul3A_327 : i32
          %add3A_329 = arith.constant 2 : i32
          %add3A_330 = arith.addi %mul3A_328, %add3A_329 : i32
          %dma_wait3A_331 = arith.constant 0 : i32
          %dma_wait3A_332 = tpu.memref_slice %arg9[%add3A_330, %dma_wait3A_331] : memref<40x128xi32, #tpu.memory_space<vmem>> -> memref<1x128xi32, #tpu.memory_space<vmem>>
          %dma_wait3A_333 = tpu.memref_squeeze %dma_wait3A_332 : memref<1x128xi32, #tpu.memory_space<vmem>> -> memref<128xi32, #tpu.memory_space<vmem>>
          %dma_wait3A_334 = arith.constant 0 : i32
          %dma_wait3A_335 = arith.constant 0 : i32
          %dma_wait3A_336 = tpu.memref_slice %arg5[%dma_wait3A_334, %dma_wait3A_335] : memref<51200x16xf32, #tpu.memory_space<hbm>> -> memref<51200x16xf32, #tpu.memory_space<hbm>>
          tpu.wait_indirect_dma semaphore(%arg22 : memref<!tpu.dma_semaphore, #tpu.memory_space<semaphore_mem>>) src(%dma_wait3A_336 : memref<51200x16xf32, #tpu.memory_space<hbm>>) dst(%arg13 : memref<128x16xf32, #tpu.memory_space<vmem>>)
          %dma_start3A_337 = arith.constant 0 : i32
          %dma_start3A_338 = tpu.memref_slice %arg10[%add3A_330, %dma_start3A_337] : memref<40x128xi32, #tpu.memory_space<vmem>> -> memref<1x128xi32, #tpu.memory_space<vmem>>
          %dma_start3A_339 = tpu.memref_squeeze %dma_start3A_338 : memref<1x128xi32, #tpu.memory_space<vmem>> -> memref<128xi32, #tpu.memory_space<vmem>>
          %dma_start3A_340 = arith.constant 0 : i32
          %dma_start3A_341 = arith.constant 0 : i32
          %dma_start3A_342 = tpu.memref_slice %arg19[%dma_start3A_340, %dma_start3A_341] : memref<51200x16xf32, #tpu.memory_space<vmem_shared>> -> memref<51200x16xf32, #tpu.memory_space<vmem_shared>>
          tpu.enqueue_indirect_dma source(%arg13 : memref<128x16xf32, #tpu.memory_space<vmem>>) target(%dma_start3A_342 : memref<51200x16xf32, #tpu.memory_space<vmem_shared>>) offsets(%dma_start3A_339 : memref<128xi32, #tpu.memory_space<vmem>>) semaphore(%arg30 : memref<!tpu.dma_semaphore, #tpu.memory_space<semaphore_mem>>) {add = true}
          %mul3A_343 = arith.constant 4 : i32
          %mul3A_344 = arith.muli %scan3A_183, %mul3A_343 : i32
          %add3A_345 = arith.constant 3 : i32
          %add3A_346 = arith.addi %mul3A_344, %add3A_345 : i32
          %dma_wait3A_347 = arith.constant 0 : i32
          %dma_wait3A_348 = tpu.memref_slice %arg9[%add3A_346, %dma_wait3A_347] : memref<40x128xi32, #tpu.memory_space<vmem>> -> memref<1x128xi32, #tpu.memory_space<vmem>>
          %dma_wait3A_349 = tpu.memref_squeeze %dma_wait3A_348 : memref<1x128xi32, #tpu.memory_space<vmem>> -> memref<128xi32, #tpu.memory_space<vmem>>
          %dma_wait3A_350 = arith.constant 0 : i32
          %dma_wait3A_351 = arith.constant 0 : i32
          %dma_wait3A_352 = tpu.memref_slice %arg5[%dma_wait3A_350, %dma_wait3A_351] : memref<51200x16xf32, #tpu.memory_space<hbm>> -> memref<51200x16xf32, #tpu.memory_space<hbm>>
          tpu.wait_indirect_dma semaphore(%arg23 : memref<!tpu.dma_semaphore, #tpu.memory_space<semaphore_mem>>) src(%dma_wait3A_352 : memref<51200x16xf32, #tpu.memory_space<hbm>>) dst(%arg14 : memref<128x16xf32, #tpu.memory_space<vmem>>)
          %dma_start3A_353 = arith.constant 0 : i32
          %dma_start3A_354 = tpu.memref_slice %arg10[%add3A_346, %dma_start3A_353] : memref<40x128xi32, #tpu.memory_space<vmem>> -> memref<1x128xi32, #tpu.memory_space<vmem>>
          %dma_start3A_355 = tpu.memref_squeeze %dma_start3A_354 : memref<1x128xi32, #tpu.memory_space<vmem>> -> memref<128xi32, #tpu.memory_space<vmem>>
          %dma_start3A_356 = arith.constant 0 : i32
          %dma_start3A_357 = arith.constant 0 : i32
          %dma_start3A_358 = tpu.memref_slice %arg19[%dma_start3A_356, %dma_start3A_357] : memref<51200x16xf32, #tpu.memory_space<vmem_shared>> -> memref<51200x16xf32, #tpu.memory_space<vmem_shared>>
          tpu.enqueue_indirect_dma source(%arg14 : memref<128x16xf32, #tpu.memory_space<vmem>>) target(%dma_start3A_358 : memref<51200x16xf32, #tpu.memory_space<vmem_shared>>) offsets(%dma_start3A_355 : memref<128xi32, #tpu.memory_space<vmem>>) semaphore(%arg31 : memref<!tpu.dma_semaphore, #tpu.memory_space<semaphore_mem>>) {add = true}
        } else {
        }
        %jit3A_199 = arith.constant 2 : i32
        %eq3A_200 = arith.constant 0 : i32
        %eq3A_201 = arith.cmpi eq, %jit3A_199, %eq3A_200 : i32
        %jit3A_202 = arith.constant 1 : i32
        %select_n3A_203 = arith.select %eq3A_201, %jit3A_202, %jit3A_199 : i32
        %rem3A_204 = arith.remsi %scan3A_183, %select_n3A_203 : i32
        %ne3A_205 = arith.constant 0 : i32
        %ne3A_206 = arith.cmpi ne, %rem3A_204, %ne3A_205 : i32
        %lt3A_207 = arith.constant 0 : i32
        %lt3A_208 = arith.cmpi slt, %rem3A_204, %lt3A_207 : i32
        %lt3A_209 = arith.constant 0 : i32
        %lt3A_210 = arith.cmpi slt, %select_n3A_203, %lt3A_209 : i32
        %ne3A_211 = arith.xori %lt3A_208, %lt3A_210 : i1
        %and3A_212 = arith.andi %ne3A_211, %ne3A_206 : i1
        %add3A_213 = arith.addi %rem3A_204, %select_n3A_203 : i32
        %select_n3A_214 = arith.select %and3A_212, %add3A_213, %rem3A_204 : i32
        %eq3A_215 = arith.constant 1 : i32
        %eq3A_216 = arith.cmpi eq, %select_n3A_214, %eq3A_215 : i32
        %convert_element_type3A_217 = arith.extui %eq3A_216 : i1 to i32
        %cond3A_218 = arith.constant 0 : i32
        %cond3A_219 = arith.cmpi ne, %convert_element_type3A_217, %cond3A_218 : i32
        scf.if %cond3A_219 {
          %mul3A_221 = arith.constant 4 : i32
          %mul3A_222 = arith.muli %scan3A_183, %mul3A_221 : i32
          %add3A_223 = arith.constant 0 : i32
          %add3A_224 = arith.addi %mul3A_222, %add3A_223 : i32
          %ge3A = arith.constant 2 : i32
          %ge3A_225 = arith.cmpi sge, %scan3A_183, %ge3A : i32
          %convert_element_type3A_226 = arith.extui %ge3A_225 : i1 to i32
          %cond3A_227 = arith.constant 0 : i32
          %cond3A_228 = arith.cmpi ne, %convert_element_type3A_226, %cond3A_227 : i32
          scf.if %cond3A_228 {
            %dma_wait3A_359 = arith.constant 0 : i32
            %dma_wait3A_360 = arith.constant 0 : i32
            %dma_wait3A_361 = tpu.memref_slice %arg10[%dma_wait3A_359, %dma_wait3A_360] : memref<40x128xi32, #tpu.memory_space<vmem>> -> memref<1x128xi32, #tpu.memory_space<vmem>>
            %dma_wait3A_362 = tpu.memref_squeeze %dma_wait3A_361 : memref<1x128xi32, #tpu.memory_space<vmem>> -> memref<128xi32, #tpu.memory_space<vmem>>
            %dma_wait3A_363 = arith.constant 0 : i32
            %dma_wait3A_364 = arith.constant 0 : i32
            %dma_wait3A_365 = tpu.memref_slice %arg19[%dma_wait3A_363, %dma_wait3A_364] : memref<51200x16xf32, #tpu.memory_space<vmem_shared>> -> memref<51200x16xf32, #tpu.memory_space<vmem_shared>>
            tpu.wait_indirect_dma semaphore(%arg32 : memref<!tpu.dma_semaphore, #tpu.memory_space<semaphore_mem>>) src(%arg15 : memref<128x16xf32, #tpu.memory_space<vmem>>) dst(%dma_wait3A_365 : memref<51200x16xf32, #tpu.memory_space<vmem_shared>>)
          } else {
          }
          %eq3A_229 = arith.constant 0 : i32
          %eq3A_230 = arith.cmpi eq, %arg0, %eq3A_229 : i32
          %convert_element_type3A_231 = arith.extui %eq3A_230 : i1 to i32
          %cond3A_232 = arith.constant 0 : i32
          %cond3A_233 = arith.cmpi ne, %convert_element_type3A_231, %cond3A_232 : i32
          scf.if %cond3A_233 {
            %dma_start3A_359 = arith.constant 0 : i32
            %dma_start3A_360 = tpu.memref_slice %arg9[%add3A_224, %dma_start3A_359] : memref<40x128xi32, #tpu.memory_space<vmem>> -> memref<1x128xi32, #tpu.memory_space<vmem>>
            %dma_start3A_361 = tpu.memref_squeeze %dma_start3A_360 : memref<1x128xi32, #tpu.memory_space<vmem>> -> memref<128xi32, #tpu.memory_space<vmem>>
            %dma_start3A_362 = arith.constant 0 : i32
            %dma_start3A_363 = arith.constant 0 : i32
            %dma_start3A_364 = tpu.memref_slice %arg5[%dma_start3A_362, %dma_start3A_363] : memref<51200x16xf32, #tpu.memory_space<hbm>> -> memref<51200x16xf32, #tpu.memory_space<hbm>>
            tpu.enqueue_indirect_dma source(%dma_start3A_364 : memref<51200x16xf32, #tpu.memory_space<hbm>>) target(%arg15 : memref<128x16xf32, #tpu.memory_space<vmem>>) offsets(%dma_start3A_361 : memref<128xi32, #tpu.memory_space<vmem>>) semaphore(%arg24 : memref<!tpu.dma_semaphore, #tpu.memory_space<semaphore_mem>>)
          } else {
          }
          %eq3A_234 = arith.constant 1 : i32
          %eq3A_235 = arith.cmpi eq, %arg0, %eq3A_234 : i32
          %convert_element_type3A_236 = arith.extui %eq3A_235 : i1 to i32
          %cond3A_237 = arith.constant 0 : i32
          %cond3A_238 = arith.cmpi ne, %convert_element_type3A_236, %cond3A_237 : i32
          scf.if %cond3A_238 {
            %dma_start3A_359 = arith.constant 0 : i32
            %dma_start3A_360 = tpu.memref_slice %arg9[%add3A_224, %dma_start3A_359] : memref<40x128xi32, #tpu.memory_space<vmem>> -> memref<1x128xi32, #tpu.memory_space<vmem>>
            %dma_start3A_361 = tpu.memref_squeeze %dma_start3A_360 : memref<1x128xi32, #tpu.memory_space<vmem>> -> memref<128xi32, #tpu.memory_space<vmem>>
            %dma_start3A_362 = arith.constant 0 : i32
            %dma_start3A_363 = arith.constant 0 : i32
            %dma_start3A_364 = tpu.memref_slice %arg7[%dma_start3A_362, %dma_start3A_363] : memref<51200x16xf32, #tpu.memory_space<hbm>> -> memref<51200x16xf32, #tpu.memory_space<hbm>>
            tpu.enqueue_indirect_dma source(%dma_start3A_364 : memref<51200x16xf32, #tpu.memory_space<hbm>>) target(%arg15 : memref<128x16xf32, #tpu.memory_space<vmem>>) offsets(%dma_start3A_361 : memref<128xi32, #tpu.memory_space<vmem>>) semaphore(%arg24 : memref<!tpu.dma_semaphore, #tpu.memory_space<semaphore_mem>>)
          } else {
          }
          %mul3A_239 = arith.constant 4 : i32
          %mul3A_240 = arith.muli %scan3A_183, %mul3A_239 : i32
          %add3A_241 = arith.constant 1 : i32
          %add3A_242 = arith.addi %mul3A_240, %add3A_241 : i32
          %ge3A_243 = arith.constant 2 : i32
          %ge3A_244 = arith.cmpi sge, %scan3A_183, %ge3A_243 : i32
          %convert_element_type3A_245 = arith.extui %ge3A_244 : i1 to i32
          %cond3A_246 = arith.constant 0 : i32
          %cond3A_247 = arith.cmpi ne, %convert_element_type3A_245, %cond3A_246 : i32
          scf.if %cond3A_247 {
            %dma_wait3A_359 = arith.constant 0 : i32
            %dma_wait3A_360 = arith.constant 0 : i32
            %dma_wait3A_361 = tpu.memref_slice %arg10[%dma_wait3A_359, %dma_wait3A_360] : memref<40x128xi32, #tpu.memory_space<vmem>> -> memref<1x128xi32, #tpu.memory_space<vmem>>
            %dma_wait3A_362 = tpu.memref_squeeze %dma_wait3A_361 : memref<1x128xi32, #tpu.memory_space<vmem>> -> memref<128xi32, #tpu.memory_space<vmem>>
            %dma_wait3A_363 = arith.constant 0 : i32
            %dma_wait3A_364 = arith.constant 0 : i32
            %dma_wait3A_365 = tpu.memref_slice %arg19[%dma_wait3A_363, %dma_wait3A_364] : memref<51200x16xf32, #tpu.memory_space<vmem_shared>> -> memref<51200x16xf32, #tpu.memory_space<vmem_shared>>
            tpu.wait_indirect_dma semaphore(%arg33 : memref<!tpu.dma_semaphore, #tpu.memory_space<semaphore_mem>>) src(%arg16 : memref<128x16xf32, #tpu.memory_space<vmem>>) dst(%dma_wait3A_365 : memref<51200x16xf32, #tpu.memory_space<vmem_shared>>)
          } else {
          }
          %eq3A_248 = arith.constant 0 : i32
          %eq3A_249 = arith.cmpi eq, %arg0, %eq3A_248 : i32
          %convert_element_type3A_250 = arith.extui %eq3A_249 : i1 to i32
          %cond3A_251 = arith.constant 0 : i32
          %cond3A_252 = arith.cmpi ne, %convert_element_type3A_250, %cond3A_251 : i32
          scf.if %cond3A_252 {
            %dma_start3A_359 = arith.constant 0 : i32
            %dma_start3A_360 = tpu.memref_slice %arg9[%add3A_242, %dma_start3A_359] : memref<40x128xi32, #tpu.memory_space<vmem>> -> memref<1x128xi32, #tpu.memory_space<vmem>>
            %dma_start3A_361 = tpu.memref_squeeze %dma_start3A_360 : memref<1x128xi32, #tpu.memory_space<vmem>> -> memref<128xi32, #tpu.memory_space<vmem>>
            %dma_start3A_362 = arith.constant 0 : i32
            %dma_start3A_363 = arith.constant 0 : i32
            %dma_start3A_364 = tpu.memref_slice %arg5[%dma_start3A_362, %dma_start3A_363] : memref<51200x16xf32, #tpu.memory_space<hbm>> -> memref<51200x16xf32, #tpu.memory_space<hbm>>
            tpu.enqueue_indirect_dma source(%dma_start3A_364 : memref<51200x16xf32, #tpu.memory_space<hbm>>) target(%arg16 : memref<128x16xf32, #tpu.memory_space<vmem>>) offsets(%dma_start3A_361 : memref<128xi32, #tpu.memory_space<vmem>>) semaphore(%arg25 : memref<!tpu.dma_semaphore, #tpu.memory_space<semaphore_mem>>)
          } else {
          }
          %eq3A_253 = arith.constant 1 : i32
          %eq3A_254 = arith.cmpi eq, %arg0, %eq3A_253 : i32
          %convert_element_type3A_255 = arith.extui %eq3A_254 : i1 to i32
          %cond3A_256 = arith.constant 0 : i32
          %cond3A_257 = arith.cmpi ne, %convert_element_type3A_255, %cond3A_256 : i32
          scf.if %cond3A_257 {
            %dma_start3A_359 = arith.constant 0 : i32
            %dma_start3A_360 = tpu.memref_slice %arg9[%add3A_242, %dma_start3A_359] : memref<40x128xi32, #tpu.memory_space<vmem>> -> memref<1x128xi32, #tpu.memory_space<vmem>>
            %dma_start3A_361 = tpu.memref_squeeze %dma_start3A_360 : memref<1x128xi32, #tpu.memory_space<vmem>> -> memref<128xi32, #tpu.memory_space<vmem>>
            %dma_start3A_362 = arith.constant 0 : i32
            %dma_start3A_363 = arith.constant 0 : i32
            %dma_start3A_364 = tpu.memref_slice %arg7[%dma_start3A_362, %dma_start3A_363] : memref<51200x16xf32, #tpu.memory_space<hbm>> -> memref<51200x16xf32, #tpu.memory_space<hbm>>
            tpu.enqueue_indirect_dma source(%dma_start3A_364 : memref<51200x16xf32, #tpu.memory_space<hbm>>) target(%arg16 : memref<128x16xf32, #tpu.memory_space<vmem>>) offsets(%dma_start3A_361 : memref<128xi32, #tpu.memory_space<vmem>>) semaphore(%arg25 : memref<!tpu.dma_semaphore, #tpu.memory_space<semaphore_mem>>)
          } else {
          }
          %mul3A_258 = arith.constant 4 : i32
          %mul3A_259 = arith.muli %scan3A_183, %mul3A_258 : i32
          %add3A_260 = arith.constant 2 : i32
          %add3A_261 = arith.addi %mul3A_259, %add3A_260 : i32
          %ge3A_262 = arith.constant 2 : i32
          %ge3A_263 = arith.cmpi sge, %scan3A_183, %ge3A_262 : i32
          %convert_element_type3A_264 = arith.extui %ge3A_263 : i1 to i32
          %cond3A_265 = arith.constant 0 : i32
          %cond3A_266 = arith.cmpi ne, %convert_element_type3A_264, %cond3A_265 : i32
          scf.if %cond3A_266 {
            %dma_wait3A_359 = arith.constant 0 : i32
            %dma_wait3A_360 = arith.constant 0 : i32
            %dma_wait3A_361 = tpu.memref_slice %arg10[%dma_wait3A_359, %dma_wait3A_360] : memref<40x128xi32, #tpu.memory_space<vmem>> -> memref<1x128xi32, #tpu.memory_space<vmem>>
            %dma_wait3A_362 = tpu.memref_squeeze %dma_wait3A_361 : memref<1x128xi32, #tpu.memory_space<vmem>> -> memref<128xi32, #tpu.memory_space<vmem>>
            %dma_wait3A_363 = arith.constant 0 : i32
            %dma_wait3A_364 = arith.constant 0 : i32
            %dma_wait3A_365 = tpu.memref_slice %arg19[%dma_wait3A_363, %dma_wait3A_364] : memref<51200x16xf32, #tpu.memory_space<vmem_shared>> -> memref<51200x16xf32, #tpu.memory_space<vmem_shared>>
            tpu.wait_indirect_dma semaphore(%arg34 : memref<!tpu.dma_semaphore, #tpu.memory_space<semaphore_mem>>) src(%arg17 : memref<128x16xf32, #tpu.memory_space<vmem>>) dst(%dma_wait3A_365 : memref<51200x16xf32, #tpu.memory_space<vmem_shared>>)
          } else {
          }
          %eq3A_267 = arith.constant 0 : i32
          %eq3A_268 = arith.cmpi eq, %arg0, %eq3A_267 : i32
          %convert_element_type3A_269 = arith.extui %eq3A_268 : i1 to i32
          %cond3A_270 = arith.constant 0 : i32
          %cond3A_271 = arith.cmpi ne, %convert_element_type3A_269, %cond3A_270 : i32
          scf.if %cond3A_271 {
            %dma_start3A_359 = arith.constant 0 : i32
            %dma_start3A_360 = tpu.memref_slice %arg9[%add3A_261, %dma_start3A_359] : memref<40x128xi32, #tpu.memory_space<vmem>> -> memref<1x128xi32, #tpu.memory_space<vmem>>
            %dma_start3A_361 = tpu.memref_squeeze %dma_start3A_360 : memref<1x128xi32, #tpu.memory_space<vmem>> -> memref<128xi32, #tpu.memory_space<vmem>>
            %dma_start3A_362 = arith.constant 0 : i32
            %dma_start3A_363 = arith.constant 0 : i32
            %dma_start3A_364 = tpu.memref_slice %arg5[%dma_start3A_362, %dma_start3A_363] : memref<51200x16xf32, #tpu.memory_space<hbm>> -> memref<51200x16xf32, #tpu.memory_space<hbm>>
            tpu.enqueue_indirect_dma source(%dma_start3A_364 : memref<51200x16xf32, #tpu.memory_space<hbm>>) target(%arg17 : memref<128x16xf32, #tpu.memory_space<vmem>>) offsets(%dma_start3A_361 : memref<128xi32, #tpu.memory_space<vmem>>) semaphore(%arg26 : memref<!tpu.dma_semaphore, #tpu.memory_space<semaphore_mem>>)
          } else {
          }
          %eq3A_272 = arith.constant 1 : i32
          %eq3A_273 = arith.cmpi eq, %arg0, %eq3A_272 : i32
          %convert_element_type3A_274 = arith.extui %eq3A_273 : i1 to i32
          %cond3A_275 = arith.constant 0 : i32
          %cond3A_276 = arith.cmpi ne, %convert_element_type3A_274, %cond3A_275 : i32
          scf.if %cond3A_276 {
            %dma_start3A_359 = arith.constant 0 : i32
            %dma_start3A_360 = tpu.memref_slice %arg9[%add3A_261, %dma_start3A_359] : memref<40x128xi32, #tpu.memory_space<vmem>> -> memref<1x128xi32, #tpu.memory_space<vmem>>
            %dma_start3A_361 = tpu.memref_squeeze %dma_start3A_360 : memref<1x128xi32, #tpu.memory_space<vmem>> -> memref<128xi32, #tpu.memory_space<vmem>>
            %dma_start3A_362 = arith.constant 0 : i32
            %dma_start3A_363 = arith.constant 0 : i32
            %dma_start3A_364 = tpu.memref_slice %arg7[%dma_start3A_362, %dma_start3A_363] : memref<51200x16xf32, #tpu.memory_space<hbm>> -> memref<51200x16xf32, #tpu.memory_space<hbm>>
            tpu.enqueue_indirect_dma source(%dma_start3A_364 : memref<51200x16xf32, #tpu.memory_space<hbm>>) target(%arg17 : memref<128x16xf32, #tpu.memory_space<vmem>>) offsets(%dma_start3A_361 : memref<128xi32, #tpu.memory_space<vmem>>) semaphore(%arg26 : memref<!tpu.dma_semaphore, #tpu.memory_space<semaphore_mem>>)
          } else {
          }
          %mul3A_277 = arith.constant 4 : i32
          %mul3A_278 = arith.muli %scan3A_183, %mul3A_277 : i32
          %add3A_279 = arith.constant 3 : i32
          %add3A_280 = arith.addi %mul3A_278, %add3A_279 : i32
          %ge3A_281 = arith.constant 2 : i32
          %ge3A_282 = arith.cmpi sge, %scan3A_183, %ge3A_281 : i32
          %convert_element_type3A_283 = arith.extui %ge3A_282 : i1 to i32
          %cond3A_284 = arith.constant 0 : i32
          %cond3A_285 = arith.cmpi ne, %convert_element_type3A_283, %cond3A_284 : i32
          scf.if %cond3A_285 {
            %dma_wait3A_359 = arith.constant 0 : i32
            %dma_wait3A_360 = arith.constant 0 : i32
            %dma_wait3A_361 = tpu.memref_slice %arg10[%dma_wait3A_359, %dma_wait3A_360] : memref<40x128xi32, #tpu.memory_space<vmem>> -> memref<1x128xi32, #tpu.memory_space<vmem>>
            %dma_wait3A_362 = tpu.memref_squeeze %dma_wait3A_361 : memref<1x128xi32, #tpu.memory_space<vmem>> -> memref<128xi32, #tpu.memory_space<vmem>>
            %dma_wait3A_363 = arith.constant 0 : i32
            %dma_wait3A_364 = arith.constant 0 : i32
            %dma_wait3A_365 = tpu.memref_slice %arg19[%dma_wait3A_363, %dma_wait3A_364] : memref<51200x16xf32, #tpu.memory_space<vmem_shared>> -> memref<51200x16xf32, #tpu.memory_space<vmem_shared>>
            tpu.wait_indirect_dma semaphore(%arg35 : memref<!tpu.dma_semaphore, #tpu.memory_space<semaphore_mem>>) src(%arg18 : memref<128x16xf32, #tpu.memory_space<vmem>>) dst(%dma_wait3A_365 : memref<51200x16xf32, #tpu.memory_space<vmem_shared>>)
          } else {
          }
          %eq3A_286 = arith.constant 0 : i32
          %eq3A_287 = arith.cmpi eq, %arg0, %eq3A_286 : i32
          %convert_element_type3A_288 = arith.extui %eq3A_287 : i1 to i32
          %cond3A_289 = arith.constant 0 : i32
          %cond3A_290 = arith.cmpi ne, %convert_element_type3A_288, %cond3A_289 : i32
          scf.if %cond3A_290 {
            %dma_start3A_359 = arith.constant 0 : i32
            %dma_start3A_360 = tpu.memref_slice %arg9[%add3A_280, %dma_start3A_359] : memref<40x128xi32, #tpu.memory_space<vmem>> -> memref<1x128xi32, #tpu.memory_space<vmem>>
            %dma_start3A_361 = tpu.memref_squeeze %dma_start3A_360 : memref<1x128xi32, #tpu.memory_space<vmem>> -> memref<128xi32, #tpu.memory_space<vmem>>
            %dma_start3A_362 = arith.constant 0 : i32
            %dma_start3A_363 = arith.constant 0 : i32
            %dma_start3A_364 = tpu.memref_slice %arg5[%dma_start3A_362, %dma_start3A_363] : memref<51200x16xf32, #tpu.memory_space<hbm>> -> memref<51200x16xf32, #tpu.memory_space<hbm>>
            tpu.enqueue_indirect_dma source(%dma_start3A_364 : memref<51200x16xf32, #tpu.memory_space<hbm>>) target(%arg18 : memref<128x16xf32, #tpu.memory_space<vmem>>) offsets(%dma_start3A_361 : memref<128xi32, #tpu.memory_space<vmem>>) semaphore(%arg27 : memref<!tpu.dma_semaphore, #tpu.memory_space<semaphore_mem>>)
          } else {
          }
          %eq3A_291 = arith.constant 1 : i32
          %eq3A_292 = arith.cmpi eq, %arg0, %eq3A_291 : i32
          %convert_element_type3A_293 = arith.extui %eq3A_292 : i1 to i32
          %cond3A_294 = arith.constant 0 : i32
          %cond3A_295 = arith.cmpi ne, %convert_element_type3A_293, %cond3A_294 : i32
          scf.if %cond3A_295 {
            %dma_start3A_359 = arith.constant 0 : i32
            %dma_start3A_360 = tpu.memref_slice %arg9[%add3A_280, %dma_start3A_359] : memref<40x128xi32, #tpu.memory_space<vmem>> -> memref<1x128xi32, #tpu.memory_space<vmem>>
            %dma_start3A_361 = tpu.memref_squeeze %dma_start3A_360 : memref<1x128xi32, #tpu.memory_space<vmem>> -> memref<128xi32, #tpu.memory_space<vmem>>
            %dma_start3A_362 = arith.constant 0 : i32
            %dma_start3A_363 = arith.constant 0 : i32
            %dma_start3A_364 = tpu.memref_slice %arg7[%dma_start3A_362, %dma_start3A_363] : memref<51200x16xf32, #tpu.memory_space<hbm>> -> memref<51200x16xf32, #tpu.memory_space<hbm>>
            tpu.enqueue_indirect_dma source(%dma_start3A_364 : memref<51200x16xf32, #tpu.memory_space<hbm>>) target(%arg18 : memref<128x16xf32, #tpu.memory_space<vmem>>) offsets(%dma_start3A_361 : memref<128xi32, #tpu.memory_space<vmem>>) semaphore(%arg27 : memref<!tpu.dma_semaphore, #tpu.memory_space<semaphore_mem>>)
          } else {
          }
          %mul3A_296 = arith.constant 4 : i32
          %mul3A_297 = arith.muli %scan3A_183, %mul3A_296 : i32
          %add3A_298 = arith.constant 0 : i32
          %add3A_299 = arith.addi %mul3A_297, %add3A_298 : i32
          %dma_wait3A_300 = arith.constant 0 : i32
          %dma_wait3A_301 = tpu.memref_slice %arg9[%add3A_299, %dma_wait3A_300] : memref<40x128xi32, #tpu.memory_space<vmem>> -> memref<1x128xi32, #tpu.memory_space<vmem>>
          %dma_wait3A_302 = tpu.memref_squeeze %dma_wait3A_301 : memref<1x128xi32, #tpu.memory_space<vmem>> -> memref<128xi32, #tpu.memory_space<vmem>>
          %dma_wait3A_303 = arith.constant 0 : i32
          %dma_wait3A_304 = arith.constant 0 : i32
          %dma_wait3A_305 = tpu.memref_slice %arg5[%dma_wait3A_303, %dma_wait3A_304] : memref<51200x16xf32, #tpu.memory_space<hbm>> -> memref<51200x16xf32, #tpu.memory_space<hbm>>
          tpu.wait_indirect_dma semaphore(%arg24 : memref<!tpu.dma_semaphore, #tpu.memory_space<semaphore_mem>>) src(%dma_wait3A_305 : memref<51200x16xf32, #tpu.memory_space<hbm>>) dst(%arg15 : memref<128x16xf32, #tpu.memory_space<vmem>>)
          %dma_start3A = arith.constant 0 : i32
          %dma_start3A_306 = tpu.memref_slice %arg10[%add3A_299, %dma_start3A] : memref<40x128xi32, #tpu.memory_space<vmem>> -> memref<1x128xi32, #tpu.memory_space<vmem>>
          %dma_start3A_307 = tpu.memref_squeeze %dma_start3A_306 : memref<1x128xi32, #tpu.memory_space<vmem>> -> memref<128xi32, #tpu.memory_space<vmem>>
          %dma_start3A_308 = arith.constant 0 : i32
          %dma_start3A_309 = arith.constant 0 : i32
          %dma_start3A_310 = tpu.memref_slice %arg19[%dma_start3A_308, %dma_start3A_309] : memref<51200x16xf32, #tpu.memory_space<vmem_shared>> -> memref<51200x16xf32, #tpu.memory_space<vmem_shared>>
          tpu.enqueue_indirect_dma source(%arg15 : memref<128x16xf32, #tpu.memory_space<vmem>>) target(%dma_start3A_310 : memref<51200x16xf32, #tpu.memory_space<vmem_shared>>) offsets(%dma_start3A_307 : memref<128xi32, #tpu.memory_space<vmem>>) semaphore(%arg32 : memref<!tpu.dma_semaphore, #tpu.memory_space<semaphore_mem>>) {add = true}
          %mul3A_311 = arith.constant 4 : i32
          %mul3A_312 = arith.muli %scan3A_183, %mul3A_311 : i32
          %add3A_313 = arith.constant 1 : i32
          %add3A_314 = arith.addi %mul3A_312, %add3A_313 : i32
          %dma_wait3A_315 = arith.constant 0 : i32
          %dma_wait3A_316 = tpu.memref_slice %arg9[%add3A_314, %dma_wait3A_315] : memref<40x128xi32, #tpu.memory_space<vmem>> -> memref<1x128xi32, #tpu.memory_space<vmem>>
          %dma_wait3A_317 = tpu.memref_squeeze %dma_wait3A_316 : memref<1x128xi32, #tpu.memory_space<vmem>> -> memref<128xi32, #tpu.memory_space<vmem>>
          %dma_wait3A_318 = arith.constant 0 : i32
          %dma_wait3A_319 = arith.constant 0 : i32
          %dma_wait3A_320 = tpu.memref_slice %arg5[%dma_wait3A_318, %dma_wait3A_319] : memref<51200x16xf32, #tpu.memory_space<hbm>> -> memref<51200x16xf32, #tpu.memory_space<hbm>>
          tpu.wait_indirect_dma semaphore(%arg25 : memref<!tpu.dma_semaphore, #tpu.memory_space<semaphore_mem>>) src(%dma_wait3A_320 : memref<51200x16xf32, #tpu.memory_space<hbm>>) dst(%arg16 : memref<128x16xf32, #tpu.memory_space<vmem>>)
          %dma_start3A_321 = arith.constant 0 : i32
          %dma_start3A_322 = tpu.memref_slice %arg10[%add3A_314, %dma_start3A_321] : memref<40x128xi32, #tpu.memory_space<vmem>> -> memref<1x128xi32, #tpu.memory_space<vmem>>
          %dma_start3A_323 = tpu.memref_squeeze %dma_start3A_322 : memref<1x128xi32, #tpu.memory_space<vmem>> -> memref<128xi32, #tpu.memory_space<vmem>>
          %dma_start3A_324 = arith.constant 0 : i32
          %dma_start3A_325 = arith.constant 0 : i32
          %dma_start3A_326 = tpu.memref_slice %arg19[%dma_start3A_324, %dma_start3A_325] : memref<51200x16xf32, #tpu.memory_space<vmem_shared>> -> memref<51200x16xf32, #tpu.memory_space<vmem_shared>>
          tpu.enqueue_indirect_dma source(%arg16 : memref<128x16xf32, #tpu.memory_space<vmem>>) target(%dma_start3A_326 : memref<51200x16xf32, #tpu.memory_space<vmem_shared>>) offsets(%dma_start3A_323 : memref<128xi32, #tpu.memory_space<vmem>>) semaphore(%arg33 : memref<!tpu.dma_semaphore, #tpu.memory_space<semaphore_mem>>) {add = true}
          %mul3A_327 = arith.constant 4 : i32
          %mul3A_328 = arith.muli %scan3A_183, %mul3A_327 : i32
          %add3A_329 = arith.constant 2 : i32
          %add3A_330 = arith.addi %mul3A_328, %add3A_329 : i32
          %dma_wait3A_331 = arith.constant 0 : i32
          %dma_wait3A_332 = tpu.memref_slice %arg9[%add3A_330, %dma_wait3A_331] : memref<40x128xi32, #tpu.memory_space<vmem>> -> memref<1x128xi32, #tpu.memory_space<vmem>>
          %dma_wait3A_333 = tpu.memref_squeeze %dma_wait3A_332 : memref<1x128xi32, #tpu.memory_space<vmem>> -> memref<128xi32, #tpu.memory_space<vmem>>
          %dma_wait3A_334 = arith.constant 0 : i32
          %dma_wait3A_335 = arith.constant 0 : i32
          %dma_wait3A_336 = tpu.memref_slice %arg5[%dma_wait3A_334, %dma_wait3A_335] : memref<51200x16xf32, #tpu.memory_space<hbm>> -> memref<51200x16xf32, #tpu.memory_space<hbm>>
          tpu.wait_indirect_dma semaphore(%arg26 : memref<!tpu.dma_semaphore, #tpu.memory_space<semaphore_mem>>) src(%dma_wait3A_336 : memref<51200x16xf32, #tpu.memory_space<hbm>>) dst(%arg17 : memref<128x16xf32, #tpu.memory_space<vmem>>)
          %dma_start3A_337 = arith.constant 0 : i32
          %dma_start3A_338 = tpu.memref_slice %arg10[%add3A_330, %dma_start3A_337] : memref<40x128xi32, #tpu.memory_space<vmem>> -> memref<1x128xi32, #tpu.memory_space<vmem>>
          %dma_start3A_339 = tpu.memref_squeeze %dma_start3A_338 : memref<1x128xi32, #tpu.memory_space<vmem>> -> memref<128xi32, #tpu.memory_space<vmem>>
          %dma_start3A_340 = arith.constant 0 : i32
          %dma_start3A_341 = arith.constant 0 : i32
          %dma_start3A_342 = tpu.memref_slice %arg19[%dma_start3A_340, %dma_start3A_341] : memref<51200x16xf32, #tpu.memory_space<vmem_shared>> -> memref<51200x16xf32, #tpu.memory_space<vmem_shared>>
          tpu.enqueue_indirect_dma source(%arg17 : memref<128x16xf32, #tpu.memory_space<vmem>>) target(%dma_start3A_342 : memref<51200x16xf32, #tpu.memory_space<vmem_shared>>) offsets(%dma_start3A_339 : memref<128xi32, #tpu.memory_space<vmem>>) semaphore(%arg34 : memref<!tpu.dma_semaphore, #tpu.memory_space<semaphore_mem>>) {add = true}
          %mul3A_343 = arith.constant 4 : i32
          %mul3A_344 = arith.muli %scan3A_183, %mul3A_343 : i32
          %add3A_345 = arith.constant 3 : i32
          %add3A_346 = arith.addi %mul3A_344, %add3A_345 : i32
          %dma_wait3A_347 = arith.constant 0 : i32
          %dma_wait3A_348 = tpu.memref_slice %arg9[%add3A_346, %dma_wait3A_347] : memref<40x128xi32, #tpu.memory_space<vmem>> -> memref<1x128xi32, #tpu.memory_space<vmem>>
          %dma_wait3A_349 = tpu.memref_squeeze %dma_wait3A_348 : memref<1x128xi32, #tpu.memory_space<vmem>> -> memref<128xi32, #tpu.memory_space<vmem>>
          %dma_wait3A_350 = arith.constant 0 : i32
          %dma_wait3A_351 = arith.constant 0 : i32
          %dma_wait3A_352 = tpu.memref_slice %arg5[%dma_wait3A_350, %dma_wait3A_351] : memref<51200x16xf32, #tpu.memory_space<hbm>> -> memref<51200x16xf32, #tpu.memory_space<hbm>>
          tpu.wait_indirect_dma semaphore(%arg27 : memref<!tpu.dma_semaphore, #tpu.memory_space<semaphore_mem>>) src(%dma_wait3A_352 : memref<51200x16xf32, #tpu.memory_space<hbm>>) dst(%arg18 : memref<128x16xf32, #tpu.memory_space<vmem>>)
          %dma_start3A_353 = arith.constant 0 : i32
          %dma_start3A_354 = tpu.memref_slice %arg10[%add3A_346, %dma_start3A_353] : memref<40x128xi32, #tpu.memory_space<vmem>> -> memref<1x128xi32, #tpu.memory_space<vmem>>
          %dma_start3A_355 = tpu.memref_squeeze %dma_start3A_354 : memref<1x128xi32, #tpu.memory_space<vmem>> -> memref<128xi32, #tpu.memory_space<vmem>>
          %dma_start3A_356 = arith.constant 0 : i32
          %dma_start3A_357 = arith.constant 0 : i32
          %dma_start3A_358 = tpu.memref_slice %arg19[%dma_start3A_356, %dma_start3A_357] : memref<51200x16xf32, #tpu.memory_space<vmem_shared>> -> memref<51200x16xf32, #tpu.memory_space<vmem_shared>>
          tpu.enqueue_indirect_dma source(%arg18 : memref<128x16xf32, #tpu.memory_space<vmem>>) target(%dma_start3A_358 : memref<51200x16xf32, #tpu.memory_space<vmem_shared>>) offsets(%dma_start3A_355 : memref<128xi32, #tpu.memory_space<vmem>>) semaphore(%arg35 : memref<!tpu.dma_semaphore, #tpu.memory_space<semaphore_mem>>) {add = true}
        } else {
        }
        %scan3A_220 = arith.constant 0 : i32
        scf.yield %scan3A_220 : i32
      }
      %scan3A_181 = arith.constant 10 : i32
      %scan3A_182 = arith.constant 0 : i32
      scf.yield %scan3A_182 : i32
    }
    %scan3A_103 = arith.constant 10 : i32
    %dma_wait3A_104 = arith.constant 0 : i32
    %dma_wait3A_105 = arith.constant 0 : i32
    %dma_wait3A_106 = tpu.memref_slice %arg10[%dma_wait3A_104, %dma_wait3A_105] : memref<40x128xi32, #tpu.memory_space<vmem>> -> memref<1x128xi32, #tpu.memory_space<vmem>>
    %dma_wait3A_107 = tpu.memref_squeeze %dma_wait3A_106 : memref<1x128xi32, #tpu.memory_space<vmem>> -> memref<128xi32, #tpu.memory_space<vmem>>
    %dma_wait3A_108 = arith.constant 0 : i32
    %dma_wait3A_109 = arith.constant 0 : i32
    %dma_wait3A_110 = tpu.memref_slice %arg19[%dma_wait3A_108, %dma_wait3A_109] : memref<51200x16xf32, #tpu.memory_space<vmem_shared>> -> memref<51200x16xf32, #tpu.memory_space<vmem_shared>>
    tpu.wait_indirect_dma semaphore(%arg28 : memref<!tpu.dma_semaphore, #tpu.memory_space<semaphore_mem>>) src(%arg11 : memref<128x16xf32, #tpu.memory_space<vmem>>) dst(%dma_wait3A_110 : memref<51200x16xf32, #tpu.memory_space<vmem_shared>>)
    %dma_wait3A_111 = arith.constant 0 : i32
    %dma_wait3A_112 = arith.constant 0 : i32
    %dma_wait3A_113 = tpu.memref_slice %arg10[%dma_wait3A_111, %dma_wait3A_112] : memref<40x128xi32, #tpu.memory_space<vmem>> -> memref<1x128xi32, #tpu.memory_space<vmem>>
    %dma_wait3A_114 = tpu.memref_squeeze %dma_wait3A_113 : memref<1x128xi32, #tpu.memory_space<vmem>> -> memref<128xi32, #tpu.memory_space<vmem>>
    %dma_wait3A_115 = arith.constant 0 : i32
    %dma_wait3A_116 = arith.constant 0 : i32
    %dma_wait3A_117 = tpu.memref_slice %arg19[%dma_wait3A_115, %dma_wait3A_116] : memref<51200x16xf32, #tpu.memory_space<vmem_shared>> -> memref<51200x16xf32, #tpu.memory_space<vmem_shared>>
    tpu.wait_indirect_dma semaphore(%arg29 : memref<!tpu.dma_semaphore, #tpu.memory_space<semaphore_mem>>) src(%arg12 : memref<128x16xf32, #tpu.memory_space<vmem>>) dst(%dma_wait3A_117 : memref<51200x16xf32, #tpu.memory_space<vmem_shared>>)
    %dma_wait3A_118 = arith.constant 0 : i32
    %dma_wait3A_119 = arith.constant 0 : i32
    %dma_wait3A_120 = tpu.memref_slice %arg10[%dma_wait3A_118, %dma_wait3A_119] : memref<40x128xi32, #tpu.memory_space<vmem>> -> memref<1x128xi32, #tpu.memory_space<vmem>>
    %dma_wait3A_121 = tpu.memref_squeeze %dma_wait3A_120 : memref<1x128xi32, #tpu.memory_space<vmem>> -> memref<128xi32, #tpu.memory_space<vmem>>
    %dma_wait3A_122 = arith.constant 0 : i32
    %dma_wait3A_123 = arith.constant 0 : i32
    %dma_wait3A_124 = tpu.memref_slice %arg19[%dma_wait3A_122, %dma_wait3A_123] : memref<51200x16xf32, #tpu.memory_space<vmem_shared>> -> memref<51200x16xf32, #tpu.memory_space<vmem_shared>>
    tpu.wait_indirect_dma semaphore(%arg30 : memref<!tpu.dma_semaphore, #tpu.memory_space<semaphore_mem>>) src(%arg13 : memref<128x16xf32, #tpu.memory_space<vmem>>) dst(%dma_wait3A_124 : memref<51200x16xf32, #tpu.memory_space<vmem_shared>>)
    %dma_wait3A_125 = arith.constant 0 : i32
    %dma_wait3A_126 = arith.constant 0 : i32
    %dma_wait3A_127 = tpu.memref_slice %arg10[%dma_wait3A_125, %dma_wait3A_126] : memref<40x128xi32, #tpu.memory_space<vmem>> -> memref<1x128xi32, #tpu.memory_space<vmem>>
    %dma_wait3A_128 = tpu.memref_squeeze %dma_wait3A_127 : memref<1x128xi32, #tpu.memory_space<vmem>> -> memref<128xi32, #tpu.memory_space<vmem>>
    %dma_wait3A_129 = arith.constant 0 : i32
    %dma_wait3A_130 = arith.constant 0 : i32
    %dma_wait3A_131 = tpu.memref_slice %arg19[%dma_wait3A_129, %dma_wait3A_130] : memref<51200x16xf32, #tpu.memory_space<vmem_shared>> -> memref<51200x16xf32, #tpu.memory_space<vmem_shared>>
    tpu.wait_indirect_dma semaphore(%arg31 : memref<!tpu.dma_semaphore, #tpu.memory_space<semaphore_mem>>) src(%arg14 : memref<128x16xf32, #tpu.memory_space<vmem>>) dst(%dma_wait3A_131 : memref<51200x16xf32, #tpu.memory_space<vmem_shared>>)
    %dma_wait3A_132 = arith.constant 0 : i32
    %dma_wait3A_133 = arith.constant 0 : i32
    %dma_wait3A_134 = tpu.memref_slice %arg10[%dma_wait3A_132, %dma_wait3A_133] : memref<40x128xi32, #tpu.memory_space<vmem>> -> memref<1x128xi32, #tpu.memory_space<vmem>>
    %dma_wait3A_135 = tpu.memref_squeeze %dma_wait3A_134 : memref<1x128xi32, #tpu.memory_space<vmem>> -> memref<128xi32, #tpu.memory_space<vmem>>
    %dma_wait3A_136 = arith.constant 0 : i32
    %dma_wait3A_137 = arith.constant 0 : i32
    %dma_wait3A_138 = tpu.memref_slice %arg19[%dma_wait3A_136, %dma_wait3A_137] : memref<51200x16xf32, #tpu.memory_space<vmem_shared>> -> memref<51200x16xf32, #tpu.memory_space<vmem_shared>>
    tpu.wait_indirect_dma semaphore(%arg32 : memref<!tpu.dma_semaphore, #tpu.memory_space<semaphore_mem>>) src(%arg15 : memref<128x16xf32, #tpu.memory_space<vmem>>) dst(%dma_wait3A_138 : memref<51200x16xf32, #tpu.memory_space<vmem_shared>>)
    %dma_wait3A_139 = arith.constant 0 : i32
    %dma_wait3A_140 = arith.constant 0 : i32
    %dma_wait3A_141 = tpu.memref_slice %arg10[%dma_wait3A_139, %dma_wait3A_140] : memref<40x128xi32, #tpu.memory_space<vmem>> -> memref<1x128xi32, #tpu.memory_space<vmem>>
    %dma_wait3A_142 = tpu.memref_squeeze %dma_wait3A_141 : memref<1x128xi32, #tpu.memory_space<vmem>> -> memref<128xi32, #tpu.memory_space<vmem>>
    %dma_wait3A_143 = arith.constant 0 : i32
    %dma_wait3A_144 = arith.constant 0 : i32
    %dma_wait3A_145 = tpu.memref_slice %arg19[%dma_wait3A_143, %dma_wait3A_144] : memref<51200x16xf32, #tpu.memory_space<vmem_shared>> -> memref<51200x16xf32, #tpu.memory_space<vmem_shared>>
    tpu.wait_indirect_dma semaphore(%arg33 : memref<!tpu.dma_semaphore, #tpu.memory_space<semaphore_mem>>) src(%arg16 : memref<128x16xf32, #tpu.memory_space<vmem>>) dst(%dma_wait3A_145 : memref<51200x16xf32, #tpu.memory_space<vmem_shared>>)
    %dma_wait3A_146 = arith.constant 0 : i32
    %dma_wait3A_147 = arith.constant 0 : i32
    %dma_wait3A_148 = tpu.memref_slice %arg10[%dma_wait3A_146, %dma_wait3A_147] : memref<40x128xi32, #tpu.memory_space<vmem>> -> memref<1x128xi32, #tpu.memory_space<vmem>>
    %dma_wait3A_149 = tpu.memref_squeeze %dma_wait3A_148 : memref<1x128xi32, #tpu.memory_space<vmem>> -> memref<128xi32, #tpu.memory_space<vmem>>
    %dma_wait3A_150 = arith.constant 0 : i32
    %dma_wait3A_151 = arith.constant 0 : i32
    %dma_wait3A_152 = tpu.memref_slice %arg19[%dma_wait3A_150, %dma_wait3A_151] : memref<51200x16xf32, #tpu.memory_space<vmem_shared>> -> memref<51200x16xf32, #tpu.memory_space<vmem_shared>>
    tpu.wait_indirect_dma semaphore(%arg34 : memref<!tpu.dma_semaphore, #tpu.memory_space<semaphore_mem>>) src(%arg17 : memref<128x16xf32, #tpu.memory_space<vmem>>) dst(%dma_wait3A_152 : memref<51200x16xf32, #tpu.memory_space<vmem_shared>>)
    %dma_wait3A_153 = arith.constant 0 : i32
    %dma_wait3A_154 = arith.constant 0 : i32
    %dma_wait3A_155 = tpu.memref_slice %arg10[%dma_wait3A_153, %dma_wait3A_154] : memref<40x128xi32, #tpu.memory_space<vmem>> -> memref<1x128xi32, #tpu.memory_space<vmem>>
    %dma_wait3A_156 = tpu.memref_squeeze %dma_wait3A_155 : memref<1x128xi32, #tpu.memory_space<vmem>> -> memref<128xi32, #tpu.memory_space<vmem>>
    %dma_wait3A_157 = arith.constant 0 : i32
    %dma_wait3A_158 = arith.constant 0 : i32
    %dma_wait3A_159 = tpu.memref_slice %arg19[%dma_wait3A_157, %dma_wait3A_158] : memref<51200x16xf32, #tpu.memory_space<vmem_shared>> -> memref<51200x16xf32, #tpu.memory_space<vmem_shared>>
    tpu.wait_indirect_dma semaphore(%arg35 : memref<!tpu.dma_semaphore, #tpu.memory_space<semaphore_mem>>) src(%arg18 : memref<128x16xf32, #tpu.memory_space<vmem>>) dst(%dma_wait3A_159 : memref<51200x16xf32, #tpu.memory_space<vmem_shared>>)
    %barrier3A_160 = arith.constant 0 : index
    tpu.barrier barrier_id(%barrier3A_160)
    %mul3A_161 = arith.constant 2 : i32
    %mul3A_162 = arith.muli %mul3A_161, %arg0 : i32
    %add3A_163 = arith.constant 1 : i32
    %add3A_164 = arith.addi %mul3A_162, %add3A_163 : i32
    "tpu.region"() ({
      %run_scoped3A = tpu.sem_alloc : memref<!tpu.dma_semaphore, #tpu.memory_space<semaphore_mem>>
      %dma_start3A = arith.constant 0 : i32
      %dma_start3A_165 = tpu.memref_slice %arg8[%add3A_164, %mul3A_0, %dma_start3A] : memref<4x51200x16xf32, #tpu.memory_space<hbm>> -> memref<1x3200x16xf32, #tpu.memory_space<hbm>>
      %dma_start3A_166 = tpu.memref_squeeze %dma_start3A_165 : memref<1x3200x16xf32, #tpu.memory_space<hbm>> -> memref<3200x16xf32, #tpu.memory_space<hbm>>
      %dma_start3A_167 = arith.constant 0 : i32
      %dma_start3A_168 = tpu.memref_slice %arg19[%mul3A_0, %dma_start3A_167] : memref<51200x16xf32, #tpu.memory_space<vmem_shared>> -> memref<3200x16xf32, #tpu.memory_space<vmem_shared>>
      tpu.enqueue_dma source(%dma_start3A_168 : memref<3200x16xf32, #tpu.memory_space<vmem_shared>>) target(%dma_start3A_166 : memref<3200x16xf32, #tpu.memory_space<hbm>>) target_semaphore(%run_scoped3A : memref<!tpu.dma_semaphore, #tpu.memory_space<semaphore_mem>>)
      %dma_wait3A_169 = arith.constant 0 : i32
      %dma_wait3A_170 = tpu.memref_slice %arg8[%add3A_164, %mul3A_0, %dma_wait3A_169] : memref<4x51200x16xf32, #tpu.memory_space<hbm>> -> memref<1x3200x16xf32, #tpu.memory_space<hbm>>
      %dma_wait3A_171 = tpu.memref_squeeze %dma_wait3A_170 : memref<1x3200x16xf32, #tpu.memory_space<hbm>> -> memref<3200x16xf32, #tpu.memory_space<hbm>>
      %dma_wait3A_172 = arith.constant 0 : i32
      %dma_wait3A_173 = tpu.memref_slice %arg19[%mul3A_0, %dma_wait3A_172] : memref<51200x16xf32, #tpu.memory_space<vmem_shared>> -> memref<3200x16xf32, #tpu.memory_space<vmem_shared>>
      tpu.wait_dma2 semaphore(%run_scoped3A : memref<!tpu.dma_semaphore, #tpu.memory_space<semaphore_mem>>) src(%dma_wait3A_173 : memref<3200x16xf32, #tpu.memory_space<vmem_shared>>) dst(%dma_wait3A_171 : memref<3200x16xf32, #tpu.memory_space<hbm>>)
      tpu.yield
    }) : () -> ()
    return
  }
}

#map = affine_map<(d0, d1) -> (0, 0)>
#map1 = affine_map<(d0, d1) -> (0, 0, 0)>
module attributes {stable_mosaic.version = 14 : i64} {
  func.func @_conv_kernel(%arg0: i32, %arg1: i32, %arg2: memref<6400x128xi32, #tpu.memory_space<hbm>>, %arg3: memref<6400x128xi32, #tpu.memory_space<hbm>>, %arg4: memref<51200x16xf32, #tpu.memory_space<hbm>>, %arg5: memref<51200x16xf32, #tpu.memory_space<hbm>>, %arg6: memref<51200x16xf32, #tpu.memory_space<hbm>>, %arg7: memref<51200x16xf32, #tpu.memory_space<hbm>>, %arg8: memref<4x51200x16xf32, #tpu.memory_space<hbm>>, %arg9: memref<40x128xi32, #tpu.memory_space<vmem>>, %arg10: memref<40x128xi32, #tpu.memory_space<vmem>>, %arg11: memref<128x16xf32, #tpu.memory_space<vmem>>, %arg12: memref<128x16xf32, #tpu.memory_space<vmem>>, %arg13: memref<128x16xf32, #tpu.memory_space<vmem>>, %arg14: memref<128x16xf32, #tpu.memory_space<vmem>>, %arg15: memref<128x16xf32, #tpu.memory_space<vmem>>, %arg16: memref<128x16xf32, #tpu.memory_space<vmem>>, %arg17: memref<128x16xf32, #tpu.memory_space<vmem>>, %arg18: memref<128x16xf32, #tpu.memory_space<vmem>>, %arg19: memref<51200x16xf32, #tpu.memory_space<vmem_shared>>, %arg20: memref<!tpu.dma_semaphore, #tpu.memory_space<semaphore_mem>>, %arg21: memref<!tpu.dma_semaphore, #tpu.memory_space<semaphore_mem>>, %arg22: memref<!tpu.dma_semaphore, #tpu.memory_space<semaphore_mem>>, %arg23: memref<!tpu.dma_semaphore, #tpu.memory_space<semaphore_mem>>, %arg24: memref<!tpu.dma_semaphore, #tpu.memory_space<semaphore_mem>>, %arg25: memref<!tpu.dma_semaphore, #tpu.memory_space<semaphore_mem>>, %arg26: memref<!tpu.dma_semaphore, #tpu.memory_space<semaphore_mem>>, %arg27: memref<!tpu.dma_semaphore, #tpu.memory_space<semaphore_mem>>, %arg28: memref<!tpu.dma_semaphore, #tpu.memory_space<semaphore_mem>>, %arg29: memref<!tpu.dma_semaphore, #tpu.memory_space<semaphore_mem>>, %arg30: memref<!tpu.dma_semaphore, #tpu.memory_space<semaphore_mem>>, %arg31: memref<!tpu.dma_semaphore, #tpu.memory_space<semaphore_mem>>, %arg32: memref<!tpu.dma_semaphore, #tpu.memory_space<semaphore_mem>>, %arg33: memref<!tpu.dma_semaphore, #tpu.memory_space<semaphore_mem>>, %arg34: memref<!tpu.dma_semaphore, #tpu.memory_space<semaphore_mem>>, %arg35: memref<!tpu.dma_semaphore, #tpu.memory_space<semaphore_mem>>) attributes {dimension_semantics = [#tpu.dimension_semantics<core_parallel>, #tpu.dimension_semantics<subcore_parallel>], iteration_bounds = array<i64: 2, 16>, scalar_prefetch = 0 : i64, scratch_operands = 27 : i64, tpu.core_type = #tpu.core_type<sc_vector_subcore>, window_params = [{transform_indices = #map}, {transform_indices = #map}, {transform_indices = #map}, {transform_indices = #map}, {transform_indices = #map}, {transform_indices = #map}, {transform_indices = #map1}]} {
    %mul3A = arith.constant 3200 : i32
    %mul3A_0 = arith.muli %arg1, %mul3A : i32
    %mul3A_1 = arith.constant 400 : i32
    %mul3A_2 = arith.muli %arg1, %mul3A_1 : i32
    %scan3A = arith.constant 0 : i32
    %scan3A_3 = arith.constant 0 : i32
    %scan3A_4 = arith.constant 128 : i32
    %scan3A_5 = arith.addi %scan3A_3, %scan3A_4 : i32
    %scan3A_6 = arith.constant 1 : i32
    %scan3A_7 = scf.for %scan3A_165 = %scan3A_3 to %scan3A_5 step %scan3A_6 iter_args(%scan3A_166 = %scan3A) -> (i32)  : i32 {
      %broadcast_in_dim3A = arith.constant 0.000000e+00 : f32
      %broadcast_in_dim3A_167 = vector.broadcast %broadcast_in_dim3A : f32 to vector<16xf32>
      %swap3A = arith.index_cast %scan3A_165 : i32 to index
      %swap3A_168 = arith.constant 0 : index
      %swap3A_169 = tpu.vector_load %arg11[%swap3A, %swap3A_168] {strides = array<i32>} : memref<128x16xf32, #tpu.memory_space<vmem>>, vector<1x16xf32>,
      %swap3A_170 = vector.shape_cast %swap3A_169 : vector<1x16xf32> to vector<16xf32>
      %swap3A_171 = vector.shape_cast %broadcast_in_dim3A_167 : vector<16xf32> to vector<1x16xf32>
      tpu.vector_store %arg11[%swap3A, %swap3A_168], %swap3A_171 {strides = array<i32>} : memref<128x16xf32, #tpu.memory_space<vmem>>, vector<1x16xf32>,
      %scan3A_172 = arith.constant 0 : i32
      scf.yield %scan3A_172 : i32
    }
    %scan3A_8 = arith.constant 128 : i32
    %scan3A_9 = arith.constant 0 : i32
    %scan3A_10 = arith.constant 0 : i32
    %scan3A_11 = arith.constant 25 : i32
    %scan3A_12 = arith.addi %scan3A_10, %scan3A_11 : i32
    %scan3A_13 = arith.constant 1 : i32
    %scan3A_14 = scf.for %scan3A_165 = %scan3A_10 to %scan3A_12 step %scan3A_13 iter_args(%scan3A_166 = %scan3A_9) -> (i32)  : i32 {
      %mul3A_167 = arith.constant 128 : i32
      %mul3A_168 = arith.muli %scan3A_165, %mul3A_167 : i32
      %add3A_169 = arith.addi %mul3A_0, %mul3A_168 : i32
      "tpu.region"() ({
        %run_scoped3A = tpu.sem_alloc : memref<!tpu.dma_semaphore, #tpu.memory_space<semaphore_mem>>
        %dma_start3A = arith.constant 0 : i32
        %dma_start3A_171 = tpu.memref_slice %arg19[%add3A_169, %dma_start3A] : memref<51200x16xf32, #tpu.memory_space<vmem_shared>> -> memref<128x16xf32, #tpu.memory_space<vmem_shared>>
        %dma_start3A_172 = arith.constant 0 : i32
        %dma_start3A_173 = tpu.memref_slice %arg19[%add3A_169, %dma_start3A_172] : memref<51200x16xf32, #tpu.memory_space<vmem_shared>> -> memref<128x16xf32, #tpu.memory_space<vmem_shared>>
        tpu.enqueue_dma source(%arg11 : memref<128x16xf32, #tpu.memory_space<vmem>>) target(%dma_start3A_173 : memref<128x16xf32, #tpu.memory_space<vmem_shared>>) target_semaphore(%run_scoped3A : memref<!tpu.dma_semaphore, #tpu.memory_space<semaphore_mem>>)
        %dma_wait3A_174 = arith.constant 0 : i32
        %dma_wait3A_175 = tpu.memref_slice %arg19[%add3A_169, %dma_wait3A_174] : memref<51200x16xf32, #tpu.memory_space<vmem_shared>> -> memref<128x16xf32, #tpu.memory_space<vmem_shared>>
        %dma_wait3A_176 = arith.constant 0 : i32
        %dma_wait3A_177 = tpu.memref_slice %arg19[%add3A_169, %dma_wait3A_176] : memref<51200x16xf32, #tpu.memory_space<vmem_shared>> -> memref<128x16xf32, #tpu.memory_space<vmem_shared>>
        tpu.wait_dma2 semaphore(%run_scoped3A : memref<!tpu.dma_semaphore, #tpu.memory_space<semaphore_mem>>) src(%arg11 : memref<128x16xf32, #tpu.memory_space<vmem>>) dst(%dma_wait3A_177 : memref<128x16xf32, #tpu.memory_space<vmem_shared>>)
        tpu.yield
      }) : () -> ()
      %scan3A_170 = arith.constant 0 : i32
      scf.yield %scan3A_170 : i32
    }
    %scan3A_15 = arith.constant 25 : i32
    %barrier3A = arith.constant 0 : index
    tpu.barrier barrier_id(%barrier3A)
    %scan3A_16 = arith.constant 0 : i32
    %scan3A_17 = arith.constant 0 : i32
    %scan3A_18 = arith.constant 10 : i32
    %scan3A_19 = arith.addi %scan3A_17, %scan3A_18 : i32
    %scan3A_20 = arith.constant 1 : i32
    %scan3A_21 = scf.for %scan3A_165 = %scan3A_17 to %scan3A_19 step %scan3A_20 iter_args(%scan3A_166 = %scan3A_16) -> (i32)  : i32 {
      %gt3A = arith.constant 0 : i32
      %gt3A_167 = arith.cmpi sgt, %scan3A_165, %gt3A : i32
      %convert_element_type3A = arith.extui %gt3A_167 : i1 to i32
      %cond3A = arith.constant 0 : i32
      %cond3A_168 = arith.cmpi ne, %convert_element_type3A, %cond3A : i32
      scf.if %cond3A_168 {
        %dma_wait3A_183 = arith.constant 0 : i32
        %dma_wait3A_184 = arith.constant 0 : i32
        %dma_wait3A_185 = tpu.memref_slice %arg10[%dma_wait3A_183, %dma_wait3A_184] : memref<40x128xi32, #tpu.memory_space<vmem>> -> memref<1x128xi32, #tpu.memory_space<vmem>>
        %dma_wait3A_186 = tpu.memref_squeeze %dma_wait3A_185 : memref<1x128xi32, #tpu.memory_space<vmem>> -> memref<128xi32, #tpu.memory_space<vmem>>
        %dma_wait3A_187 = arith.constant 0 : i32
        %dma_wait3A_188 = arith.constant 0 : i32
        %dma_wait3A_189 = tpu.memref_slice %arg19[%dma_wait3A_187, %dma_wait3A_188] : memref<51200x16xf32, #tpu.memory_space<vmem_shared>> -> memref<51200x16xf32, #tpu.memory_space<vmem_shared>>
        tpu.wait_indirect_dma semaphore(%arg28 : memref<!tpu.dma_semaphore, #tpu.memory_space<semaphore_mem>>) src(%arg11 : memref<128x16xf32, #tpu.memory_space<vmem>>) dst(%dma_wait3A_189 : memref<51200x16xf32, #tpu.memory_space<vmem_shared>>)
        %dma_wait3A_190 = arith.constant 0 : i32
        %dma_wait3A_191 = arith.constant 0 : i32
        %dma_wait3A_192 = tpu.memref_slice %arg10[%dma_wait3A_190, %dma_wait3A_191] : memref<40x128xi32, #tpu.memory_space<vmem>> -> memref<1x128xi32, #tpu.memory_space<vmem>>
        %dma_wait3A_193 = tpu.memref_squeeze %dma_wait3A_192 : memref<1x128xi32, #tpu.memory_space<vmem>> -> memref<128xi32, #tpu.memory_space<vmem>>
        %dma_wait3A_194 = arith.constant 0 : i32
        %dma_wait3A_195 = arith.constant 0 : i32
        %dma_wait3A_196 = tpu.memref_slice %arg19[%dma_wait3A_194, %dma_wait3A_195] : memref<51200x16xf32, #tpu.memory_space<vmem_shared>> -> memref<51200x16xf32, #tpu.memory_space<vmem_shared>>
        tpu.wait_indirect_dma semaphore(%arg29 : memref<!tpu.dma_semaphore, #tpu.memory_space<semaphore_mem>>) src(%arg12 : memref<128x16xf32, #tpu.memory_space<vmem>>) dst(%dma_wait3A_196 : memref<51200x16xf32, #tpu.memory_space<vmem_shared>>)
        %dma_wait3A_197 = arith.constant 0 : i32
        %dma_wait3A_198 = arith.constant 0 : i32
        %dma_wait3A_199 = tpu.memref_slice %arg10[%dma_wait3A_197, %dma_wait3A_198] : memref<40x128xi32, #tpu.memory_space<vmem>> -> memref<1x128xi32, #tpu.memory_space<vmem>>
        %dma_wait3A_200 = tpu.memref_squeeze %dma_wait3A_199 : memref<1x128xi32, #tpu.memory_space<vmem>> -> memref<128xi32, #tpu.memory_space<vmem>>
        %dma_wait3A_201 = arith.constant 0 : i32
        %dma_wait3A_202 = arith.constant 0 : i32
        %dma_wait3A_203 = tpu.memref_slice %arg19[%dma_wait3A_201, %dma_wait3A_202] : memref<51200x16xf32, #tpu.memory_space<vmem_shared>> -> memref<51200x16xf32, #tpu.memory_space<vmem_shared>>
        tpu.wait_indirect_dma semaphore(%arg30 : memref<!tpu.dma_semaphore, #tpu.memory_space<semaphore_mem>>) src(%arg13 : memref<128x16xf32, #tpu.memory_space<vmem>>) dst(%dma_wait3A_203 : memref<51200x16xf32, #tpu.memory_space<vmem_shared>>)
        %dma_wait3A_204 = arith.constant 0 : i32
        %dma_wait3A_205 = arith.constant 0 : i32
        %dma_wait3A_206 = tpu.memref_slice %arg10[%dma_wait3A_204, %dma_wait3A_205] : memref<40x128xi32, #tpu.memory_space<vmem>> -> memref<1x128xi32, #tpu.memory_space<vmem>>
        %dma_wait3A_207 = tpu.memref_squeeze %dma_wait3A_206 : memref<1x128xi32, #tpu.memory_space<vmem>> -> memref<128xi32, #tpu.memory_space<vmem>>
        %dma_wait3A_208 = arith.constant 0 : i32
        %dma_wait3A_209 = arith.constant 0 : i32
        %dma_wait3A_210 = tpu.memref_slice %arg19[%dma_wait3A_208, %dma_wait3A_209] : memref<51200x16xf32, #tpu.memory_space<vmem_shared>> -> memref<51200x16xf32, #tpu.memory_space<vmem_shared>>
        tpu.wait_indirect_dma semaphore(%arg31 : memref<!tpu.dma_semaphore, #tpu.memory_space<semaphore_mem>>) src(%arg14 : memref<128x16xf32, #tpu.memory_space<vmem>>) dst(%dma_wait3A_210 : memref<51200x16xf32, #tpu.memory_space<vmem_shared>>)
        %dma_wait3A_211 = arith.constant 0 : i32
        %dma_wait3A_212 = arith.constant 0 : i32
        %dma_wait3A_213 = tpu.memref_slice %arg10[%dma_wait3A_211, %dma_wait3A_212] : memref<40x128xi32, #tpu.memory_space<vmem>> -> memref<1x128xi32, #tpu.memory_space<vmem>>
        %dma_wait3A_214 = tpu.memref_squeeze %dma_wait3A_213 : memref<1x128xi32, #tpu.memory_space<vmem>> -> memref<128xi32, #tpu.memory_space<vmem>>
        %dma_wait3A_215 = arith.constant 0 : i32
        %dma_wait3A_216 = arith.constant 0 : i32
        %dma_wait3A_217 = tpu.memref_slice %arg19[%dma_wait3A_215, %dma_wait3A_216] : memref<51200x16xf32, #tpu.memory_space<vmem_shared>> -> memref<51200x16xf32, #tpu.memory_space<vmem_shared>>
        tpu.wait_indirect_dma semaphore(%arg32 : memref<!tpu.dma_semaphore, #tpu.memory_space<semaphore_mem>>) src(%arg15 : memref<128x16xf32, #tpu.memory_space<vmem>>) dst(%dma_wait3A_217 : memref<51200x16xf32, #tpu.memory_space<vmem_shared>>)
        %dma_wait3A_218 = arith.constant 0 : i32
        %dma_wait3A_219 = arith.constant 0 : i32
        %dma_wait3A_220 = tpu.memref_slice %arg10[%dma_wait3A_218, %dma_wait3A_219] : memref<40x128xi32, #tpu.memory_space<vmem>> -> memref<1x128xi32, #tpu.memory_space<vmem>>
        %dma_wait3A_221 = tpu.memref_squeeze %dma_wait3A_220 : memref<1x128xi32, #tpu.memory_space<vmem>> -> memref<128xi32, #tpu.memory_space<vmem>>
        %dma_wait3A_222 = arith.constant 0 : i32
        %dma_wait3A_223 = arith.constant 0 : i32
        %dma_wait3A_224 = tpu.memref_slice %arg19[%dma_wait3A_222, %dma_wait3A_223] : memref<51200x16xf32, #tpu.memory_space<vmem_shared>> -> memref<51200x16xf32, #tpu.memory_space<vmem_shared>>
        tpu.wait_indirect_dma semaphore(%arg33 : memref<!tpu.dma_semaphore, #tpu.memory_space<semaphore_mem>>) src(%arg16 : memref<128x16xf32, #tpu.memory_space<vmem>>) dst(%dma_wait3A_224 : memref<51200x16xf32, #tpu.memory_space<vmem_shared>>)
        %dma_wait3A_225 = arith.constant 0 : i32
        %dma_wait3A_226 = arith.constant 0 : i32
        %dma_wait3A_227 = tpu.memref_slice %arg10[%dma_wait3A_225, %dma_wait3A_226] : memref<40x128xi32, #tpu.memory_space<vmem>> -> memref<1x128xi32, #tpu.memory_space<vmem>>
        %dma_wait3A_228 = tpu.memref_squeeze %dma_wait3A_227 : memref<1x128xi32, #tpu.memory_space<vmem>> -> memref<128xi32, #tpu.memory_space<vmem>>
        %dma_wait3A_229 = arith.constant 0 : i32
        %dma_wait3A_230 = arith.constant 0 : i32
        %dma_wait3A_231 = tpu.memref_slice %arg19[%dma_wait3A_229, %dma_wait3A_230] : memref<51200x16xf32, #tpu.memory_space<vmem_shared>> -> memref<51200x16xf32, #tpu.memory_space<vmem_shared>>
        tpu.wait_indirect_dma semaphore(%arg34 : memref<!tpu.dma_semaphore, #tpu.memory_space<semaphore_mem>>) src(%arg17 : memref<128x16xf32, #tpu.memory_space<vmem>>) dst(%dma_wait3A_231 : memref<51200x16xf32, #tpu.memory_space<vmem_shared>>)
        %dma_wait3A_232 = arith.constant 0 : i32
        %dma_wait3A_233 = arith.constant 0 : i32
        %dma_wait3A_234 = tpu.memref_slice %arg10[%dma_wait3A_232, %dma_wait3A_233] : memref<40x128xi32, #tpu.memory_space<vmem>> -> memref<1x128xi32, #tpu.memory_space<vmem>>
        %dma_wait3A_235 = tpu.memref_squeeze %dma_wait3A_234 : memref<1x128xi32, #tpu.memory_space<vmem>> -> memref<128xi32, #tpu.memory_space<vmem>>
        %dma_wait3A_236 = arith.constant 0 : i32
        %dma_wait3A_237 = arith.constant 0 : i32
        %dma_wait3A_238 = tpu.memref_slice %arg19[%dma_wait3A_236, %dma_wait3A_237] : memref<51200x16xf32, #tpu.memory_space<vmem_shared>> -> memref<51200x16xf32, #tpu.memory_space<vmem_shared>>
        tpu.wait_indirect_dma semaphore(%arg35 : memref<!tpu.dma_semaphore, #tpu.memory_space<semaphore_mem>>) src(%arg18 : memref<128x16xf32, #tpu.memory_space<vmem>>) dst(%dma_wait3A_238 : memref<51200x16xf32, #tpu.memory_space<vmem_shared>>)
      } else {
      }
      %mul3A_169 = arith.constant 40 : i32
      %mul3A_170 = arith.muli %scan3A_165, %mul3A_169 : i32
      %add3A_171 = arith.addi %mul3A_2, %mul3A_170 : i32
      "tpu.region"() ({
        %run_scoped3A = tpu.sem_alloc : memref<!tpu.dma_semaphore, #tpu.memory_space<semaphore_mem>>
        %dma_start3A = arith.constant 0 : i32
        %dma_start3A_183 = tpu.memref_slice %arg2[%add3A_171, %dma_start3A] : memref<6400x128xi32, #tpu.memory_space<hbm>> -> memref<40x128xi32, #tpu.memory_space<hbm>>
        %dma_start3A_184 = arith.constant 0 : i32
        %dma_start3A_185 = tpu.memref_slice %arg2[%add3A_171, %dma_start3A_184] : memref<6400x128xi32, #tpu.memory_space<hbm>> -> memref<40x128xi32, #tpu.memory_space<hbm>>
        tpu.enqueue_dma source(%dma_start3A_185 : memref<40x128xi32, #tpu.memory_space<hbm>>) target(%arg9 : memref<40x128xi32, #tpu.memory_space<vmem>>) target_semaphore(%run_scoped3A : memref<!tpu.dma_semaphore, #tpu.memory_space<semaphore_mem>>)
        %dma_wait3A_186 = arith.constant 0 : i32
        %dma_wait3A_187 = tpu.memref_slice %arg2[%add3A_171, %dma_wait3A_186] : memref<6400x128xi32, #tpu.memory_space<hbm>> -> memref<40x128xi32, #tpu.memory_space<hbm>>
        %dma_wait3A_188 = arith.constant 0 : i32
        %dma_wait3A_189 = tpu.memref_slice %arg2[%add3A_171, %dma_wait3A_188] : memref<6400x128xi32, #tpu.memory_space<hbm>> -> memref<40x128xi32, #tpu.memory_space<hbm>>
        tpu.wait_dma2 semaphore(%run_scoped3A : memref<!tpu.dma_semaphore, #tpu.memory_space<semaphore_mem>>) src(%dma_wait3A_189 : memref<40x128xi32, #tpu.memory_space<hbm>>) dst(%arg9 : memref<40x128xi32, #tpu.memory_space<vmem>>)
        tpu.yield
      }) : () -> ()
      %mul3A_172 = arith.constant 40 : i32
      %mul3A_173 = arith.muli %scan3A_165, %mul3A_172 : i32
      %add3A_174 = arith.addi %mul3A_2, %mul3A_173 : i32
      "tpu.region"() ({
        %run_scoped3A = tpu.sem_alloc : memref<!tpu.dma_semaphore, #tpu.memory_space<semaphore_mem>>
        %dma_start3A = arith.constant 0 : i32
        %dma_start3A_183 = tpu.memref_slice %arg3[%add3A_174, %dma_start3A] : memref<6400x128xi32, #tpu.memory_space<hbm>> -> memref<40x128xi32, #tpu.memory_space<hbm>>
        %dma_start3A_184 = arith.constant 0 : i32
        %dma_start3A_185 = tpu.memref_slice %arg3[%add3A_174, %dma_start3A_184] : memref<6400x128xi32, #tpu.memory_space<hbm>> -> memref<40x128xi32, #tpu.memory_space<hbm>>
        tpu.enqueue_dma source(%dma_start3A_185 : memref<40x128xi32, #tpu.memory_space<hbm>>) target(%arg10 : memref<40x128xi32, #tpu.memory_space<vmem>>) target_semaphore(%run_scoped3A : memref<!tpu.dma_semaphore, #tpu.memory_space<semaphore_mem>>)
        %dma_wait3A_186 = arith.constant 0 : i32
        %dma_wait3A_187 = tpu.memref_slice %arg3[%add3A_174, %dma_wait3A_186] : memref<6400x128xi32, #tpu.memory_space<hbm>> -> memref<40x128xi32, #tpu.memory_space<hbm>>
        %dma_wait3A_188 = arith.constant 0 : i32
        %dma_wait3A_189 = tpu.memref_slice %arg3[%add3A_174, %dma_wait3A_188] : memref<6400x128xi32, #tpu.memory_space<hbm>> -> memref<40x128xi32, #tpu.memory_space<hbm>>
        tpu.wait_dma2 semaphore(%run_scoped3A : memref<!tpu.dma_semaphore, #tpu.memory_space<semaphore_mem>>) src(%dma_wait3A_189 : memref<40x128xi32, #tpu.memory_space<hbm>>) dst(%arg10 : memref<40x128xi32, #tpu.memory_space<vmem>>)
        tpu.yield
      }) : () -> ()
      %scan3A_175 = arith.constant 0 : i32
      %scan3A_176 = arith.constant 0 : i32
      %scan3A_177 = arith.constant 10 : i32
      %scan3A_178 = arith.addi %scan3A_176, %scan3A_177 : i32
      %scan3A_179 = arith.constant 1 : i32
      %scan3A_180 = scf.for %scan3A_183 = %scan3A_176 to %scan3A_178 step %scan3A_179 iter_args(%scan3A_184 = %scan3A_175) -> (i32)  : i32 {
        %jit3A = arith.constant 2 : i32
        %eq3A = arith.constant 0 : i32
        %eq3A_185 = arith.cmpi eq, %jit3A, %eq3A : i32
        %jit3A_186 = arith.constant 1 : i32
        %select_n3A = arith.select %eq3A_185, %jit3A_186, %jit3A : i32
        %rem3A = arith.remsi %scan3A_183, %select_n3A : i32
        %ne3A = arith.constant 0 : i32
        %ne3A_187 = arith.cmpi ne, %rem3A, %ne3A : i32
        %lt3A = arith.constant 0 : i32
        %lt3A_188 = arith.cmpi slt, %rem3A, %lt3A : i32
        %lt3A_189 = arith.constant 0 : i32
        %lt3A_190 = arith.cmpi slt, %select_n3A, %lt3A_189 : i32
        %ne3A_191 = arith.xori %lt3A_188, %lt3A_190 : i1
        %and3A = arith.andi %ne3A_191, %ne3A_187 : i1
        %add3A_192 = arith.addi %rem3A, %select_n3A : i32
        %select_n3A_193 = arith.select %and3A, %add3A_192, %rem3A : i32
        %eq3A_194 = arith.constant 0 : i32
        %eq3A_195 = arith.cmpi eq, %select_n3A_193, %eq3A_194 : i32
        %convert_element_type3A_196 = arith.extui %eq3A_195 : i1 to i32
        %cond3A_197 = arith.constant 0 : i32
        %cond3A_198 = arith.cmpi ne, %convert_element_type3A_196, %cond3A_197 : i32
        scf.if %cond3A_198 {
          %mul3A_221 = arith.constant 4 : i32
          %mul3A_222 = arith.muli %scan3A_183, %mul3A_221 : i32
          %add3A_223 = arith.constant 0 : i32
          %add3A_224 = arith.addi %mul3A_222, %add3A_223 : i32
          %ge3A = arith.constant 2 : i32
          %ge3A_225 = arith.cmpi sge, %scan3A_183, %ge3A : i32
          %convert_element_type3A_226 = arith.extui %ge3A_225 : i1 to i32
          %cond3A_227 = arith.constant 0 : i32
          %cond3A_228 = arith.cmpi ne, %convert_element_type3A_226, %cond3A_227 : i32
          scf.if %cond3A_228 {
            %dma_wait3A_359 = arith.constant 0 : i32
            %dma_wait3A_360 = arith.constant 0 : i32
            %dma_wait3A_361 = tpu.memref_slice %arg10[%dma_wait3A_359, %dma_wait3A_360] : memref<40x128xi32, #tpu.memory_space<vmem>> -> memref<1x128xi32, #tpu.memory_space<vmem>>
            %dma_wait3A_362 = tpu.memref_squeeze %dma_wait3A_361 : memref<1x128xi32, #tpu.memory_space<vmem>> -> memref<128xi32, #tpu.memory_space<vmem>>
            %dma_wait3A_363 = arith.constant 0 : i32
            %dma_wait3A_364 = arith.constant 0 : i32
            %dma_wait3A_365 = tpu.memref_slice %arg19[%dma_wait3A_363, %dma_wait3A_364] : memref<51200x16xf32, #tpu.memory_space<vmem_shared>> -> memref<51200x16xf32, #tpu.memory_space<vmem_shared>>
            tpu.wait_indirect_dma semaphore(%arg28 : memref<!tpu.dma_semaphore, #tpu.memory_space<semaphore_mem>>) src(%arg11 : memref<128x16xf32, #tpu.memory_space<vmem>>) dst(%dma_wait3A_365 : memref<51200x16xf32, #tpu.memory_space<vmem_shared>>)
          } else {
          }
          %eq3A_229 = arith.constant 0 : i32
          %eq3A_230 = arith.cmpi eq, %arg0, %eq3A_229 : i32
          %convert_element_type3A_231 = arith.extui %eq3A_230 : i1 to i32
          %cond3A_232 = arith.constant 0 : i32
          %cond3A_233 = arith.cmpi ne, %convert_element_type3A_231, %cond3A_232 : i32
          scf.if %cond3A_233 {
            %dma_start3A_359 = arith.constant 0 : i32
            %dma_start3A_360 = tpu.memref_slice %arg9[%add3A_224, %dma_start3A_359] : memref<40x128xi32, #tpu.memory_space<vmem>> -> memref<1x128xi32, #tpu.memory_space<vmem>>
            %dma_start3A_361 = tpu.memref_squeeze %dma_start3A_360 : memref<1x128xi32, #tpu.memory_space<vmem>> -> memref<128xi32, #tpu.memory_space<vmem>>
            %dma_start3A_362 = arith.constant 0 : i32
            %dma_start3A_363 = arith.constant 0 : i32
            %dma_start3A_364 = tpu.memref_slice %arg4[%dma_start3A_362, %dma_start3A_363] : memref<51200x16xf32, #tpu.memory_space<hbm>> -> memref<51200x16xf32, #tpu.memory_space<hbm>>
            tpu.enqueue_indirect_dma source(%dma_start3A_364 : memref<51200x16xf32, #tpu.memory_space<hbm>>) target(%arg11 : memref<128x16xf32, #tpu.memory_space<vmem>>) offsets(%dma_start3A_361 : memref<128xi32, #tpu.memory_space<vmem>>) semaphore(%arg20 : memref<!tpu.dma_semaphore, #tpu.memory_space<semaphore_mem>>)
          } else {
          }
          %eq3A_234 = arith.constant 1 : i32
          %eq3A_235 = arith.cmpi eq, %arg0, %eq3A_234 : i32
          %convert_element_type3A_236 = arith.extui %eq3A_235 : i1 to i32
          %cond3A_237 = arith.constant 0 : i32
          %cond3A_238 = arith.cmpi ne, %convert_element_type3A_236, %cond3A_237 : i32
          scf.if %cond3A_238 {
            %dma_start3A_359 = arith.constant 0 : i32
            %dma_start3A_360 = tpu.memref_slice %arg9[%add3A_224, %dma_start3A_359] : memref<40x128xi32, #tpu.memory_space<vmem>> -> memref<1x128xi32, #tpu.memory_space<vmem>>
            %dma_start3A_361 = tpu.memref_squeeze %dma_start3A_360 : memref<1x128xi32, #tpu.memory_space<vmem>> -> memref<128xi32, #tpu.memory_space<vmem>>
            %dma_start3A_362 = arith.constant 0 : i32
            %dma_start3A_363 = arith.constant 0 : i32
            %dma_start3A_364 = tpu.memref_slice %arg6[%dma_start3A_362, %dma_start3A_363] : memref<51200x16xf32, #tpu.memory_space<hbm>> -> memref<51200x16xf32, #tpu.memory_space<hbm>>
            tpu.enqueue_indirect_dma source(%dma_start3A_364 : memref<51200x16xf32, #tpu.memory_space<hbm>>) target(%arg11 : memref<128x16xf32, #tpu.memory_space<vmem>>) offsets(%dma_start3A_361 : memref<128xi32, #tpu.memory_space<vmem>>) semaphore(%arg20 : memref<!tpu.dma_semaphore, #tpu.memory_space<semaphore_mem>>)
          } else {
          }
          %mul3A_239 = arith.constant 4 : i32
          %mul3A_240 = arith.muli %scan3A_183, %mul3A_239 : i32
          %add3A_241 = arith.constant 1 : i32
          %add3A_242 = arith.addi %mul3A_240, %add3A_241 : i32
          %ge3A_243 = arith.constant 2 : i32
          %ge3A_244 = arith.cmpi sge, %scan3A_183, %ge3A_243 : i32
          %convert_element_type3A_245 = arith.extui %ge3A_244 : i1 to i32
          %cond3A_246 = arith.constant 0 : i32
          %cond3A_247 = arith.cmpi ne, %convert_element_type3A_245, %cond3A_246 : i32
          scf.if %cond3A_247 {
            %dma_wait3A_359 = arith.constant 0 : i32
            %dma_wait3A_360 = arith.constant 0 : i32
            %dma_wait3A_361 = tpu.memref_slice %arg10[%dma_wait3A_359, %dma_wait3A_360] : memref<40x128xi32, #tpu.memory_space<vmem>> -> memref<1x128xi32, #tpu.memory_space<vmem>>
            %dma_wait3A_362 = tpu.memref_squeeze %dma_wait3A_361 : memref<1x128xi32, #tpu.memory_space<vmem>> -> memref<128xi32, #tpu.memory_space<vmem>>
            %dma_wait3A_363 = arith.constant 0 : i32
            %dma_wait3A_364 = arith.constant 0 : i32
            %dma_wait3A_365 = tpu.memref_slice %arg19[%dma_wait3A_363, %dma_wait3A_364] : memref<51200x16xf32, #tpu.memory_space<vmem_shared>> -> memref<51200x16xf32, #tpu.memory_space<vmem_shared>>
            tpu.wait_indirect_dma semaphore(%arg29 : memref<!tpu.dma_semaphore, #tpu.memory_space<semaphore_mem>>) src(%arg12 : memref<128x16xf32, #tpu.memory_space<vmem>>) dst(%dma_wait3A_365 : memref<51200x16xf32, #tpu.memory_space<vmem_shared>>)
          } else {
          }
          %eq3A_248 = arith.constant 0 : i32
          %eq3A_249 = arith.cmpi eq, %arg0, %eq3A_248 : i32
          %convert_element_type3A_250 = arith.extui %eq3A_249 : i1 to i32
          %cond3A_251 = arith.constant 0 : i32
          %cond3A_252 = arith.cmpi ne, %convert_element_type3A_250, %cond3A_251 : i32
          scf.if %cond3A_252 {
            %dma_start3A_359 = arith.constant 0 : i32
            %dma_start3A_360 = tpu.memref_slice %arg9[%add3A_242, %dma_start3A_359] : memref<40x128xi32, #tpu.memory_space<vmem>> -> memref<1x128xi32, #tpu.memory_space<vmem>>
            %dma_start3A_361 = tpu.memref_squeeze %dma_start3A_360 : memref<1x128xi32, #tpu.memory_space<vmem>> -> memref<128xi32, #tpu.memory_space<vmem>>
            %dma_start3A_362 = arith.constant 0 : i32
            %dma_start3A_363 = arith.constant 0 : i32
            %dma_start3A_364 = tpu.memref_slice %arg4[%dma_start3A_362, %dma_start3A_363] : memref<51200x16xf32, #tpu.memory_space<hbm>> -> memref<51200x16xf32, #tpu.memory_space<hbm>>
            tpu.enqueue_indirect_dma source(%dma_start3A_364 : memref<51200x16xf32, #tpu.memory_space<hbm>>) target(%arg12 : memref<128x16xf32, #tpu.memory_space<vmem>>) offsets(%dma_start3A_361 : memref<128xi32, #tpu.memory_space<vmem>>) semaphore(%arg21 : memref<!tpu.dma_semaphore, #tpu.memory_space<semaphore_mem>>)
          } else {
          }
          %eq3A_253 = arith.constant 1 : i32
          %eq3A_254 = arith.cmpi eq, %arg0, %eq3A_253 : i32
          %convert_element_type3A_255 = arith.extui %eq3A_254 : i1 to i32
          %cond3A_256 = arith.constant 0 : i32
          %cond3A_257 = arith.cmpi ne, %convert_element_type3A_255, %cond3A_256 : i32
          scf.if %cond3A_257 {
            %dma_start3A_359 = arith.constant 0 : i32
            %dma_start3A_360 = tpu.memref_slice %arg9[%add3A_242, %dma_start3A_359] : memref<40x128xi32, #tpu.memory_space<vmem>> -> memref<1x128xi32, #tpu.memory_space<vmem>>
            %dma_start3A_361 = tpu.memref_squeeze %dma_start3A_360 : memref<1x128xi32, #tpu.memory_space<vmem>> -> memref<128xi32, #tpu.memory_space<vmem>>
            %dma_start3A_362 = arith.constant 0 : i32
            %dma_start3A_363 = arith.constant 0 : i32
            %dma_start3A_364 = tpu.memref_slice %arg6[%dma_start3A_362, %dma_start3A_363] : memref<51200x16xf32, #tpu.memory_space<hbm>> -> memref<51200x16xf32, #tpu.memory_space<hbm>>
            tpu.enqueue_indirect_dma source(%dma_start3A_364 : memref<51200x16xf32, #tpu.memory_space<hbm>>) target(%arg12 : memref<128x16xf32, #tpu.memory_space<vmem>>) offsets(%dma_start3A_361 : memref<128xi32, #tpu.memory_space<vmem>>) semaphore(%arg21 : memref<!tpu.dma_semaphore, #tpu.memory_space<semaphore_mem>>)
          } else {
          }
          %mul3A_258 = arith.constant 4 : i32
          %mul3A_259 = arith.muli %scan3A_183, %mul3A_258 : i32
          %add3A_260 = arith.constant 2 : i32
          %add3A_261 = arith.addi %mul3A_259, %add3A_260 : i32
          %ge3A_262 = arith.constant 2 : i32
          %ge3A_263 = arith.cmpi sge, %scan3A_183, %ge3A_262 : i32
          %convert_element_type3A_264 = arith.extui %ge3A_263 : i1 to i32
          %cond3A_265 = arith.constant 0 : i32
          %cond3A_266 = arith.cmpi ne, %convert_element_type3A_264, %cond3A_265 : i32
          scf.if %cond3A_266 {
            %dma_wait3A_359 = arith.constant 0 : i32
            %dma_wait3A_360 = arith.constant 0 : i32
            %dma_wait3A_361 = tpu.memref_slice %arg10[%dma_wait3A_359, %dma_wait3A_360] : memref<40x128xi32, #tpu.memory_space<vmem>> -> memref<1x128xi32, #tpu.memory_space<vmem>>
            %dma_wait3A_362 = tpu.memref_squeeze %dma_wait3A_361 : memref<1x128xi32, #tpu.memory_space<vmem>> -> memref<128xi32, #tpu.memory_space<vmem>>
            %dma_wait3A_363 = arith.constant 0 : i32
            %dma_wait3A_364 = arith.constant 0 : i32
            %dma_wait3A_365 = tpu.memref_slice %arg19[%dma_wait3A_363, %dma_wait3A_364] : memref<51200x16xf32, #tpu.memory_space<vmem_shared>> -> memref<51200x16xf32, #tpu.memory_space<vmem_shared>>
            tpu.wait_indirect_dma semaphore(%arg30 : memref<!tpu.dma_semaphore, #tpu.memory_space<semaphore_mem>>) src(%arg13 : memref<128x16xf32, #tpu.memory_space<vmem>>) dst(%dma_wait3A_365 : memref<51200x16xf32, #tpu.memory_space<vmem_shared>>)
          } else {
          }
          %eq3A_267 = arith.constant 0 : i32
          %eq3A_268 = arith.cmpi eq, %arg0, %eq3A_267 : i32
          %convert_element_type3A_269 = arith.extui %eq3A_268 : i1 to i32
          %cond3A_270 = arith.constant 0 : i32
          %cond3A_271 = arith.cmpi ne, %convert_element_type3A_269, %cond3A_270 : i32
          scf.if %cond3A_271 {
            %dma_start3A_359 = arith.constant 0 : i32
            %dma_start3A_360 = tpu.memref_slice %arg9[%add3A_261, %dma_start3A_359] : memref<40x128xi32, #tpu.memory_space<vmem>> -> memref<1x128xi32, #tpu.memory_space<vmem>>
            %dma_start3A_361 = tpu.memref_squeeze %dma_start3A_360 : memref<1x128xi32, #tpu.memory_space<vmem>> -> memref<128xi32, #tpu.memory_space<vmem>>
            %dma_start3A_362 = arith.constant 0 : i32
            %dma_start3A_363 = arith.constant 0 : i32
            %dma_start3A_364 = tpu.memref_slice %arg4[%dma_start3A_362, %dma_start3A_363] : memref<51200x16xf32, #tpu.memory_space<hbm>> -> memref<51200x16xf32, #tpu.memory_space<hbm>>
            tpu.enqueue_indirect_dma source(%dma_start3A_364 : memref<51200x16xf32, #tpu.memory_space<hbm>>) target(%arg13 : memref<128x16xf32, #tpu.memory_space<vmem>>) offsets(%dma_start3A_361 : memref<128xi32, #tpu.memory_space<vmem>>) semaphore(%arg22 : memref<!tpu.dma_semaphore, #tpu.memory_space<semaphore_mem>>)
          } else {
          }
          %eq3A_272 = arith.constant 1 : i32
          %eq3A_273 = arith.cmpi eq, %arg0, %eq3A_272 : i32
          %convert_element_type3A_274 = arith.extui %eq3A_273 : i1 to i32
          %cond3A_275 = arith.constant 0 : i32
          %cond3A_276 = arith.cmpi ne, %convert_element_type3A_274, %cond3A_275 : i32
          scf.if %cond3A_276 {
            %dma_start3A_359 = arith.constant 0 : i32
            %dma_start3A_360 = tpu.memref_slice %arg9[%add3A_261, %dma_start3A_359] : memref<40x128xi32, #tpu.memory_space<vmem>> -> memref<1x128xi32, #tpu.memory_space<vmem>>
            %dma_start3A_361 = tpu.memref_squeeze %dma_start3A_360 : memref<1x128xi32, #tpu.memory_space<vmem>> -> memref<128xi32, #tpu.memory_space<vmem>>
            %dma_start3A_362 = arith.constant 0 : i32
            %dma_start3A_363 = arith.constant 0 : i32
            %dma_start3A_364 = tpu.memref_slice %arg6[%dma_start3A_362, %dma_start3A_363] : memref<51200x16xf32, #tpu.memory_space<hbm>> -> memref<51200x16xf32, #tpu.memory_space<hbm>>
            tpu.enqueue_indirect_dma source(%dma_start3A_364 : memref<51200x16xf32, #tpu.memory_space<hbm>>) target(%arg13 : memref<128x16xf32, #tpu.memory_space<vmem>>) offsets(%dma_start3A_361 : memref<128xi32, #tpu.memory_space<vmem>>) semaphore(%arg22 : memref<!tpu.dma_semaphore, #tpu.memory_space<semaphore_mem>>)
          } else {
          }
          %mul3A_277 = arith.constant 4 : i32
          %mul3A_278 = arith.muli %scan3A_183, %mul3A_277 : i32
          %add3A_279 = arith.constant 3 : i32
          %add3A_280 = arith.addi %mul3A_278, %add3A_279 : i32
          %ge3A_281 = arith.constant 2 : i32
          %ge3A_282 = arith.cmpi sge, %scan3A_183, %ge3A_281 : i32
          %convert_element_type3A_283 = arith.extui %ge3A_282 : i1 to i32
          %cond3A_284 = arith.constant 0 : i32
          %cond3A_285 = arith.cmpi ne, %convert_element_type3A_283, %cond3A_284 : i32
          scf.if %cond3A_285 {
            %dma_wait3A_359 = arith.constant 0 : i32
            %dma_wait3A_360 = arith.constant 0 : i32
            %dma_wait3A_361 = tpu.memref_slice %arg10[%dma_wait3A_359, %dma_wait3A_360] : memref<40x128xi32, #tpu.memory_space<vmem>> -> memref<1x128xi32, #tpu.memory_space<vmem>>
            %dma_wait3A_362 = tpu.memref_squeeze %dma_wait3A_361 : memref<1x128xi32, #tpu.memory_space<vmem>> -> memref<128xi32, #tpu.memory_space<vmem>>
            %dma_wait3A_363 = arith.constant 0 : i32
            %dma_wait3A_364 = arith.constant 0 : i32
            %dma_wait3A_365 = tpu.memref_slice %arg19[%dma_wait3A_363, %dma_wait3A_364] : memref<51200x16xf32, #tpu.memory_space<vmem_shared>> -> memref<51200x16xf32, #tpu.memory_space<vmem_shared>>
            tpu.wait_indirect_dma semaphore(%arg31 : memref<!tpu.dma_semaphore, #tpu.memory_space<semaphore_mem>>) src(%arg14 : memref<128x16xf32, #tpu.memory_space<vmem>>) dst(%dma_wait3A_365 : memref<51200x16xf32, #tpu.memory_space<vmem_shared>>)
          } else {
          }
          %eq3A_286 = arith.constant 0 : i32
          %eq3A_287 = arith.cmpi eq, %arg0, %eq3A_286 : i32
          %convert_element_type3A_288 = arith.extui %eq3A_287 : i1 to i32
          %cond3A_289 = arith.constant 0 : i32
          %cond3A_290 = arith.cmpi ne, %convert_element_type3A_288, %cond3A_289 : i32
          scf.if %cond3A_290 {
            %dma_start3A_359 = arith.constant 0 : i32
            %dma_start3A_360 = tpu.memref_slice %arg9[%add3A_280, %dma_start3A_359] : memref<40x128xi32, #tpu.memory_space<vmem>> -> memref<1x128xi32, #tpu.memory_space<vmem>>
            %dma_start3A_361 = tpu.memref_squeeze %dma_start3A_360 : memref<1x128xi32, #tpu.memory_space<vmem>> -> memref<128xi32, #tpu.memory_space<vmem>>
            %dma_start3A_362 = arith.constant 0 : i32
            %dma_start3A_363 = arith.constant 0 : i32
            %dma_start3A_364 = tpu.memref_slice %arg4[%dma_start3A_362, %dma_start3A_363] : memref<51200x16xf32, #tpu.memory_space<hbm>> -> memref<51200x16xf32, #tpu.memory_space<hbm>>
            tpu.enqueue_indirect_dma source(%dma_start3A_364 : memref<51200x16xf32, #tpu.memory_space<hbm>>) target(%arg14 : memref<128x16xf32, #tpu.memory_space<vmem>>) offsets(%dma_start3A_361 : memref<128xi32, #tpu.memory_space<vmem>>) semaphore(%arg23 : memref<!tpu.dma_semaphore, #tpu.memory_space<semaphore_mem>>)
          } else {
          }
          %eq3A_291 = arith.constant 1 : i32
          %eq3A_292 = arith.cmpi eq, %arg0, %eq3A_291 : i32
          %convert_element_type3A_293 = arith.extui %eq3A_292 : i1 to i32
          %cond3A_294 = arith.constant 0 : i32
          %cond3A_295 = arith.cmpi ne, %convert_element_type3A_293, %cond3A_294 : i32
          scf.if %cond3A_295 {
            %dma_start3A_359 = arith.constant 0 : i32
            %dma_start3A_360 = tpu.memref_slice %arg9[%add3A_280, %dma_start3A_359] : memref<40x128xi32, #tpu.memory_space<vmem>> -> memref<1x128xi32, #tpu.memory_space<vmem>>
            %dma_start3A_361 = tpu.memref_squeeze %dma_start3A_360 : memref<1x128xi32, #tpu.memory_space<vmem>> -> memref<128xi32, #tpu.memory_space<vmem>>
            %dma_start3A_362 = arith.constant 0 : i32
            %dma_start3A_363 = arith.constant 0 : i32
            %dma_start3A_364 = tpu.memref_slice %arg6[%dma_start3A_362, %dma_start3A_363] : memref<51200x16xf32, #tpu.memory_space<hbm>> -> memref<51200x16xf32, #tpu.memory_space<hbm>>
            tpu.enqueue_indirect_dma source(%dma_start3A_364 : memref<51200x16xf32, #tpu.memory_space<hbm>>) target(%arg14 : memref<128x16xf32, #tpu.memory_space<vmem>>) offsets(%dma_start3A_361 : memref<128xi32, #tpu.memory_space<vmem>>) semaphore(%arg23 : memref<!tpu.dma_semaphore, #tpu.memory_space<semaphore_mem>>)
          } else {
          }
          %mul3A_296 = arith.constant 4 : i32
          %mul3A_297 = arith.muli %scan3A_183, %mul3A_296 : i32
          %add3A_298 = arith.constant 0 : i32
          %add3A_299 = arith.addi %mul3A_297, %add3A_298 : i32
          %dma_wait3A_300 = arith.constant 0 : i32
          %dma_wait3A_301 = tpu.memref_slice %arg9[%add3A_299, %dma_wait3A_300] : memref<40x128xi32, #tpu.memory_space<vmem>> -> memref<1x128xi32, #tpu.memory_space<vmem>>
          %dma_wait3A_302 = tpu.memref_squeeze %dma_wait3A_301 : memref<1x128xi32, #tpu.memory_space<vmem>> -> memref<128xi32, #tpu.memory_space<vmem>>
          %dma_wait3A_303 = arith.constant 0 : i32
          %dma_wait3A_304 = arith.constant 0 : i32
          %dma_wait3A_305 = tpu.memref_slice %arg4[%dma_wait3A_303, %dma_wait3A_304] : memref<51200x16xf32, #tpu.memory_space<hbm>> -> memref<51200x16xf32, #tpu.memory_space<hbm>>
          tpu.wait_indirect_dma semaphore(%arg20 : memref<!tpu.dma_semaphore, #tpu.memory_space<semaphore_mem>>) src(%dma_wait3A_305 : memref<51200x16xf32, #tpu.memory_space<hbm>>) dst(%arg11 : memref<128x16xf32, #tpu.memory_space<vmem>>)
          %dma_start3A = arith.constant 0 : i32
          %dma_start3A_306 = tpu.memref_slice %arg10[%add3A_299, %dma_start3A] : memref<40x128xi32, #tpu.memory_space<vmem>> -> memref<1x128xi32, #tpu.memory_space<vmem>>
          %dma_start3A_307 = tpu.memref_squeeze %dma_start3A_306 : memref<1x128xi32, #tpu.memory_space<vmem>> -> memref<128xi32, #tpu.memory_space<vmem>>
          %dma_start3A_308 = arith.constant 0 : i32
          %dma_start3A_309 = arith.constant 0 : i32
          %dma_start3A_310 = tpu.memref_slice %arg19[%dma_start3A_308, %dma_start3A_309] : memref<51200x16xf32, #tpu.memory_space<vmem_shared>> -> memref<51200x16xf32, #tpu.memory_space<vmem_shared>>
          tpu.enqueue_indirect_dma source(%arg11 : memref<128x16xf32, #tpu.memory_space<vmem>>) target(%dma_start3A_310 : memref<51200x16xf32, #tpu.memory_space<vmem_shared>>) offsets(%dma_start3A_307 : memref<128xi32, #tpu.memory_space<vmem>>) semaphore(%arg28 : memref<!tpu.dma_semaphore, #tpu.memory_space<semaphore_mem>>) {add = true}
          %mul3A_311 = arith.constant 4 : i32
          %mul3A_312 = arith.muli %scan3A_183, %mul3A_311 : i32
          %add3A_313 = arith.constant 1 : i32
          %add3A_314 = arith.addi %mul3A_312, %add3A_313 : i32
          %dma_wait3A_315 = arith.constant 0 : i32
          %dma_wait3A_316 = tpu.memref_slice %arg9[%add3A_314, %dma_wait3A_315] : memref<40x128xi32, #tpu.memory_space<vmem>> -> memref<1x128xi32, #tpu.memory_space<vmem>>
          %dma_wait3A_317 = tpu.memref_squeeze %dma_wait3A_316 : memref<1x128xi32, #tpu.memory_space<vmem>> -> memref<128xi32, #tpu.memory_space<vmem>>
          %dma_wait3A_318 = arith.constant 0 : i32
          %dma_wait3A_319 = arith.constant 0 : i32
          %dma_wait3A_320 = tpu.memref_slice %arg4[%dma_wait3A_318, %dma_wait3A_319] : memref<51200x16xf32, #tpu.memory_space<hbm>> -> memref<51200x16xf32, #tpu.memory_space<hbm>>
          tpu.wait_indirect_dma semaphore(%arg21 : memref<!tpu.dma_semaphore, #tpu.memory_space<semaphore_mem>>) src(%dma_wait3A_320 : memref<51200x16xf32, #tpu.memory_space<hbm>>) dst(%arg12 : memref<128x16xf32, #tpu.memory_space<vmem>>)
          %dma_start3A_321 = arith.constant 0 : i32
          %dma_start3A_322 = tpu.memref_slice %arg10[%add3A_314, %dma_start3A_321] : memref<40x128xi32, #tpu.memory_space<vmem>> -> memref<1x128xi32, #tpu.memory_space<vmem>>
          %dma_start3A_323 = tpu.memref_squeeze %dma_start3A_322 : memref<1x128xi32, #tpu.memory_space<vmem>> -> memref<128xi32, #tpu.memory_space<vmem>>
          %dma_start3A_324 = arith.constant 0 : i32
          %dma_start3A_325 = arith.constant 0 : i32
          %dma_start3A_326 = tpu.memref_slice %arg19[%dma_start3A_324, %dma_start3A_325] : memref<51200x16xf32, #tpu.memory_space<vmem_shared>> -> memref<51200x16xf32, #tpu.memory_space<vmem_shared>>
          tpu.enqueue_indirect_dma source(%arg12 : memref<128x16xf32, #tpu.memory_space<vmem>>) target(%dma_start3A_326 : memref<51200x16xf32, #tpu.memory_space<vmem_shared>>) offsets(%dma_start3A_323 : memref<128xi32, #tpu.memory_space<vmem>>) semaphore(%arg29 : memref<!tpu.dma_semaphore, #tpu.memory_space<semaphore_mem>>) {add = true}
          %mul3A_327 = arith.constant 4 : i32
          %mul3A_328 = arith.muli %scan3A_183, %mul3A_327 : i32
          %add3A_329 = arith.constant 2 : i32
          %add3A_330 = arith.addi %mul3A_328, %add3A_329 : i32
          %dma_wait3A_331 = arith.constant 0 : i32
          %dma_wait3A_332 = tpu.memref_slice %arg9[%add3A_330, %dma_wait3A_331] : memref<40x128xi32, #tpu.memory_space<vmem>> -> memref<1x128xi32, #tpu.memory_space<vmem>>
          %dma_wait3A_333 = tpu.memref_squeeze %dma_wait3A_332 : memref<1x128xi32, #tpu.memory_space<vmem>> -> memref<128xi32, #tpu.memory_space<vmem>>
          %dma_wait3A_334 = arith.constant 0 : i32
          %dma_wait3A_335 = arith.constant 0 : i32
          %dma_wait3A_336 = tpu.memref_slice %arg4[%dma_wait3A_334, %dma_wait3A_335] : memref<51200x16xf32, #tpu.memory_space<hbm>> -> memref<51200x16xf32, #tpu.memory_space<hbm>>
          tpu.wait_indirect_dma semaphore(%arg22 : memref<!tpu.dma_semaphore, #tpu.memory_space<semaphore_mem>>) src(%dma_wait3A_336 : memref<51200x16xf32, #tpu.memory_space<hbm>>) dst(%arg13 : memref<128x16xf32, #tpu.memory_space<vmem>>)
          %dma_start3A_337 = arith.constant 0 : i32
          %dma_start3A_338 = tpu.memref_slice %arg10[%add3A_330, %dma_start3A_337] : memref<40x128xi32, #tpu.memory_space<vmem>> -> memref<1x128xi32, #tpu.memory_space<vmem>>
          %dma_start3A_339 = tpu.memref_squeeze %dma_start3A_338 : memref<1x128xi32, #tpu.memory_space<vmem>> -> memref<128xi32, #tpu.memory_space<vmem>>
          %dma_start3A_340 = arith.constant 0 : i32
          %dma_start3A_341 = arith.constant 0 : i32
          %dma_start3A_342 = tpu.memref_slice %arg19[%dma_start3A_340, %dma_start3A_341] : memref<51200x16xf32, #tpu.memory_space<vmem_shared>> -> memref<51200x16xf32, #tpu.memory_space<vmem_shared>>
          tpu.enqueue_indirect_dma source(%arg13 : memref<128x16xf32, #tpu.memory_space<vmem>>) target(%dma_start3A_342 : memref<51200x16xf32, #tpu.memory_space<vmem_shared>>) offsets(%dma_start3A_339 : memref<128xi32, #tpu.memory_space<vmem>>) semaphore(%arg30 : memref<!tpu.dma_semaphore, #tpu.memory_space<semaphore_mem>>) {add = true}
          %mul3A_343 = arith.constant 4 : i32
          %mul3A_344 = arith.muli %scan3A_183, %mul3A_343 : i32
          %add3A_345 = arith.constant 3 : i32
          %add3A_346 = arith.addi %mul3A_344, %add3A_345 : i32
          %dma_wait3A_347 = arith.constant 0 : i32
          %dma_wait3A_348 = tpu.memref_slice %arg9[%add3A_346, %dma_wait3A_347] : memref<40x128xi32, #tpu.memory_space<vmem>> -> memref<1x128xi32, #tpu.memory_space<vmem>>
          %dma_wait3A_349 = tpu.memref_squeeze %dma_wait3A_348 : memref<1x128xi32, #tpu.memory_space<vmem>> -> memref<128xi32, #tpu.memory_space<vmem>>
          %dma_wait3A_350 = arith.constant 0 : i32
          %dma_wait3A_351 = arith.constant 0 : i32
          %dma_wait3A_352 = tpu.memref_slice %arg4[%dma_wait3A_350, %dma_wait3A_351] : memref<51200x16xf32, #tpu.memory_space<hbm>> -> memref<51200x16xf32, #tpu.memory_space<hbm>>
          tpu.wait_indirect_dma semaphore(%arg23 : memref<!tpu.dma_semaphore, #tpu.memory_space<semaphore_mem>>) src(%dma_wait3A_352 : memref<51200x16xf32, #tpu.memory_space<hbm>>) dst(%arg14 : memref<128x16xf32, #tpu.memory_space<vmem>>)
          %dma_start3A_353 = arith.constant 0 : i32
          %dma_start3A_354 = tpu.memref_slice %arg10[%add3A_346, %dma_start3A_353] : memref<40x128xi32, #tpu.memory_space<vmem>> -> memref<1x128xi32, #tpu.memory_space<vmem>>
          %dma_start3A_355 = tpu.memref_squeeze %dma_start3A_354 : memref<1x128xi32, #tpu.memory_space<vmem>> -> memref<128xi32, #tpu.memory_space<vmem>>
          %dma_start3A_356 = arith.constant 0 : i32
          %dma_start3A_357 = arith.constant 0 : i32
          %dma_start3A_358 = tpu.memref_slice %arg19[%dma_start3A_356, %dma_start3A_357] : memref<51200x16xf32, #tpu.memory_space<vmem_shared>> -> memref<51200x16xf32, #tpu.memory_space<vmem_shared>>
          tpu.enqueue_indirect_dma source(%arg14 : memref<128x16xf32, #tpu.memory_space<vmem>>) target(%dma_start3A_358 : memref<51200x16xf32, #tpu.memory_space<vmem_shared>>) offsets(%dma_start3A_355 : memref<128xi32, #tpu.memory_space<vmem>>) semaphore(%arg31 : memref<!tpu.dma_semaphore, #tpu.memory_space<semaphore_mem>>) {add = true}
        } else {
        }
        %jit3A_199 = arith.constant 2 : i32
        %eq3A_200 = arith.constant 0 : i32
        %eq3A_201 = arith.cmpi eq, %jit3A_199, %eq3A_200 : i32
        %jit3A_202 = arith.constant 1 : i32
        %select_n3A_203 = arith.select %eq3A_201, %jit3A_202, %jit3A_199 : i32
        %rem3A_204 = arith.remsi %scan3A_183, %select_n3A_203 : i32
        %ne3A_205 = arith.constant 0 : i32
        %ne3A_206 = arith.cmpi ne, %rem3A_204, %ne3A_205 : i32
        %lt3A_207 = arith.constant 0 : i32
        %lt3A_208 = arith.cmpi slt, %rem3A_204, %lt3A_207 : i32
        %lt3A_209 = arith.constant 0 : i32
        %lt3A_210 = arith.cmpi slt, %select_n3A_203, %lt3A_209 : i32
        %ne3A_211 = arith.xori %lt3A_208, %lt3A_210 : i1
        %and3A_212 = arith.andi %ne3A_211, %ne3A_206 : i1
        %add3A_213 = arith.addi %rem3A_204, %select_n3A_203 : i32
        %select_n3A_214 = arith.select %and3A_212, %add3A_213, %rem3A_204 : i32
        %eq3A_215 = arith.constant 1 : i32
        %eq3A_216 = arith.cmpi eq, %select_n3A_214, %eq3A_215 : i32
        %convert_element_type3A_217 = arith.extui %eq3A_216 : i1 to i32
        %cond3A_218 = arith.constant 0 : i32
        %cond3A_219 = arith.cmpi ne, %convert_element_type3A_217, %cond3A_218 : i32
        scf.if %cond3A_219 {
          %mul3A_221 = arith.constant 4 : i32
          %mul3A_222 = arith.muli %scan3A_183, %mul3A_221 : i32
          %add3A_223 = arith.constant 0 : i32
          %add3A_224 = arith.addi %mul3A_222, %add3A_223 : i32
          %ge3A = arith.constant 2 : i32
          %ge3A_225 = arith.cmpi sge, %scan3A_183, %ge3A : i32
          %convert_element_type3A_226 = arith.extui %ge3A_225 : i1 to i32
          %cond3A_227 = arith.constant 0 : i32
          %cond3A_228 = arith.cmpi ne, %convert_element_type3A_226, %cond3A_227 : i32
          scf.if %cond3A_228 {
            %dma_wait3A_359 = arith.constant 0 : i32
            %dma_wait3A_360 = arith.constant 0 : i32
            %dma_wait3A_361 = tpu.memref_slice %arg10[%dma_wait3A_359, %dma_wait3A_360] : memref<40x128xi32, #tpu.memory_space<vmem>> -> memref<1x128xi32, #tpu.memory_space<vmem>>
            %dma_wait3A_362 = tpu.memref_squeeze %dma_wait3A_361 : memref<1x128xi32, #tpu.memory_space<vmem>> -> memref<128xi32, #tpu.memory_space<vmem>>
            %dma_wait3A_363 = arith.constant 0 : i32
            %dma_wait3A_364 = arith.constant 0 : i32
            %dma_wait3A_365 = tpu.memref_slice %arg19[%dma_wait3A_363, %dma_wait3A_364] : memref<51200x16xf32, #tpu.memory_space<vmem_shared>> -> memref<51200x16xf32, #tpu.memory_space<vmem_shared>>
            tpu.wait_indirect_dma semaphore(%arg32 : memref<!tpu.dma_semaphore, #tpu.memory_space<semaphore_mem>>) src(%arg15 : memref<128x16xf32, #tpu.memory_space<vmem>>) dst(%dma_wait3A_365 : memref<51200x16xf32, #tpu.memory_space<vmem_shared>>)
          } else {
          }
          %eq3A_229 = arith.constant 0 : i32
          %eq3A_230 = arith.cmpi eq, %arg0, %eq3A_229 : i32
          %convert_element_type3A_231 = arith.extui %eq3A_230 : i1 to i32
          %cond3A_232 = arith.constant 0 : i32
          %cond3A_233 = arith.cmpi ne, %convert_element_type3A_231, %cond3A_232 : i32
          scf.if %cond3A_233 {
            %dma_start3A_359 = arith.constant 0 : i32
            %dma_start3A_360 = tpu.memref_slice %arg9[%add3A_224, %dma_start3A_359] : memref<40x128xi32, #tpu.memory_space<vmem>> -> memref<1x128xi32, #tpu.memory_space<vmem>>
            %dma_start3A_361 = tpu.memref_squeeze %dma_start3A_360 : memref<1x128xi32, #tpu.memory_space<vmem>> -> memref<128xi32, #tpu.memory_space<vmem>>
            %dma_start3A_362 = arith.constant 0 : i32
            %dma_start3A_363 = arith.constant 0 : i32
            %dma_start3A_364 = tpu.memref_slice %arg4[%dma_start3A_362, %dma_start3A_363] : memref<51200x16xf32, #tpu.memory_space<hbm>> -> memref<51200x16xf32, #tpu.memory_space<hbm>>
            tpu.enqueue_indirect_dma source(%dma_start3A_364 : memref<51200x16xf32, #tpu.memory_space<hbm>>) target(%arg15 : memref<128x16xf32, #tpu.memory_space<vmem>>) offsets(%dma_start3A_361 : memref<128xi32, #tpu.memory_space<vmem>>) semaphore(%arg24 : memref<!tpu.dma_semaphore, #tpu.memory_space<semaphore_mem>>)
          } else {
          }
          %eq3A_234 = arith.constant 1 : i32
          %eq3A_235 = arith.cmpi eq, %arg0, %eq3A_234 : i32
          %convert_element_type3A_236 = arith.extui %eq3A_235 : i1 to i32
          %cond3A_237 = arith.constant 0 : i32
          %cond3A_238 = arith.cmpi ne, %convert_element_type3A_236, %cond3A_237 : i32
          scf.if %cond3A_238 {
            %dma_start3A_359 = arith.constant 0 : i32
            %dma_start3A_360 = tpu.memref_slice %arg9[%add3A_224, %dma_start3A_359] : memref<40x128xi32, #tpu.memory_space<vmem>> -> memref<1x128xi32, #tpu.memory_space<vmem>>
            %dma_start3A_361 = tpu.memref_squeeze %dma_start3A_360 : memref<1x128xi32, #tpu.memory_space<vmem>> -> memref<128xi32, #tpu.memory_space<vmem>>
            %dma_start3A_362 = arith.constant 0 : i32
            %dma_start3A_363 = arith.constant 0 : i32
            %dma_start3A_364 = tpu.memref_slice %arg6[%dma_start3A_362, %dma_start3A_363] : memref<51200x16xf32, #tpu.memory_space<hbm>> -> memref<51200x16xf32, #tpu.memory_space<hbm>>
            tpu.enqueue_indirect_dma source(%dma_start3A_364 : memref<51200x16xf32, #tpu.memory_space<hbm>>) target(%arg15 : memref<128x16xf32, #tpu.memory_space<vmem>>) offsets(%dma_start3A_361 : memref<128xi32, #tpu.memory_space<vmem>>) semaphore(%arg24 : memref<!tpu.dma_semaphore, #tpu.memory_space<semaphore_mem>>)
          } else {
          }
          %mul3A_239 = arith.constant 4 : i32
          %mul3A_240 = arith.muli %scan3A_183, %mul3A_239 : i32
          %add3A_241 = arith.constant 1 : i32
          %add3A_242 = arith.addi %mul3A_240, %add3A_241 : i32
          %ge3A_243 = arith.constant 2 : i32
          %ge3A_244 = arith.cmpi sge, %scan3A_183, %ge3A_243 : i32
          %convert_element_type3A_245 = arith.extui %ge3A_244 : i1 to i32
          %cond3A_246 = arith.constant 0 : i32
          %cond3A_247 = arith.cmpi ne, %convert_element_type3A_245, %cond3A_246 : i32
          scf.if %cond3A_247 {
            %dma_wait3A_359 = arith.constant 0 : i32
            %dma_wait3A_360 = arith.constant 0 : i32
            %dma_wait3A_361 = tpu.memref_slice %arg10[%dma_wait3A_359, %dma_wait3A_360] : memref<40x128xi32, #tpu.memory_space<vmem>> -> memref<1x128xi32, #tpu.memory_space<vmem>>
            %dma_wait3A_362 = tpu.memref_squeeze %dma_wait3A_361 : memref<1x128xi32, #tpu.memory_space<vmem>> -> memref<128xi32, #tpu.memory_space<vmem>>
            %dma_wait3A_363 = arith.constant 0 : i32
            %dma_wait3A_364 = arith.constant 0 : i32
            %dma_wait3A_365 = tpu.memref_slice %arg19[%dma_wait3A_363, %dma_wait3A_364] : memref<51200x16xf32, #tpu.memory_space<vmem_shared>> -> memref<51200x16xf32, #tpu.memory_space<vmem_shared>>
            tpu.wait_indirect_dma semaphore(%arg33 : memref<!tpu.dma_semaphore, #tpu.memory_space<semaphore_mem>>) src(%arg16 : memref<128x16xf32, #tpu.memory_space<vmem>>) dst(%dma_wait3A_365 : memref<51200x16xf32, #tpu.memory_space<vmem_shared>>)
          } else {
          }
          %eq3A_248 = arith.constant 0 : i32
          %eq3A_249 = arith.cmpi eq, %arg0, %eq3A_248 : i32
          %convert_element_type3A_250 = arith.extui %eq3A_249 : i1 to i32
          %cond3A_251 = arith.constant 0 : i32
          %cond3A_252 = arith.cmpi ne, %convert_element_type3A_250, %cond3A_251 : i32
          scf.if %cond3A_252 {
            %dma_start3A_359 = arith.constant 0 : i32
            %dma_start3A_360 = tpu.memref_slice %arg9[%add3A_242, %dma_start3A_359] : memref<40x128xi32, #tpu.memory_space<vmem>> -> memref<1x128xi32, #tpu.memory_space<vmem>>
            %dma_start3A_361 = tpu.memref_squeeze %dma_start3A_360 : memref<1x128xi32, #tpu.memory_space<vmem>> -> memref<128xi32, #tpu.memory_space<vmem>>
            %dma_start3A_362 = arith.constant 0 : i32
            %dma_start3A_363 = arith.constant 0 : i32
            %dma_start3A_364 = tpu.memref_slice %arg4[%dma_start3A_362, %dma_start3A_363] : memref<51200x16xf32, #tpu.memory_space<hbm>> -> memref<51200x16xf32, #tpu.memory_space<hbm>>
            tpu.enqueue_indirect_dma source(%dma_start3A_364 : memref<51200x16xf32, #tpu.memory_space<hbm>>) target(%arg16 : memref<128x16xf32, #tpu.memory_space<vmem>>) offsets(%dma_start3A_361 : memref<128xi32, #tpu.memory_space<vmem>>) semaphore(%arg25 : memref<!tpu.dma_semaphore, #tpu.memory_space<semaphore_mem>>)
          } else {
          }
          %eq3A_253 = arith.constant 1 : i32
          %eq3A_254 = arith.cmpi eq, %arg0, %eq3A_253 : i32
          %convert_element_type3A_255 = arith.extui %eq3A_254 : i1 to i32
          %cond3A_256 = arith.constant 0 : i32
          %cond3A_257 = arith.cmpi ne, %convert_element_type3A_255, %cond3A_256 : i32
          scf.if %cond3A_257 {
            %dma_start3A_359 = arith.constant 0 : i32
            %dma_start3A_360 = tpu.memref_slice %arg9[%add3A_242, %dma_start3A_359] : memref<40x128xi32, #tpu.memory_space<vmem>> -> memref<1x128xi32, #tpu.memory_space<vmem>>
            %dma_start3A_361 = tpu.memref_squeeze %dma_start3A_360 : memref<1x128xi32, #tpu.memory_space<vmem>> -> memref<128xi32, #tpu.memory_space<vmem>>
            %dma_start3A_362 = arith.constant 0 : i32
            %dma_start3A_363 = arith.constant 0 : i32
            %dma_start3A_364 = tpu.memref_slice %arg6[%dma_start3A_362, %dma_start3A_363] : memref<51200x16xf32, #tpu.memory_space<hbm>> -> memref<51200x16xf32, #tpu.memory_space<hbm>>
            tpu.enqueue_indirect_dma source(%dma_start3A_364 : memref<51200x16xf32, #tpu.memory_space<hbm>>) target(%arg16 : memref<128x16xf32, #tpu.memory_space<vmem>>) offsets(%dma_start3A_361 : memref<128xi32, #tpu.memory_space<vmem>>) semaphore(%arg25 : memref<!tpu.dma_semaphore, #tpu.memory_space<semaphore_mem>>)
          } else {
          }
          %mul3A_258 = arith.constant 4 : i32
          %mul3A_259 = arith.muli %scan3A_183, %mul3A_258 : i32
          %add3A_260 = arith.constant 2 : i32
          %add3A_261 = arith.addi %mul3A_259, %add3A_260 : i32
          %ge3A_262 = arith.constant 2 : i32
          %ge3A_263 = arith.cmpi sge, %scan3A_183, %ge3A_262 : i32
          %convert_element_type3A_264 = arith.extui %ge3A_263 : i1 to i32
          %cond3A_265 = arith.constant 0 : i32
          %cond3A_266 = arith.cmpi ne, %convert_element_type3A_264, %cond3A_265 : i32
          scf.if %cond3A_266 {
            %dma_wait3A_359 = arith.constant 0 : i32
            %dma_wait3A_360 = arith.constant 0 : i32
            %dma_wait3A_361 = tpu.memref_slice %arg10[%dma_wait3A_359, %dma_wait3A_360] : memref<40x128xi32, #tpu.memory_space<vmem>> -> memref<1x128xi32, #tpu.memory_space<vmem>>
            %dma_wait3A_362 = tpu.memref_squeeze %dma_wait3A_361 : memref<1x128xi32, #tpu.memory_space<vmem>> -> memref<128xi32, #tpu.memory_space<vmem>>
            %dma_wait3A_363 = arith.constant 0 : i32
            %dma_wait3A_364 = arith.constant 0 : i32
            %dma_wait3A_365 = tpu.memref_slice %arg19[%dma_wait3A_363, %dma_wait3A_364] : memref<51200x16xf32, #tpu.memory_space<vmem_shared>> -> memref<51200x16xf32, #tpu.memory_space<vmem_shared>>
            tpu.wait_indirect_dma semaphore(%arg34 : memref<!tpu.dma_semaphore, #tpu.memory_space<semaphore_mem>>) src(%arg17 : memref<128x16xf32, #tpu.memory_space<vmem>>) dst(%dma_wait3A_365 : memref<51200x16xf32, #tpu.memory_space<vmem_shared>>)
          } else {
          }
          %eq3A_267 = arith.constant 0 : i32
          %eq3A_268 = arith.cmpi eq, %arg0, %eq3A_267 : i32
          %convert_element_type3A_269 = arith.extui %eq3A_268 : i1 to i32
          %cond3A_270 = arith.constant 0 : i32
          %cond3A_271 = arith.cmpi ne, %convert_element_type3A_269, %cond3A_270 : i32
          scf.if %cond3A_271 {
            %dma_start3A_359 = arith.constant 0 : i32
            %dma_start3A_360 = tpu.memref_slice %arg9[%add3A_261, %dma_start3A_359] : memref<40x128xi32, #tpu.memory_space<vmem>> -> memref<1x128xi32, #tpu.memory_space<vmem>>
            %dma_start3A_361 = tpu.memref_squeeze %dma_start3A_360 : memref<1x128xi32, #tpu.memory_space<vmem>> -> memref<128xi32, #tpu.memory_space<vmem>>
            %dma_start3A_362 = arith.constant 0 : i32
            %dma_start3A_363 = arith.constant 0 : i32
            %dma_start3A_364 = tpu.memref_slice %arg4[%dma_start3A_362, %dma_start3A_363] : memref<51200x16xf32, #tpu.memory_space<hbm>> -> memref<51200x16xf32, #tpu.memory_space<hbm>>
            tpu.enqueue_indirect_dma source(%dma_start3A_364 : memref<51200x16xf32, #tpu.memory_space<hbm>>) target(%arg17 : memref<128x16xf32, #tpu.memory_space<vmem>>) offsets(%dma_start3A_361 : memref<128xi32, #tpu.memory_space<vmem>>) semaphore(%arg26 : memref<!tpu.dma_semaphore, #tpu.memory_space<semaphore_mem>>)
          } else {
          }
          %eq3A_272 = arith.constant 1 : i32
          %eq3A_273 = arith.cmpi eq, %arg0, %eq3A_272 : i32
          %convert_element_type3A_274 = arith.extui %eq3A_273 : i1 to i32
          %cond3A_275 = arith.constant 0 : i32
          %cond3A_276 = arith.cmpi ne, %convert_element_type3A_274, %cond3A_275 : i32
          scf.if %cond3A_276 {
            %dma_start3A_359 = arith.constant 0 : i32
            %dma_start3A_360 = tpu.memref_slice %arg9[%add3A_261, %dma_start3A_359] : memref<40x128xi32, #tpu.memory_space<vmem>> -> memref<1x128xi32, #tpu.memory_space<vmem>>
            %dma_start3A_361 = tpu.memref_squeeze %dma_start3A_360 : memref<1x128xi32, #tpu.memory_space<vmem>> -> memref<128xi32, #tpu.memory_space<vmem>>
            %dma_start3A_362 = arith.constant 0 : i32
            %dma_start3A_363 = arith.constant 0 : i32
            %dma_start3A_364 = tpu.memref_slice %arg6[%dma_start3A_362, %dma_start3A_363] : memref<51200x16xf32, #tpu.memory_space<hbm>> -> memref<51200x16xf32, #tpu.memory_space<hbm>>
            tpu.enqueue_indirect_dma source(%dma_start3A_364 : memref<51200x16xf32, #tpu.memory_space<hbm>>) target(%arg17 : memref<128x16xf32, #tpu.memory_space<vmem>>) offsets(%dma_start3A_361 : memref<128xi32, #tpu.memory_space<vmem>>) semaphore(%arg26 : memref<!tpu.dma_semaphore, #tpu.memory_space<semaphore_mem>>)
          } else {
          }
          %mul3A_277 = arith.constant 4 : i32
          %mul3A_278 = arith.muli %scan3A_183, %mul3A_277 : i32
          %add3A_279 = arith.constant 3 : i32
          %add3A_280 = arith.addi %mul3A_278, %add3A_279 : i32
          %ge3A_281 = arith.constant 2 : i32
          %ge3A_282 = arith.cmpi sge, %scan3A_183, %ge3A_281 : i32
          %convert_element_type3A_283 = arith.extui %ge3A_282 : i1 to i32
          %cond3A_284 = arith.constant 0 : i32
          %cond3A_285 = arith.cmpi ne, %convert_element_type3A_283, %cond3A_284 : i32
          scf.if %cond3A_285 {
            %dma_wait3A_359 = arith.constant 0 : i32
            %dma_wait3A_360 = arith.constant 0 : i32
            %dma_wait3A_361 = tpu.memref_slice %arg10[%dma_wait3A_359, %dma_wait3A_360] : memref<40x128xi32, #tpu.memory_space<vmem>> -> memref<1x128xi32, #tpu.memory_space<vmem>>
            %dma_wait3A_362 = tpu.memref_squeeze %dma_wait3A_361 : memref<1x128xi32, #tpu.memory_space<vmem>> -> memref<128xi32, #tpu.memory_space<vmem>>
            %dma_wait3A_363 = arith.constant 0 : i32
            %dma_wait3A_364 = arith.constant 0 : i32
            %dma_wait3A_365 = tpu.memref_slice %arg19[%dma_wait3A_363, %dma_wait3A_364] : memref<51200x16xf32, #tpu.memory_space<vmem_shared>> -> memref<51200x16xf32, #tpu.memory_space<vmem_shared>>
            tpu.wait_indirect_dma semaphore(%arg35 : memref<!tpu.dma_semaphore, #tpu.memory_space<semaphore_mem>>) src(%arg18 : memref<128x16xf32, #tpu.memory_space<vmem>>) dst(%dma_wait3A_365 : memref<51200x16xf32, #tpu.memory_space<vmem_shared>>)
          } else {
          }
          %eq3A_286 = arith.constant 0 : i32
          %eq3A_287 = arith.cmpi eq, %arg0, %eq3A_286 : i32
          %convert_element_type3A_288 = arith.extui %eq3A_287 : i1 to i32
          %cond3A_289 = arith.constant 0 : i32
          %cond3A_290 = arith.cmpi ne, %convert_element_type3A_288, %cond3A_289 : i32
          scf.if %cond3A_290 {
            %dma_start3A_359 = arith.constant 0 : i32
            %dma_start3A_360 = tpu.memref_slice %arg9[%add3A_280, %dma_start3A_359] : memref<40x128xi32, #tpu.memory_space<vmem>> -> memref<1x128xi32, #tpu.memory_space<vmem>>
            %dma_start3A_361 = tpu.memref_squeeze %dma_start3A_360 : memref<1x128xi32, #tpu.memory_space<vmem>> -> memref<128xi32, #tpu.memory_space<vmem>>
            %dma_start3A_362 = arith.constant 0 : i32
            %dma_start3A_363 = arith.constant 0 : i32
            %dma_start3A_364 = tpu.memref_slice %arg4[%dma_start3A_362, %dma_start3A_363] : memref<51200x16xf32, #tpu.memory_space<hbm>> -> memref<51200x16xf32, #tpu.memory_space<hbm>>
            tpu.enqueue_indirect_dma source(%dma_start3A_364 : memref<51200x16xf32, #tpu.memory_space<hbm>>) target(%arg18 : memref<128x16xf32, #tpu.memory_space<vmem>>) offsets(%dma_start3A_361 : memref<128xi32, #tpu.memory_space<vmem>>) semaphore(%arg27 : memref<!tpu.dma_semaphore, #tpu.memory_space<semaphore_mem>>)
          } else {
          }
          %eq3A_291 = arith.constant 1 : i32
          %eq3A_292 = arith.cmpi eq, %arg0, %eq3A_291 : i32
          %convert_element_type3A_293 = arith.extui %eq3A_292 : i1 to i32
          %cond3A_294 = arith.constant 0 : i32
          %cond3A_295 = arith.cmpi ne, %convert_element_type3A_293, %cond3A_294 : i32
          scf.if %cond3A_295 {
            %dma_start3A_359 = arith.constant 0 : i32
            %dma_start3A_360 = tpu.memref_slice %arg9[%add3A_280, %dma_start3A_359] : memref<40x128xi32, #tpu.memory_space<vmem>> -> memref<1x128xi32, #tpu.memory_space<vmem>>
            %dma_start3A_361 = tpu.memref_squeeze %dma_start3A_360 : memref<1x128xi32, #tpu.memory_space<vmem>> -> memref<128xi32, #tpu.memory_space<vmem>>
            %dma_start3A_362 = arith.constant 0 : i32
            %dma_start3A_363 = arith.constant 0 : i32
            %dma_start3A_364 = tpu.memref_slice %arg6[%dma_start3A_362, %dma_start3A_363] : memref<51200x16xf32, #tpu.memory_space<hbm>> -> memref<51200x16xf32, #tpu.memory_space<hbm>>
            tpu.enqueue_indirect_dma source(%dma_start3A_364 : memref<51200x16xf32, #tpu.memory_space<hbm>>) target(%arg18 : memref<128x16xf32, #tpu.memory_space<vmem>>) offsets(%dma_start3A_361 : memref<128xi32, #tpu.memory_space<vmem>>) semaphore(%arg27 : memref<!tpu.dma_semaphore, #tpu.memory_space<semaphore_mem>>)
          } else {
          }
          %mul3A_296 = arith.constant 4 : i32
          %mul3A_297 = arith.muli %scan3A_183, %mul3A_296 : i32
          %add3A_298 = arith.constant 0 : i32
          %add3A_299 = arith.addi %mul3A_297, %add3A_298 : i32
          %dma_wait3A_300 = arith.constant 0 : i32
          %dma_wait3A_301 = tpu.memref_slice %arg9[%add3A_299, %dma_wait3A_300] : memref<40x128xi32, #tpu.memory_space<vmem>> -> memref<1x128xi32, #tpu.memory_space<vmem>>
          %dma_wait3A_302 = tpu.memref_squeeze %dma_wait3A_301 : memref<1x128xi32, #tpu.memory_space<vmem>> -> memref<128xi32, #tpu.memory_space<vmem>>
          %dma_wait3A_303 = arith.constant 0 : i32
          %dma_wait3A_304 = arith.constant 0 : i32
          %dma_wait3A_305 = tpu.memref_slice %arg4[%dma_wait3A_303, %dma_wait3A_304] : memref<51200x16xf32, #tpu.memory_space<hbm>> -> memref<51200x16xf32, #tpu.memory_space<hbm>>
          tpu.wait_indirect_dma semaphore(%arg24 : memref<!tpu.dma_semaphore, #tpu.memory_space<semaphore_mem>>) src(%dma_wait3A_305 : memref<51200x16xf32, #tpu.memory_space<hbm>>) dst(%arg15 : memref<128x16xf32, #tpu.memory_space<vmem>>)
          %dma_start3A = arith.constant 0 : i32
          %dma_start3A_306 = tpu.memref_slice %arg10[%add3A_299, %dma_start3A] : memref<40x128xi32, #tpu.memory_space<vmem>> -> memref<1x128xi32, #tpu.memory_space<vmem>>
          %dma_start3A_307 = tpu.memref_squeeze %dma_start3A_306 : memref<1x128xi32, #tpu.memory_space<vmem>> -> memref<128xi32, #tpu.memory_space<vmem>>
          %dma_start3A_308 = arith.constant 0 : i32
          %dma_start3A_309 = arith.constant 0 : i32
          %dma_start3A_310 = tpu.memref_slice %arg19[%dma_start3A_308, %dma_start3A_309] : memref<51200x16xf32, #tpu.memory_space<vmem_shared>> -> memref<51200x16xf32, #tpu.memory_space<vmem_shared>>
          tpu.enqueue_indirect_dma source(%arg15 : memref<128x16xf32, #tpu.memory_space<vmem>>) target(%dma_start3A_310 : memref<51200x16xf32, #tpu.memory_space<vmem_shared>>) offsets(%dma_start3A_307 : memref<128xi32, #tpu.memory_space<vmem>>) semaphore(%arg32 : memref<!tpu.dma_semaphore, #tpu.memory_space<semaphore_mem>>) {add = true}
          %mul3A_311 = arith.constant 4 : i32
          %mul3A_312 = arith.muli %scan3A_183, %mul3A_311 : i32
          %add3A_313 = arith.constant 1 : i32
          %add3A_314 = arith.addi %mul3A_312, %add3A_313 : i32
          %dma_wait3A_315 = arith.constant 0 : i32
          %dma_wait3A_316 = tpu.memref_slice %arg9[%add3A_314, %dma_wait3A_315] : memref<40x128xi32, #tpu.memory_space<vmem>> -> memref<1x128xi32, #tpu.memory_space<vmem>>
          %dma_wait3A_317 = tpu.memref_squeeze %dma_wait3A_316 : memref<1x128xi32, #tpu.memory_space<vmem>> -> memref<128xi32, #tpu.memory_space<vmem>>
          %dma_wait3A_318 = arith.constant 0 : i32
          %dma_wait3A_319 = arith.constant 0 : i32
          %dma_wait3A_320 = tpu.memref_slice %arg4[%dma_wait3A_318, %dma_wait3A_319] : memref<51200x16xf32, #tpu.memory_space<hbm>> -> memref<51200x16xf32, #tpu.memory_space<hbm>>
          tpu.wait_indirect_dma semaphore(%arg25 : memref<!tpu.dma_semaphore, #tpu.memory_space<semaphore_mem>>) src(%dma_wait3A_320 : memref<51200x16xf32, #tpu.memory_space<hbm>>) dst(%arg16 : memref<128x16xf32, #tpu.memory_space<vmem>>)
          %dma_start3A_321 = arith.constant 0 : i32
          %dma_start3A_322 = tpu.memref_slice %arg10[%add3A_314, %dma_start3A_321] : memref<40x128xi32, #tpu.memory_space<vmem>> -> memref<1x128xi32, #tpu.memory_space<vmem>>
          %dma_start3A_323 = tpu.memref_squeeze %dma_start3A_322 : memref<1x128xi32, #tpu.memory_space<vmem>> -> memref<128xi32, #tpu.memory_space<vmem>>
          %dma_start3A_324 = arith.constant 0 : i32
          %dma_start3A_325 = arith.constant 0 : i32
          %dma_start3A_326 = tpu.memref_slice %arg19[%dma_start3A_324, %dma_start3A_325] : memref<51200x16xf32, #tpu.memory_space<vmem_shared>> -> memref<51200x16xf32, #tpu.memory_space<vmem_shared>>
          tpu.enqueue_indirect_dma source(%arg16 : memref<128x16xf32, #tpu.memory_space<vmem>>) target(%dma_start3A_326 : memref<51200x16xf32, #tpu.memory_space<vmem_shared>>) offsets(%dma_start3A_323 : memref<128xi32, #tpu.memory_space<vmem>>) semaphore(%arg33 : memref<!tpu.dma_semaphore, #tpu.memory_space<semaphore_mem>>) {add = true}
          %mul3A_327 = arith.constant 4 : i32
          %mul3A_328 = arith.muli %scan3A_183, %mul3A_327 : i32
          %add3A_329 = arith.constant 2 : i32
          %add3A_330 = arith.addi %mul3A_328, %add3A_329 : i32
          %dma_wait3A_331 = arith.constant 0 : i32
          %dma_wait3A_332 = tpu.memref_slice %arg9[%add3A_330, %dma_wait3A_331] : memref<40x128xi32, #tpu.memory_space<vmem>> -> memref<1x128xi32, #tpu.memory_space<vmem>>
          %dma_wait3A_333 = tpu.memref_squeeze %dma_wait3A_332 : memref<1x128xi32, #tpu.memory_space<vmem>> -> memref<128xi32, #tpu.memory_space<vmem>>
          %dma_wait3A_334 = arith.constant 0 : i32
          %dma_wait3A_335 = arith.constant 0 : i32
          %dma_wait3A_336 = tpu.memref_slice %arg4[%dma_wait3A_334, %dma_wait3A_335] : memref<51200x16xf32, #tpu.memory_space<hbm>> -> memref<51200x16xf32, #tpu.memory_space<hbm>>
          tpu.wait_indirect_dma semaphore(%arg26 : memref<!tpu.dma_semaphore, #tpu.memory_space<semaphore_mem>>) src(%dma_wait3A_336 : memref<51200x16xf32, #tpu.memory_space<hbm>>) dst(%arg17 : memref<128x16xf32, #tpu.memory_space<vmem>>)
          %dma_start3A_337 = arith.constant 0 : i32
          %dma_start3A_338 = tpu.memref_slice %arg10[%add3A_330, %dma_start3A_337] : memref<40x128xi32, #tpu.memory_space<vmem>> -> memref<1x128xi32, #tpu.memory_space<vmem>>
          %dma_start3A_339 = tpu.memref_squeeze %dma_start3A_338 : memref<1x128xi32, #tpu.memory_space<vmem>> -> memref<128xi32, #tpu.memory_space<vmem>>
          %dma_start3A_340 = arith.constant 0 : i32
          %dma_start3A_341 = arith.constant 0 : i32
          %dma_start3A_342 = tpu.memref_slice %arg19[%dma_start3A_340, %dma_start3A_341] : memref<51200x16xf32, #tpu.memory_space<vmem_shared>> -> memref<51200x16xf32, #tpu.memory_space<vmem_shared>>
          tpu.enqueue_indirect_dma source(%arg17 : memref<128x16xf32, #tpu.memory_space<vmem>>) target(%dma_start3A_342 : memref<51200x16xf32, #tpu.memory_space<vmem_shared>>) offsets(%dma_start3A_339 : memref<128xi32, #tpu.memory_space<vmem>>) semaphore(%arg34 : memref<!tpu.dma_semaphore, #tpu.memory_space<semaphore_mem>>) {add = true}
          %mul3A_343 = arith.constant 4 : i32
          %mul3A_344 = arith.muli %scan3A_183, %mul3A_343 : i32
          %add3A_345 = arith.constant 3 : i32
          %add3A_346 = arith.addi %mul3A_344, %add3A_345 : i32
          %dma_wait3A_347 = arith.constant 0 : i32
          %dma_wait3A_348 = tpu.memref_slice %arg9[%add3A_346, %dma_wait3A_347] : memref<40x128xi32, #tpu.memory_space<vmem>> -> memref<1x128xi32, #tpu.memory_space<vmem>>
          %dma_wait3A_349 = tpu.memref_squeeze %dma_wait3A_348 : memref<1x128xi32, #tpu.memory_space<vmem>> -> memref<128xi32, #tpu.memory_space<vmem>>
          %dma_wait3A_350 = arith.constant 0 : i32
          %dma_wait3A_351 = arith.constant 0 : i32
          %dma_wait3A_352 = tpu.memref_slice %arg4[%dma_wait3A_350, %dma_wait3A_351] : memref<51200x16xf32, #tpu.memory_space<hbm>> -> memref<51200x16xf32, #tpu.memory_space<hbm>>
          tpu.wait_indirect_dma semaphore(%arg27 : memref<!tpu.dma_semaphore, #tpu.memory_space<semaphore_mem>>) src(%dma_wait3A_352 : memref<51200x16xf32, #tpu.memory_space<hbm>>) dst(%arg18 : memref<128x16xf32, #tpu.memory_space<vmem>>)
          %dma_start3A_353 = arith.constant 0 : i32
          %dma_start3A_354 = tpu.memref_slice %arg10[%add3A_346, %dma_start3A_353] : memref<40x128xi32, #tpu.memory_space<vmem>> -> memref<1x128xi32, #tpu.memory_space<vmem>>
          %dma_start3A_355 = tpu.memref_squeeze %dma_start3A_354 : memref<1x128xi32, #tpu.memory_space<vmem>> -> memref<128xi32, #tpu.memory_space<vmem>>
          %dma_start3A_356 = arith.constant 0 : i32
          %dma_start3A_357 = arith.constant 0 : i32
          %dma_start3A_358 = tpu.memref_slice %arg19[%dma_start3A_356, %dma_start3A_357] : memref<51200x16xf32, #tpu.memory_space<vmem_shared>> -> memref<51200x16xf32, #tpu.memory_space<vmem_shared>>
          tpu.enqueue_indirect_dma source(%arg18 : memref<128x16xf32, #tpu.memory_space<vmem>>) target(%dma_start3A_358 : memref<51200x16xf32, #tpu.memory_space<vmem_shared>>) offsets(%dma_start3A_355 : memref<128xi32, #tpu.memory_space<vmem>>) semaphore(%arg35 : memref<!tpu.dma_semaphore, #tpu.memory_space<semaphore_mem>>) {add = true}
        } else {
        }
        %scan3A_220 = arith.constant 0 : i32
        scf.yield %scan3A_220 : i32
      }
      %scan3A_181 = arith.constant 10 : i32
      %scan3A_182 = arith.constant 0 : i32
      scf.yield %scan3A_182 : i32
    }
    %scan3A_22 = arith.constant 10 : i32
    %dma_wait3A = arith.constant 0 : i32
    %dma_wait3A_23 = arith.constant 0 : i32
    %dma_wait3A_24 = tpu.memref_slice %arg10[%dma_wait3A, %dma_wait3A_23] : memref<40x128xi32, #tpu.memory_space<vmem>> -> memref<1x128xi32, #tpu.memory_space<vmem>>
    %dma_wait3A_25 = tpu.memref_squeeze %dma_wait3A_24 : memref<1x128xi32, #tpu.memory_space<vmem>> -> memref<128xi32, #tpu.memory_space<vmem>>
    %dma_wait3A_26 = arith.constant 0 : i32
    %dma_wait3A_27 = arith.constant 0 : i32
    %dma_wait3A_28 = tpu.memref_slice %arg19[%dma_wait3A_26, %dma_wait3A_27] : memref<51200x16xf32, #tpu.memory_space<vmem_shared>> -> memref<51200x16xf32, #tpu.memory_space<vmem_shared>>
    tpu.wait_indirect_dma semaphore(%arg28 : memref<!tpu.dma_semaphore, #tpu.memory_space<semaphore_mem>>) src(%arg11 : memref<128x16xf32, #tpu.memory_space<vmem>>) dst(%dma_wait3A_28 : memref<51200x16xf32, #tpu.memory_space<vmem_shared>>)
    %dma_wait3A_29 = arith.constant 0 : i32
    %dma_wait3A_30 = arith.constant 0 : i32
    %dma_wait3A_31 = tpu.memref_slice %arg10[%dma_wait3A_29, %dma_wait3A_30] : memref<40x128xi32, #tpu.memory_space<vmem>> -> memref<1x128xi32, #tpu.memory_space<vmem>>
    %dma_wait3A_32 = tpu.memref_squeeze %dma_wait3A_31 : memref<1x128xi32, #tpu.memory_space<vmem>> -> memref<128xi32, #tpu.memory_space<vmem>>
    %dma_wait3A_33 = arith.constant 0 : i32
    %dma_wait3A_34 = arith.constant 0 : i32
    %dma_wait3A_35 = tpu.memref_slice %arg19[%dma_wait3A_33, %dma_wait3A_34] : memref<51200x16xf32, #tpu.memory_space<vmem_shared>> -> memref<51200x16xf32, #tpu.memory_space<vmem_shared>>
    tpu.wait_indirect_dma semaphore(%arg29 : memref<!tpu.dma_semaphore, #tpu.memory_space<semaphore_mem>>) src(%arg12 : memref<128x16xf32, #tpu.memory_space<vmem>>) dst(%dma_wait3A_35 : memref<51200x16xf32, #tpu.memory_space<vmem_shared>>)
    %dma_wait3A_36 = arith.constant 0 : i32
    %dma_wait3A_37 = arith.constant 0 : i32
    %dma_wait3A_38 = tpu.memref_slice %arg10[%dma_wait3A_36, %dma_wait3A_37] : memref<40x128xi32, #tpu.memory_space<vmem>> -> memref<1x128xi32, #tpu.memory_space<vmem>>
    %dma_wait3A_39 = tpu.memref_squeeze %dma_wait3A_38 : memref<1x128xi32, #tpu.memory_space<vmem>> -> memref<128xi32, #tpu.memory_space<vmem>>
    %dma_wait3A_40 = arith.constant 0 : i32
    %dma_wait3A_41 = arith.constant 0 : i32
    %dma_wait3A_42 = tpu.memref_slice %arg19[%dma_wait3A_40, %dma_wait3A_41] : memref<51200x16xf32, #tpu.memory_space<vmem_shared>> -> memref<51200x16xf32, #tpu.memory_space<vmem_shared>>
    tpu.wait_indirect_dma semaphore(%arg30 : memref<!tpu.dma_semaphore, #tpu.memory_space<semaphore_mem>>) src(%arg13 : memref<128x16xf32, #tpu.memory_space<vmem>>) dst(%dma_wait3A_42 : memref<51200x16xf32, #tpu.memory_space<vmem_shared>>)
    %dma_wait3A_43 = arith.constant 0 : i32
    %dma_wait3A_44 = arith.constant 0 : i32
    %dma_wait3A_45 = tpu.memref_slice %arg10[%dma_wait3A_43, %dma_wait3A_44] : memref<40x128xi32, #tpu.memory_space<vmem>> -> memref<1x128xi32, #tpu.memory_space<vmem>>
    %dma_wait3A_46 = tpu.memref_squeeze %dma_wait3A_45 : memref<1x128xi32, #tpu.memory_space<vmem>> -> memref<128xi32, #tpu.memory_space<vmem>>
    %dma_wait3A_47 = arith.constant 0 : i32
    %dma_wait3A_48 = arith.constant 0 : i32
    %dma_wait3A_49 = tpu.memref_slice %arg19[%dma_wait3A_47, %dma_wait3A_48] : memref<51200x16xf32, #tpu.memory_space<vmem_shared>> -> memref<51200x16xf32, #tpu.memory_space<vmem_shared>>
    tpu.wait_indirect_dma semaphore(%arg31 : memref<!tpu.dma_semaphore, #tpu.memory_space<semaphore_mem>>) src(%arg14 : memref<128x16xf32, #tpu.memory_space<vmem>>) dst(%dma_wait3A_49 : memref<51200x16xf32, #tpu.memory_space<vmem_shared>>)
    %dma_wait3A_50 = arith.constant 0 : i32
    %dma_wait3A_51 = arith.constant 0 : i32
    %dma_wait3A_52 = tpu.memref_slice %arg10[%dma_wait3A_50, %dma_wait3A_51] : memref<40x128xi32, #tpu.memory_space<vmem>> -> memref<1x128xi32, #tpu.memory_space<vmem>>
    %dma_wait3A_53 = tpu.memref_squeeze %dma_wait3A_52 : memref<1x128xi32, #tpu.memory_space<vmem>> -> memref<128xi32, #tpu.memory_space<vmem>>
    %dma_wait3A_54 = arith.constant 0 : i32
    %dma_wait3A_55 = arith.constant 0 : i32
    %dma_wait3A_56 = tpu.memref_slice %arg19[%dma_wait3A_54, %dma_wait3A_55] : memref<51200x16xf32, #tpu.memory_space<vmem_shared>> -> memref<51200x16xf32, #tpu.memory_space<vmem_shared>>
    tpu.wait_indirect_dma semaphore(%arg32 : memref<!tpu.dma_semaphore, #tpu.memory_space<semaphore_mem>>) src(%arg15 : memref<128x16xf32, #tpu.memory_space<vmem>>) dst(%dma_wait3A_56 : memref<51200x16xf32, #tpu.memory_space<vmem_shared>>)
    %dma_wait3A_57 = arith.constant 0 : i32
    %dma_wait3A_58 = arith.constant 0 : i32
    %dma_wait3A_59 = tpu.memref_slice %arg10[%dma_wait3A_57, %dma_wait3A_58] : memref<40x128xi32, #tpu.memory_space<vmem>> -> memref<1x128xi32, #tpu.memory_space<vmem>>
    %dma_wait3A_60 = tpu.memref_squeeze %dma_wait3A_59 : memref<1x128xi32, #tpu.memory_space<vmem>> -> memref<128xi32, #tpu.memory_space<vmem>>
    %dma_wait3A_61 = arith.constant 0 : i32
    %dma_wait3A_62 = arith.constant 0 : i32
    %dma_wait3A_63 = tpu.memref_slice %arg19[%dma_wait3A_61, %dma_wait3A_62] : memref<51200x16xf32, #tpu.memory_space<vmem_shared>> -> memref<51200x16xf32, #tpu.memory_space<vmem_shared>>
    tpu.wait_indirect_dma semaphore(%arg33 : memref<!tpu.dma_semaphore, #tpu.memory_space<semaphore_mem>>) src(%arg16 : memref<128x16xf32, #tpu.memory_space<vmem>>) dst(%dma_wait3A_63 : memref<51200x16xf32, #tpu.memory_space<vmem_shared>>)
    %dma_wait3A_64 = arith.constant 0 : i32
    %dma_wait3A_65 = arith.constant 0 : i32
    %dma_wait3A_66 = tpu.memref_slice %arg10[%dma_wait3A_64, %dma_wait3A_65] : memref<40x128xi32, #tpu.memory_space<vmem>> -> memref<1x128xi32, #tpu.memory_space<vmem>>
    %dma_wait3A_67 = tpu.memref_squeeze %dma_wait3A_66 : memref<1x128xi32, #tpu.memory_space<vmem>> -> memref<128xi32, #tpu.memory_space<vmem>>
    %dma_wait3A_68 = arith.constant 0 : i32
    %dma_wait3A_69 = arith.constant 0 : i32
    %dma_wait3A_70 = tpu.memref_slice %arg19[%dma_wait3A_68, %dma_wait3A_69] : memref<51200x16xf32, #tpu.memory_space<vmem_shared>> -> memref<51200x16xf32, #tpu.memory_space<vmem_shared>>
    tpu.wait_indirect_dma semaphore(%arg34 : memref<!tpu.dma_semaphore, #tpu.memory_space<semaphore_mem>>) src(%arg17 : memref<128x16xf32, #tpu.memory_space<vmem>>) dst(%dma_wait3A_70 : memref<51200x16xf32, #tpu.memory_space<vmem_shared>>)
    %dma_wait3A_71 = arith.constant 0 : i32
    %dma_wait3A_72 = arith.constant 0 : i32
    %dma_wait3A_73 = tpu.memref_slice %arg10[%dma_wait3A_71, %dma_wait3A_72] : memref<40x128xi32, #tpu.memory_space<vmem>> -> memref<1x128xi32, #tpu.memory_space<vmem>>
    %dma_wait3A_74 = tpu.memref_squeeze %dma_wait3A_73 : memref<1x128xi32, #tpu.memory_space<vmem>> -> memref<128xi32, #tpu.memory_space<vmem>>
    %dma_wait3A_75 = arith.constant 0 : i32
    %dma_wait3A_76 = arith.constant 0 : i32
    %dma_wait3A_77 = tpu.memref_slice %arg19[%dma_wait3A_75, %dma_wait3A_76] : memref<51200x16xf32, #tpu.memory_space<vmem_shared>> -> memref<51200x16xf32, #tpu.memory_space<vmem_shared>>
    tpu.wait_indirect_dma semaphore(%arg35 : memref<!tpu.dma_semaphore, #tpu.memory_space<semaphore_mem>>) src(%arg18 : memref<128x16xf32, #tpu.memory_space<vmem>>) dst(%dma_wait3A_77 : memref<51200x16xf32, #tpu.memory_space<vmem_shared>>)
    %barrier3A_78 = arith.constant 0 : index
    tpu.barrier barrier_id(%barrier3A_78)
    %mul3A_79 = arith.constant 2 : i32
    %mul3A_80 = arith.muli %mul3A_79, %arg0 : i32
    %add3A = arith.constant 0 : i32
    %add3A_81 = arith.addi %mul3A_80, %add3A : i32
    "tpu.region"() ({
      %run_scoped3A = tpu.sem_alloc : memref<!tpu.dma_semaphore, #tpu.memory_space<semaphore_mem>>
      %dma_start3A = arith.constant 0 : i32
      %dma_start3A_165 = tpu.memref_slice %arg8[%add3A_81, %mul3A_0, %dma_start3A] : memref<4x51200x16xf32, #tpu.memory_space<hbm>> -> memref<1x3200x16xf32, #tpu.memory_space<hbm>>
      %dma_start3A_166 = tpu.memref_squeeze %dma_start3A_165 : memref<1x3200x16xf32, #tpu.memory_space<hbm>> -> memref<3200x16xf32, #tpu.memory_space<hbm>>
      %dma_start3A_167 = arith.constant 0 : i32
      %dma_start3A_168 = tpu.memref_slice %arg19[%mul3A_0, %dma_start3A_167] : memref<51200x16xf32, #tpu.memory_space<vmem_shared>> -> memref<3200x16xf32, #tpu.memory_space<vmem_shared>>
      tpu.enqueue_dma source(%dma_start3A_168 : memref<3200x16xf32, #tpu.memory_space<vmem_shared>>) target(%dma_start3A_166 : memref<3200x16xf32, #tpu.memory_space<hbm>>) target_semaphore(%run_scoped3A : memref<!tpu.dma_semaphore, #tpu.memory_space<semaphore_mem>>)
      %dma_wait3A_169 = arith.constant 0 : i32
      %dma_wait3A_170 = tpu.memref_slice %arg8[%add3A_81, %mul3A_0, %dma_wait3A_169] : memref<4x51200x16xf32, #tpu.memory_space<hbm>> -> memref<1x3200x16xf32, #tpu.memory_space<hbm>>
      %dma_wait3A_171 = tpu.memref_squeeze %dma_wait3A_170 : memref<1x3200x16xf32, #tpu.memory_space<hbm>> -> memref<3200x16xf32, #tpu.memory_space<hbm>>
      %dma_wait3A_172 = arith.constant 0 : i32
      %dma_wait3A_173 = tpu.memref_slice %arg19[%mul3A_0, %dma_wait3A_172] : memref<51200x16xf32, #tpu.memory_space<vmem_shared>> -> memref<3200x16xf32, #tpu.memory_space<vmem_shared>>
      tpu.wait_dma2 semaphore(%run_scoped3A : memref<!tpu.dma_semaphore, #tpu.memory_space<semaphore_mem>>) src(%dma_wait3A_173 : memref<3200x16xf32, #tpu.memory_space<vmem_shared>>) dst(%dma_wait3A_171 : memref<3200x16xf32, #tpu.memory_space<hbm>>)
      tpu.yield
    }) : () -> ()
    %scan3A_82 = arith.constant 0 : i32
    %scan3A_83 = arith.constant 0 : i32
    %scan3A_84 = arith.constant 128 : i32
    %scan3A_85 = arith.addi %scan3A_83, %scan3A_84 : i32
    %scan3A_86 = arith.constant 1 : i32
    %scan3A_87 = scf.for %scan3A_165 = %scan3A_83 to %scan3A_85 step %scan3A_86 iter_args(%scan3A_166 = %scan3A_82) -> (i32)  : i32 {
      %broadcast_in_dim3A = arith.constant 0.000000e+00 : f32
      %broadcast_in_dim3A_167 = vector.broadcast %broadcast_in_dim3A : f32 to vector<16xf32>
      %swap3A = arith.index_cast %scan3A_165 : i32 to index
      %swap3A_168 = arith.constant 0 : index
      %swap3A_169 = tpu.vector_load %arg11[%swap3A, %swap3A_168] {strides = array<i32>} : memref<128x16xf32, #tpu.memory_space<vmem>>, vector<1x16xf32>,
      %swap3A_170 = vector.shape_cast %swap3A_169 : vector<1x16xf32> to vector<16xf32>
      %swap3A_171 = vector.shape_cast %broadcast_in_dim3A_167 : vector<16xf32> to vector<1x16xf32>
      tpu.vector_store %arg11[%swap3A, %swap3A_168], %swap3A_171 {strides = array<i32>} : memref<128x16xf32, #tpu.memory_space<vmem>>, vector<1x16xf32>,
      %scan3A_172 = arith.constant 0 : i32
      scf.yield %scan3A_172 : i32
    }
    %scan3A_88 = arith.constant 128 : i32
    %scan3A_89 = arith.constant 0 : i32
    %scan3A_90 = arith.constant 0 : i32
    %scan3A_91 = arith.constant 25 : i32
    %scan3A_92 = arith.addi %scan3A_90, %scan3A_91 : i32
    %scan3A_93 = arith.constant 1 : i32
    %scan3A_94 = scf.for %scan3A_165 = %scan3A_90 to %scan3A_92 step %scan3A_93 iter_args(%scan3A_166 = %scan3A_89) -> (i32)  : i32 {
      %mul3A_167 = arith.constant 128 : i32
      %mul3A_168 = arith.muli %scan3A_165, %mul3A_167 : i32
      %add3A_169 = arith.addi %mul3A_0, %mul3A_168 : i32
      "tpu.region"() ({
        %run_scoped3A = tpu.sem_alloc : memref<!tpu.dma_semaphore, #tpu.memory_space<semaphore_mem>>
        %dma_start3A = arith.constant 0 : i32
        %dma_start3A_171 = tpu.memref_slice %arg19[%add3A_169, %dma_start3A] : memref<51200x16xf32, #tpu.memory_space<vmem_shared>> -> memref<128x16xf32, #tpu.memory_space<vmem_shared>>
        %dma_start3A_172 = arith.constant 0 : i32
        %dma_start3A_173 = tpu.memref_slice %arg19[%add3A_169, %dma_start3A_172] : memref<51200x16xf32, #tpu.memory_space<vmem_shared>> -> memref<128x16xf32, #tpu.memory_space<vmem_shared>>
        tpu.enqueue_dma source(%arg11 : memref<128x16xf32, #tpu.memory_space<vmem>>) target(%dma_start3A_173 : memref<128x16xf32, #tpu.memory_space<vmem_shared>>) target_semaphore(%run_scoped3A : memref<!tpu.dma_semaphore, #tpu.memory_space<semaphore_mem>>)
        %dma_wait3A_174 = arith.constant 0 : i32
        %dma_wait3A_175 = tpu.memref_slice %arg19[%add3A_169, %dma_wait3A_174] : memref<51200x16xf32, #tpu.memory_space<vmem_shared>> -> memref<128x16xf32, #tpu.memory_space<vmem_shared>>
        %dma_wait3A_176 = arith.constant 0 : i32
        %dma_wait3A_177 = tpu.memref_slice %arg19[%add3A_169, %dma_wait3A_176] : memref<51200x16xf32, #tpu.memory_space<vmem_shared>> -> memref<128x16xf32, #tpu.memory_space<vmem_shared>>
        tpu.wait_dma2 semaphore(%run_scoped3A : memref<!tpu.dma_semaphore, #tpu.memory_space<semaphore_mem>>) src(%arg11 : memref<128x16xf32, #tpu.memory_space<vmem>>) dst(%dma_wait3A_177 : memref<128x16xf32, #tpu.memory_space<vmem_shared>>)
        tpu.yield
      }) : () -> ()
      %scan3A_170 = arith.constant 0 : i32
      scf.yield %scan3A_170 : i32
    }
    %scan3A_95 = arith.constant 25 : i32
    %barrier3A_96 = arith.constant 0 : index
    tpu.barrier barrier_id(%barrier3A_96)
    %scan3A_97 = arith.constant 0 : i32
    %scan3A_98 = arith.constant 0 : i32
    %scan3A_99 = arith.constant 10 : i32
    %scan3A_100 = arith.addi %scan3A_98, %scan3A_99 : i32
    %scan3A_101 = arith.constant 1 : i32
    %scan3A_102 = scf.for %scan3A_165 = %scan3A_98 to %scan3A_100 step %scan3A_101 iter_args(%scan3A_166 = %scan3A_97) -> (i32)  : i32 {
      %gt3A = arith.constant 0 : i32
      %gt3A_167 = arith.cmpi sgt, %scan3A_165, %gt3A : i32
      %convert_element_type3A = arith.extui %gt3A_167 : i1 to i32
      %cond3A = arith.constant 0 : i32
      %cond3A_168 = arith.cmpi ne, %convert_element_type3A, %cond3A : i32
      scf.if %cond3A_168 {
        %dma_wait3A_183 = arith.constant 0 : i32
        %dma_wait3A_184 = arith.constant 0 : i32
        %dma_wait3A_185 = tpu.memref_slice %arg10[%dma_wait3A_183, %dma_wait3A_184] : memref<40x128xi32, #tpu.memory_space<vmem>> -> memref<1x128xi32, #tpu.memory_space<vmem>>
        %dma_wait3A_186 = tpu.memref_squeeze %dma_wait3A_185 : memref<1x128xi32, #tpu.memory_space<vmem>> -> memref<128xi32, #tpu.memory_space<vmem>>
        %dma_wait3A_187 = arith.constant 0 : i32
        %dma_wait3A_188 = arith.constant 0 : i32
        %dma_wait3A_189 = tpu.memref_slice %arg19[%dma_wait3A_187, %dma_wait3A_188] : memref<51200x16xf32, #tpu.memory_space<vmem_shared>> -> memref<51200x16xf32, #tpu.memory_space<vmem_shared>>
        tpu.wait_indirect_dma semaphore(%arg28 : memref<!tpu.dma_semaphore, #tpu.memory_space<semaphore_mem>>) src(%arg11 : memref<128x16xf32, #tpu.memory_space<vmem>>) dst(%dma_wait3A_189 : memref<51200x16xf32, #tpu.memory_space<vmem_shared>>)
        %dma_wait3A_190 = arith.constant 0 : i32
        %dma_wait3A_191 = arith.constant 0 : i32
        %dma_wait3A_192 = tpu.memref_slice %arg10[%dma_wait3A_190, %dma_wait3A_191] : memref<40x128xi32, #tpu.memory_space<vmem>> -> memref<1x128xi32, #tpu.memory_space<vmem>>
        %dma_wait3A_193 = tpu.memref_squeeze %dma_wait3A_192 : memref<1x128xi32, #tpu.memory_space<vmem>> -> memref<128xi32, #tpu.memory_space<vmem>>
        %dma_wait3A_194 = arith.constant 0 : i32
        %dma_wait3A_195 = arith.constant 0 : i32
        %dma_wait3A_196 = tpu.memref_slice %arg19[%dma_wait3A_194, %dma_wait3A_195] : memref<51200x16xf32, #tpu.memory_space<vmem_shared>> -> memref<51200x16xf32, #tpu.memory_space<vmem_shared>>
        tpu.wait_indirect_dma semaphore(%arg29 : memref<!tpu.dma_semaphore, #tpu.memory_space<semaphore_mem>>) src(%arg12 : memref<128x16xf32, #tpu.memory_space<vmem>>) dst(%dma_wait3A_196 : memref<51200x16xf32, #tpu.memory_space<vmem_shared>>)
        %dma_wait3A_197 = arith.constant 0 : i32
        %dma_wait3A_198 = arith.constant 0 : i32
        %dma_wait3A_199 = tpu.memref_slice %arg10[%dma_wait3A_197, %dma_wait3A_198] : memref<40x128xi32, #tpu.memory_space<vmem>> -> memref<1x128xi32, #tpu.memory_space<vmem>>
        %dma_wait3A_200 = tpu.memref_squeeze %dma_wait3A_199 : memref<1x128xi32, #tpu.memory_space<vmem>> -> memref<128xi32, #tpu.memory_space<vmem>>
        %dma_wait3A_201 = arith.constant 0 : i32
        %dma_wait3A_202 = arith.constant 0 : i32
        %dma_wait3A_203 = tpu.memref_slice %arg19[%dma_wait3A_201, %dma_wait3A_202] : memref<51200x16xf32, #tpu.memory_space<vmem_shared>> -> memref<51200x16xf32, #tpu.memory_space<vmem_shared>>
        tpu.wait_indirect_dma semaphore(%arg30 : memref<!tpu.dma_semaphore, #tpu.memory_space<semaphore_mem>>) src(%arg13 : memref<128x16xf32, #tpu.memory_space<vmem>>) dst(%dma_wait3A_203 : memref<51200x16xf32, #tpu.memory_space<vmem_shared>>)
        %dma_wait3A_204 = arith.constant 0 : i32
        %dma_wait3A_205 = arith.constant 0 : i32
        %dma_wait3A_206 = tpu.memref_slice %arg10[%dma_wait3A_204, %dma_wait3A_205] : memref<40x128xi32, #tpu.memory_space<vmem>> -> memref<1x128xi32, #tpu.memory_space<vmem>>
        %dma_wait3A_207 = tpu.memref_squeeze %dma_wait3A_206 : memref<1x128xi32, #tpu.memory_space<vmem>> -> memref<128xi32, #tpu.memory_space<vmem>>
        %dma_wait3A_208 = arith.constant 0 : i32
        %dma_wait3A_209 = arith.constant 0 : i32
        %dma_wait3A_210 = tpu.memref_slice %arg19[%dma_wait3A_208, %dma_wait3A_209] : memref<51200x16xf32, #tpu.memory_space<vmem_shared>> -> memref<51200x16xf32, #tpu.memory_space<vmem_shared>>
        tpu.wait_indirect_dma semaphore(%arg31 : memref<!tpu.dma_semaphore, #tpu.memory_space<semaphore_mem>>) src(%arg14 : memref<128x16xf32, #tpu.memory_space<vmem>>) dst(%dma_wait3A_210 : memref<51200x16xf32, #tpu.memory_space<vmem_shared>>)
        %dma_wait3A_211 = arith.constant 0 : i32
        %dma_wait3A_212 = arith.constant 0 : i32
        %dma_wait3A_213 = tpu.memref_slice %arg10[%dma_wait3A_211, %dma_wait3A_212] : memref<40x128xi32, #tpu.memory_space<vmem>> -> memref<1x128xi32, #tpu.memory_space<vmem>>
        %dma_wait3A_214 = tpu.memref_squeeze %dma_wait3A_213 : memref<1x128xi32, #tpu.memory_space<vmem>> -> memref<128xi32, #tpu.memory_space<vmem>>
        %dma_wait3A_215 = arith.constant 0 : i32
        %dma_wait3A_216 = arith.constant 0 : i32
        %dma_wait3A_217 = tpu.memref_slice %arg19[%dma_wait3A_215, %dma_wait3A_216] : memref<51200x16xf32, #tpu.memory_space<vmem_shared>> -> memref<51200x16xf32, #tpu.memory_space<vmem_shared>>
        tpu.wait_indirect_dma semaphore(%arg32 : memref<!tpu.dma_semaphore, #tpu.memory_space<semaphore_mem>>) src(%arg15 : memref<128x16xf32, #tpu.memory_space<vmem>>) dst(%dma_wait3A_217 : memref<51200x16xf32, #tpu.memory_space<vmem_shared>>)
        %dma_wait3A_218 = arith.constant 0 : i32
        %dma_wait3A_219 = arith.constant 0 : i32
        %dma_wait3A_220 = tpu.memref_slice %arg10[%dma_wait3A_218, %dma_wait3A_219] : memref<40x128xi32, #tpu.memory_space<vmem>> -> memref<1x128xi32, #tpu.memory_space<vmem>>
        %dma_wait3A_221 = tpu.memref_squeeze %dma_wait3A_220 : memref<1x128xi32, #tpu.memory_space<vmem>> -> memref<128xi32, #tpu.memory_space<vmem>>
        %dma_wait3A_222 = arith.constant 0 : i32
        %dma_wait3A_223 = arith.constant 0 : i32
        %dma_wait3A_224 = tpu.memref_slice %arg19[%dma_wait3A_222, %dma_wait3A_223] : memref<51200x16xf32, #tpu.memory_space<vmem_shared>> -> memref<51200x16xf32, #tpu.memory_space<vmem_shared>>
        tpu.wait_indirect_dma semaphore(%arg33 : memref<!tpu.dma_semaphore, #tpu.memory_space<semaphore_mem>>) src(%arg16 : memref<128x16xf32, #tpu.memory_space<vmem>>) dst(%dma_wait3A_224 : memref<51200x16xf32, #tpu.memory_space<vmem_shared>>)
        %dma_wait3A_225 = arith.constant 0 : i32
        %dma_wait3A_226 = arith.constant 0 : i32
        %dma_wait3A_227 = tpu.memref_slice %arg10[%dma_wait3A_225, %dma_wait3A_226] : memref<40x128xi32, #tpu.memory_space<vmem>> -> memref<1x128xi32, #tpu.memory_space<vmem>>
        %dma_wait3A_228 = tpu.memref_squeeze %dma_wait3A_227 : memref<1x128xi32, #tpu.memory_space<vmem>> -> memref<128xi32, #tpu.memory_space<vmem>>
        %dma_wait3A_229 = arith.constant 0 : i32
        %dma_wait3A_230 = arith.constant 0 : i32
        %dma_wait3A_231 = tpu.memref_slice %arg19[%dma_wait3A_229, %dma_wait3A_230] : memref<51200x16xf32, #tpu.memory_space<vmem_shared>> -> memref<51200x16xf32, #tpu.memory_space<vmem_shared>>
        tpu.wait_indirect_dma semaphore(%arg34 : memref<!tpu.dma_semaphore, #tpu.memory_space<semaphore_mem>>) src(%arg17 : memref<128x16xf32, #tpu.memory_space<vmem>>) dst(%dma_wait3A_231 : memref<51200x16xf32, #tpu.memory_space<vmem_shared>>)
        %dma_wait3A_232 = arith.constant 0 : i32
        %dma_wait3A_233 = arith.constant 0 : i32
        %dma_wait3A_234 = tpu.memref_slice %arg10[%dma_wait3A_232, %dma_wait3A_233] : memref<40x128xi32, #tpu.memory_space<vmem>> -> memref<1x128xi32, #tpu.memory_space<vmem>>
        %dma_wait3A_235 = tpu.memref_squeeze %dma_wait3A_234 : memref<1x128xi32, #tpu.memory_space<vmem>> -> memref<128xi32, #tpu.memory_space<vmem>>
        %dma_wait3A_236 = arith.constant 0 : i32
        %dma_wait3A_237 = arith.constant 0 : i32
        %dma_wait3A_238 = tpu.memref_slice %arg19[%dma_wait3A_236, %dma_wait3A_237] : memref<51200x16xf32, #tpu.memory_space<vmem_shared>> -> memref<51200x16xf32, #tpu.memory_space<vmem_shared>>
        tpu.wait_indirect_dma semaphore(%arg35 : memref<!tpu.dma_semaphore, #tpu.memory_space<semaphore_mem>>) src(%arg18 : memref<128x16xf32, #tpu.memory_space<vmem>>) dst(%dma_wait3A_238 : memref<51200x16xf32, #tpu.memory_space<vmem_shared>>)
      } else {
      }
      %mul3A_169 = arith.constant 40 : i32
      %mul3A_170 = arith.muli %scan3A_165, %mul3A_169 : i32
      %add3A_171 = arith.addi %mul3A_2, %mul3A_170 : i32
      "tpu.region"() ({
        %run_scoped3A = tpu.sem_alloc : memref<!tpu.dma_semaphore, #tpu.memory_space<semaphore_mem>>
        %dma_start3A = arith.constant 0 : i32
        %dma_start3A_183 = tpu.memref_slice %arg2[%add3A_171, %dma_start3A] : memref<6400x128xi32, #tpu.memory_space<hbm>> -> memref<40x128xi32, #tpu.memory_space<hbm>>
        %dma_start3A_184 = arith.constant 0 : i32
        %dma_start3A_185 = tpu.memref_slice %arg2[%add3A_171, %dma_start3A_184] : memref<6400x128xi32, #tpu.memory_space<hbm>> -> memref<40x128xi32, #tpu.memory_space<hbm>>
        tpu.enqueue_dma source(%dma_start3A_185 : memref<40x128xi32, #tpu.memory_space<hbm>>) target(%arg9 : memref<40x128xi32, #tpu.memory_space<vmem>>) target_semaphore(%run_scoped3A : memref<!tpu.dma_semaphore, #tpu.memory_space<semaphore_mem>>)
        %dma_wait3A_186 = arith.constant 0 : i32
        %dma_wait3A_187 = tpu.memref_slice %arg2[%add3A_171, %dma_wait3A_186] : memref<6400x128xi32, #tpu.memory_space<hbm>> -> memref<40x128xi32, #tpu.memory_space<hbm>>
        %dma_wait3A_188 = arith.constant 0 : i32
        %dma_wait3A_189 = tpu.memref_slice %arg2[%add3A_171, %dma_wait3A_188] : memref<6400x128xi32, #tpu.memory_space<hbm>> -> memref<40x128xi32, #tpu.memory_space<hbm>>
        tpu.wait_dma2 semaphore(%run_scoped3A : memref<!tpu.dma_semaphore, #tpu.memory_space<semaphore_mem>>) src(%dma_wait3A_189 : memref<40x128xi32, #tpu.memory_space<hbm>>) dst(%arg9 : memref<40x128xi32, #tpu.memory_space<vmem>>)
        tpu.yield
      }) : () -> ()
      %mul3A_172 = arith.constant 40 : i32
      %mul3A_173 = arith.muli %scan3A_165, %mul3A_172 : i32
      %add3A_174 = arith.addi %mul3A_2, %mul3A_173 : i32
      "tpu.region"() ({
        %run_scoped3A = tpu.sem_alloc : memref<!tpu.dma_semaphore, #tpu.memory_space<semaphore_mem>>
        %dma_start3A = arith.constant 0 : i32
        %dma_start3A_183 = tpu.memref_slice %arg3[%add3A_174, %dma_start3A] : memref<6400x128xi32, #tpu.memory_space<hbm>> -> memref<40x128xi32, #tpu.memory_space<hbm>>
        %dma_start3A_184 = arith.constant 0 : i32
        %dma_start3A_185 = tpu.memref_slice %arg3[%add3A_174, %dma_start3A_184] : memref<6400x128xi32, #tpu.memory_space<hbm>> -> memref<40x128xi32, #tpu.memory_space<hbm>>
        tpu.enqueue_dma source(%dma_start3A_185 : memref<40x128xi32, #tpu.memory_space<hbm>>) target(%arg10 : memref<40x128xi32, #tpu.memory_space<vmem>>) target_semaphore(%run_scoped3A : memref<!tpu.dma_semaphore, #tpu.memory_space<semaphore_mem>>)
        %dma_wait3A_186 = arith.constant 0 : i32
        %dma_wait3A_187 = tpu.memref_slice %arg3[%add3A_174, %dma_wait3A_186] : memref<6400x128xi32, #tpu.memory_space<hbm>> -> memref<40x128xi32, #tpu.memory_space<hbm>>
        %dma_wait3A_188 = arith.constant 0 : i32
        %dma_wait3A_189 = tpu.memref_slice %arg3[%add3A_174, %dma_wait3A_188] : memref<6400x128xi32, #tpu.memory_space<hbm>> -> memref<40x128xi32, #tpu.memory_space<hbm>>
        tpu.wait_dma2 semaphore(%run_scoped3A : memref<!tpu.dma_semaphore, #tpu.memory_space<semaphore_mem>>) src(%dma_wait3A_189 : memref<40x128xi32, #tpu.memory_space<hbm>>) dst(%arg10 : memref<40x128xi32, #tpu.memory_space<vmem>>)
        tpu.yield
      }) : () -> ()
      %scan3A_175 = arith.constant 0 : i32
      %scan3A_176 = arith.constant 0 : i32
      %scan3A_177 = arith.constant 10 : i32
      %scan3A_178 = arith.addi %scan3A_176, %scan3A_177 : i32
      %scan3A_179 = arith.constant 1 : i32
      %scan3A_180 = scf.for %scan3A_183 = %scan3A_176 to %scan3A_178 step %scan3A_179 iter_args(%scan3A_184 = %scan3A_175) -> (i32)  : i32 {
        %jit3A = arith.constant 2 : i32
        %eq3A = arith.constant 0 : i32
        %eq3A_185 = arith.cmpi eq, %jit3A, %eq3A : i32
        %jit3A_186 = arith.constant 1 : i32
        %select_n3A = arith.select %eq3A_185, %jit3A_186, %jit3A : i32
        %rem3A = arith.remsi %scan3A_183, %select_n3A : i32
        %ne3A = arith.constant 0 : i32
        %ne3A_187 = arith.cmpi ne, %rem3A, %ne3A : i32
        %lt3A = arith.constant 0 : i32
        %lt3A_188 = arith.cmpi slt, %rem3A, %lt3A : i32
        %lt3A_189 = arith.constant 0 : i32
        %lt3A_190 = arith.cmpi slt, %select_n3A, %lt3A_189 : i32
        %ne3A_191 = arith.xori %lt3A_188, %lt3A_190 : i1
        %and3A = arith.andi %ne3A_191, %ne3A_187 : i1
        %add3A_192 = arith.addi %rem3A, %select_n3A : i32
        %select_n3A_193 = arith.select %and3A, %add3A_192, %rem3A : i32
        %eq3A_194 = arith.constant 0 : i32
        %eq3A_195 = arith.cmpi eq, %select_n3A_193, %eq3A_194 : i32
        %convert_element_type3A_196 = arith.extui %eq3A_195 : i1 to i32
        %cond3A_197 = arith.constant 0 : i32
        %cond3A_198 = arith.cmpi ne, %convert_element_type3A_196, %cond3A_197 : i32
        scf.if %cond3A_198 {
          %mul3A_221 = arith.constant 4 : i32
          %mul3A_222 = arith.muli %scan3A_183, %mul3A_221 : i32
          %add3A_223 = arith.constant 0 : i32
          %add3A_224 = arith.addi %mul3A_222, %add3A_223 : i32
          %ge3A = arith.constant 2 : i32
          %ge3A_225 = arith.cmpi sge, %scan3A_183, %ge3A : i32
          %convert_element_type3A_226 = arith.extui %ge3A_225 : i1 to i32
          %cond3A_227 = arith.constant 0 : i32
          %cond3A_228 = arith.cmpi ne, %convert_element_type3A_226, %cond3A_227 : i32
          scf.if %cond3A_228 {
            %dma_wait3A_359 = arith.constant 0 : i32
            %dma_wait3A_360 = arith.constant 0 : i32
            %dma_wait3A_361 = tpu.memref_slice %arg10[%dma_wait3A_359, %dma_wait3A_360] : memref<40x128xi32, #tpu.memory_space<vmem>> -> memref<1x128xi32, #tpu.memory_space<vmem>>
            %dma_wait3A_362 = tpu.memref_squeeze %dma_wait3A_361 : memref<1x128xi32, #tpu.memory_space<vmem>> -> memref<128xi32, #tpu.memory_space<vmem>>
            %dma_wait3A_363 = arith.constant 0 : i32
            %dma_wait3A_364 = arith.constant 0 : i32
            %dma_wait3A_365 = tpu.memref_slice %arg19[%dma_wait3A_363, %dma_wait3A_364] : memref<51200x16xf32, #tpu.memory_space<vmem_shared>> -> memref<51200x16xf32, #tpu.memory_space<vmem_shared>>
            tpu.wait_indirect_dma semaphore(%arg28 : memref<!tpu.dma_semaphore, #tpu.memory_space<semaphore_mem>>) src(%arg11 : memref<128x16xf32, #tpu.memory_space<vmem>>) dst(%dma_wait3A_365 : memref<51200x16xf32, #tpu.memory_space<vmem_shared>>)
          } else {
          }
          %eq3A_229 = arith.constant 0 : i32
          %eq3A_230 = arith.cmpi eq, %arg0, %eq3A_229 : i32
          %convert_element_type3A_231 = arith.extui %eq3A_230 : i1 to i32
          %cond3A_232 = arith.constant 0 : i32
          %cond3A_233 = arith.cmpi ne, %convert_element_type3A_231, %cond3A_232 : i32
          scf.if %cond3A_233 {
            %dma_start3A_359 = arith.constant 0 : i32
            %dma_start3A_360 = tpu.memref_slice %arg9[%add3A_224, %dma_start3A_359] : memref<40x128xi32, #tpu.memory_space<vmem>> -> memref<1x128xi32, #tpu.memory_space<vmem>>
            %dma_start3A_361 = tpu.memref_squeeze %dma_start3A_360 : memref<1x128xi32, #tpu.memory_space<vmem>> -> memref<128xi32, #tpu.memory_space<vmem>>
            %dma_start3A_362 = arith.constant 0 : i32
            %dma_start3A_363 = arith.constant 0 : i32
            %dma_start3A_364 = tpu.memref_slice %arg5[%dma_start3A_362, %dma_start3A_363] : memref<51200x16xf32, #tpu.memory_space<hbm>> -> memref<51200x16xf32, #tpu.memory_space<hbm>>
            tpu.enqueue_indirect_dma source(%dma_start3A_364 : memref<51200x16xf32, #tpu.memory_space<hbm>>) target(%arg11 : memref<128x16xf32, #tpu.memory_space<vmem>>) offsets(%dma_start3A_361 : memref<128xi32, #tpu.memory_space<vmem>>) semaphore(%arg20 : memref<!tpu.dma_semaphore, #tpu.memory_space<semaphore_mem>>)
          } else {
          }
          %eq3A_234 = arith.constant 1 : i32
          %eq3A_235 = arith.cmpi eq, %arg0, %eq3A_234 : i32
          %convert_element_type3A_236 = arith.extui %eq3A_235 : i1 to i32
          %cond3A_237 = arith.constant 0 : i32
          %cond3A_238 = arith.cmpi ne, %convert_element_type3A_236, %cond3A_237 : i32
          scf.if %cond3A_238 {
            %dma_start3A_359 = arith.constant 0 : i32
            %dma_start3A_360 = tpu.memref_slice %arg9[%add3A_224, %dma_start3A_359] : memref<40x128xi32, #tpu.memory_space<vmem>> -> memref<1x128xi32, #tpu.memory_space<vmem>>
            %dma_start3A_361 = tpu.memref_squeeze %dma_start3A_360 : memref<1x128xi32, #tpu.memory_space<vmem>> -> memref<128xi32, #tpu.memory_space<vmem>>
            %dma_start3A_362 = arith.constant 0 : i32
            %dma_start3A_363 = arith.constant 0 : i32
            %dma_start3A_364 = tpu.memref_slice %arg7[%dma_start3A_362, %dma_start3A_363] : memref<51200x16xf32, #tpu.memory_space<hbm>> -> memref<51200x16xf32, #tpu.memory_space<hbm>>
            tpu.enqueue_indirect_dma source(%dma_start3A_364 : memref<51200x16xf32, #tpu.memory_space<hbm>>) target(%arg11 : memref<128x16xf32, #tpu.memory_space<vmem>>) offsets(%dma_start3A_361 : memref<128xi32, #tpu.memory_space<vmem>>) semaphore(%arg20 : memref<!tpu.dma_semaphore, #tpu.memory_space<semaphore_mem>>)
          } else {
          }
          %mul3A_239 = arith.constant 4 : i32
          %mul3A_240 = arith.muli %scan3A_183, %mul3A_239 : i32
          %add3A_241 = arith.constant 1 : i32
          %add3A_242 = arith.addi %mul3A_240, %add3A_241 : i32
          %ge3A_243 = arith.constant 2 : i32
          %ge3A_244 = arith.cmpi sge, %scan3A_183, %ge3A_243 : i32
          %convert_element_type3A_245 = arith.extui %ge3A_244 : i1 to i32
          %cond3A_246 = arith.constant 0 : i32
          %cond3A_247 = arith.cmpi ne, %convert_element_type3A_245, %cond3A_246 : i32
          scf.if %cond3A_247 {
            %dma_wait3A_359 = arith.constant 0 : i32
            %dma_wait3A_360 = arith.constant 0 : i32
            %dma_wait3A_361 = tpu.memref_slice %arg10[%dma_wait3A_359, %dma_wait3A_360] : memref<40x128xi32, #tpu.memory_space<vmem>> -> memref<1x128xi32, #tpu.memory_space<vmem>>
            %dma_wait3A_362 = tpu.memref_squeeze %dma_wait3A_361 : memref<1x128xi32, #tpu.memory_space<vmem>> -> memref<128xi32, #tpu.memory_space<vmem>>
            %dma_wait3A_363 = arith.constant 0 : i32
            %dma_wait3A_364 = arith.constant 0 : i32
            %dma_wait3A_365 = tpu.memref_slice %arg19[%dma_wait3A_363, %dma_wait3A_364] : memref<51200x16xf32, #tpu.memory_space<vmem_shared>> -> memref<51200x16xf32, #tpu.memory_space<vmem_shared>>
            tpu.wait_indirect_dma semaphore(%arg29 : memref<!tpu.dma_semaphore, #tpu.memory_space<semaphore_mem>>) src(%arg12 : memref<128x16xf32, #tpu.memory_space<vmem>>) dst(%dma_wait3A_365 : memref<51200x16xf32, #tpu.memory_space<vmem_shared>>)
          } else {
          }
          %eq3A_248 = arith.constant 0 : i32
          %eq3A_249 = arith.cmpi eq, %arg0, %eq3A_248 : i32
          %convert_element_type3A_250 = arith.extui %eq3A_249 : i1 to i32
          %cond3A_251 = arith.constant 0 : i32
          %cond3A_252 = arith.cmpi ne, %convert_element_type3A_250, %cond3A_251 : i32
          scf.if %cond3A_252 {
            %dma_start3A_359 = arith.constant 0 : i32
            %dma_start3A_360 = tpu.memref_slice %arg9[%add3A_242, %dma_start3A_359] : memref<40x128xi32, #tpu.memory_space<vmem>> -> memref<1x128xi32, #tpu.memory_space<vmem>>
            %dma_start3A_361 = tpu.memref_squeeze %dma_start3A_360 : memref<1x128xi32, #tpu.memory_space<vmem>> -> memref<128xi32, #tpu.memory_space<vmem>>
            %dma_start3A_362 = arith.constant 0 : i32
            %dma_start3A_363 = arith.constant 0 : i32
            %dma_start3A_364 = tpu.memref_slice %arg5[%dma_start3A_362, %dma_start3A_363] : memref<51200x16xf32, #tpu.memory_space<hbm>> -> memref<51200x16xf32, #tpu.memory_space<hbm>>
            tpu.enqueue_indirect_dma source(%dma_start3A_364 : memref<51200x16xf32, #tpu.memory_space<hbm>>) target(%arg12 : memref<128x16xf32, #tpu.memory_space<vmem>>) offsets(%dma_start3A_361 : memref<128xi32, #tpu.memory_space<vmem>>) semaphore(%arg21 : memref<!tpu.dma_semaphore, #tpu.memory_space<semaphore_mem>>)
          } else {
          }
          %eq3A_253 = arith.constant 1 : i32
          %eq3A_254 = arith.cmpi eq, %arg0, %eq3A_253 : i32
          %convert_element_type3A_255 = arith.extui %eq3A_254 : i1 to i32
          %cond3A_256 = arith.constant 0 : i32
          %cond3A_257 = arith.cmpi ne, %convert_element_type3A_255, %cond3A_256 : i32
          scf.if %cond3A_257 {
            %dma_start3A_359 = arith.constant 0 : i32
            %dma_start3A_360 = tpu.memref_slice %arg9[%add3A_242, %dma_start3A_359] : memref<40x128xi32, #tpu.memory_space<vmem>> -> memref<1x128xi32, #tpu.memory_space<vmem>>
            %dma_start3A_361 = tpu.memref_squeeze %dma_start3A_360 : memref<1x128xi32, #tpu.memory_space<vmem>> -> memref<128xi32, #tpu.memory_space<vmem>>
            %dma_start3A_362 = arith.constant 0 : i32
            %dma_start3A_363 = arith.constant 0 : i32
            %dma_start3A_364 = tpu.memref_slice %arg7[%dma_start3A_362, %dma_start3A_363] : memref<51200x16xf32, #tpu.memory_space<hbm>> -> memref<51200x16xf32, #tpu.memory_space<hbm>>
            tpu.enqueue_indirect_dma source(%dma_start3A_364 : memref<51200x16xf32, #tpu.memory_space<hbm>>) target(%arg12 : memref<128x16xf32, #tpu.memory_space<vmem>>) offsets(%dma_start3A_361 : memref<128xi32, #tpu.memory_space<vmem>>) semaphore(%arg21 : memref<!tpu.dma_semaphore, #tpu.memory_space<semaphore_mem>>)
          } else {
          }
          %mul3A_258 = arith.constant 4 : i32
          %mul3A_259 = arith.muli %scan3A_183, %mul3A_258 : i32
          %add3A_260 = arith.constant 2 : i32
          %add3A_261 = arith.addi %mul3A_259, %add3A_260 : i32
          %ge3A_262 = arith.constant 2 : i32
          %ge3A_263 = arith.cmpi sge, %scan3A_183, %ge3A_262 : i32
          %convert_element_type3A_264 = arith.extui %ge3A_263 : i1 to i32
          %cond3A_265 = arith.constant 0 : i32
          %cond3A_266 = arith.cmpi ne, %convert_element_type3A_264, %cond3A_265 : i32
          scf.if %cond3A_266 {
            %dma_wait3A_359 = arith.constant 0 : i32
            %dma_wait3A_360 = arith.constant 0 : i32
            %dma_wait3A_361 = tpu.memref_slice %arg10[%dma_wait3A_359, %dma_wait3A_360] : memref<40x128xi32, #tpu.memory_space<vmem>> -> memref<1x128xi32, #tpu.memory_space<vmem>>
            %dma_wait3A_362 = tpu.memref_squeeze %dma_wait3A_361 : memref<1x128xi32, #tpu.memory_space<vmem>> -> memref<128xi32, #tpu.memory_space<vmem>>
            %dma_wait3A_363 = arith.constant 0 : i32
            %dma_wait3A_364 = arith.constant 0 : i32
            %dma_wait3A_365 = tpu.memref_slice %arg19[%dma_wait3A_363, %dma_wait3A_364] : memref<51200x16xf32, #tpu.memory_space<vmem_shared>> -> memref<51200x16xf32, #tpu.memory_space<vmem_shared>>
            tpu.wait_indirect_dma semaphore(%arg30 : memref<!tpu.dma_semaphore, #tpu.memory_space<semaphore_mem>>) src(%arg13 : memref<128x16xf32, #tpu.memory_space<vmem>>) dst(%dma_wait3A_365 : memref<51200x16xf32, #tpu.memory_space<vmem_shared>>)
          } else {
          }
          %eq3A_267 = arith.constant 0 : i32
          %eq3A_268 = arith.cmpi eq, %arg0, %eq3A_267 : i32
          %convert_element_type3A_269 = arith.extui %eq3A_268 : i1 to i32
          %cond3A_270 = arith.constant 0 : i32
          %cond3A_271 = arith.cmpi ne, %convert_element_type3A_269, %cond3A_270 : i32
          scf.if %cond3A_271 {
            %dma_start3A_359 = arith.constant 0 : i32
            %dma_start3A_360 = tpu.memref_slice %arg9[%add3A_261, %dma_start3A_359] : memref<40x128xi32, #tpu.memory_space<vmem>> -> memref<1x128xi32, #tpu.memory_space<vmem>>
            %dma_start3A_361 = tpu.memref_squeeze %dma_start3A_360 : memref<1x128xi32, #tpu.memory_space<vmem>> -> memref<128xi32, #tpu.memory_space<vmem>>
            %dma_start3A_362 = arith.constant 0 : i32
            %dma_start3A_363 = arith.constant 0 : i32
            %dma_start3A_364 = tpu.memref_slice %arg5[%dma_start3A_362, %dma_start3A_363] : memref<51200x16xf32, #tpu.memory_space<hbm>> -> memref<51200x16xf32, #tpu.memory_space<hbm>>
            tpu.enqueue_indirect_dma source(%dma_start3A_364 : memref<51200x16xf32, #tpu.memory_space<hbm>>) target(%arg13 : memref<128x16xf32, #tpu.memory_space<vmem>>) offsets(%dma_start3A_361 : memref<128xi32, #tpu.memory_space<vmem>>) semaphore(%arg22 : memref<!tpu.dma_semaphore, #tpu.memory_space<semaphore_mem>>)
          } else {
          }
          %eq3A_272 = arith.constant 1 : i32
          %eq3A_273 = arith.cmpi eq, %arg0, %eq3A_272 : i32
          %convert_element_type3A_274 = arith.extui %eq3A_273 : i1 to i32
          %cond3A_275 = arith.constant 0 : i32
          %cond3A_276 = arith.cmpi ne, %convert_element_type3A_274, %cond3A_275 : i32
          scf.if %cond3A_276 {
            %dma_start3A_359 = arith.constant 0 : i32
            %dma_start3A_360 = tpu.memref_slice %arg9[%add3A_261, %dma_start3A_359] : memref<40x128xi32, #tpu.memory_space<vmem>> -> memref<1x128xi32, #tpu.memory_space<vmem>>
            %dma_start3A_361 = tpu.memref_squeeze %dma_start3A_360 : memref<1x128xi32, #tpu.memory_space<vmem>> -> memref<128xi32, #tpu.memory_space<vmem>>
            %dma_start3A_362 = arith.constant 0 : i32
            %dma_start3A_363 = arith.constant 0 : i32
            %dma_start3A_364 = tpu.memref_slice %arg7[%dma_start3A_362, %dma_start3A_363] : memref<51200x16xf32, #tpu.memory_space<hbm>> -> memref<51200x16xf32, #tpu.memory_space<hbm>>
            tpu.enqueue_indirect_dma source(%dma_start3A_364 : memref<51200x16xf32, #tpu.memory_space<hbm>>) target(%arg13 : memref<128x16xf32, #tpu.memory_space<vmem>>) offsets(%dma_start3A_361 : memref<128xi32, #tpu.memory_space<vmem>>) semaphore(%arg22 : memref<!tpu.dma_semaphore, #tpu.memory_space<semaphore_mem>>)
          } else {
          }
          %mul3A_277 = arith.constant 4 : i32
          %mul3A_278 = arith.muli %scan3A_183, %mul3A_277 : i32
          %add3A_279 = arith.constant 3 : i32
          %add3A_280 = arith.addi %mul3A_278, %add3A_279 : i32
          %ge3A_281 = arith.constant 2 : i32
          %ge3A_282 = arith.cmpi sge, %scan3A_183, %ge3A_281 : i32
          %convert_element_type3A_283 = arith.extui %ge3A_282 : i1 to i32
          %cond3A_284 = arith.constant 0 : i32
          %cond3A_285 = arith.cmpi ne, %convert_element_type3A_283, %cond3A_284 : i32
          scf.if %cond3A_285 {
            %dma_wait3A_359 = arith.constant 0 : i32
            %dma_wait3A_360 = arith.constant 0 : i32
            %dma_wait3A_361 = tpu.memref_slice %arg10[%dma_wait3A_359, %dma_wait3A_360] : memref<40x128xi32, #tpu.memory_space<vmem>> -> memref<1x128xi32, #tpu.memory_space<vmem>>
            %dma_wait3A_362 = tpu.memref_squeeze %dma_wait3A_361 : memref<1x128xi32, #tpu.memory_space<vmem>> -> memref<128xi32, #tpu.memory_space<vmem>>
            %dma_wait3A_363 = arith.constant 0 : i32
            %dma_wait3A_364 = arith.constant 0 : i32
            %dma_wait3A_365 = tpu.memref_slice %arg19[%dma_wait3A_363, %dma_wait3A_364] : memref<51200x16xf32, #tpu.memory_space<vmem_shared>> -> memref<51200x16xf32, #tpu.memory_space<vmem_shared>>
            tpu.wait_indirect_dma semaphore(%arg31 : memref<!tpu.dma_semaphore, #tpu.memory_space<semaphore_mem>>) src(%arg14 : memref<128x16xf32, #tpu.memory_space<vmem>>) dst(%dma_wait3A_365 : memref<51200x16xf32, #tpu.memory_space<vmem_shared>>)
          } else {
          }
          %eq3A_286 = arith.constant 0 : i32
          %eq3A_287 = arith.cmpi eq, %arg0, %eq3A_286 : i32
          %convert_element_type3A_288 = arith.extui %eq3A_287 : i1 to i32
          %cond3A_289 = arith.constant 0 : i32
          %cond3A_290 = arith.cmpi ne, %convert_element_type3A_288, %cond3A_289 : i32
          scf.if %cond3A_290 {
            %dma_start3A_359 = arith.constant 0 : i32
            %dma_start3A_360 = tpu.memref_slice %arg9[%add3A_280, %dma_start3A_359] : memref<40x128xi32, #tpu.memory_space<vmem>> -> memref<1x128xi32, #tpu.memory_space<vmem>>
            %dma_start3A_361 = tpu.memref_squeeze %dma_start3A_360 : memref<1x128xi32, #tpu.memory_space<vmem>> -> memref<128xi32, #tpu.memory_space<vmem>>
            %dma_start3A_362 = arith.constant 0 : i32
            %dma_start3A_363 = arith.constant 0 : i32
            %dma_start3A_364 = tpu.memref_slice %arg5[%dma_start3A_362, %dma_start3A_363] : memref<51200x16xf32, #tpu.memory_space<hbm>> -> memref<51200x16xf32, #tpu.memory_space<hbm>>
            tpu.enqueue_indirect_dma source(%dma_start3A_364 : memref<51200x16xf32, #tpu.memory_space<hbm>>) target(%arg14 : memref<128x16xf32, #tpu.memory_space<vmem>>) offsets(%dma_start3A_361 : memref<128xi32, #tpu.memory_space<vmem>>) semaphore(%arg23 : memref<!tpu.dma_semaphore, #tpu.memory_space<semaphore_mem>>)
          } else {
          }
          %eq3A_291 = arith.constant 1 : i32
          %eq3A_292 = arith.cmpi eq, %arg0, %eq3A_291 : i32
          %convert_element_type3A_293 = arith.extui %eq3A_292 : i1 to i32
          %cond3A_294 = arith.constant 0 : i32
          %cond3A_295 = arith.cmpi ne, %convert_element_type3A_293, %cond3A_294 : i32
          scf.if %cond3A_295 {
            %dma_start3A_359 = arith.constant 0 : i32
            %dma_start3A_360 = tpu.memref_slice %arg9[%add3A_280, %dma_start3A_359] : memref<40x128xi32, #tpu.memory_space<vmem>> -> memref<1x128xi32, #tpu.memory_space<vmem>>
            %dma_start3A_361 = tpu.memref_squeeze %dma_start3A_360 : memref<1x128xi32, #tpu.memory_space<vmem>> -> memref<128xi32, #tpu.memory_space<vmem>>
            %dma_start3A_362 = arith.constant 0 : i32
            %dma_start3A_363 = arith.constant 0 : i32
            %dma_start3A_364 = tpu.memref_slice %arg7[%dma_start3A_362, %dma_start3A_363] : memref<51200x16xf32, #tpu.memory_space<hbm>> -> memref<51200x16xf32, #tpu.memory_space<hbm>>
            tpu.enqueue_indirect_dma source(%dma_start3A_364 : memref<51200x16xf32, #tpu.memory_space<hbm>>) target(%arg14 : memref<128x16xf32, #tpu.memory_space<vmem>>) offsets(%dma_start3A_361 : memref<128xi32, #tpu.memory_space<vmem>>) semaphore(%arg23 : memref<!tpu.dma_semaphore, #tpu.memory_space<semaphore_mem>>)
          } else {
          }
          %mul3A_296 = arith.constant 4 : i32
          %mul3A_297 = arith.muli %scan3A_183, %mul3A_296 : i32
          %add3A_298 = arith.constant 0 : i32
          %add3A_299 = arith.addi %mul3A_297, %add3A_298 : i32
          %dma_wait3A_300 = arith.constant 0 : i32
          %dma_wait3A_301 = tpu.memref_slice %arg9[%add3A_299, %dma_wait3A_300] : memref<40x128xi32, #tpu.memory_space<vmem>> -> memref<1x128xi32, #tpu.memory_space<vmem>>
          %dma_wait3A_302 = tpu.memref_squeeze %dma_wait3A_301 : memref<1x128xi32, #tpu.memory_space<vmem>> -> memref<128xi32, #tpu.memory_space<vmem>>
          %dma_wait3A_303 = arith.constant 0 : i32
          %dma_wait3A_304 = arith.constant 0 : i32
          %dma_wait3A_305 = tpu.memref_slice %arg5[%dma_wait3A_303, %dma_wait3A_304] : memref<51200x16xf32, #tpu.memory_space<hbm>> -> memref<51200x16xf32, #tpu.memory_space<hbm>>
          tpu.wait_indirect_dma semaphore(%arg20 : memref<!tpu.dma_semaphore, #tpu.memory_space<semaphore_mem>>) src(%dma_wait3A_305 : memref<51200x16xf32, #tpu.memory_space<hbm>>) dst(%arg11 : memref<128x16xf32, #tpu.memory_space<vmem>>)
          %dma_start3A = arith.constant 0 : i32
          %dma_start3A_306 = tpu.memref_slice %arg10[%add3A_299, %dma_start3A] : memref<40x128xi32, #tpu.memory_space<vmem>> -> memref<1x128xi32, #tpu.memory_space<vmem>>
          %dma_start3A_307 = tpu.memref_squeeze %dma_start3A_306 : memref<1x128xi32, #tpu.memory_space<vmem>> -> memref<128xi32, #tpu.memory_space<vmem>>
          %dma_start3A_308 = arith.constant 0 : i32
          %dma_start3A_309 = arith.constant 0 : i32
          %dma_start3A_310 = tpu.memref_slice %arg19[%dma_start3A_308, %dma_start3A_309] : memref<51200x16xf32, #tpu.memory_space<vmem_shared>> -> memref<51200x16xf32, #tpu.memory_space<vmem_shared>>
          tpu.enqueue_indirect_dma source(%arg11 : memref<128x16xf32, #tpu.memory_space<vmem>>) target(%dma_start3A_310 : memref<51200x16xf32, #tpu.memory_space<vmem_shared>>) offsets(%dma_start3A_307 : memref<128xi32, #tpu.memory_space<vmem>>) semaphore(%arg28 : memref<!tpu.dma_semaphore, #tpu.memory_space<semaphore_mem>>) {add = true}
          %mul3A_311 = arith.constant 4 : i32
          %mul3A_312 = arith.muli %scan3A_183, %mul3A_311 : i32
          %add3A_313 = arith.constant 1 : i32
          %add3A_314 = arith.addi %mul3A_312, %add3A_313 : i32
          %dma_wait3A_315 = arith.constant 0 : i32
          %dma_wait3A_316 = tpu.memref_slice %arg9[%add3A_314, %dma_wait3A_315] : memref<40x128xi32, #tpu.memory_space<vmem>> -> memref<1x128xi32, #tpu.memory_space<vmem>>
          %dma_wait3A_317 = tpu.memref_squeeze %dma_wait3A_316 : memref<1x128xi32, #tpu.memory_space<vmem>> -> memref<128xi32, #tpu.memory_space<vmem>>
          %dma_wait3A_318 = arith.constant 0 : i32
          %dma_wait3A_319 = arith.constant 0 : i32
          %dma_wait3A_320 = tpu.memref_slice %arg5[%dma_wait3A_318, %dma_wait3A_319] : memref<51200x16xf32, #tpu.memory_space<hbm>> -> memref<51200x16xf32, #tpu.memory_space<hbm>>
          tpu.wait_indirect_dma semaphore(%arg21 : memref<!tpu.dma_semaphore, #tpu.memory_space<semaphore_mem>>) src(%dma_wait3A_320 : memref<51200x16xf32, #tpu.memory_space<hbm>>) dst(%arg12 : memref<128x16xf32, #tpu.memory_space<vmem>>)
          %dma_start3A_321 = arith.constant 0 : i32
          %dma_start3A_322 = tpu.memref_slice %arg10[%add3A_314, %dma_start3A_321] : memref<40x128xi32, #tpu.memory_space<vmem>> -> memref<1x128xi32, #tpu.memory_space<vmem>>
          %dma_start3A_323 = tpu.memref_squeeze %dma_start3A_322 : memref<1x128xi32, #tpu.memory_space<vmem>> -> memref<128xi32, #tpu.memory_space<vmem>>
          %dma_start3A_324 = arith.constant 0 : i32
          %dma_start3A_325 = arith.constant 0 : i32
          %dma_start3A_326 = tpu.memref_slice %arg19[%dma_start3A_324, %dma_start3A_325] : memref<51200x16xf32, #tpu.memory_space<vmem_shared>> -> memref<51200x16xf32, #tpu.memory_space<vmem_shared>>
          tpu.enqueue_indirect_dma source(%arg12 : memref<128x16xf32, #tpu.memory_space<vmem>>) target(%dma_start3A_326 : memref<51200x16xf32, #tpu.memory_space<vmem_shared>>) offsets(%dma_start3A_323 : memref<128xi32, #tpu.memory_space<vmem>>) semaphore(%arg29 : memref<!tpu.dma_semaphore, #tpu.memory_space<semaphore_mem>>) {add = true}
          %mul3A_327 = arith.constant 4 : i32
          %mul3A_328 = arith.muli %scan3A_183, %mul3A_327 : i32
          %add3A_329 = arith.constant 2 : i32
          %add3A_330 = arith.addi %mul3A_328, %add3A_329 : i32
          %dma_wait3A_331 = arith.constant 0 : i32
          %dma_wait3A_332 = tpu.memref_slice %arg9[%add3A_330, %dma_wait3A_331] : memref<40x128xi32, #tpu.memory_space<vmem>> -> memref<1x128xi32, #tpu.memory_space<vmem>>
          %dma_wait3A_333 = tpu.memref_squeeze %dma_wait3A_332 : memref<1x128xi32, #tpu.memory_space<vmem>> -> memref<128xi32, #tpu.memory_space<vmem>>
          %dma_wait3A_334 = arith.constant 0 : i32
          %dma_wait3A_335 = arith.constant 0 : i32
          %dma_wait3A_336 = tpu.memref_slice %arg5[%dma_wait3A_334, %dma_wait3A_335] : memref<51200x16xf32, #tpu.memory_space<hbm>> -> memref<51200x16xf32, #tpu.memory_space<hbm>>
          tpu.wait_indirect_dma semaphore(%arg22 : memref<!tpu.dma_semaphore, #tpu.memory_space<semaphore_mem>>) src(%dma_wait3A_336 : memref<51200x16xf32, #tpu.memory_space<hbm>>) dst(%arg13 : memref<128x16xf32, #tpu.memory_space<vmem>>)
          %dma_start3A_337 = arith.constant 0 : i32
          %dma_start3A_338 = tpu.memref_slice %arg10[%add3A_330, %dma_start3A_337] : memref<40x128xi32, #tpu.memory_space<vmem>> -> memref<1x128xi32, #tpu.memory_space<vmem>>
          %dma_start3A_339 = tpu.memref_squeeze %dma_start3A_338 : memref<1x128xi32, #tpu.memory_space<vmem>> -> memref<128xi32, #tpu.memory_space<vmem>>
          %dma_start3A_340 = arith.constant 0 : i32
          %dma_start3A_341 = arith.constant 0 : i32
          %dma_start3A_342 = tpu.memref_slice %arg19[%dma_start3A_340, %dma_start3A_341] : memref<51200x16xf32, #tpu.memory_space<vmem_shared>> -> memref<51200x16xf32, #tpu.memory_space<vmem_shared>>
          tpu.enqueue_indirect_dma source(%arg13 : memref<128x16xf32, #tpu.memory_space<vmem>>) target(%dma_start3A_342 : memref<51200x16xf32, #tpu.memory_space<vmem_shared>>) offsets(%dma_start3A_339 : memref<128xi32, #tpu.memory_space<vmem>>) semaphore(%arg30 : memref<!tpu.dma_semaphore, #tpu.memory_space<semaphore_mem>>) {add = true}
          %mul3A_343 = arith.constant 4 : i32
          %mul3A_344 = arith.muli %scan3A_183, %mul3A_343 : i32
          %add3A_345 = arith.constant 3 : i32
          %add3A_346 = arith.addi %mul3A_344, %add3A_345 : i32
          %dma_wait3A_347 = arith.constant 0 : i32
          %dma_wait3A_348 = tpu.memref_slice %arg9[%add3A_346, %dma_wait3A_347] : memref<40x128xi32, #tpu.memory_space<vmem>> -> memref<1x128xi32, #tpu.memory_space<vmem>>
          %dma_wait3A_349 = tpu.memref_squeeze %dma_wait3A_348 : memref<1x128xi32, #tpu.memory_space<vmem>> -> memref<128xi32, #tpu.memory_space<vmem>>
          %dma_wait3A_350 = arith.constant 0 : i32
          %dma_wait3A_351 = arith.constant 0 : i32
          %dma_wait3A_352 = tpu.memref_slice %arg5[%dma_wait3A_350, %dma_wait3A_351] : memref<51200x16xf32, #tpu.memory_space<hbm>> -> memref<51200x16xf32, #tpu.memory_space<hbm>>
          tpu.wait_indirect_dma semaphore(%arg23 : memref<!tpu.dma_semaphore, #tpu.memory_space<semaphore_mem>>) src(%dma_wait3A_352 : memref<51200x16xf32, #tpu.memory_space<hbm>>) dst(%arg14 : memref<128x16xf32, #tpu.memory_space<vmem>>)
          %dma_start3A_353 = arith.constant 0 : i32
          %dma_start3A_354 = tpu.memref_slice %arg10[%add3A_346, %dma_start3A_353] : memref<40x128xi32, #tpu.memory_space<vmem>> -> memref<1x128xi32, #tpu.memory_space<vmem>>
          %dma_start3A_355 = tpu.memref_squeeze %dma_start3A_354 : memref<1x128xi32, #tpu.memory_space<vmem>> -> memref<128xi32, #tpu.memory_space<vmem>>
          %dma_start3A_356 = arith.constant 0 : i32
          %dma_start3A_357 = arith.constant 0 : i32
          %dma_start3A_358 = tpu.memref_slice %arg19[%dma_start3A_356, %dma_start3A_357] : memref<51200x16xf32, #tpu.memory_space<vmem_shared>> -> memref<51200x16xf32, #tpu.memory_space<vmem_shared>>
          tpu.enqueue_indirect_dma source(%arg14 : memref<128x16xf32, #tpu.memory_space<vmem>>) target(%dma_start3A_358 : memref<51200x16xf32, #tpu.memory_space<vmem_shared>>) offsets(%dma_start3A_355 : memref<128xi32, #tpu.memory_space<vmem>>) semaphore(%arg31 : memref<!tpu.dma_semaphore, #tpu.memory_space<semaphore_mem>>) {add = true}
        } else {
        }
        %jit3A_199 = arith.constant 2 : i32
        %eq3A_200 = arith.constant 0 : i32
        %eq3A_201 = arith.cmpi eq, %jit3A_199, %eq3A_200 : i32
        %jit3A_202 = arith.constant 1 : i32
        %select_n3A_203 = arith.select %eq3A_201, %jit3A_202, %jit3A_199 : i32
        %rem3A_204 = arith.remsi %scan3A_183, %select_n3A_203 : i32
        %ne3A_205 = arith.constant 0 : i32
        %ne3A_206 = arith.cmpi ne, %rem3A_204, %ne3A_205 : i32
        %lt3A_207 = arith.constant 0 : i32
        %lt3A_208 = arith.cmpi slt, %rem3A_204, %lt3A_207 : i32
        %lt3A_209 = arith.constant 0 : i32
        %lt3A_210 = arith.cmpi slt, %select_n3A_203, %lt3A_209 : i32
        %ne3A_211 = arith.xori %lt3A_208, %lt3A_210 : i1
        %and3A_212 = arith.andi %ne3A_211, %ne3A_206 : i1
        %add3A_213 = arith.addi %rem3A_204, %select_n3A_203 : i32
        %select_n3A_214 = arith.select %and3A_212, %add3A_213, %rem3A_204 : i32
        %eq3A_215 = arith.constant 1 : i32
        %eq3A_216 = arith.cmpi eq, %select_n3A_214, %eq3A_215 : i32
        %convert_element_type3A_217 = arith.extui %eq3A_216 : i1 to i32
        %cond3A_218 = arith.constant 0 : i32
        %cond3A_219 = arith.cmpi ne, %convert_element_type3A_217, %cond3A_218 : i32
        scf.if %cond3A_219 {
          %mul3A_221 = arith.constant 4 : i32
          %mul3A_222 = arith.muli %scan3A_183, %mul3A_221 : i32
          %add3A_223 = arith.constant 0 : i32
          %add3A_224 = arith.addi %mul3A_222, %add3A_223 : i32
          %ge3A = arith.constant 2 : i32
          %ge3A_225 = arith.cmpi sge, %scan3A_183, %ge3A : i32
          %convert_element_type3A_226 = arith.extui %ge3A_225 : i1 to i32
          %cond3A_227 = arith.constant 0 : i32
          %cond3A_228 = arith.cmpi ne, %convert_element_type3A_226, %cond3A_227 : i32
          scf.if %cond3A_228 {
            %dma_wait3A_359 = arith.constant 0 : i32
            %dma_wait3A_360 = arith.constant 0 : i32
            %dma_wait3A_361 = tpu.memref_slice %arg10[%dma_wait3A_359, %dma_wait3A_360] : memref<40x128xi32, #tpu.memory_space<vmem>> -> memref<1x128xi32, #tpu.memory_space<vmem>>
            %dma_wait3A_362 = tpu.memref_squeeze %dma_wait3A_361 : memref<1x128xi32, #tpu.memory_space<vmem>> -> memref<128xi32, #tpu.memory_space<vmem>>
            %dma_wait3A_363 = arith.constant 0 : i32
            %dma_wait3A_364 = arith.constant 0 : i32
            %dma_wait3A_365 = tpu.memref_slice %arg19[%dma_wait3A_363, %dma_wait3A_364] : memref<51200x16xf32, #tpu.memory_space<vmem_shared>> -> memref<51200x16xf32, #tpu.memory_space<vmem_shared>>
            tpu.wait_indirect_dma semaphore(%arg32 : memref<!tpu.dma_semaphore, #tpu.memory_space<semaphore_mem>>) src(%arg15 : memref<128x16xf32, #tpu.memory_space<vmem>>) dst(%dma_wait3A_365 : memref<51200x16xf32, #tpu.memory_space<vmem_shared>>)
          } else {
          }
          %eq3A_229 = arith.constant 0 : i32
          %eq3A_230 = arith.cmpi eq, %arg0, %eq3A_229 : i32
          %convert_element_type3A_231 = arith.extui %eq3A_230 : i1 to i32
          %cond3A_232 = arith.constant 0 : i32
          %cond3A_233 = arith.cmpi ne, %convert_element_type3A_231, %cond3A_232 : i32
          scf.if %cond3A_233 {
            %dma_start3A_359 = arith.constant 0 : i32
            %dma_start3A_360 = tpu.memref_slice %arg9[%add3A_224, %dma_start3A_359] : memref<40x128xi32, #tpu.memory_space<vmem>> -> memref<1x128xi32, #tpu.memory_space<vmem>>
            %dma_start3A_361 = tpu.memref_squeeze %dma_start3A_360 : memref<1x128xi32, #tpu.memory_space<vmem>> -> memref<128xi32, #tpu.memory_space<vmem>>
            %dma_start3A_362 = arith.constant 0 : i32
            %dma_start3A_363 = arith.constant 0 : i32
            %dma_start3A_364 = tpu.memref_slice %arg5[%dma_start3A_362, %dma_start3A_363] : memref<51200x16xf32, #tpu.memory_space<hbm>> -> memref<51200x16xf32, #tpu.memory_space<hbm>>
            tpu.enqueue_indirect_dma source(%dma_start3A_364 : memref<51200x16xf32, #tpu.memory_space<hbm>>) target(%arg15 : memref<128x16xf32, #tpu.memory_space<vmem>>) offsets(%dma_start3A_361 : memref<128xi32, #tpu.memory_space<vmem>>) semaphore(%arg24 : memref<!tpu.dma_semaphore, #tpu.memory_space<semaphore_mem>>)
          } else {
          }
          %eq3A_234 = arith.constant 1 : i32
          %eq3A_235 = arith.cmpi eq, %arg0, %eq3A_234 : i32
          %convert_element_type3A_236 = arith.extui %eq3A_235 : i1 to i32
          %cond3A_237 = arith.constant 0 : i32
          %cond3A_238 = arith.cmpi ne, %convert_element_type3A_236, %cond3A_237 : i32
          scf.if %cond3A_238 {
            %dma_start3A_359 = arith.constant 0 : i32
            %dma_start3A_360 = tpu.memref_slice %arg9[%add3A_224, %dma_start3A_359] : memref<40x128xi32, #tpu.memory_space<vmem>> -> memref<1x128xi32, #tpu.memory_space<vmem>>
            %dma_start3A_361 = tpu.memref_squeeze %dma_start3A_360 : memref<1x128xi32, #tpu.memory_space<vmem>> -> memref<128xi32, #tpu.memory_space<vmem>>
            %dma_start3A_362 = arith.constant 0 : i32
            %dma_start3A_363 = arith.constant 0 : i32
            %dma_start3A_364 = tpu.memref_slice %arg7[%dma_start3A_362, %dma_start3A_363] : memref<51200x16xf32, #tpu.memory_space<hbm>> -> memref<51200x16xf32, #tpu.memory_space<hbm>>
            tpu.enqueue_indirect_dma source(%dma_start3A_364 : memref<51200x16xf32, #tpu.memory_space<hbm>>) target(%arg15 : memref<128x16xf32, #tpu.memory_space<vmem>>) offsets(%dma_start3A_361 : memref<128xi32, #tpu.memory_space<vmem>>) semaphore(%arg24 : memref<!tpu.dma_semaphore, #tpu.memory_space<semaphore_mem>>)
          } else {
          }
          %mul3A_239 = arith.constant 4 : i32
          %mul3A_240 = arith.muli %scan3A_183, %mul3A_239 : i32
          %add3A_241 = arith.constant 1 : i32
          %add3A_242 = arith.addi %mul3A_240, %add3A_241 : i32
          %ge3A_243 = arith.constant 2 : i32
          %ge3A_244 = arith.cmpi sge, %scan3A_183, %ge3A_243 : i32
          %convert_element_type3A_245 = arith.extui %ge3A_244 : i1 to i32
          %cond3A_246 = arith.constant 0 : i32
          %cond3A_247 = arith.cmpi ne, %convert_element_type3A_245, %cond3A_246 : i32
          scf.if %cond3A_247 {
            %dma_wait3A_359 = arith.constant 0 : i32
            %dma_wait3A_360 = arith.constant 0 : i32
            %dma_wait3A_361 = tpu.memref_slice %arg10[%dma_wait3A_359, %dma_wait3A_360] : memref<40x128xi32, #tpu.memory_space<vmem>> -> memref<1x128xi32, #tpu.memory_space<vmem>>
            %dma_wait3A_362 = tpu.memref_squeeze %dma_wait3A_361 : memref<1x128xi32, #tpu.memory_space<vmem>> -> memref<128xi32, #tpu.memory_space<vmem>>
            %dma_wait3A_363 = arith.constant 0 : i32
            %dma_wait3A_364 = arith.constant 0 : i32
            %dma_wait3A_365 = tpu.memref_slice %arg19[%dma_wait3A_363, %dma_wait3A_364] : memref<51200x16xf32, #tpu.memory_space<vmem_shared>> -> memref<51200x16xf32, #tpu.memory_space<vmem_shared>>
            tpu.wait_indirect_dma semaphore(%arg33 : memref<!tpu.dma_semaphore, #tpu.memory_space<semaphore_mem>>) src(%arg16 : memref<128x16xf32, #tpu.memory_space<vmem>>) dst(%dma_wait3A_365 : memref<51200x16xf32, #tpu.memory_space<vmem_shared>>)
          } else {
          }
          %eq3A_248 = arith.constant 0 : i32
          %eq3A_249 = arith.cmpi eq, %arg0, %eq3A_248 : i32
          %convert_element_type3A_250 = arith.extui %eq3A_249 : i1 to i32
          %cond3A_251 = arith.constant 0 : i32
          %cond3A_252 = arith.cmpi ne, %convert_element_type3A_250, %cond3A_251 : i32
          scf.if %cond3A_252 {
            %dma_start3A_359 = arith.constant 0 : i32
            %dma_start3A_360 = tpu.memref_slice %arg9[%add3A_242, %dma_start3A_359] : memref<40x128xi32, #tpu.memory_space<vmem>> -> memref<1x128xi32, #tpu.memory_space<vmem>>
            %dma_start3A_361 = tpu.memref_squeeze %dma_start3A_360 : memref<1x128xi32, #tpu.memory_space<vmem>> -> memref<128xi32, #tpu.memory_space<vmem>>
            %dma_start3A_362 = arith.constant 0 : i32
            %dma_start3A_363 = arith.constant 0 : i32
            %dma_start3A_364 = tpu.memref_slice %arg5[%dma_start3A_362, %dma_start3A_363] : memref<51200x16xf32, #tpu.memory_space<hbm>> -> memref<51200x16xf32, #tpu.memory_space<hbm>>
            tpu.enqueue_indirect_dma source(%dma_start3A_364 : memref<51200x16xf32, #tpu.memory_space<hbm>>) target(%arg16 : memref<128x16xf32, #tpu.memory_space<vmem>>) offsets(%dma_start3A_361 : memref<128xi32, #tpu.memory_space<vmem>>) semaphore(%arg25 : memref<!tpu.dma_semaphore, #tpu.memory_space<semaphore_mem>>)
          } else {
          }
          %eq3A_253 = arith.constant 1 : i32
          %eq3A_254 = arith.cmpi eq, %arg0, %eq3A_253 : i32
          %convert_element_type3A_255 = arith.extui %eq3A_254 : i1 to i32
          %cond3A_256 = arith.constant 0 : i32
          %cond3A_257 = arith.cmpi ne, %convert_element_type3A_255, %cond3A_256 : i32
          scf.if %cond3A_257 {
            %dma_start3A_359 = arith.constant 0 : i32
            %dma_start3A_360 = tpu.memref_slice %arg9[%add3A_242, %dma_start3A_359] : memref<40x128xi32, #tpu.memory_space<vmem>> -> memref<1x128xi32, #tpu.memory_space<vmem>>
            %dma_start3A_361 = tpu.memref_squeeze %dma_start3A_360 : memref<1x128xi32, #tpu.memory_space<vmem>> -> memref<128xi32, #tpu.memory_space<vmem>>
            %dma_start3A_362 = arith.constant 0 : i32
            %dma_start3A_363 = arith.constant 0 : i32
            %dma_start3A_364 = tpu.memref_slice %arg7[%dma_start3A_362, %dma_start3A_363] : memref<51200x16xf32, #tpu.memory_space<hbm>> -> memref<51200x16xf32, #tpu.memory_space<hbm>>
            tpu.enqueue_indirect_dma source(%dma_start3A_364 : memref<51200x16xf32, #tpu.memory_space<hbm>>) target(%arg16 : memref<128x16xf32, #tpu.memory_space<vmem>>) offsets(%dma_start3A_361 : memref<128xi32, #tpu.memory_space<vmem>>) semaphore(%arg25 : memref<!tpu.dma_semaphore, #tpu.memory_space<semaphore_mem>>)
          } else {
          }
          %mul3A_258 = arith.constant 4 : i32
          %mul3A_259 = arith.muli %scan3A_183, %mul3A_258 : i32
          %add3A_260 = arith.constant 2 : i32
          %add3A_261 = arith.addi %mul3A_259, %add3A_260 : i32
          %ge3A_262 = arith.constant 2 : i32
          %ge3A_263 = arith.cmpi sge, %scan3A_183, %ge3A_262 : i32
          %convert_element_type3A_264 = arith.extui %ge3A_263 : i1 to i32
          %cond3A_265 = arith.constant 0 : i32
          %cond3A_266 = arith.cmpi ne, %convert_element_type3A_264, %cond3A_265 : i32
          scf.if %cond3A_266 {
            %dma_wait3A_359 = arith.constant 0 : i32
            %dma_wait3A_360 = arith.constant 0 : i32
            %dma_wait3A_361 = tpu.memref_slice %arg10[%dma_wait3A_359, %dma_wait3A_360] : memref<40x128xi32, #tpu.memory_space<vmem>> -> memref<1x128xi32, #tpu.memory_space<vmem>>
            %dma_wait3A_362 = tpu.memref_squeeze %dma_wait3A_361 : memref<1x128xi32, #tpu.memory_space<vmem>> -> memref<128xi32, #tpu.memory_space<vmem>>
            %dma_wait3A_363 = arith.constant 0 : i32
            %dma_wait3A_364 = arith.constant 0 : i32
            %dma_wait3A_365 = tpu.memref_slice %arg19[%dma_wait3A_363, %dma_wait3A_364] : memref<51200x16xf32, #tpu.memory_space<vmem_shared>> -> memref<51200x16xf32, #tpu.memory_space<vmem_shared>>
            tpu.wait_indirect_dma semaphore(%arg34 : memref<!tpu.dma_semaphore, #tpu.memory_space<semaphore_mem>>) src(%arg17 : memref<128x16xf32, #tpu.memory_space<vmem>>) dst(%dma_wait3A_365 : memref<51200x16xf32, #tpu.memory_space<vmem_shared>>)
          } else {
          }
          %eq3A_267 = arith.constant 0 : i32
          %eq3A_268 = arith.cmpi eq, %arg0, %eq3A_267 : i32
          %convert_element_type3A_269 = arith.extui %eq3A_268 : i1 to i32
          %cond3A_270 = arith.constant 0 : i32
          %cond3A_271 = arith.cmpi ne, %convert_element_type3A_269, %cond3A_270 : i32
          scf.if %cond3A_271 {
            %dma_start3A_359 = arith.constant 0 : i32
            %dma_start3A_360 = tpu.memref_slice %arg9[%add3A_261, %dma_start3A_359] : memref<40x128xi32, #tpu.memory_space<vmem>> -> memref<1x128xi32, #tpu.memory_space<vmem>>
            %dma_start3A_361 = tpu.memref_squeeze %dma_start3A_360 : memref<1x128xi32, #tpu.memory_space<vmem>> -> memref<128xi32, #tpu.memory_space<vmem>>
            %dma_start3A_362 = arith.constant 0 : i32
            %dma_start3A_363 = arith.constant 0 : i32
            %dma_start3A_364 = tpu.memref_slice %arg5[%dma_start3A_362, %dma_start3A_363] : memref<51200x16xf32, #tpu.memory_space<hbm>> -> memref<51200x16xf32, #tpu.memory_space<hbm>>
            tpu.enqueue_indirect_dma source(%dma_start3A_364 : memref<51200x16xf32, #tpu.memory_space<hbm>>) target(%arg17 : memref<128x16xf32, #tpu.memory_space<vmem>>) offsets(%dma_start3A_361 : memref<128xi32, #tpu.memory_space<vmem>>) semaphore(%arg26 : memref<!tpu.dma_semaphore, #tpu.memory_space<semaphore_mem>>)
          } else {
          }
          %eq3A_272 = arith.constant 1 : i32
          %eq3A_273 = arith.cmpi eq, %arg0, %eq3A_272 : i32
          %convert_element_type3A_274 = arith.extui %eq3A_273 : i1 to i32
          %cond3A_275 = arith.constant 0 : i32
          %cond3A_276 = arith.cmpi ne, %convert_element_type3A_274, %cond3A_275 : i32
          scf.if %cond3A_276 {
            %dma_start3A_359 = arith.constant 0 : i32
            %dma_start3A_360 = tpu.memref_slice %arg9[%add3A_261, %dma_start3A_359] : memref<40x128xi32, #tpu.memory_space<vmem>> -> memref<1x128xi32, #tpu.memory_space<vmem>>
            %dma_start3A_361 = tpu.memref_squeeze %dma_start3A_360 : memref<1x128xi32, #tpu.memory_space<vmem>> -> memref<128xi32, #tpu.memory_space<vmem>>
            %dma_start3A_362 = arith.constant 0 : i32
            %dma_start3A_363 = arith.constant 0 : i32
            %dma_start3A_364 = tpu.memref_slice %arg7[%dma_start3A_362, %dma_start3A_363] : memref<51200x16xf32, #tpu.memory_space<hbm>> -> memref<51200x16xf32, #tpu.memory_space<hbm>>
            tpu.enqueue_indirect_dma source(%dma_start3A_364 : memref<51200x16xf32, #tpu.memory_space<hbm>>) target(%arg17 : memref<128x16xf32, #tpu.memory_space<vmem>>) offsets(%dma_start3A_361 : memref<128xi32, #tpu.memory_space<vmem>>) semaphore(%arg26 : memref<!tpu.dma_semaphore, #tpu.memory_space<semaphore_mem>>)
          } else {
          }
          %mul3A_277 = arith.constant 4 : i32
          %mul3A_278 = arith.muli %scan3A_183, %mul3A_277 : i32
          %add3A_279 = arith.constant 3 : i32
          %add3A_280 = arith.addi %mul3A_278, %add3A_279 : i32
          %ge3A_281 = arith.constant 2 : i32
          %ge3A_282 = arith.cmpi sge, %scan3A_183, %ge3A_281 : i32
          %convert_element_type3A_283 = arith.extui %ge3A_282 : i1 to i32
          %cond3A_284 = arith.constant 0 : i32
          %cond3A_285 = arith.cmpi ne, %convert_element_type3A_283, %cond3A_284 : i32
          scf.if %cond3A_285 {
            %dma_wait3A_359 = arith.constant 0 : i32
            %dma_wait3A_360 = arith.constant 0 : i32
            %dma_wait3A_361 = tpu.memref_slice %arg10[%dma_wait3A_359, %dma_wait3A_360] : memref<40x128xi32, #tpu.memory_space<vmem>> -> memref<1x128xi32, #tpu.memory_space<vmem>>
            %dma_wait3A_362 = tpu.memref_squeeze %dma_wait3A_361 : memref<1x128xi32, #tpu.memory_space<vmem>> -> memref<128xi32, #tpu.memory_space<vmem>>
            %dma_wait3A_363 = arith.constant 0 : i32
            %dma_wait3A_364 = arith.constant 0 : i32
            %dma_wait3A_365 = tpu.memref_slice %arg19[%dma_wait3A_363, %dma_wait3A_364] : memref<51200x16xf32, #tpu.memory_space<vmem_shared>> -> memref<51200x16xf32, #tpu.memory_space<vmem_shared>>
            tpu.wait_indirect_dma semaphore(%arg35 : memref<!tpu.dma_semaphore, #tpu.memory_space<semaphore_mem>>) src(%arg18 : memref<128x16xf32, #tpu.memory_space<vmem>>) dst(%dma_wait3A_365 : memref<51200x16xf32, #tpu.memory_space<vmem_shared>>)
          } else {
          }
          %eq3A_286 = arith.constant 0 : i32
          %eq3A_287 = arith.cmpi eq, %arg0, %eq3A_286 : i32
          %convert_element_type3A_288 = arith.extui %eq3A_287 : i1 to i32
          %cond3A_289 = arith.constant 0 : i32
          %cond3A_290 = arith.cmpi ne, %convert_element_type3A_288, %cond3A_289 : i32
          scf.if %cond3A_290 {
            %dma_start3A_359 = arith.constant 0 : i32
            %dma_start3A_360 = tpu.memref_slice %arg9[%add3A_280, %dma_start3A_359] : memref<40x128xi32, #tpu.memory_space<vmem>> -> memref<1x128xi32, #tpu.memory_space<vmem>>
            %dma_start3A_361 = tpu.memref_squeeze %dma_start3A_360 : memref<1x128xi32, #tpu.memory_space<vmem>> -> memref<128xi32, #tpu.memory_space<vmem>>
            %dma_start3A_362 = arith.constant 0 : i32
            %dma_start3A_363 = arith.constant 0 : i32
            %dma_start3A_364 = tpu.memref_slice %arg5[%dma_start3A_362, %dma_start3A_363] : memref<51200x16xf32, #tpu.memory_space<hbm>> -> memref<51200x16xf32, #tpu.memory_space<hbm>>
            tpu.enqueue_indirect_dma source(%dma_start3A_364 : memref<51200x16xf32, #tpu.memory_space<hbm>>) target(%arg18 : memref<128x16xf32, #tpu.memory_space<vmem>>) offsets(%dma_start3A_361 : memref<128xi32, #tpu.memory_space<vmem>>) semaphore(%arg27 : memref<!tpu.dma_semaphore, #tpu.memory_space<semaphore_mem>>)
          } else {
          }
          %eq3A_291 = arith.constant 1 : i32
          %eq3A_292 = arith.cmpi eq, %arg0, %eq3A_291 : i32
          %convert_element_type3A_293 = arith.extui %eq3A_292 : i1 to i32
          %cond3A_294 = arith.constant 0 : i32
          %cond3A_295 = arith.cmpi ne, %convert_element_type3A_293, %cond3A_294 : i32
          scf.if %cond3A_295 {
            %dma_start3A_359 = arith.constant 0 : i32
            %dma_start3A_360 = tpu.memref_slice %arg9[%add3A_280, %dma_start3A_359] : memref<40x128xi32, #tpu.memory_space<vmem>> -> memref<1x128xi32, #tpu.memory_space<vmem>>
            %dma_start3A_361 = tpu.memref_squeeze %dma_start3A_360 : memref<1x128xi32, #tpu.memory_space<vmem>> -> memref<128xi32, #tpu.memory_space<vmem>>
            %dma_start3A_362 = arith.constant 0 : i32
            %dma_start3A_363 = arith.constant 0 : i32
            %dma_start3A_364 = tpu.memref_slice %arg7[%dma_start3A_362, %dma_start3A_363] : memref<51200x16xf32, #tpu.memory_space<hbm>> -> memref<51200x16xf32, #tpu.memory_space<hbm>>
            tpu.enqueue_indirect_dma source(%dma_start3A_364 : memref<51200x16xf32, #tpu.memory_space<hbm>>) target(%arg18 : memref<128x16xf32, #tpu.memory_space<vmem>>) offsets(%dma_start3A_361 : memref<128xi32, #tpu.memory_space<vmem>>) semaphore(%arg27 : memref<!tpu.dma_semaphore, #tpu.memory_space<semaphore_mem>>)
          } else {
          }
          %mul3A_296 = arith.constant 4 : i32
          %mul3A_297 = arith.muli %scan3A_183, %mul3A_296 : i32
          %add3A_298 = arith.constant 0 : i32
          %add3A_299 = arith.addi %mul3A_297, %add3A_298 : i32
          %dma_wait3A_300 = arith.constant 0 : i32
          %dma_wait3A_301 = tpu.memref_slice %arg9[%add3A_299, %dma_wait3A_300] : memref<40x128xi32, #tpu.memory_space<vmem>> -> memref<1x128xi32, #tpu.memory_space<vmem>>
          %dma_wait3A_302 = tpu.memref_squeeze %dma_wait3A_301 : memref<1x128xi32, #tpu.memory_space<vmem>> -> memref<128xi32, #tpu.memory_space<vmem>>
          %dma_wait3A_303 = arith.constant 0 : i32
          %dma_wait3A_304 = arith.constant 0 : i32
          %dma_wait3A_305 = tpu.memref_slice %arg5[%dma_wait3A_303, %dma_wait3A_304] : memref<51200x16xf32, #tpu.memory_space<hbm>> -> memref<51200x16xf32, #tpu.memory_space<hbm>>
          tpu.wait_indirect_dma semaphore(%arg24 : memref<!tpu.dma_semaphore, #tpu.memory_space<semaphore_mem>>) src(%dma_wait3A_305 : memref<51200x16xf32, #tpu.memory_space<hbm>>) dst(%arg15 : memref<128x16xf32, #tpu.memory_space<vmem>>)
          %dma_start3A = arith.constant 0 : i32
          %dma_start3A_306 = tpu.memref_slice %arg10[%add3A_299, %dma_start3A] : memref<40x128xi32, #tpu.memory_space<vmem>> -> memref<1x128xi32, #tpu.memory_space<vmem>>
          %dma_start3A_307 = tpu.memref_squeeze %dma_start3A_306 : memref<1x128xi32, #tpu.memory_space<vmem>> -> memref<128xi32, #tpu.memory_space<vmem>>
          %dma_start3A_308 = arith.constant 0 : i32
          %dma_start3A_309 = arith.constant 0 : i32
          %dma_start3A_310 = tpu.memref_slice %arg19[%dma_start3A_308, %dma_start3A_309] : memref<51200x16xf32, #tpu.memory_space<vmem_shared>> -> memref<51200x16xf32, #tpu.memory_space<vmem_shared>>
          tpu.enqueue_indirect_dma source(%arg15 : memref<128x16xf32, #tpu.memory_space<vmem>>) target(%dma_start3A_310 : memref<51200x16xf32, #tpu.memory_space<vmem_shared>>) offsets(%dma_start3A_307 : memref<128xi32, #tpu.memory_space<vmem>>) semaphore(%arg32 : memref<!tpu.dma_semaphore, #tpu.memory_space<semaphore_mem>>) {add = true}
          %mul3A_311 = arith.constant 4 : i32
          %mul3A_312 = arith.muli %scan3A_183, %mul3A_311 : i32
          %add3A_313 = arith.constant 1 : i32
          %add3A_314 = arith.addi %mul3A_312, %add3A_313 : i32
          %dma_wait3A_315 = arith.constant 0 : i32
          %dma_wait3A_316 = tpu.memref_slice %arg9[%add3A_314, %dma_wait3A_315] : memref<40x128xi32, #tpu.memory_space<vmem>> -> memref<1x128xi32, #tpu.memory_space<vmem>>
          %dma_wait3A_317 = tpu.memref_squeeze %dma_wait3A_316 : memref<1x128xi32, #tpu.memory_space<vmem>> -> memref<128xi32, #tpu.memory_space<vmem>>
          %dma_wait3A_318 = arith.constant 0 : i32
          %dma_wait3A_319 = arith.constant 0 : i32
          %dma_wait3A_320 = tpu.memref_slice %arg5[%dma_wait3A_318, %dma_wait3A_319] : memref<51200x16xf32, #tpu.memory_space<hbm>> -> memref<51200x16xf32, #tpu.memory_space<hbm>>
          tpu.wait_indirect_dma semaphore(%arg25 : memref<!tpu.dma_semaphore, #tpu.memory_space<semaphore_mem>>) src(%dma_wait3A_320 : memref<51200x16xf32, #tpu.memory_space<hbm>>) dst(%arg16 : memref<128x16xf32, #tpu.memory_space<vmem>>)
          %dma_start3A_321 = arith.constant 0 : i32
          %dma_start3A_322 = tpu.memref_slice %arg10[%add3A_314, %dma_start3A_321] : memref<40x128xi32, #tpu.memory_space<vmem>> -> memref<1x128xi32, #tpu.memory_space<vmem>>
          %dma_start3A_323 = tpu.memref_squeeze %dma_start3A_322 : memref<1x128xi32, #tpu.memory_space<vmem>> -> memref<128xi32, #tpu.memory_space<vmem>>
          %dma_start3A_324 = arith.constant 0 : i32
          %dma_start3A_325 = arith.constant 0 : i32
          %dma_start3A_326 = tpu.memref_slice %arg19[%dma_start3A_324, %dma_start3A_325] : memref<51200x16xf32, #tpu.memory_space<vmem_shared>> -> memref<51200x16xf32, #tpu.memory_space<vmem_shared>>
          tpu.enqueue_indirect_dma source(%arg16 : memref<128x16xf32, #tpu.memory_space<vmem>>) target(%dma_start3A_326 : memref<51200x16xf32, #tpu.memory_space<vmem_shared>>) offsets(%dma_start3A_323 : memref<128xi32, #tpu.memory_space<vmem>>) semaphore(%arg33 : memref<!tpu.dma_semaphore, #tpu.memory_space<semaphore_mem>>) {add = true}
          %mul3A_327 = arith.constant 4 : i32
          %mul3A_328 = arith.muli %scan3A_183, %mul3A_327 : i32
          %add3A_329 = arith.constant 2 : i32
          %add3A_330 = arith.addi %mul3A_328, %add3A_329 : i32
          %dma_wait3A_331 = arith.constant 0 : i32
          %dma_wait3A_332 = tpu.memref_slice %arg9[%add3A_330, %dma_wait3A_331] : memref<40x128xi32, #tpu.memory_space<vmem>> -> memref<1x128xi32, #tpu.memory_space<vmem>>
          %dma_wait3A_333 = tpu.memref_squeeze %dma_wait3A_332 : memref<1x128xi32, #tpu.memory_space<vmem>> -> memref<128xi32, #tpu.memory_space<vmem>>
          %dma_wait3A_334 = arith.constant 0 : i32
          %dma_wait3A_335 = arith.constant 0 : i32
          %dma_wait3A_336 = tpu.memref_slice %arg5[%dma_wait3A_334, %dma_wait3A_335] : memref<51200x16xf32, #tpu.memory_space<hbm>> -> memref<51200x16xf32, #tpu.memory_space<hbm>>
          tpu.wait_indirect_dma semaphore(%arg26 : memref<!tpu.dma_semaphore, #tpu.memory_space<semaphore_mem>>) src(%dma_wait3A_336 : memref<51200x16xf32, #tpu.memory_space<hbm>>) dst(%arg17 : memref<128x16xf32, #tpu.memory_space<vmem>>)
          %dma_start3A_337 = arith.constant 0 : i32
          %dma_start3A_338 = tpu.memref_slice %arg10[%add3A_330, %dma_start3A_337] : memref<40x128xi32, #tpu.memory_space<vmem>> -> memref<1x128xi32, #tpu.memory_space<vmem>>
          %dma_start3A_339 = tpu.memref_squeeze %dma_start3A_338 : memref<1x128xi32, #tpu.memory_space<vmem>> -> memref<128xi32, #tpu.memory_space<vmem>>
          %dma_start3A_340 = arith.constant 0 : i32
          %dma_start3A_341 = arith.constant 0 : i32
          %dma_start3A_342 = tpu.memref_slice %arg19[%dma_start3A_340, %dma_start3A_341] : memref<51200x16xf32, #tpu.memory_space<vmem_shared>> -> memref<51200x16xf32, #tpu.memory_space<vmem_shared>>
          tpu.enqueue_indirect_dma source(%arg17 : memref<128x16xf32, #tpu.memory_space<vmem>>) target(%dma_start3A_342 : memref<51200x16xf32, #tpu.memory_space<vmem_shared>>) offsets(%dma_start3A_339 : memref<128xi32, #tpu.memory_space<vmem>>) semaphore(%arg34 : memref<!tpu.dma_semaphore, #tpu.memory_space<semaphore_mem>>) {add = true}
          %mul3A_343 = arith.constant 4 : i32
          %mul3A_344 = arith.muli %scan3A_183, %mul3A_343 : i32
          %add3A_345 = arith.constant 3 : i32
          %add3A_346 = arith.addi %mul3A_344, %add3A_345 : i32
          %dma_wait3A_347 = arith.constant 0 : i32
          %dma_wait3A_348 = tpu.memref_slice %arg9[%add3A_346, %dma_wait3A_347] : memref<40x128xi32, #tpu.memory_space<vmem>> -> memref<1x128xi32, #tpu.memory_space<vmem>>
          %dma_wait3A_349 = tpu.memref_squeeze %dma_wait3A_348 : memref<1x128xi32, #tpu.memory_space<vmem>> -> memref<128xi32, #tpu.memory_space<vmem>>
          %dma_wait3A_350 = arith.constant 0 : i32
          %dma_wait3A_351 = arith.constant 0 : i32
          %dma_wait3A_352 = tpu.memref_slice %arg5[%dma_wait3A_350, %dma_wait3A_351] : memref<51200x16xf32, #tpu.memory_space<hbm>> -> memref<51200x16xf32, #tpu.memory_space<hbm>>
          tpu.wait_indirect_dma semaphore(%arg27 : memref<!tpu.dma_semaphore, #tpu.memory_space<semaphore_mem>>) src(%dma_wait3A_352 : memref<51200x16xf32, #tpu.memory_space<hbm>>) dst(%arg18 : memref<128x16xf32, #tpu.memory_space<vmem>>)
          %dma_start3A_353 = arith.constant 0 : i32
          %dma_start3A_354 = tpu.memref_slice %arg10[%add3A_346, %dma_start3A_353] : memref<40x128xi32, #tpu.memory_space<vmem>> -> memref<1x128xi32, #tpu.memory_space<vmem>>
          %dma_start3A_355 = tpu.memref_squeeze %dma_start3A_354 : memref<1x128xi32, #tpu.memory_space<vmem>> -> memref<128xi32, #tpu.memory_space<vmem>>
          %dma_start3A_356 = arith.constant 0 : i32
          %dma_start3A_357 = arith.constant 0 : i32
          %dma_start3A_358 = tpu.memref_slice %arg19[%dma_start3A_356, %dma_start3A_357] : memref<51200x16xf32, #tpu.memory_space<vmem_shared>> -> memref<51200x16xf32, #tpu.memory_space<vmem_shared>>
          tpu.enqueue_indirect_dma source(%arg18 : memref<128x16xf32, #tpu.memory_space<vmem>>) target(%dma_start3A_358 : memref<51200x16xf32, #tpu.memory_space<vmem_shared>>) offsets(%dma_start3A_355 : memref<128xi32, #tpu.memory_space<vmem>>) semaphore(%arg35 : memref<!tpu.dma_semaphore, #tpu.memory_space<semaphore_mem>>) {add = true}
        } else {
        }
        %scan3A_220 = arith.constant 0 : i32
        scf.yield %scan3A_220 : i32
      }
      %scan3A_181 = arith.constant 10 : i32
      %scan3A_182 = arith.constant 0 : i32
      scf.yield %scan3A_182 : i32
    }
    %scan3A_103 = arith.constant 10 : i32
    %dma_wait3A_104 = arith.constant 0 : i32
    %dma_wait3A_105 = arith.constant 0 : i32
    %dma_wait3A_106 = tpu.memref_slice %arg10[%dma_wait3A_104, %dma_wait3A_105] : memref<40x128xi32, #tpu.memory_space<vmem>> -> memref<1x128xi32, #tpu.memory_space<vmem>>
    %dma_wait3A_107 = tpu.memref_squeeze %dma_wait3A_106 : memref<1x128xi32, #tpu.memory_space<vmem>> -> memref<128xi32, #tpu.memory_space<vmem>>
    %dma_wait3A_108 = arith.constant 0 : i32
    %dma_wait3A_109 = arith.constant 0 : i32
    %dma_wait3A_110 = tpu.memref_slice %arg19[%dma_wait3A_108, %dma_wait3A_109] : memref<51200x16xf32, #tpu.memory_space<vmem_shared>> -> memref<51200x16xf32, #tpu.memory_space<vmem_shared>>
    tpu.wait_indirect_dma semaphore(%arg28 : memref<!tpu.dma_semaphore, #tpu.memory_space<semaphore_mem>>) src(%arg11 : memref<128x16xf32, #tpu.memory_space<vmem>>) dst(%dma_wait3A_110 : memref<51200x16xf32, #tpu.memory_space<vmem_shared>>)
    %dma_wait3A_111 = arith.constant 0 : i32
    %dma_wait3A_112 = arith.constant 0 : i32
    %dma_wait3A_113 = tpu.memref_slice %arg10[%dma_wait3A_111, %dma_wait3A_112] : memref<40x128xi32, #tpu.memory_space<vmem>> -> memref<1x128xi32, #tpu.memory_space<vmem>>
    %dma_wait3A_114 = tpu.memref_squeeze %dma_wait3A_113 : memref<1x128xi32, #tpu.memory_space<vmem>> -> memref<128xi32, #tpu.memory_space<vmem>>
    %dma_wait3A_115 = arith.constant 0 : i32
    %dma_wait3A_116 = arith.constant 0 : i32
    %dma_wait3A_117 = tpu.memref_slice %arg19[%dma_wait3A_115, %dma_wait3A_116] : memref<51200x16xf32, #tpu.memory_space<vmem_shared>> -> memref<51200x16xf32, #tpu.memory_space<vmem_shared>>
    tpu.wait_indirect_dma semaphore(%arg29 : memref<!tpu.dma_semaphore, #tpu.memory_space<semaphore_mem>>) src(%arg12 : memref<128x16xf32, #tpu.memory_space<vmem>>) dst(%dma_wait3A_117 : memref<51200x16xf32, #tpu.memory_space<vmem_shared>>)
    %dma_wait3A_118 = arith.constant 0 : i32
    %dma_wait3A_119 = arith.constant 0 : i32
    %dma_wait3A_120 = tpu.memref_slice %arg10[%dma_wait3A_118, %dma_wait3A_119] : memref<40x128xi32, #tpu.memory_space<vmem>> -> memref<1x128xi32, #tpu.memory_space<vmem>>
    %dma_wait3A_121 = tpu.memref_squeeze %dma_wait3A_120 : memref<1x128xi32, #tpu.memory_space<vmem>> -> memref<128xi32, #tpu.memory_space<vmem>>
    %dma_wait3A_122 = arith.constant 0 : i32
    %dma_wait3A_123 = arith.constant 0 : i32
    %dma_wait3A_124 = tpu.memref_slice %arg19[%dma_wait3A_122, %dma_wait3A_123] : memref<51200x16xf32, #tpu.memory_space<vmem_shared>> -> memref<51200x16xf32, #tpu.memory_space<vmem_shared>>
    tpu.wait_indirect_dma semaphore(%arg30 : memref<!tpu.dma_semaphore, #tpu.memory_space<semaphore_mem>>) src(%arg13 : memref<128x16xf32, #tpu.memory_space<vmem>>) dst(%dma_wait3A_124 : memref<51200x16xf32, #tpu.memory_space<vmem_shared>>)
    %dma_wait3A_125 = arith.constant 0 : i32
    %dma_wait3A_126 = arith.constant 0 : i32
    %dma_wait3A_127 = tpu.memref_slice %arg10[%dma_wait3A_125, %dma_wait3A_126] : memref<40x128xi32, #tpu.memory_space<vmem>> -> memref<1x128xi32, #tpu.memory_space<vmem>>
    %dma_wait3A_128 = tpu.memref_squeeze %dma_wait3A_127 : memref<1x128xi32, #tpu.memory_space<vmem>> -> memref<128xi32, #tpu.memory_space<vmem>>
    %dma_wait3A_129 = arith.constant 0 : i32
    %dma_wait3A_130 = arith.constant 0 : i32
    %dma_wait3A_131 = tpu.memref_slice %arg19[%dma_wait3A_129, %dma_wait3A_130] : memref<51200x16xf32, #tpu.memory_space<vmem_shared>> -> memref<51200x16xf32, #tpu.memory_space<vmem_shared>>
    tpu.wait_indirect_dma semaphore(%arg31 : memref<!tpu.dma_semaphore, #tpu.memory_space<semaphore_mem>>) src(%arg14 : memref<128x16xf32, #tpu.memory_space<vmem>>) dst(%dma_wait3A_131 : memref<51200x16xf32, #tpu.memory_space<vmem_shared>>)
    %dma_wait3A_132 = arith.constant 0 : i32
    %dma_wait3A_133 = arith.constant 0 : i32
    %dma_wait3A_134 = tpu.memref_slice %arg10[%dma_wait3A_132, %dma_wait3A_133] : memref<40x128xi32, #tpu.memory_space<vmem>> -> memref<1x128xi32, #tpu.memory_space<vmem>>
    %dma_wait3A_135 = tpu.memref_squeeze %dma_wait3A_134 : memref<1x128xi32, #tpu.memory_space<vmem>> -> memref<128xi32, #tpu.memory_space<vmem>>
    %dma_wait3A_136 = arith.constant 0 : i32
    %dma_wait3A_137 = arith.constant 0 : i32
    %dma_wait3A_138 = tpu.memref_slice %arg19[%dma_wait3A_136, %dma_wait3A_137] : memref<51200x16xf32, #tpu.memory_space<vmem_shared>> -> memref<51200x16xf32, #tpu.memory_space<vmem_shared>>
    tpu.wait_indirect_dma semaphore(%arg32 : memref<!tpu.dma_semaphore, #tpu.memory_space<semaphore_mem>>) src(%arg15 : memref<128x16xf32, #tpu.memory_space<vmem>>) dst(%dma_wait3A_138 : memref<51200x16xf32, #tpu.memory_space<vmem_shared>>)
    %dma_wait3A_139 = arith.constant 0 : i32
    %dma_wait3A_140 = arith.constant 0 : i32
    %dma_wait3A_141 = tpu.memref_slice %arg10[%dma_wait3A_139, %dma_wait3A_140] : memref<40x128xi32, #tpu.memory_space<vmem>> -> memref<1x128xi32, #tpu.memory_space<vmem>>
    %dma_wait3A_142 = tpu.memref_squeeze %dma_wait3A_141 : memref<1x128xi32, #tpu.memory_space<vmem>> -> memref<128xi32, #tpu.memory_space<vmem>>
    %dma_wait3A_143 = arith.constant 0 : i32
    %dma_wait3A_144 = arith.constant 0 : i32
    %dma_wait3A_145 = tpu.memref_slice %arg19[%dma_wait3A_143, %dma_wait3A_144] : memref<51200x16xf32, #tpu.memory_space<vmem_shared>> -> memref<51200x16xf32, #tpu.memory_space<vmem_shared>>
    tpu.wait_indirect_dma semaphore(%arg33 : memref<!tpu.dma_semaphore, #tpu.memory_space<semaphore_mem>>) src(%arg16 : memref<128x16xf32, #tpu.memory_space<vmem>>) dst(%dma_wait3A_145 : memref<51200x16xf32, #tpu.memory_space<vmem_shared>>)
    %dma_wait3A_146 = arith.constant 0 : i32
    %dma_wait3A_147 = arith.constant 0 : i32
    %dma_wait3A_148 = tpu.memref_slice %arg10[%dma_wait3A_146, %dma_wait3A_147] : memref<40x128xi32, #tpu.memory_space<vmem>> -> memref<1x128xi32, #tpu.memory_space<vmem>>
    %dma_wait3A_149 = tpu.memref_squeeze %dma_wait3A_148 : memref<1x128xi32, #tpu.memory_space<vmem>> -> memref<128xi32, #tpu.memory_space<vmem>>
    %dma_wait3A_150 = arith.constant 0 : i32
    %dma_wait3A_151 = arith.constant 0 : i32
    %dma_wait3A_152 = tpu.memref_slice %arg19[%dma_wait3A_150, %dma_wait3A_151] : memref<51200x16xf32, #tpu.memory_space<vmem_shared>> -> memref<51200x16xf32, #tpu.memory_space<vmem_shared>>
    tpu.wait_indirect_dma semaphore(%arg34 : memref<!tpu.dma_semaphore, #tpu.memory_space<semaphore_mem>>) src(%arg17 : memref<128x16xf32, #tpu.memory_space<vmem>>) dst(%dma_wait3A_152 : memref<51200x16xf32, #tpu.memory_space<vmem_shared>>)
    %dma_wait3A_153 = arith.constant 0 : i32
    %dma_wait3A_154 = arith.constant 0 : i32
    %dma_wait3A_155 = tpu.memref_slice %arg10[%dma_wait3A_153, %dma_wait3A_154] : memref<40x128xi32, #tpu.memory_space<vmem>> -> memref<1x128xi32, #tpu.memory_space<vmem>>
    %dma_wait3A_156 = tpu.memref_squeeze %dma_wait3A_155 : memref<1x128xi32, #tpu.memory_space<vmem>> -> memref<128xi32, #tpu.memory_space<vmem>>
    %dma_wait3A_157 = arith.constant 0 : i32
    %dma_wait3A_158 = arith.constant 0 : i32
    %dma_wait3A_159 = tpu.memref_slice %arg19[%dma_wait3A_157, %dma_wait3A_158] : memref<51200x16xf32, #tpu.memory_space<vmem_shared>> -> memref<51200x16xf32, #tpu.memory_space<vmem_shared>>
    tpu.wait_indirect_dma semaphore(%arg35 : memref<!tpu.dma_semaphore, #tpu.memory_space<semaphore_mem>>) src(%arg18 : memref<128x16xf32, #tpu.memory_space<vmem>>) dst(%dma_wait3A_159 : memref<51200x16xf32, #tpu.memory_space<vmem_shared>>)
    %barrier3A_160 = arith.constant 0 : index
    tpu.barrier barrier_id(%barrier3A_160)
    %mul3A_161 = arith.constant 2 : i32
    %mul3A_162 = arith.muli %mul3A_161, %arg0 : i32
    %add3A_163 = arith.constant 1 : i32
    %add3A_164 = arith.addi %mul3A_162, %add3A_163 : i32
    "tpu.region"() ({
      %run_scoped3A = tpu.sem_alloc : memref<!tpu.dma_semaphore, #tpu.memory_space<semaphore_mem>>
      %dma_start3A = arith.constant 0 : i32
      %dma_start3A_165 = tpu.memref_slice %arg8[%add3A_164, %mul3A_0, %dma_start3A] : memref<4x51200x16xf32, #tpu.memory_space<hbm>> -> memref<1x3200x16xf32, #tpu.memory_space<hbm>>
      %dma_start3A_166 = tpu.memref_squeeze %dma_start3A_165 : memref<1x3200x16xf32, #tpu.memory_space<hbm>> -> memref<3200x16xf32, #tpu.memory_space<hbm>>
      %dma_start3A_167 = arith.constant 0 : i32
      %dma_start3A_168 = tpu.memref_slice %arg19[%mul3A_0, %dma_start3A_167] : memref<51200x16xf32, #tpu.memory_space<vmem_shared>> -> memref<3200x16xf32, #tpu.memory_space<vmem_shared>>
      tpu.enqueue_dma source(%dma_start3A_168 : memref<3200x16xf32, #tpu.memory_space<vmem_shared>>) target(%dma_start3A_166 : memref<3200x16xf32, #tpu.memory_space<hbm>>) target_semaphore(%run_scoped3A : memref<!tpu.dma_semaphore, #tpu.memory_space<semaphore_mem>>)
      %dma_wait3A_169 = arith.constant 0 : i32
      %dma_wait3A_170 = tpu.memref_slice %arg8[%add3A_164, %mul3A_0, %dma_wait3A_169] : memref<4x51200x16xf32, #tpu.memory_space<hbm>> -> memref<1x3200x16xf32, #tpu.memory_space<hbm>>
      %dma_wait3A_171 = tpu.memref_squeeze %dma_wait3A_170 : memref<1x3200x16xf32, #tpu.memory_space<hbm>> -> memref<3200x16xf32, #tpu.memory_space<hbm>>
      %dma_wait3A_172 = arith.constant 0 : i32
      %dma_wait3A_173 = tpu.memref_slice %arg19[%mul3A_0, %dma_wait3A_172] : memref<51200x16xf32, #tpu.memory_space<vmem_shared>> -> memref<3200x16xf32, #tpu.memory_space<vmem_shared>>
      tpu.wait_dma2 semaphore(%run_scoped3A : memref<!tpu.dma_semaphore, #tpu.memory_space<semaphore_mem>>) src(%dma_wait3A_173 : memref<3200x16xf32, #tpu.memory_space<vmem_shared>>) dst(%dma_wait3A_171 : memref<3200x16xf32, #tpu.memory_space<hbm>>)
      tpu.yield
    }) : () -> ()
    return
  }
}

module attributes {stable_mosaic.version = 14 : i64} {
  func.func @_mlp_body(%arg0: i32, %arg1: memref<2000x128xf32, #tpu.memory_space<vmem>>, %arg2: memref<2000x64xf32, #tpu.memory_space<vmem>>, %arg3: memref<128x256xf32, #tpu.memory_space<vmem>>, %arg4: memref<1x256xf32, #tpu.memory_space<vmem>>, %arg5: memref<256x64xf32, #tpu.memory_space<vmem>>, %arg6: memref<1x64xf32, #tpu.memory_space<vmem>>, %arg7: memref<2000x64xf32, #tpu.memory_space<vmem>>) attributes {dimension_semantics = [#tpu.dimension_semantics<arbitrary>], iteration_bounds = array<i64: 25>, scalar_prefetch = 0 : i64, scratch_operands = 0 : i64, tpu.core_type = #tpu.core_type<tc>, window_params = [{transform_indices = @transform_0, window_bounds = array<i64: 2000, 128>}, {transform_indices = @transform_1, window_bounds = array<i64: 2000, 64>}, {pipeline_mode = #tpu.pipeline_mode<synchronous>, transform_indices = @transform_2, window_bounds = array<i64: 128, 256>}, {pipeline_mode = #tpu.pipeline_mode<synchronous>, transform_indices = @transform_3, window_bounds = array<i64: 1, 256>}, {pipeline_mode = #tpu.pipeline_mode<synchronous>, transform_indices = @transform_4, window_bounds = array<i64: 256, 64>}, {pipeline_mode = #tpu.pipeline_mode<synchronous>, transform_indices = @transform_5, window_bounds = array<i64: 1, 64>}, {transform_indices = @transform_6, window_bounds = array<i64: 2000, 64>}]} {
    %lt3A = arith.constant 10 : i32
    %lt3A_0 = arith.cmpi slt, %arg0, %lt3A : i32
    %convert_element_type3A = arith.extui %lt3A_0 : i1 to i32
    %cond3A = arith.constant 0 : i32
    %cond3A_1 = arith.cmpi ne, %convert_element_type3A, %cond3A : i32
    scf.if %cond3A_1 {
      %get3A = arith.constant 0 : index
      %get3A_6 = arith.constant 0 : index
      %get3A_7 = vector.load %arg2[%get3A, %get3A_6] : memref<2000x64xf32, #tpu.memory_space<vmem>>, vector<2000x64xf32>
      %mul3A = arith.mulf %get3A_7, %get3A_7 : vector<2000x64xf32>
      %reduce_sum3A = arith.constant dense<0.000000e+00> : vector<2000xf32>
      %reduce_sum3A_8 = vector.multi_reduction <add>, %mul3A, %reduce_sum3A [1] : vector<2000x64xf32> to vector<2000xf32>
      %broadcast_in_dim3A = vector.shape_cast %reduce_sum3A_8 : vector<2000xf32> to vector<2000x1xf32>
      %sqrt3A = math.sqrt %broadcast_in_dim3A : vector<2000x1xf32>
      %max3A = arith.constant 9.99999996E-13 : f32
      %max3A_9 = vector.broadcast %max3A : f32 to vector<2000x1xf32>
      %max3A_10 = arith.maximumf %sqrt3A, %max3A_9 : vector<2000x1xf32>
      %div3A = vector.broadcast %max3A_10 : vector<2000x1xf32> to vector<2000x64xf32>
      %div3A_11 = arith.divf %get3A_7, %div3A : vector<2000x64xf32>
      %swap3A = arith.constant 0 : index
      %swap3A_12 = arith.constant 0 : index
      %swap3A_13 = vector.load %arg7[%swap3A, %swap3A_12] : memref<2000x64xf32, #tpu.memory_space<vmem>>, vector<2000x64xf32>
      tpu.vector_store %arg7[%swap3A, %swap3A_12], %div3A_11 {strides = array<i32>} : memref<2000x64xf32, #tpu.memory_space<vmem>>, vector<2000x64xf32>,
    } else {
    }
    %ge3A = arith.constant 10 : i32
    %ge3A_2 = arith.cmpi sge, %arg0, %ge3A : i32
    %convert_element_type3A_3 = arith.extui %ge3A_2 : i1 to i32
    %cond3A_4 = arith.constant 0 : i32
    %cond3A_5 = arith.cmpi ne, %convert_element_type3A_3, %cond3A_4 : i32
    scf.if %cond3A_5 {
      %get3A = arith.constant 0 : index
      %get3A_6 = arith.constant 0 : index
      %get3A_7 = vector.load %arg1[%get3A, %get3A_6] : memref<2000x128xf32, #tpu.memory_space<vmem>>, vector<2000x128xf32>
      %get3A_8 = arith.constant 0 : index
      %get3A_9 = arith.constant 0 : index
      %get3A_10 = vector.load %arg3[%get3A_8, %get3A_9] : memref<128x256xf32, #tpu.memory_space<vmem>>, vector<128x256xf32>
      %dot_general3A = arith.constant dense<0.000000e+00> : vector<2000x256xf32>
      %dot_general3A_11 = tpu.matmul %get3A_7, %get3A_10, %dot_general3A {dimension_numbers = #tpu.dot_dimension_numbers<[1], [0], [0], [1], [0, 0, 1, 1], [], []>, transpose_lhs_hint = false} : vector<2000x128xf32>, vector<128x256xf32>, vector<2000x256xf32> -> vector<2000x256xf32>
      %get3A_12 = arith.constant 0 : index
      %get3A_13 = arith.constant 0 : index
      %get3A_14 = vector.load %arg4[%get3A_12, %get3A_13] : memref<1x256xf32, #tpu.memory_space<vmem>>, vector<1x256xf32>
      %get3A_15 = vector.shape_cast %get3A_14 : vector<1x256xf32> to vector<256xf32>
      %broadcast_in_dim3A = vector.shape_cast %get3A_15 : vector<256xf32> to vector<1x256xf32>
      %add3A = vector.broadcast %broadcast_in_dim3A : vector<1x256xf32> to vector<2000x256xf32>
      %add3A_16 = arith.addf %dot_general3A_11, %add3A : vector<2000x256xf32>
      %gt3A = arith.constant 0.000000e+00 : f32
      %gt3A_17 = vector.broadcast %gt3A : f32 to vector<2000x256xf32>
      %gt3A_18 = arith.cmpf ogt, %add3A_16, %gt3A_17 : vector<2000x256xf32>
      %mul3A = arith.constant 0.00999999977 : f32
      %mul3A_19 = vector.broadcast %mul3A : f32 to vector<2000x256xf32>
      %mul3A_20 = arith.mulf %mul3A_19, %add3A_16 : vector<2000x256xf32>
      %select_n3A = arith.select %gt3A_18, %add3A_16, %mul3A_20 : vector<2000x256xi1>, vector<2000x256xf32>
      %get3A_21 = arith.constant 0 : index
      %get3A_22 = arith.constant 0 : index
      %get3A_23 = vector.load %arg5[%get3A_21, %get3A_22] : memref<256x64xf32, #tpu.memory_space<vmem>>, vector<256x64xf32>
      %dot_general3A_24 = arith.constant dense<0.000000e+00> : vector<2000x64xf32>
      %dot_general3A_25 = tpu.matmul %select_n3A, %get3A_23, %dot_general3A_24 {dimension_numbers = #tpu.dot_dimension_numbers<[1], [0], [0], [1], [0, 0, 1, 1], [], []>, transpose_lhs_hint = false} : vector<2000x256xf32>, vector<256x64xf32>, vector<2000x64xf32> -> vector<2000x64xf32>
      %get3A_26 = arith.constant 0 : index
      %get3A_27 = arith.constant 0 : index
      %get3A_28 = vector.load %arg6[%get3A_26, %get3A_27] : memref<1x64xf32, #tpu.memory_space<vmem>>, vector<1x64xf32>
      %get3A_29 = vector.shape_cast %get3A_28 : vector<1x64xf32> to vector<64xf32>
      %broadcast_in_dim3A_30 = vector.shape_cast %get3A_29 : vector<64xf32> to vector<1x64xf32>
      %add3A_31 = vector.broadcast %broadcast_in_dim3A_30 : vector<1x64xf32> to vector<2000x64xf32>
      %add3A_32 = arith.addf %dot_general3A_25, %add3A_31 : vector<2000x64xf32>
      %mul3A_33 = arith.mulf %add3A_32, %add3A_32 : vector<2000x64xf32>
      %reduce_sum3A = arith.constant dense<0.000000e+00> : vector<2000xf32>
      %reduce_sum3A_34 = vector.multi_reduction <add>, %mul3A_33, %reduce_sum3A [1] : vector<2000x64xf32> to vector<2000xf32>
      %broadcast_in_dim3A_35 = vector.shape_cast %reduce_sum3A_34 : vector<2000xf32> to vector<2000x1xf32>
      %sqrt3A = math.sqrt %broadcast_in_dim3A_35 : vector<2000x1xf32>
      %max3A = arith.constant 9.99999996E-13 : f32
      %max3A_36 = vector.broadcast %max3A : f32 to vector<2000x1xf32>
      %max3A_37 = arith.maximumf %sqrt3A, %max3A_36 : vector<2000x1xf32>
      %div3A = vector.broadcast %max3A_37 : vector<2000x1xf32> to vector<2000x64xf32>
      %div3A_38 = arith.divf %add3A_32, %div3A : vector<2000x64xf32>
      %swap3A = arith.constant 0 : index
      %swap3A_39 = arith.constant 0 : index
      %swap3A_40 = vector.load %arg7[%swap3A, %swap3A_39] : memref<2000x64xf32, #tpu.memory_space<vmem>>, vector<2000x64xf32>
      tpu.vector_store %arg7[%swap3A, %swap3A_39], %div3A_38 {strides = array<i32>} : memref<2000x64xf32, #tpu.memory_space<vmem>>, vector<2000x64xf32>,
    } else {
    }
    return
  }
  func.func @transform_0(%arg0: i32) -> (i32, i32) {
    %sub3A = arith.constant 10 : i32
    %sub3A_0 = arith.subi %arg0, %sub3A : i32
    %jit3A = arith.constant 0 : i32
    %jit3A_1 = arith.constant 14 : i32
    %max3A = arith.maxsi %jit3A, %sub3A_0 : i32
    %min3A = arith.minsi %jit3A_1, %max3A : i32
    %c0_i32 = arith.constant 0 : i32
    %c0_i32_2 = arith.constant 0 : i32
    return %min3A, %c0_i32 : i32, i32
  }
  func.func @transform_1(%arg0: i32) -> (i32, i32) {
    %min3A = arith.constant 9 : i32
    %min3A_0 = arith.minsi %arg0, %min3A : i32
    %c0_i32 = arith.constant 0 : i32
    %c0_i32_1 = arith.constant 0 : i32
    return %min3A_0, %c0_i32 : i32, i32
  }
  func.func @transform_2(%arg0: i32) -> (i32, i32) {
    %c0_i32 = arith.constant 0 : i32
    %c0_i32_0 = arith.constant 0 : i32
    %c0_i32_1 = arith.constant 0 : i32
    return %c0_i32, %c0_i32_0 : i32, i32
  }
  func.func @transform_3(%arg0: i32) -> (i32, i32) {
    %c0_i32 = arith.constant 0 : i32
    %c0_i32_0 = arith.constant 0 : i32
    %c0_i32_1 = arith.constant 0 : i32
    return %c0_i32, %c0_i32_0 : i32, i32
  }
  func.func @transform_4(%arg0: i32) -> (i32, i32) {
    %c0_i32 = arith.constant 0 : i32
    %c0_i32_0 = arith.constant 0 : i32
    %c0_i32_1 = arith.constant 0 : i32
    return %c0_i32, %c0_i32_0 : i32, i32
  }
  func.func @transform_5(%arg0: i32) -> (i32, i32) {
    %c0_i32 = arith.constant 0 : i32
    %c0_i32_0 = arith.constant 0 : i32
    %c0_i32_1 = arith.constant 0 : i32
    return %c0_i32, %c0_i32_0 : i32, i32
  }
  func.func @transform_6(%arg0: i32) -> (i32, i32) {
    %c0_i32 = arith.constant 0 : i32
    %c0_i32_0 = arith.constant 0 : i32
    return %arg0, %c0_i32 : i32, i32
  }
}

module attributes {stable_mosaic.version = 14 : i64} {
  func.func @_scale_body(%arg0: i32, %arg1: memref<800x128xf32, #tpu.memory_space<vmem>>, %arg2: memref<800x128xf32, #tpu.memory_space<vmem>>, %arg3: memref<800x128xf32, #tpu.memory_space<vmem>>, %arg4: memref<800x128xf32, #tpu.memory_space<vmem>>, %arg5: memref<800x128xf32, #tpu.memory_space<vmem>>, %arg6: memref<800x128xf32, #tpu.memory_space<vmem>>, %arg7: memref<800x128xf32, #tpu.memory_space<vmem>>, %arg8: memref<800x128xf32, #tpu.memory_space<vmem>>, %arg9: memref<800x128xf32, #tpu.memory_space<vmem>>, %arg10: memref<800x128xf32, #tpu.memory_space<vmem>>, %arg11: memref<800x128xf32, #tpu.memory_space<vmem>>, %arg12: memref<800x128xf32, #tpu.memory_space<vmem>>, %arg13: memref<800x128xf32, #tpu.memory_space<vmem>>, %arg14: memref<800x128xf32, #tpu.memory_space<vmem>>) attributes {dimension_semantics = [#tpu.dimension_semantics<arbitrary>], iteration_bounds = array<i64: 8>, scalar_prefetch = 0 : i64, scratch_operands = 0 : i64, tpu.core_type = #tpu.core_type<tc>, window_params = [{transform_indices = @transform_0, window_bounds = array<i64: 800, 128>}, {transform_indices = @transform_1, window_bounds = array<i64: 800, 128>}, {transform_indices = @transform_2, window_bounds = array<i64: 800, 128>}, {transform_indices = @transform_3, window_bounds = array<i64: 800, 128>}, {transform_indices = @transform_4, window_bounds = array<i64: 800, 128>}, {transform_indices = @transform_5, window_bounds = array<i64: 800, 128>}, {transform_indices = @transform_6, window_bounds = array<i64: 800, 128>}, {transform_indices = @transform_7, window_bounds = array<i64: 800, 128>}, {transform_indices = @transform_8, window_bounds = array<i64: 800, 128>}, {transform_indices = @transform_9, window_bounds = array<i64: 800, 128>}, {transform_indices = @transform_10, window_bounds = array<i64: 800, 128>}, {transform_indices = @transform_11, window_bounds = array<i64: 800, 128>}, {transform_indices = @transform_12, window_bounds = array<i64: 800, 128>}, {transform_indices = @transform_13, window_bounds = array<i64: 800, 128>}]} {
    %get3A = arith.constant 0 : index
    %get3A_0 = arith.constant 0 : index
    %get3A_1 = vector.load %arg5[%get3A, %get3A_0] : memref<800x128xf32, #tpu.memory_space<vmem>>, vector<800x128xf32>
    %get3A_2 = arith.constant 0 : index
    %get3A_3 = arith.constant 0 : index
    %get3A_4 = vector.load %arg6[%get3A_2, %get3A_3] : memref<800x128xf32, #tpu.memory_space<vmem>>, vector<800x128xf32>
    %add3A = arith.addf %get3A_1, %get3A_4 : vector<800x128xf32>
    %gt3A = arith.constant 0.000000e+00 : f32
    %gt3A_5 = vector.broadcast %gt3A : f32 to vector<800x128xf32>
    %gt3A_6 = arith.cmpf ogt, %add3A, %gt3A_5 : vector<800x128xf32>
    %max3A = arith.constant 1.000000e-30 : f32
    %max3A_7 = vector.broadcast %max3A : f32 to vector<800x128xf32>
    %max3A_8 = arith.maximumf %add3A, %max3A_7 : vector<800x128xf32>
    %rsqrt3A = math.rsqrt %max3A_8 : vector<800x128xf32>
    %jit3A = arith.constant 0.000000e+00 : f32
    %broadcast_in_dim3A = vector.broadcast %jit3A : f32 to vector<800x128xf32>
    %select_n3A = arith.select %gt3A_6, %rsqrt3A, %broadcast_in_dim3A : vector<800x128xi1>, vector<800x128xf32>
    %get3A_9 = arith.constant 0 : index
    %get3A_10 = arith.constant 0 : index
    %get3A_11 = vector.load %arg1[%get3A_9, %get3A_10] : memref<800x128xf32, #tpu.memory_space<vmem>>, vector<800x128xf32>
    %mul3A = arith.mulf %get3A_11, %select_n3A : vector<800x128xf32>
    %swap3A = arith.constant 0 : index
    %swap3A_12 = arith.constant 0 : index
    %swap3A_13 = vector.load %arg7[%swap3A, %swap3A_12] : memref<800x128xf32, #tpu.memory_space<vmem>>, vector<800x128xf32>
    tpu.vector_store %arg7[%swap3A, %swap3A_12], %mul3A {strides = array<i32>} : memref<800x128xf32, #tpu.memory_space<vmem>>, vector<800x128xf32>,
    %mul3A_14 = arith.mulf %mul3A, %select_n3A : vector<800x128xf32>
    %swap3A_15 = arith.constant 0 : index
    %swap3A_16 = arith.constant 0 : index
    %swap3A_17 = vector.load %arg11[%swap3A_15, %swap3A_16] : memref<800x128xf32, #tpu.memory_space<vmem>>, vector<800x128xf32>
    tpu.vector_store %arg11[%swap3A_15, %swap3A_16], %mul3A_14 {strides = array<i32>} : memref<800x128xf32, #tpu.memory_space<vmem>>, vector<800x128xf32>,
    %get3A_18 = arith.constant 0 : index
    %get3A_19 = arith.constant 0 : index
    %get3A_20 = vector.load %arg2[%get3A_18, %get3A_19] : memref<800x128xf32, #tpu.memory_space<vmem>>, vector<800x128xf32>
    %mul3A_21 = arith.mulf %get3A_20, %select_n3A : vector<800x128xf32>
    %swap3A_22 = arith.constant 0 : index
    %swap3A_23 = arith.constant 0 : index
    %swap3A_24 = vector.load %arg8[%swap3A_22, %swap3A_23] : memref<800x128xf32, #tpu.memory_space<vmem>>, vector<800x128xf32>
    tpu.vector_store %arg8[%swap3A_22, %swap3A_23], %mul3A_21 {strides = array<i32>} : memref<800x128xf32, #tpu.memory_space<vmem>>, vector<800x128xf32>,
    %mul3A_25 = arith.mulf %mul3A_21, %select_n3A : vector<800x128xf32>
    %swap3A_26 = arith.constant 0 : index
    %swap3A_27 = arith.constant 0 : index
    %swap3A_28 = vector.load %arg12[%swap3A_26, %swap3A_27] : memref<800x128xf32, #tpu.memory_space<vmem>>, vector<800x128xf32>
    tpu.vector_store %arg12[%swap3A_26, %swap3A_27], %mul3A_25 {strides = array<i32>} : memref<800x128xf32, #tpu.memory_space<vmem>>, vector<800x128xf32>,
    %get3A_29 = arith.constant 0 : index
    %get3A_30 = arith.constant 0 : index
    %get3A_31 = vector.load %arg3[%get3A_29, %get3A_30] : memref<800x128xf32, #tpu.memory_space<vmem>>, vector<800x128xf32>
    %mul3A_32 = arith.mulf %get3A_31, %select_n3A : vector<800x128xf32>
    %swap3A_33 = arith.constant 0 : index
    %swap3A_34 = arith.constant 0 : index
    %swap3A_35 = vector.load %arg9[%swap3A_33, %swap3A_34] : memref<800x128xf32, #tpu.memory_space<vmem>>, vector<800x128xf32>
    tpu.vector_store %arg9[%swap3A_33, %swap3A_34], %mul3A_32 {strides = array<i32>} : memref<800x128xf32, #tpu.memory_space<vmem>>, vector<800x128xf32>,
    %mul3A_36 = arith.mulf %mul3A_32, %select_n3A : vector<800x128xf32>
    %swap3A_37 = arith.constant 0 : index
    %swap3A_38 = arith.constant 0 : index
    %swap3A_39 = vector.load %arg13[%swap3A_37, %swap3A_38] : memref<800x128xf32, #tpu.memory_space<vmem>>, vector<800x128xf32>
    tpu.vector_store %arg13[%swap3A_37, %swap3A_38], %mul3A_36 {strides = array<i32>} : memref<800x128xf32, #tpu.memory_space<vmem>>, vector<800x128xf32>,
    %get3A_40 = arith.constant 0 : index
    %get3A_41 = arith.constant 0 : index
    %get3A_42 = vector.load %arg4[%get3A_40, %get3A_41] : memref<800x128xf32, #tpu.memory_space<vmem>>, vector<800x128xf32>
    %mul3A_43 = arith.mulf %get3A_42, %select_n3A : vector<800x128xf32>
    %swap3A_44 = arith.constant 0 : index
    %swap3A_45 = arith.constant 0 : index
    %swap3A_46 = vector.load %arg10[%swap3A_44, %swap3A_45] : memref<800x128xf32, #tpu.memory_space<vmem>>, vector<800x128xf32>
    tpu.vector_store %arg10[%swap3A_44, %swap3A_45], %mul3A_43 {strides = array<i32>} : memref<800x128xf32, #tpu.memory_space<vmem>>, vector<800x128xf32>,
    %mul3A_47 = arith.mulf %mul3A_43, %select_n3A : vector<800x128xf32>
    %swap3A_48 = arith.constant 0 : index
    %swap3A_49 = arith.constant 0 : index
    %swap3A_50 = vector.load %arg14[%swap3A_48, %swap3A_49] : memref<800x128xf32, #tpu.memory_space<vmem>>, vector<800x128xf32>
    tpu.vector_store %arg14[%swap3A_48, %swap3A_49], %mul3A_47 {strides = array<i32>} : memref<800x128xf32, #tpu.memory_space<vmem>>, vector<800x128xf32>,
    return
  }
  func.func @transform_0(%arg0: i32) -> (i32, i32) {
    %add3A = arith.constant 0 : i32
    %add3A_0 = arith.addi %add3A, %arg0 : i32
    %c0_i32 = arith.constant 0 : i32
    %c0_i32_1 = arith.constant 0 : i32
    return %add3A_0, %c0_i32 : i32, i32
  }
  func.func @transform_1(%arg0: i32) -> (i32, i32) {
    %add3A = arith.constant 8 : i32
    %add3A_0 = arith.addi %add3A, %arg0 : i32
    %c0_i32 = arith.constant 0 : i32
    %c0_i32_1 = arith.constant 0 : i32
    return %add3A_0, %c0_i32 : i32, i32
  }
  func.func @transform_2(%arg0: i32) -> (i32, i32) {
    %add3A = arith.constant 16 : i32
    %add3A_0 = arith.addi %add3A, %arg0 : i32
    %c0_i32 = arith.constant 0 : i32
    %c0_i32_1 = arith.constant 0 : i32
    return %add3A_0, %c0_i32 : i32, i32
  }
  func.func @transform_3(%arg0: i32) -> (i32, i32) {
    %add3A = arith.constant 24 : i32
    %add3A_0 = arith.addi %add3A, %arg0 : i32
    %c0_i32 = arith.constant 0 : i32
    %c0_i32_1 = arith.constant 0 : i32
    return %add3A_0, %c0_i32 : i32, i32
  }
  func.func @transform_4(%arg0: i32) -> (i32, i32) {
    %add3A = arith.constant 0 : i32
    %add3A_0 = arith.addi %add3A, %arg0 : i32
    %c0_i32 = arith.constant 0 : i32
    %c0_i32_1 = arith.constant 0 : i32
    return %add3A_0, %c0_i32 : i32, i32
  }
  func.func @transform_5(%arg0: i32) -> (i32, i32) {
    %add3A = arith.constant 8 : i32
    %add3A_0 = arith.addi %add3A, %arg0 : i32
    %c0_i32 = arith.constant 0 : i32
    %c0_i32_1 = arith.constant 0 : i32
    return %add3A_0, %c0_i32 : i32, i32
  }
  func.func @transform_6(%arg0: i32) -> (i32, i32) {
    %c0_i32 = arith.constant 0 : i32
    %c0_i32_0 = arith.constant 0 : i32
    return %arg0, %c0_i32 : i32, i32
  }
  func.func @transform_7(%arg0: i32) -> (i32, i32) {
    %c0_i32 = arith.constant 0 : i32
    %c0_i32_0 = arith.constant 0 : i32
    return %arg0, %c0_i32 : i32, i32
  }
  func.func @transform_8(%arg0: i32) -> (i32, i32) {
    %c0_i32 = arith.constant 0 : i32
    %c0_i32_0 = arith.constant 0 : i32
    return %arg0, %c0_i32 : i32, i32
  }
  func.func @transform_9(%arg0: i32) -> (i32, i32) {
    %c0_i32 = arith.constant 0 : i32
    %c0_i32_0 = arith.constant 0 : i32
    return %arg0, %c0_i32 : i32, i32
  }
  func.func @transform_10(%arg0: i32) -> (i32, i32) {
    %c0_i32 = arith.constant 0 : i32
    %c0_i32_0 = arith.constant 0 : i32
    return %arg0, %c0_i32 : i32, i32
  }
  func.func @transform_11(%arg0: i32) -> (i32, i32) {
    %c0_i32 = arith.constant 0 : i32
    %c0_i32_0 = arith.constant 0 : i32
    return %arg0, %c0_i32 : i32, i32
  }
  func.func @transform_12(%arg0: i32) -> (i32, i32) {
    %c0_i32 = arith.constant 0 : i32
    %c0_i32_0 = arith.constant 0 : i32
    return %arg0, %c0_i32 : i32, i32
  }
  func.func @transform_13(%arg0: i32) -> (i32, i32) {
    %c0_i32 = arith.constant 0 : i32
    %c0_i32_0 = arith.constant 0 : i32
    return %arg0, %c0_i32 : i32, i32
  }
}

module attributes {stable_mosaic.version = 14 : i64} {
  func.func @_pack_body(%arg0: i32, %arg1: memref<1600x64xf32, #tpu.memory_space<vmem>>, %arg2: memref<200x128xf32, #tpu.memory_space<vmem>>, %arg3: memref<200x128xf32, #tpu.memory_space<vmem>>, %arg4: memref<200x128xf32, #tpu.memory_space<vmem>>, %arg5: memref<200x128xf32, #tpu.memory_space<vmem>>, %arg6: memref<200x128xf32, #tpu.memory_space<vmem>>, %arg7: memref<200x128xf32, #tpu.memory_space<vmem>>, %arg8: memref<200x128xf32, #tpu.memory_space<vmem>>, %arg9: memref<200x128xf32, #tpu.memory_space<vmem>>, %arg10: memref<200x128xf32, #tpu.memory_space<vmem>>, %arg11: memref<200x128xf32, #tpu.memory_space<vmem>>) attributes {dimension_semantics = [#tpu.dimension_semantics<arbitrary>], iteration_bounds = array<i64: 32>, scalar_prefetch = 0 : i64, scratch_operands = 0 : i64, tpu.core_type = #tpu.core_type<tc>, window_params = [{transform_indices = @transform_0, window_bounds = array<i64: 1600, 64>}, {transform_indices = @transform_1, window_bounds = array<i64: 200, 128>}, {transform_indices = @transform_2, window_bounds = array<i64: 200, 128>}, {transform_indices = @transform_3, window_bounds = array<i64: 200, 128>}, {transform_indices = @transform_4, window_bounds = array<i64: 200, 128>}, {transform_indices = @transform_5, window_bounds = array<i64: 200, 128>}, {transform_indices = @transform_6, window_bounds = array<i64: 200, 128>}, {transform_indices = @transform_7, window_bounds = array<i64: 200, 128>}, {transform_indices = @transform_8, window_bounds = array<i64: 200, 128>}, {transform_indices = @transform_9, window_bounds = array<i64: 200, 128>}, {transform_indices = @transform_10, window_bounds = array<i64: 200, 128>}]} {
    %get3A = arith.constant 0 : index
    %get3A_0 = arith.constant 0 : index
    %get3A_1 = vector.load %arg2[%get3A, %get3A_0] : memref<200x128xf32, #tpu.memory_space<vmem>>, vector<200x128xf32>
    %get3A_2 = arith.constant 0 : index
    %get3A_3 = arith.constant 0 : index
    %get3A_4 = vector.load %arg3[%get3A_2, %get3A_3] : memref<200x128xf32, #tpu.memory_space<vmem>>, vector<200x128xf32>
    %add3A = arith.addf %get3A_1, %get3A_4 : vector<200x128xf32>
    %gt3A = arith.constant 0.000000e+00 : f32
    %gt3A_5 = vector.broadcast %gt3A : f32 to vector<200x128xf32>
    %gt3A_6 = arith.cmpf ogt, %add3A, %gt3A_5 : vector<200x128xf32>
    %max3A = arith.constant 1.000000e-30 : f32
    %max3A_7 = vector.broadcast %max3A : f32 to vector<200x128xf32>
    %max3A_8 = arith.maximumf %add3A, %max3A_7 : vector<200x128xf32>
    %rsqrt3A = math.rsqrt %max3A_8 : vector<200x128xf32>
    %jit3A = arith.constant 0.000000e+00 : f32
    %broadcast_in_dim3A = vector.broadcast %jit3A : f32 to vector<200x128xf32>
    %select_n3A = arith.select %gt3A_6, %rsqrt3A, %broadcast_in_dim3A : vector<200x128xi1>, vector<200x128xf32>
    %get3A_9 = arith.constant 0 : index
    %get3A_10 = arith.constant 0 : index
    %get3A_11 = vector.load %arg1[%get3A_9, %get3A_10] : memref<1600x64xf32, #tpu.memory_space<vmem>>, vector<1600x64xf32>
    %slice3A = vector.extract_strided_slice %get3A_11 {offsets = [0, 0], sizes = [1600, 16], strides = [1, 1]} : vector<1600x64xf32> to vector<1600x16xf32>
    %reshape3A = vector.shape_cast %slice3A : vector<1600x16xf32> to vector<200x8x16xf32>
    %slice3A_12 = vector.extract_strided_slice %reshape3A {offsets = [0, 0, 0], sizes = [200, 1, 16], strides = [1, 1, 1]} : vector<200x8x16xf32> to vector<200x1x16xf32>
    %squeeze3A = vector.shape_cast %slice3A_12 : vector<200x1x16xf32> to vector<200x16xf32>
    %slice3A_13 = vector.extract_strided_slice %reshape3A {offsets = [0, 1, 0], sizes = [200, 1, 16], strides = [1, 1, 1]} : vector<200x8x16xf32> to vector<200x1x16xf32>
    %squeeze3A_14 = vector.shape_cast %slice3A_13 : vector<200x1x16xf32> to vector<200x16xf32>
    %slice3A_15 = vector.extract_strided_slice %reshape3A {offsets = [0, 2, 0], sizes = [200, 1, 16], strides = [1, 1, 1]} : vector<200x8x16xf32> to vector<200x1x16xf32>
    %squeeze3A_16 = vector.shape_cast %slice3A_15 : vector<200x1x16xf32> to vector<200x16xf32>
    %slice3A_17 = vector.extract_strided_slice %reshape3A {offsets = [0, 3, 0], sizes = [200, 1, 16], strides = [1, 1, 1]} : vector<200x8x16xf32> to vector<200x1x16xf32>
    %squeeze3A_18 = vector.shape_cast %slice3A_17 : vector<200x1x16xf32> to vector<200x16xf32>
    %slice3A_19 = vector.extract_strided_slice %reshape3A {offsets = [0, 4, 0], sizes = [200, 1, 16], strides = [1, 1, 1]} : vector<200x8x16xf32> to vector<200x1x16xf32>
    %squeeze3A_20 = vector.shape_cast %slice3A_19 : vector<200x1x16xf32> to vector<200x16xf32>
    %slice3A_21 = vector.extract_strided_slice %reshape3A {offsets = [0, 5, 0], sizes = [200, 1, 16], strides = [1, 1, 1]} : vector<200x8x16xf32> to vector<200x1x16xf32>
    %squeeze3A_22 = vector.shape_cast %slice3A_21 : vector<200x1x16xf32> to vector<200x16xf32>
    %slice3A_23 = vector.extract_strided_slice %reshape3A {offsets = [0, 6, 0], sizes = [200, 1, 16], strides = [1, 1, 1]} : vector<200x8x16xf32> to vector<200x1x16xf32>
    %squeeze3A_24 = vector.shape_cast %slice3A_23 : vector<200x1x16xf32> to vector<200x16xf32>
    %slice3A_25 = vector.extract_strided_slice %reshape3A {offsets = [0, 7, 0], sizes = [200, 1, 16], strides = [1, 1, 1]} : vector<200x8x16xf32> to vector<200x1x16xf32>
    %squeeze3A_26 = vector.shape_cast %slice3A_25 : vector<200x1x16xf32> to vector<200x16xf32>
    %concatenate3A = tpu.concatenate %squeeze3A, %squeeze3A_14, %squeeze3A_16, %squeeze3A_18, %squeeze3A_20, %squeeze3A_22, %squeeze3A_24, %squeeze3A_26 in 1 : vector<200x16xf32>, vector<200x16xf32>, vector<200x16xf32>, vector<200x16xf32>, vector<200x16xf32>, vector<200x16xf32>, vector<200x16xf32>, vector<200x16xf32> -> vector<200x128xf32>
    %swap3A = arith.constant 0 : index
    %swap3A_27 = arith.constant 0 : index
    %swap3A_28 = vector.load %arg4[%swap3A, %swap3A_27] : memref<200x128xf32, #tpu.memory_space<vmem>>, vector<200x128xf32>
    tpu.vector_store %arg4[%swap3A, %swap3A_27], %concatenate3A {strides = array<i32>} : memref<200x128xf32, #tpu.memory_space<vmem>>, vector<200x128xf32>,
    %mul3A = arith.mulf %concatenate3A, %select_n3A : vector<200x128xf32>
    %swap3A_29 = arith.constant 0 : index
    %swap3A_30 = arith.constant 0 : index
    %swap3A_31 = vector.load %arg8[%swap3A_29, %swap3A_30] : memref<200x128xf32, #tpu.memory_space<vmem>>, vector<200x128xf32>
    tpu.vector_store %arg8[%swap3A_29, %swap3A_30], %mul3A {strides = array<i32>} : memref<200x128xf32, #tpu.memory_space<vmem>>, vector<200x128xf32>,
    %slice3A_32 = vector.extract_strided_slice %get3A_11 {offsets = [0, 16], sizes = [1600, 16], strides = [1, 1]} : vector<1600x64xf32> to vector<1600x16xf32>
    %reshape3A_33 = vector.shape_cast %slice3A_32 : vector<1600x16xf32> to vector<200x8x16xf32>
    %slice3A_34 = vector.extract_strided_slice %reshape3A_33 {offsets = [0, 0, 0], sizes = [200, 1, 16], strides = [1, 1, 1]} : vector<200x8x16xf32> to vector<200x1x16xf32>
    %squeeze3A_35 = vector.shape_cast %slice3A_34 : vector<200x1x16xf32> to vector<200x16xf32>
    %slice3A_36 = vector.extract_strided_slice %reshape3A_33 {offsets = [0, 1, 0], sizes = [200, 1, 16], strides = [1, 1, 1]} : vector<200x8x16xf32> to vector<200x1x16xf32>
    %squeeze3A_37 = vector.shape_cast %slice3A_36 : vector<200x1x16xf32> to vector<200x16xf32>
    %slice3A_38 = vector.extract_strided_slice %reshape3A_33 {offsets = [0, 2, 0], sizes = [200, 1, 16], strides = [1, 1, 1]} : vector<200x8x16xf32> to vector<200x1x16xf32>
    %squeeze3A_39 = vector.shape_cast %slice3A_38 : vector<200x1x16xf32> to vector<200x16xf32>
    %slice3A_40 = vector.extract_strided_slice %reshape3A_33 {offsets = [0, 3, 0], sizes = [200, 1, 16], strides = [1, 1, 1]} : vector<200x8x16xf32> to vector<200x1x16xf32>
    %squeeze3A_41 = vector.shape_cast %slice3A_40 : vector<200x1x16xf32> to vector<200x16xf32>
    %slice3A_42 = vector.extract_strided_slice %reshape3A_33 {offsets = [0, 4, 0], sizes = [200, 1, 16], strides = [1, 1, 1]} : vector<200x8x16xf32> to vector<200x1x16xf32>
    %squeeze3A_43 = vector.shape_cast %slice3A_42 : vector<200x1x16xf32> to vector<200x16xf32>
    %slice3A_44 = vector.extract_strided_slice %reshape3A_33 {offsets = [0, 5, 0], sizes = [200, 1, 16], strides = [1, 1, 1]} : vector<200x8x16xf32> to vector<200x1x16xf32>
    %squeeze3A_45 = vector.shape_cast %slice3A_44 : vector<200x1x16xf32> to vector<200x16xf32>
    %slice3A_46 = vector.extract_strided_slice %reshape3A_33 {offsets = [0, 6, 0], sizes = [200, 1, 16], strides = [1, 1, 1]} : vector<200x8x16xf32> to vector<200x1x16xf32>
    %squeeze3A_47 = vector.shape_cast %slice3A_46 : vector<200x1x16xf32> to vector<200x16xf32>
    %slice3A_48 = vector.extract_strided_slice %reshape3A_33 {offsets = [0, 7, 0], sizes = [200, 1, 16], strides = [1, 1, 1]} : vector<200x8x16xf32> to vector<200x1x16xf32>
    %squeeze3A_49 = vector.shape_cast %slice3A_48 : vector<200x1x16xf32> to vector<200x16xf32>
    %concatenate3A_50 = tpu.concatenate %squeeze3A_35, %squeeze3A_37, %squeeze3A_39, %squeeze3A_41, %squeeze3A_43, %squeeze3A_45, %squeeze3A_47, %squeeze3A_49 in 1 : vector<200x16xf32>, vector<200x16xf32>, vector<200x16xf32>, vector<200x16xf32>, vector<200x16xf32>, vector<200x16xf32>, vector<200x16xf32>, vector<200x16xf32> -> vector<200x128xf32>
    %swap3A_51 = arith.constant 0 : index
    %swap3A_52 = arith.constant 0 : index
    %swap3A_53 = vector.load %arg5[%swap3A_51, %swap3A_52] : memref<200x128xf32, #tpu.memory_space<vmem>>, vector<200x128xf32>
    tpu.vector_store %arg5[%swap3A_51, %swap3A_52], %concatenate3A_50 {strides = array<i32>} : memref<200x128xf32, #tpu.memory_space<vmem>>, vector<200x128xf32>,
    %mul3A_54 = arith.mulf %concatenate3A_50, %select_n3A : vector<200x128xf32>
    %swap3A_55 = arith.constant 0 : index
    %swap3A_56 = arith.constant 0 : index
    %swap3A_57 = vector.load %arg9[%swap3A_55, %swap3A_56] : memref<200x128xf32, #tpu.memory_space<vmem>>, vector<200x128xf32>
    tpu.vector_store %arg9[%swap3A_55, %swap3A_56], %mul3A_54 {strides = array<i32>} : memref<200x128xf32, #tpu.memory_space<vmem>>, vector<200x128xf32>,
    %slice3A_58 = vector.extract_strided_slice %get3A_11 {offsets = [0, 32], sizes = [1600, 16], strides = [1, 1]} : vector<1600x64xf32> to vector<1600x16xf32>
    %reshape3A_59 = vector.shape_cast %slice3A_58 : vector<1600x16xf32> to vector<200x8x16xf32>
    %slice3A_60 = vector.extract_strided_slice %reshape3A_59 {offsets = [0, 0, 0], sizes = [200, 1, 16], strides = [1, 1, 1]} : vector<200x8x16xf32> to vector<200x1x16xf32>
    %squeeze3A_61 = vector.shape_cast %slice3A_60 : vector<200x1x16xf32> to vector<200x16xf32>
    %slice3A_62 = vector.extract_strided_slice %reshape3A_59 {offsets = [0, 1, 0], sizes = [200, 1, 16], strides = [1, 1, 1]} : vector<200x8x16xf32> to vector<200x1x16xf32>
    %squeeze3A_63 = vector.shape_cast %slice3A_62 : vector<200x1x16xf32> to vector<200x16xf32>
    %slice3A_64 = vector.extract_strided_slice %reshape3A_59 {offsets = [0, 2, 0], sizes = [200, 1, 16], strides = [1, 1, 1]} : vector<200x8x16xf32> to vector<200x1x16xf32>
    %squeeze3A_65 = vector.shape_cast %slice3A_64 : vector<200x1x16xf32> to vector<200x16xf32>
    %slice3A_66 = vector.extract_strided_slice %reshape3A_59 {offsets = [0, 3, 0], sizes = [200, 1, 16], strides = [1, 1, 1]} : vector<200x8x16xf32> to vector<200x1x16xf32>
    %squeeze3A_67 = vector.shape_cast %slice3A_66 : vector<200x1x16xf32> to vector<200x16xf32>
    %slice3A_68 = vector.extract_strided_slice %reshape3A_59 {offsets = [0, 4, 0], sizes = [200, 1, 16], strides = [1, 1, 1]} : vector<200x8x16xf32> to vector<200x1x16xf32>
    %squeeze3A_69 = vector.shape_cast %slice3A_68 : vector<200x1x16xf32> to vector<200x16xf32>
    %slice3A_70 = vector.extract_strided_slice %reshape3A_59 {offsets = [0, 5, 0], sizes = [200, 1, 16], strides = [1, 1, 1]} : vector<200x8x16xf32> to vector<200x1x16xf32>
    %squeeze3A_71 = vector.shape_cast %slice3A_70 : vector<200x1x16xf32> to vector<200x16xf32>
    %slice3A_72 = vector.extract_strided_slice %reshape3A_59 {offsets = [0, 6, 0], sizes = [200, 1, 16], strides = [1, 1, 1]} : vector<200x8x16xf32> to vector<200x1x16xf32>
    %squeeze3A_73 = vector.shape_cast %slice3A_72 : vector<200x1x16xf32> to vector<200x16xf32>
    %slice3A_74 = vector.extract_strided_slice %reshape3A_59 {offsets = [0, 7, 0], sizes = [200, 1, 16], strides = [1, 1, 1]} : vector<200x8x16xf32> to vector<200x1x16xf32>
    %squeeze3A_75 = vector.shape_cast %slice3A_74 : vector<200x1x16xf32> to vector<200x16xf32>
    %concatenate3A_76 = tpu.concatenate %squeeze3A_61, %squeeze3A_63, %squeeze3A_65, %squeeze3A_67, %squeeze3A_69, %squeeze3A_71, %squeeze3A_73, %squeeze3A_75 in 1 : vector<200x16xf32>, vector<200x16xf32>, vector<200x16xf32>, vector<200x16xf32>, vector<200x16xf32>, vector<200x16xf32>, vector<200x16xf32>, vector<200x16xf32> -> vector<200x128xf32>
    %swap3A_77 = arith.constant 0 : index
    %swap3A_78 = arith.constant 0 : index
    %swap3A_79 = vector.load %arg6[%swap3A_77, %swap3A_78] : memref<200x128xf32, #tpu.memory_space<vmem>>, vector<200x128xf32>
    tpu.vector_store %arg6[%swap3A_77, %swap3A_78], %concatenate3A_76 {strides = array<i32>} : memref<200x128xf32, #tpu.memory_space<vmem>>, vector<200x128xf32>,
    %mul3A_80 = arith.mulf %concatenate3A_76, %select_n3A : vector<200x128xf32>
    %swap3A_81 = arith.constant 0 : index
    %swap3A_82 = arith.constant 0 : index
    %swap3A_83 = vector.load %arg10[%swap3A_81, %swap3A_82] : memref<200x128xf32, #tpu.memory_space<vmem>>, vector<200x128xf32>
    tpu.vector_store %arg10[%swap3A_81, %swap3A_82], %mul3A_80 {strides = array<i32>} : memref<200x128xf32, #tpu.memory_space<vmem>>, vector<200x128xf32>,
    %slice3A_84 = vector.extract_strided_slice %get3A_11 {offsets = [0, 48], sizes = [1600, 16], strides = [1, 1]} : vector<1600x64xf32> to vector<1600x16xf32>
    %reshape3A_85 = vector.shape_cast %slice3A_84 : vector<1600x16xf32> to vector<200x8x16xf32>
    %slice3A_86 = vector.extract_strided_slice %reshape3A_85 {offsets = [0, 0, 0], sizes = [200, 1, 16], strides = [1, 1, 1]} : vector<200x8x16xf32> to vector<200x1x16xf32>
    %squeeze3A_87 = vector.shape_cast %slice3A_86 : vector<200x1x16xf32> to vector<200x16xf32>
    %slice3A_88 = vector.extract_strided_slice %reshape3A_85 {offsets = [0, 1, 0], sizes = [200, 1, 16], strides = [1, 1, 1]} : vector<200x8x16xf32> to vector<200x1x16xf32>
    %squeeze3A_89 = vector.shape_cast %slice3A_88 : vector<200x1x16xf32> to vector<200x16xf32>
    %slice3A_90 = vector.extract_strided_slice %reshape3A_85 {offsets = [0, 2, 0], sizes = [200, 1, 16], strides = [1, 1, 1]} : vector<200x8x16xf32> to vector<200x1x16xf32>
    %squeeze3A_91 = vector.shape_cast %slice3A_90 : vector<200x1x16xf32> to vector<200x16xf32>
    %slice3A_92 = vector.extract_strided_slice %reshape3A_85 {offsets = [0, 3, 0], sizes = [200, 1, 16], strides = [1, 1, 1]} : vector<200x8x16xf32> to vector<200x1x16xf32>
    %squeeze3A_93 = vector.shape_cast %slice3A_92 : vector<200x1x16xf32> to vector<200x16xf32>
    %slice3A_94 = vector.extract_strided_slice %reshape3A_85 {offsets = [0, 4, 0], sizes = [200, 1, 16], strides = [1, 1, 1]} : vector<200x8x16xf32> to vector<200x1x16xf32>
    %squeeze3A_95 = vector.shape_cast %slice3A_94 : vector<200x1x16xf32> to vector<200x16xf32>
    %slice3A_96 = vector.extract_strided_slice %reshape3A_85 {offsets = [0, 5, 0], sizes = [200, 1, 16], strides = [1, 1, 1]} : vector<200x8x16xf32> to vector<200x1x16xf32>
    %squeeze3A_97 = vector.shape_cast %slice3A_96 : vector<200x1x16xf32> to vector<200x16xf32>
    %slice3A_98 = vector.extract_strided_slice %reshape3A_85 {offsets = [0, 6, 0], sizes = [200, 1, 16], strides = [1, 1, 1]} : vector<200x8x16xf32> to vector<200x1x16xf32>
    %squeeze3A_99 = vector.shape_cast %slice3A_98 : vector<200x1x16xf32> to vector<200x16xf32>
    %slice3A_100 = vector.extract_strided_slice %reshape3A_85 {offsets = [0, 7, 0], sizes = [200, 1, 16], strides = [1, 1, 1]} : vector<200x8x16xf32> to vector<200x1x16xf32>
    %squeeze3A_101 = vector.shape_cast %slice3A_100 : vector<200x1x16xf32> to vector<200x16xf32>
    %concatenate3A_102 = tpu.concatenate %squeeze3A_87, %squeeze3A_89, %squeeze3A_91, %squeeze3A_93, %squeeze3A_95, %squeeze3A_97, %squeeze3A_99, %squeeze3A_101 in 1 : vector<200x16xf32>, vector<200x16xf32>, vector<200x16xf32>, vector<200x16xf32>, vector<200x16xf32>, vector<200x16xf32>, vector<200x16xf32>, vector<200x16xf32> -> vector<200x128xf32>
    %swap3A_103 = arith.constant 0 : index
    %swap3A_104 = arith.constant 0 : index
    %swap3A_105 = vector.load %arg7[%swap3A_103, %swap3A_104] : memref<200x128xf32, #tpu.memory_space<vmem>>, vector<200x128xf32>
    tpu.vector_store %arg7[%swap3A_103, %swap3A_104], %concatenate3A_102 {strides = array<i32>} : memref<200x128xf32, #tpu.memory_space<vmem>>, vector<200x128xf32>,
    %mul3A_106 = arith.mulf %concatenate3A_102, %select_n3A : vector<200x128xf32>
    %swap3A_107 = arith.constant 0 : index
    %swap3A_108 = arith.constant 0 : index
    %swap3A_109 = vector.load %arg11[%swap3A_107, %swap3A_108] : memref<200x128xf32, #tpu.memory_space<vmem>>, vector<200x128xf32>
    tpu.vector_store %arg11[%swap3A_107, %swap3A_108], %mul3A_106 {strides = array<i32>} : memref<200x128xf32, #tpu.memory_space<vmem>>, vector<200x128xf32>,
    return
  }
  func.func @transform_0(%arg0: i32) -> (i32, i32) {
    %c0_i32 = arith.constant 0 : i32
    %c0_i32_0 = arith.constant 0 : i32
    return %arg0, %c0_i32 : i32, i32
  }
  func.func @transform_1(%arg0: i32) -> (i32, i32) {
    %add3A = arith.constant 0 : i32
    %add3A_0 = arith.addi %add3A, %arg0 : i32
    %c0_i32 = arith.constant 0 : i32
    %c0_i32_1 = arith.constant 0 : i32
    return %add3A_0, %c0_i32 : i32, i32
  }
  func.func @transform_2(%arg0: i32) -> (i32, i32) {
    %add3A = arith.constant 32 : i32
    %add3A_0 = arith.addi %add3A, %arg0 : i32
    %c0_i32 = arith.constant 0 : i32
    %c0_i32_1 = arith.constant 0 : i32
    return %add3A_0, %c0_i32 : i32, i32
  }
  func.func @transform_3(%arg0: i32) -> (i32, i32) {
    %c0_i32 = arith.constant 0 : i32
    %c0_i32_0 = arith.constant 0 : i32
    return %arg0, %c0_i32 : i32, i32
  }
  func.func @transform_4(%arg0: i32) -> (i32, i32) {
    %c0_i32 = arith.constant 0 : i32
    %c0_i32_0 = arith.constant 0 : i32
    return %arg0, %c0_i32 : i32, i32
  }
  func.func @transform_5(%arg0: i32) -> (i32, i32) {
    %c0_i32 = arith.constant 0 : i32
    %c0_i32_0 = arith.constant 0 : i32
    return %arg0, %c0_i32 : i32, i32
  }
  func.func @transform_6(%arg0: i32) -> (i32, i32) {
    %c0_i32 = arith.constant 0 : i32
    %c0_i32_0 = arith.constant 0 : i32
    return %arg0, %c0_i32 : i32, i32
  }
  func.func @transform_7(%arg0: i32) -> (i32, i32) {
    %c0_i32 = arith.constant 0 : i32
    %c0_i32_0 = arith.constant 0 : i32
    return %arg0, %c0_i32 : i32, i32
  }
  func.func @transform_8(%arg0: i32) -> (i32, i32) {
    %c0_i32 = arith.constant 0 : i32
    %c0_i32_0 = arith.constant 0 : i32
    return %arg0, %c0_i32 : i32, i32
  }
  func.func @transform_9(%arg0: i32) -> (i32, i32) {
    %c0_i32 = arith.constant 0 : i32
    %c0_i32_0 = arith.constant 0 : i32
    return %arg0, %c0_i32 : i32, i32
  }
  func.func @transform_10(%arg0: i32) -> (i32, i32) {
    %c0_i32 = arith.constant 0 : i32
    %c0_i32_0 = arith.constant 0 : i32
    return %arg0, %c0_i32 : i32, i32
  }
}

module attributes {stable_mosaic.version = 14 : i64} {
  func.func @_final_body(%arg0: i32, %arg1: memref<800x128xf32, #tpu.memory_space<vmem>>, %arg2: memref<800x128xf32, #tpu.memory_space<vmem>>, %arg3: memref<800x128xf32, #tpu.memory_space<vmem>>, %arg4: memref<800x128xf32, #tpu.memory_space<vmem>>, %arg5: memref<800x128xf32, #tpu.memory_space<vmem>>, %arg6: memref<800x128xf32, #tpu.memory_space<vmem>>, %arg7: memref<800x128xf32, #tpu.memory_space<vmem>>, %arg8: memref<800x128xf32, #tpu.memory_space<vmem>>, %arg9: memref<800x128xf32, #tpu.memory_space<vmem>>, %arg10: memref<800x128xf32, #tpu.memory_space<vmem>>, %arg11: memref<800x128xf32, #tpu.memory_space<vmem>>, %arg12: memref<800x128xf32, #tpu.memory_space<vmem>>, %arg13: memref<800x128xf32, #tpu.memory_space<vmem>>, %arg14: memref<800x128xf32, #tpu.memory_space<vmem>>, %arg15: memref<800x128xf32, #tpu.memory_space<vmem>>, %arg16: memref<800x128xf32, #tpu.memory_space<vmem>>, %arg17: memref<800x128xf32, #tpu.memory_space<vmem>>, %arg18: memref<800x128xf32, #tpu.memory_space<vmem>>) attributes {dimension_semantics = [#tpu.dimension_semantics<arbitrary>], iteration_bounds = array<i64: 8>, scalar_prefetch = 0 : i64, scratch_operands = 0 : i64, tpu.core_type = #tpu.core_type<tc>, window_params = [{transform_indices = @transform_0, window_bounds = array<i64: 800, 128>}, {transform_indices = @transform_1, window_bounds = array<i64: 800, 128>}, {transform_indices = @transform_2, window_bounds = array<i64: 800, 128>}, {transform_indices = @transform_3, window_bounds = array<i64: 800, 128>}, {transform_indices = @transform_4, window_bounds = array<i64: 800, 128>}, {transform_indices = @transform_5, window_bounds = array<i64: 800, 128>}, {transform_indices = @transform_6, window_bounds = array<i64: 800, 128>}, {transform_indices = @transform_7, window_bounds = array<i64: 800, 128>}, {transform_indices = @transform_8, window_bounds = array<i64: 800, 128>}, {transform_indices = @transform_9, window_bounds = array<i64: 800, 128>}, {transform_indices = @transform_10, window_bounds = array<i64: 800, 128>}, {transform_indices = @transform_11, window_bounds = array<i64: 800, 128>}, {transform_indices = @transform_12, window_bounds = array<i64: 800, 128>}, {transform_indices = @transform_13, window_bounds = array<i64: 800, 128>}, {transform_indices = @transform_14, window_bounds = array<i64: 800, 128>}, {transform_indices = @transform_15, window_bounds = array<i64: 800, 128>}, {transform_indices = @transform_16, window_bounds = array<i64: 800, 128>}, {transform_indices = @transform_17, window_bounds = array<i64: 800, 128>}]} {
    %get3A = arith.constant 0 : index
    %get3A_0 = arith.constant 0 : index
    %get3A_1 = vector.load %arg13[%get3A, %get3A_0] : memref<800x128xf32, #tpu.memory_space<vmem>>, vector<800x128xf32>
    %get3A_2 = arith.constant 0 : index
    %get3A_3 = arith.constant 0 : index
    %get3A_4 = vector.load %arg14[%get3A_2, %get3A_3] : memref<800x128xf32, #tpu.memory_space<vmem>>, vector<800x128xf32>
    %add3A = arith.addf %get3A_1, %get3A_4 : vector<800x128xf32>
    %gt3A = arith.constant 0.000000e+00 : f32
    %gt3A_5 = vector.broadcast %gt3A : f32 to vector<800x128xf32>
    %gt3A_6 = arith.cmpf ogt, %add3A, %gt3A_5 : vector<800x128xf32>
    %max3A = arith.constant 1.000000e-30 : f32
    %max3A_7 = vector.broadcast %max3A : f32 to vector<800x128xf32>
    %max3A_8 = arith.maximumf %add3A, %max3A_7 : vector<800x128xf32>
    %rsqrt3A = math.rsqrt %max3A_8 : vector<800x128xf32>
    %jit3A = arith.constant 0.000000e+00 : f32
    %broadcast_in_dim3A = vector.broadcast %jit3A : f32 to vector<800x128xf32>
    %select_n3A = arith.select %gt3A_6, %rsqrt3A, %broadcast_in_dim3A : vector<800x128xi1>, vector<800x128xf32>
    %get3A_9 = arith.constant 0 : index
    %get3A_10 = arith.constant 0 : index
    %get3A_11 = vector.load %arg1[%get3A_9, %get3A_10] : memref<800x128xf32, #tpu.memory_space<vmem>>, vector<800x128xf32>
    %get3A_12 = arith.constant 0 : index
    %get3A_13 = arith.constant 0 : index
    %get3A_14 = vector.load %arg5[%get3A_12, %get3A_13] : memref<800x128xf32, #tpu.memory_space<vmem>>, vector<800x128xf32>
    %add3A_15 = arith.addf %get3A_11, %get3A_14 : vector<800x128xf32>
    %get3A_16 = arith.constant 0 : index
    %get3A_17 = arith.constant 0 : index
    %get3A_18 = vector.load %arg9[%get3A_16, %get3A_17] : memref<800x128xf32, #tpu.memory_space<vmem>>, vector<800x128xf32>
    %mul3A = arith.mulf %get3A_18, %select_n3A : vector<800x128xf32>
    %add3A_19 = arith.addf %add3A_15, %mul3A : vector<800x128xf32>
    %swap3A = arith.constant 0 : index
    %swap3A_20 = arith.constant 0 : index
    %swap3A_21 = vector.load %arg15[%swap3A, %swap3A_20] : memref<800x128xf32, #tpu.memory_space<vmem>>, vector<800x128xf32>
    tpu.vector_store %arg15[%swap3A, %swap3A_20], %add3A_19 {strides = array<i32>} : memref<800x128xf32, #tpu.memory_space<vmem>>, vector<800x128xf32>,
    %get3A_22 = arith.constant 0 : index
    %get3A_23 = arith.constant 0 : index
    %get3A_24 = vector.load %arg2[%get3A_22, %get3A_23] : memref<800x128xf32, #tpu.memory_space<vmem>>, vector<800x128xf32>
    %get3A_25 = arith.constant 0 : index
    %get3A_26 = arith.constant 0 : index
    %get3A_27 = vector.load %arg6[%get3A_25, %get3A_26] : memref<800x128xf32, #tpu.memory_space<vmem>>, vector<800x128xf32>
    %add3A_28 = arith.addf %get3A_24, %get3A_27 : vector<800x128xf32>
    %get3A_29 = arith.constant 0 : index
    %get3A_30 = arith.constant 0 : index
    %get3A_31 = vector.load %arg10[%get3A_29, %get3A_30] : memref<800x128xf32, #tpu.memory_space<vmem>>, vector<800x128xf32>
    %mul3A_32 = arith.mulf %get3A_31, %select_n3A : vector<800x128xf32>
    %add3A_33 = arith.addf %add3A_28, %mul3A_32 : vector<800x128xf32>
    %swap3A_34 = arith.constant 0 : index
    %swap3A_35 = arith.constant 0 : index
    %swap3A_36 = vector.load %arg16[%swap3A_34, %swap3A_35] : memref<800x128xf32, #tpu.memory_space<vmem>>, vector<800x128xf32>
    tpu.vector_store %arg16[%swap3A_34, %swap3A_35], %add3A_33 {strides = array<i32>} : memref<800x128xf32, #tpu.memory_space<vmem>>, vector<800x128xf32>,
    %get3A_37 = arith.constant 0 : index
    %get3A_38 = arith.constant 0 : index
    %get3A_39 = vector.load %arg3[%get3A_37, %get3A_38] : memref<800x128xf32, #tpu.memory_space<vmem>>, vector<800x128xf32>
    %get3A_40 = arith.constant 0 : index
    %get3A_41 = arith.constant 0 : index
    %get3A_42 = vector.load %arg7[%get3A_40, %get3A_41] : memref<800x128xf32, #tpu.memory_space<vmem>>, vector<800x128xf32>
    %add3A_43 = arith.addf %get3A_39, %get3A_42 : vector<800x128xf32>
    %get3A_44 = arith.constant 0 : index
    %get3A_45 = arith.constant 0 : index
    %get3A_46 = vector.load %arg11[%get3A_44, %get3A_45] : memref<800x128xf32, #tpu.memory_space<vmem>>, vector<800x128xf32>
    %mul3A_47 = arith.mulf %get3A_46, %select_n3A : vector<800x128xf32>
    %add3A_48 = arith.addf %add3A_43, %mul3A_47 : vector<800x128xf32>
    %swap3A_49 = arith.constant 0 : index
    %swap3A_50 = arith.constant 0 : index
    %swap3A_51 = vector.load %arg17[%swap3A_49, %swap3A_50] : memref<800x128xf32, #tpu.memory_space<vmem>>, vector<800x128xf32>
    tpu.vector_store %arg17[%swap3A_49, %swap3A_50], %add3A_48 {strides = array<i32>} : memref<800x128xf32, #tpu.memory_space<vmem>>, vector<800x128xf32>,
    %get3A_52 = arith.constant 0 : index
    %get3A_53 = arith.constant 0 : index
    %get3A_54 = vector.load %arg4[%get3A_52, %get3A_53] : memref<800x128xf32, #tpu.memory_space<vmem>>, vector<800x128xf32>
    %get3A_55 = arith.constant 0 : index
    %get3A_56 = arith.constant 0 : index
    %get3A_57 = vector.load %arg8[%get3A_55, %get3A_56] : memref<800x128xf32, #tpu.memory_space<vmem>>, vector<800x128xf32>
    %add3A_58 = arith.addf %get3A_54, %get3A_57 : vector<800x128xf32>
    %get3A_59 = arith.constant 0 : index
    %get3A_60 = arith.constant 0 : index
    %get3A_61 = vector.load %arg12[%get3A_59, %get3A_60] : memref<800x128xf32, #tpu.memory_space<vmem>>, vector<800x128xf32>
    %mul3A_62 = arith.mulf %get3A_61, %select_n3A : vector<800x128xf32>
    %add3A_63 = arith.addf %add3A_58, %mul3A_62 : vector<800x128xf32>
    %swap3A_64 = arith.constant 0 : index
    %swap3A_65 = arith.constant 0 : index
    %swap3A_66 = vector.load %arg18[%swap3A_64, %swap3A_65] : memref<800x128xf32, #tpu.memory_space<vmem>>, vector<800x128xf32>
    tpu.vector_store %arg18[%swap3A_64, %swap3A_65], %add3A_63 {strides = array<i32>} : memref<800x128xf32, #tpu.memory_space<vmem>>, vector<800x128xf32>,
    return
  }
  func.func @transform_0(%arg0: i32) -> (i32, i32) {
    %c0_i32 = arith.constant 0 : i32
    %c0_i32_0 = arith.constant 0 : i32
    return %arg0, %c0_i32 : i32, i32
  }
  func.func @transform_1(%arg0: i32) -> (i32, i32) {
    %c0_i32 = arith.constant 0 : i32
    %c0_i32_0 = arith.constant 0 : i32
    return %arg0, %c0_i32 : i32, i32
  }
  func.func @transform_2(%arg0: i32) -> (i32, i32) {
    %c0_i32 = arith.constant 0 : i32
    %c0_i32_0 = arith.constant 0 : i32
    return %arg0, %c0_i32 : i32, i32
  }
  func.func @transform_3(%arg0: i32) -> (i32, i32) {
    %c0_i32 = arith.constant 0 : i32
    %c0_i32_0 = arith.constant 0 : i32
    return %arg0, %c0_i32 : i32, i32
  }
  func.func @transform_4(%arg0: i32) -> (i32, i32) {
    %c0_i32 = arith.constant 0 : i32
    %c0_i32_0 = arith.constant 0 : i32
    return %arg0, %c0_i32 : i32, i32
  }
  func.func @transform_5(%arg0: i32) -> (i32, i32) {
    %c0_i32 = arith.constant 0 : i32
    %c0_i32_0 = arith.constant 0 : i32
    return %arg0, %c0_i32 : i32, i32
  }
  func.func @transform_6(%arg0: i32) -> (i32, i32) {
    %c0_i32 = arith.constant 0 : i32
    %c0_i32_0 = arith.constant 0 : i32
    return %arg0, %c0_i32 : i32, i32
  }
  func.func @transform_7(%arg0: i32) -> (i32, i32) {
    %c0_i32 = arith.constant 0 : i32
    %c0_i32_0 = arith.constant 0 : i32
    return %arg0, %c0_i32 : i32, i32
  }
  func.func @transform_8(%arg0: i32) -> (i32, i32) {
    %add3A = arith.constant 0 : i32
    %add3A_0 = arith.addi %add3A, %arg0 : i32
    %c0_i32 = arith.constant 0 : i32
    %c0_i32_1 = arith.constant 0 : i32
    return %add3A_0, %c0_i32 : i32, i32
  }
  func.func @transform_9(%arg0: i32) -> (i32, i32) {
    %add3A = arith.constant 8 : i32
    %add3A_0 = arith.addi %add3A, %arg0 : i32
    %c0_i32 = arith.constant 0 : i32
    %c0_i32_1 = arith.constant 0 : i32
    return %add3A_0, %c0_i32 : i32, i32
  }
  func.func @transform_10(%arg0: i32) -> (i32, i32) {
    %add3A = arith.constant 16 : i32
    %add3A_0 = arith.addi %add3A, %arg0 : i32
    %c0_i32 = arith.constant 0 : i32
    %c0_i32_1 = arith.constant 0 : i32
    return %add3A_0, %c0_i32 : i32, i32
  }
  func.func @transform_11(%arg0: i32) -> (i32, i32) {
    %add3A = arith.constant 24 : i32
    %add3A_0 = arith.addi %add3A, %arg0 : i32
    %c0_i32 = arith.constant 0 : i32
    %c0_i32_1 = arith.constant 0 : i32
    return %add3A_0, %c0_i32 : i32, i32
  }
  func.func @transform_12(%arg0: i32) -> (i32, i32) {
    %add3A = arith.constant 0 : i32
    %add3A_0 = arith.addi %add3A, %arg0 : i32
    %c0_i32 = arith.constant 0 : i32
    %c0_i32_1 = arith.constant 0 : i32
    return %add3A_0, %c0_i32 : i32, i32
  }
  func.func @transform_13(%arg0: i32) -> (i32, i32) {
    %add3A = arith.constant 8 : i32
    %add3A_0 = arith.addi %add3A, %arg0 : i32
    %c0_i32 = arith.constant 0 : i32
    %c0_i32_1 = arith.constant 0 : i32
    return %add3A_0, %c0_i32 : i32, i32
  }
  func.func @transform_14(%arg0: i32) -> (i32, i32) {
    %c0_i32 = arith.constant 0 : i32
    %c0_i32_0 = arith.constant 0 : i32
    return %arg0, %c0_i32 : i32, i32
  }
  func.func @transform_15(%arg0: i32) -> (i32, i32) {
    %c0_i32 = arith.constant 0 : i32
    %c0_i32_0 = arith.constant 0 : i32
    return %arg0, %c0_i32 : i32, i32
  }
  func.func @transform_16(%arg0: i32) -> (i32, i32) {
    %c0_i32 = arith.constant 0 : i32
    %c0_i32_0 = arith.constant 0 : i32
    return %arg0, %c0_i32 : i32, i32
  }
  func.func @transform_17(%arg0: i32) -> (i32, i32) {
    %c0_i32 = arith.constant 0 : i32
    %c0_i32_0 = arith.constant 0 : i32
    return %arg0, %c0_i32 : i32, i32
  }
}

</mosaic_0001>

<sc_bundles>
// kernel: kernel.12.cloned.1.call-start
scs
__scs_entry_jumppad:
0x0: {  	(pc) =	sbr.rel $0x88, $3  }
0x1: {  	(tag) =	ssettag $0x0;
	lr =	simm.s32 $0x1  }
0x2: {  	[smem:$0x3F9A] =	sst lr;
	_ =	strace $0xD0000000  }
0x3: {  	_ = 	snop  }
0x4: {  	_ = 	snop  }
0x5: {  	_ = 	snop  }
0x6: {  	_ = 	snop  }
0x7: {  	_ = 	snop  }
__scs_overlays_trampoline_lowered:
0x8: {  	[smem:$0x3FA9] =	sst s0  }
0x9: {  	[smem:$0x3FAA] =	sst s1  }
0xa: {  	[smem:$0x3FAB] =	sst s2  }
0xb: {  	[smem:$0x3FAC] =	sst s3  }
0xc: {  	[smem:$0x3FAD] =	sst s4  }
0xd: {  	[smem:$0x3FAE] =	sst s5  }
0xe: {  	[smem:$0x3FAF] =	sst s6  }
0xf: {  	[smem:$0x3FB0] =	sst s7  }
0x10: {  	[smem:$0x3FB1] =	sst s8  }
0x11: {  	[smem:$0x3FB2] =	sst s9;
	s0 =	simm.s32 @!p0 $0x0  }
0x12: {  	s1 =	sld [smem:$0x3F98];
	s0 =	simm.s32 @p0 $0x1  }
0x13: {  	[smem:$0x3FB3] =	sst s0;
	s0 =	simm.s32 @!p1 $0x0  }
0x14: {  	s2 =	sld [smem:$0x3F97];
	s0 =	simm.s32 @p1 $0x1  }
0x15: {  	[smem:$0x3FB4] =	sst s0;
	s0 =	simm.s32 @!p2 $0x0  }
0x16: {  	s3 =	sld [smem:$0x3FDB];
	s0 =	simm.s32 @p2 $0x1  }
0x17: {  	s4 =	simm.s32 $0x1BF5;
	[smem:$0x3FB6] =	sst s0  }
0x18: {  	s0 =	sld [smem:$0x3F99];
	_ =	swait.ge [sflag:s4], $0x0  }
0x19: {  	s7 =	sld [smem:$0x3F9A]  }
0x1a: {  	s8 =	sadd.s32 $0xFFFFE003, lr  }
0x1b: {  	s9 =	sadd.s32 $0xFFFFFEF7, lr;
	s5 =	simm.s32 $0xFFFFFFFF;
	p2 =	slt.u32 s8, $0xFFFFF086  }
0x1c: {  	p1 =	slt.u32 s9, $0xF7A;
	s5 =	simm.s32 @!p2 $0x0  }
0x1d: {  	s5 =	simm.s32 @p1 $0x1;
	p0 =	seq.s32 s7, s2  }
0x1e: {  	s7 =	smul.u32 @!p0 $0xF7A, s2;
	p2 =	seq.s32 @!p0 s5, $0x0  }
0x1f: {  	s9 =	smul.u32 $0xF7A, s1;
	s8 =	simm.s32 @!p0 $0x1BF5;
	p2 =	por !p2, p0  }
0x20: {  	[sflag:s8] =	ssyncset.s32 @!p0 $0xFFFFF086;
	s6 =	sadd.s32 @!p0 s3, s7;
	s7 =	simm.s32 @!p0 $0x108  }
0x21: {  	s3 =	sadd.s32 s3, s9;
	s6 =	sadd.s32 @!p0 $0x88, s6;
	s7 =	simm.s32 @p2 $0x1082  }
0x22: {  	[simem:s7], [sflag:s8] =	dma.local @!p0 [hbm:s6], $0xF7A  }
0x23: {  	s9 =	sor.u32 $0xD0000000, s2;
	s6 =	simm.s32 $0x108;
	_ =	swait.ge @!p0 [sflag:s8], $0x0  }
0x24: {  	s3 =	sadd.s32 $0x88, s3;
	s6 =	simm.s32 @!p1 $0x1082;
	[sflag:s4] =	ssyncset.s32 $0xFFFFF086  }
0x25: {  	[simem:s6], [sflag:s4] =	dma.local [hbm:s3], $0xF7A  }
0x26: {  	[smem:$0x3F9A] =	sst s1;
	(tag) =	ssettag s2;
	_ =	strace s9  }
0x27: {  	s1 =	sld [smem:$0x3FAA]  }
0x28: {  	s2 =	sld [smem:$0x3FAB]  }
0x29: {  	s4 =	sld [smem:$0x3FAD]  }
0x2a: {  	p0 =	seq.s32 s5, $0x0;
	s5 =	sld [smem:$0x3FAE]  }
0x2b: {  	s6 =	sld [smem:$0x3FAF]  }
0x2c: {  	s7 =	sld [smem:$0x3FB0]  }
0x2d: {  	s3 =	simm.s32 $0x108;
	s8 =	sld [smem:$0x3FB1]  }
0x2e: {  	s3 =	simm.s32 @!p0 $0x1082;
	s9 =	sld [smem:$0x3FB2]  }
0x2f: {  	lr =	sadd.s32 s0, s3;
	s0 =	sld [smem:$0x3FA9]  }
0x30: {  	s3 =	sld [smem:$0x3FAC]  }
0x31: {  	[smem:$0x3FB5] =	sst s10  }
0x32: {  	s10 =	sld [smem:$0x3FB3];
	_ =	sdelay $0x3  }
0x33: {  	p0 =	seq.s32 s10, $0x1;
	s10 =	sld [smem:$0x3FB5];
	_ =	sdelay $0x3  }
0x34: {  	[smem:$0x3FB5] =	sst s10  }
0x35: {  	s10 =	sld [smem:$0x3FB4];
	_ =	sdelay $0x3  }
0x36: {  	p1 =	seq.s32 s10, $0x1;
	s10 =	sld [smem:$0x3FB5];
	_ =	sdelay $0x3  }
0x37: {  	[smem:$0x3FB5] =	sst s10  }
0x38: {  	s10 =	sld [smem:$0x3FB6]  }
0x39: {  	_ = 	snop;
	(pc) =	sbr.ind lr, $3  }
0x3a: {  	_ = 	snop  }
0x3b: {  	_ = 	snop  }
0x3c: {  	p2 =	seq.s32 s10, $0x1;
	s10 =	sld [smem:$0x3FB5]  }
0x3d: {  	_ =	shalt  }
0x3e: {  	_ =	shalt  }
0x3f: {  	_ =	shalt  }
0x40: {  	_ =	shalt  }
0x41: {  	_ =	shalt  }
0x42: {  	_ =	shalt  }
0x43: {  	_ =	shalt  }
0x44: {  	_ =	shalt  }
0x45: {  	_ =	shalt  }
0x46: {  	_ =	shalt  }
0x47: {  	_ =	shalt  }
0x48: {  	_ =	shalt  }
0x49: {  	_ =	shalt  }
0x4a: {  	_ =	shalt  }
0x4b: {  	_ =	shalt  }
0x4c: {  	_ =	shalt  }
0x4d: {  	_ =	shalt  }
0x4e: {  	_ =	shalt  }
0x4f: {  	_ =	shalt  }
0x50: {  	_ =	shalt  }
0x51: {  	_ =	shalt  }
0x52: {  	_ =	shalt  }
0x53: {  	_ =	shalt  }
0x54: {  	_ =	shalt  }
0x55: {  	_ =	shalt  }
0x56: {  	_ =	shalt  }
0x57: {  	_ =	shalt  }
0x58: {  	_ =	shalt  }
0x59: {  	_ =	shalt  }
0x5a: {  	_ =	shalt  }
0x5b: {  	_ =	shalt  }
0x5c: {  	_ =	shalt  }
0x5d: {  	_ =	shalt  }
0x5e: {  	_ =	shalt  }
0x5f: {  	_ =	shalt  }
0x60: {  	_ =	shalt  }
0x61: {  	_ =	shalt  }
0x62: {  	_ =	shalt  }
0x63: {  	_ =	shalt  }
0x64: {  	_ =	shalt  }
0x65: {  	_ =	shalt  }
0x66: {  	_ =	shalt  }
0x67: {  	_ =	shalt  }
0x68: {  	_ =	shalt  }
0x69: {  	_ =	shalt  }
0x6a: {  	_ =	shalt  }
0x6b: {  	_ =	shalt  }
0x6c: {  	_ =	shalt  }
0x6d: {  	_ =	shalt  }
0x6e: {  	_ =	shalt  }
0x6f: {  	_ =	shalt  }
0x70: {  	_ =	shalt  }
0x71: {  	_ =	shalt  }
0x72: {  	_ =	shalt  }
0x73: {  	_ =	shalt  }
0x74: {  	_ =	shalt  }
0x75: {  	_ =	shalt  }
0x76: {  	_ =	shalt  }
0x77: {  	_ =	shalt  }
0x78: {  	_ =	shalt  }
0x79: {  	_ =	shalt  }
0x7a: {  	_ =	shalt  }
0x7b: {  	_ =	shalt  }
0x7c: {  	_ =	shalt  }
0x7d: {  	_ =	shalt  }
0x7e: {  	_ =	shalt  }
0x7f: {  	_ =	shalt  }
0x80: {  	_ =	shalt  }
0x81: {  	_ =	shalt  }
0x82: {  	_ =	shalt  }
0x83: {  	_ =	shalt  }
0x84: {  	_ =	shalt  }
0x85: {  	_ =	shalt  }
0x86: {  	_ =	shalt  }
0x87: {  	_ =	shalt  }
.Lfunc_end0:
.L_simem_size_0:
called_computation.1_lowered:
.L_overlay_start_0:
0x88: {  	s2 =	sld [smem:$0x3FD9]  }
0x89: {  	s3 =	sld [smem:$0x3FFE];
	_ =	sdelay $0x1  }
0x8a: {  	s1 =	srdreg.scid  }
0x8b: {  	s0 =	sand.u32 $0x1, s1  }
0x8c: {  	s14 =	sshll.u32 s0, $0xA;
	s2 =	sadd.s32 s3, s2  }
0x8d: {  	s2 =	sadd.s32 s2, s14  }
0x8e: {  	[smem:$0x3FC1] =	sst s2  }
0x8f: {  	_ = 	snop  }
0x90: {  	s2 =	sld [smem:$0x3FD0];
	_ =	sdelay $0x2  }
0x91: {  	s15 =	simm.s32 $0xA;
	s4 =	simm.s32 $0x10  }
0x92: {  	[smem:s4], [sflag:s15] =	dma.local [hbm:s2], $0x1  }
0x93: {  	_ =	swait.eq [sflag:s15], $0x1  }
0x94: {  	[sflag:s15] =	ssyncset.done $0x0  }
0x95: {  	[sflag:s15] =	ssyncadd.s32 $0xFFFFFFFF  }
0x96: {  	s16 =	sld [smem:$0x11];
	(tm) =	ssettm $0x1  }
0x97: {  	s17 =	sld [smem:$0x3FFB];
	_ =	sdelay $0x3  }
0x98: {  	_ =	strace s17  }
0x99: {  	s3 =	sld [smem:$0x3FFC];
	_ =	sdelay $0x3  }
0x9a: {  	_ =	strace s3  }
0x9b: {  	s3 =	sld [smem:$0x3FFD];
	_ =	sdelay $0x3  }
0x9c: {  	_ =	strace s3  }
0x9d: {  	_ =	strace $0x8FFFFFFF  }
0x9e: {  	s18 =	sld [smem:$0x3FDB];
	_ =	sdelay $0x1  }
0x9f: {  	s19 =	simm.s32 $_scs_section_size  }
0xa0: {  	s5 =	simm.s32 $_size__tile_overlayer_lowered;
	s6 =	simm.s32 $_tile_overlayer_lowered  }
0xa1: {  	s22 =	simm.s32 $0x1BFF;
	s21 =	sshll.u32 s6, $0x1;
	s3 =	sadd.s32 s19, s18  }
0xa2: {  	s7 =	simm.s32 $0x0;
	s20 =	sshll.u32 s5, $0x1;
	s5 =	sadd.s32 s21, s3  }
0xa3: {  	[timem:s7], [sflag:s22] =	dma.local [hbm:s5], s20  }
0xa4: {  	_ =	swait.ge [sflag:s22], s20  }
0xa5: {  	s4 =	ssub.s32 $0x0, s20;
	[sflag:s22] =	ssyncset.done $0x0  }
0xa6: {  	[sflag:s22] =	ssyncadd.s32 s4;
	_ =	sdelay $0x1  }
0xa7: {  	s23 =	simm.s32 $0x1B8B  }
0xa8: {  	_ =	swait.ge [sflag:s23], $0x1  }
0xa9: {  	[sflag:s23] =	ssyncset.done $0x0  }
0xaa: {  	s25 =	simm.s32 $0x1B8E;
	s24 =	sld [smem:$0x3FFE];
	[sflag:s23] =	ssyncadd.s32 $0xFFFFFFFF  }
0xab: {  	s26 =	simm.s32 $execute0_lowered;
	[smem:$0x3FD2] =	sst s25  }
0xac: {  	s5 =	sshll.u32 s26, $0x1;
	_ =	strace $0x80000049;
	[dreg:$0x1] =	wrdreg $0xFFFFFFFF  }
0xad: {  	s28 =	simm.s32 $_size_execute0_lowered;
	s3 =	sadd.s32 s3, s5;
	[dreg:$0x0] =	wrdreg $0x0  }
0xae: {  	s5 =	sshll.u32 s28, $0x1;
	[dreg:$0x2] =	wrdreg s3  }
0xaf: {  	[dreg:$0x3] =	wrdreg s5  }
0xb0: {  	[dreg:$0x4] =	wrdreg $0xC0  }
0xb1: {  	_ =	task [dreg:s7], $0x5FFFF  }
0xb2: {  	[dreg:$0x1] =	wrdreg $0xFFFFFFFF  }
0xb3: {  	[dreg:$0x0] =	wrdreg $0x60  }
0xb4: {  	[dreg:$0x2] =	wrdreg s24  }
0xb5: {  	[dreg:$0x3] =	wrdreg s16  }
0xb6: {  	[dreg:$0x4] =	wrdreg $0x68000  }
0xb7: {  	[dreg:$0x5] =	wrdreg $0x9  }
0xb8: {  	_ =	task.clear_ibuf [dreg:s7], $0x6FFFF;
	_ =	strace $0x90000049  }
0xb9: {  	s29 =	simm.s32 $0x9;
	_ =	strace $0x8000004B  }
0xba: {  	_ =	swait.ge [sflag:s29], $0x1  }
0xbb: {  	[sflag:s29] =	ssyncadd.s32 $0xFFFFFFFF  }
0xbc: {  	_ =	strace $0x9000004B  }
0xbd: {  	_ =	sfence  }
0xbe: {  	s30 =	sld [smem:$0x0];
	_ =	sdelay $0x2  }
0xbf: {  	s31 =	sshll.u32 s1, $0xD;
	s1 =	sshrl.u32 s1, $0x2  }
0xc0: {  	s3 =	sand.u32 $0x4000, s31;
	s1 =	sadd.s32 s1, s30  }
0xc1: {  	s0 =	sor.u32 s3, s0;
	s1 =	sshll.u32 s1, $0x11  }
0xc2: {  	s0 =	sor.u32 s1, s0  }
0xc3: {  	s0 =	sadd.s32 $0x8F2B, s0  }
0xc4: {  	[sflag:s0] =	ssyncadd.remote.s32 $0x1  }
0xc5: {  	_ =	sfence.sel $0xFFFF  }
0xc6: {  	[dreg:$0x0] =	wrdreg $0xFFFFFFFF;
	(pc) =	sbr.abs _section_cstart, $3  }
0xc7: {  	[dreg:$0x1] =	wrdreg $0xFFFFFFFF  }
0xc8: {  	_ =	task.clear_ibuf [dreg:s7], $0x2FFFF;
	_ =	strace $0x9FFFFFFF  }
0xc9: {  	(tm) =	ssettm $0x7FFFFFFF  }
tec
execute0_lowered:
.L_overlay_start_1:
0x0: {  	(tag) =	ssettag $0x1  }
0x1: {  	s0 =	rddreg [dreg:$0x0]  }
0x2: {  	s1 =	rddreg [dreg:$0x1]  }
0x3: {  	s3 =	rddreg [dreg:$0x2];
	s17 =	simm.s32 $0x0;
	s2 =	srdreg.scid  }
0x4: {  	s4 =	stileid.u32;
	s14 =	simm.s32 $0x2800;
	s15 =	simm.s32 $0x11  }
0x5: {  	s16 =	simm.s32 $0x1400;
	s28 =	simm.s32 $0x5000;
	s29 =	simm.s32 $0x6000  }
0x6: {  	s30 =	simm.s32 $0x5;
	s31 =	simm.s32 $0x6;
	[smem:$0x7FF] =	sst s17  }
0x7: {  	s2 =	sand.u32 $0x1, s2;
	s10 =	smul.u32 $0xC800, s4;
	s5 =	sadd.s32 $0x3800, s0  }
0x8: {  	s11 =	sadd.s32 $0x1C800, s0;
	s12 =	sadd.s32 $0x35800, s0;
	s9 =	smul.u32 $0x32000, s4  }
0x9: {  	s6 =	sadd.s32 $0x4E800, s0;
	_ =	strace $0x8000004A;
	s7 =	smul.u32 $0x190000, s2  }
0xa: {  	s13 =	ssub.s32 $0x2, s2;
	p0 =	seq.s32 s2, $0x0;
	s2 =	simm.s32 $0x5800  }
0xb: {  	s23 =	sshrl.u32 s13, $0x1;
	s9 =	sshrl.u32 s9, $0x2;
	s25 =	sadd.s32 s10, s3  }
0xc: {  	s6 =	smov.u32 @p0 s11;
	s8 =	sadd.s32 s10, s7;
	s7 =	sadd.s32 $0xDFE00, s0  }
0xd: {  	s13 =	ssub.s32 s13, s23;
	s9 =	sadd.s32 s9, s3;
	[dreg:$0x6] =	wrdreg s25  }
.Ltmp0:
0xe: {  	s25 =	simm.s32 $0x80;
	s8 =	sshrl.u32 s8, $0x3;
	(pc) =	sbr.rel .LBB2_1-.Ltmp0, $4  }
0xf: {  	s10 =	simm.s32 $0x8;
	s26 =	smax.u32 s13, $0x1;
	s0 =	sadd.s32 s8, s0  }
0x10: {  	s7 =	smov.u32 @p0 s12;
	[dreg:$0x8] =	wrdreg s26;
	s24 =	sadd.s32 $0xF8E00, s0  }
0x11: {  	s8 =	smul.u32 $0x190, s4;
	s0 =	sadd.s32 $0x111E00, s0;
	[dreg:$0x5] =	wrdreg s24  }
0x12: {  	v0 =	vimm.f32 $0.0e+00;
	s26 =	simm.s32 $0x4800;
	[dreg:$0x7] =	wrdreg s0;
	s0 =	simm.s32 $0x7  }
.LBB2_21:
0x13: {  	s4 =	simm.s32 $0x9  }
0x14: {  	_ =	swait.ge [sflag:s4], $0x800  }
0x15: {  	[sflag:s4] =	ssyncset.done $0x0  }
0x16: {  	s13 =	simm.s32 $0xA;
	[sflag:s4] =	ssyncadd.s32 $0xFFFFF800  }
0x17: {  	_ =	swait.ge [sflag:s13], $0x800  }
0x18: {  	[sflag:s13] =	ssyncset.done $0x0  }
0x19: {  	s17 =	simm.s32 $0xB;
	[sflag:s13] =	ssyncadd.s32 $0xFFFFF800  }
0x1a: {  	_ =	swait.ge [sflag:s17], $0x800  }
0x1b: {  	[sflag:s17] =	ssyncset.done $0x0  }
0x1c: {  	s18 =	simm.s32 $0xC;
	[sflag:s17] =	ssyncadd.s32 $0xFFFFF800  }
0x1d: {  	_ =	swait.ge [sflag:s18], $0x800  }
0x1e: {  	[sflag:s18] =	ssyncset.done $0x0  }
0x1f: {  	s19 =	simm.s32 $0xD;
	[sflag:s18] =	ssyncadd.s32 $0xFFFFF800  }
0x20: {  	_ =	swait.ge [sflag:s19], $0x800  }
0x21: {  	[sflag:s19] =	ssyncset.done $0x0  }
0x22: {  	s20 =	simm.s32 $0xE;
	[sflag:s19] =	ssyncadd.s32 $0xFFFFF800  }
0x23: {  	_ =	swait.ge [sflag:s20], $0x800  }
0x24: {  	[sflag:s20] =	ssyncset.done $0x0  }
0x25: {  	s21 =	simm.s32 $0xF;
	[sflag:s20] =	ssyncadd.s32 $0xFFFFF800  }
0x26: {  	_ =	swait.ge [sflag:s21], $0x800  }
0x27: {  	[sflag:s21] =	ssyncset.done $0x0  }
0x28: {  	s22 =	simm.s32 $0x10;
	[sflag:s21] =	ssyncadd.s32 $0xFFFFF800  }
0x29: {  	_ =	swait.ge [sflag:s22], $0x800  }
0x2a: {  	[sflag:s22] =	ssyncset.done $0x0  }
0x2b: {  	[sflag:s22] =	ssyncadd.s32 $0xFFFFF800  }
0x2c: {  	[bflag:$0x0] =	sbarrier.arrive $0xFFFF  }
0x2d: {  	s23 =	rddreg [dreg:$0x7]  }
0x2e: {  	s11 =	rddreg [dreg:$0x9]  }
0x2f: {  	s12 =	rddreg [dreg:$0xa]  }
0x30: {  	[hbm:s23], [sflag:s11] =	dma.local [spmem:s12], $0x1900  }
0x31: {  	_ =	swait.ge [sflag:s15], $0x1900  }
0x32: {  	s17 =	rddreg [dreg:$0x4]  }
0x33: {  	s24 =	rddreg [dreg:$0x8];
	s17 =	sadd.s32 $0x1, s17  }
0x34: {  	p0 =	sne.s32 s17, s24  }
.Ltmp1:
0x35: {  	_ = 	snop;
	(pc) =	sbr.rel @!p0 .LBB2_22-.Ltmp1, $3  }
0x36: {  	_ =	sdelay $0x1  }
0x37: {  	[sflag:s15] =	ssyncset.done $0x0  }
0x38: {  	[sflag:s15] =	ssyncadd.s32 $0xFFFFE700  }
.LBB2_1:
0x39: {  	s11 =	simm.s32 $0x0  }
.LBB2_2:
0x3a: {  	p0 =	sne.s32 s11, $0x1FC0  }
.Ltmp2:
0x3b: {  	_ = 	snop;
	(pc) =	sbr.rel @p0 .LBB2_2-.Ltmp2, $3  }
0x3c: {  	_ =	sdelay $0x1  }
0x3d: {  	s12 =	sshra.s32 s11, $0x2  }
0x3e: {  	s11 =	sadd.s32 $0x40, s11;
	[tilespmem:s12+$0x2800] =	vst v0  }
0x3f: {  	[dreg:$0x4] =	wrdreg s17;
	s11 =	sadd.s32 $0x0, s9  }
0x40: {  	[spmem:s11] =	stream.linear.scatter [tilespmem:s14], [sflag:$0x11], $0x800, $0x38;
	[tilespmem:$0x13000] =	vst v63  }
0x41: {  	s11 =	simm.s32 $0x2000;
	_ =	swait.ge [sflag:s15], $0x800  }
.LBB2_4:
0x42: {  	s12 =	sshra.s32 s11, $0x2;
	[sflag:s15] =	ssyncset.done $0x0;
	p0 =	sne.s32 s11, $0x30000  }
.Ltmp3:
0x43: {  	s12 =	sadd.s32 s12, s9;
	[sflag:s15] =	ssyncadd.s32 $0xFFFFF800;
	(pc) =	sbr.rel @p0 .LBB2_4-.Ltmp3, $3  }
0x44: {  	[spmem:s12] =	stream.linear.scatter [tilespmem:s14], [sflag:$0x11], $0x800, $0x38;
	[tilespmem:$0x13000] =	vst v63  }
0x45: {  	s11 =	sadd.s32 $0x2000, s11;
	_ =	sdelay $0x1  }
0x46: {  	_ =	swait.ge [sflag:s15], $0x800  }
.Ltmp4:
0x47: {  	(pc) =	sbr.rel .LBB2_6-.Ltmp4, $4  }
0x48: {  	[sflag:s15] =	ssyncset.done $0x0  }
0x49: {  	[sflag:s15] =	ssyncadd.s32 $0xFFFFF800  }
0x4a: {  	[bflag:$0x0] =	sbarrier.arrive $0xFFFF  }
0x4b: {  	s11 =	simm.s32 $0x0;
	s12 =	simm.s32 $0x0  }
.LBB2_10:
0x4c: {  	s12 =	sadd.s32 $0x1, s12  }
0x4d: {  	p0 =	sne.s32 s12, $0xA  }
.Ltmp5:
0x4e: {  	_ = 	snop;
	(pc) =	sbr.rel @!p0 .LBB2_11-.Ltmp5, $1  }
0x4f: {  	_ =	sdelay $0x3  }
.LBB2_6:
0x50: {  	p0 =	seq.s32 s12, $0x0  }
0x51: {  	s13 =	simm.s32 @!p0 $0x9  }
0x52: {  	_ =	swait.ge @!p0 [sflag:s13], $0x800  }
0x53: {  	[sflag:s13] =	ssyncset.done @!p0 $0x0  }
0x54: {  	[sflag:s13] =	ssyncadd.s32 @!p0 $0xFFFFF800;
	s13 =	simm.s32 @!p0 $0xA  }
0x55: {  	_ =	swait.ge @!p0 [sflag:s13], $0x800  }
0x56: {  	[sflag:s13] =	ssyncset.done @!p0 $0x0  }
0x57: {  	[sflag:s13] =	ssyncadd.s32 @!p0 $0xFFFFF800;
	s13 =	simm.s32 @!p0 $0xB  }
0x58: {  	_ =	swait.ge @!p0 [sflag:s13], $0x800  }
0x59: {  	[sflag:s13] =	ssyncset.done @!p0 $0x0  }
0x5a: {  	[sflag:s13] =	ssyncadd.s32 @!p0 $0xFFFFF800;
	s13 =	simm.s32 @!p0 $0xC  }
0x5b: {  	_ =	swait.ge @!p0 [sflag:s13], $0x800  }
0x5c: {  	[sflag:s13] =	ssyncset.done @!p0 $0x0  }
0x5d: {  	[sflag:s13] =	ssyncadd.s32 @!p0 $0xFFFFF800;
	s13 =	simm.s32 @!p0 $0xD  }
0x5e: {  	_ =	swait.ge @!p0 [sflag:s13], $0x800  }
0x5f: {  	[sflag:s13] =	ssyncset.done @!p0 $0x0  }
0x60: {  	[sflag:s13] =	ssyncadd.s32 @!p0 $0xFFFFF800;
	s13 =	simm.s32 @!p0 $0xE  }
0x61: {  	_ =	swait.ge @!p0 [sflag:s13], $0x800  }
0x62: {  	[sflag:s13] =	ssyncset.done @!p0 $0x0  }
0x63: {  	[sflag:s13] =	ssyncadd.s32 @!p0 $0xFFFFF800;
	s13 =	simm.s32 @!p0 $0xF  }
0x64: {  	_ =	swait.ge @!p0 [sflag:s13], $0x800  }
0x65: {  	s17 =	smul.u32 $0x28, s12;
	[sflag:s13] =	ssyncset.done @!p0 $0x0  }
0x66: {  	[sflag:s13] =	ssyncadd.s32 @!p0 $0xFFFFF800;
	s13 =	simm.s32 @!p0 $0x10  }
0x67: {  	s17 =	sadd.s32 s8, s17;
	_ =	swait.ge @!p0 [sflag:s13], $0x800  }
0x68: {  	s17 =	sshll.u32 s17, $0x4;
	[sflag:s13] =	ssyncset.done @!p0 $0x0  }
0x69: {  	s23 =	sadd.s32 s5, s17;
	[sflag:s13] =	ssyncadd.s32 @!p0 $0xFFFFF800  }
0x6a: {  	[tilespmem:s11], [sflag:$0x11] =	stream.linear.gather [hbm4b:s23+s11], $0x1400, $0x38;
	[tilespmem:$0x13000] =	vst v63  }
0x6b: {  	_ =	swait.ge [sflag:s15], $0x1400  }
0x6c: {  	[sflag:s15] =	ssyncset.done $0x0  }
.Ltmp6:
0x6d: {  	s24 =	sadd.s32 s1, s17;
	[sflag:s15] =	ssyncadd.s32 $0xFFFFEC00;
	(pc) =	sbr.rel .LBB2_7-.Ltmp6, $4  }
0x6e: {  	[tilespmem:s16], [sflag:$0x11] =	stream.linear.gather [hbm4b:s24+s11], $0x1400, $0x38;
	[tilespmem:$0x13000] =	vst v63  }
0x6f: {  	_ =	swait.ge [sflag:s15], $0x1400  }
0x70: {  	[sflag:s15] =	ssyncset.done $0x0  }
0x71: {  	s17 =	simm.s32 $0x0;
	s13 =	simm.s32 $0x0;
	[sflag:s15] =	ssyncadd.s32 $0xFFFFEC00  }
.LBB2_9:
0x72: {  	s13 =	sadd.s32 $0x800, s13  }
0x73: {  	p0 =	sne.s32 s13, $0x5000  }
.Ltmp7:
0x74: {  	_ = 	snop;
	(pc) =	sbr.rel @!p0 .LBB2_10-.Ltmp7, $2  }
0x75: {  	_ =	sdelay $0x2  }
0x76: {  	s17 =	sadd.s32 $0x1, s17  }
.LBB2_7:
0x77: {  	s18 =	sand.u32 $0x1, s17  }
0x78: {  	p0 =	seq.s32 s18, $0x1  }
0x79: {  	p2 =	slt.u32 @!p0 s17, $0x2  }
0x7a: {  	p1 =	por p2, p0  }
0x7b: {  	s19 =	simm.s32 @!p1 $0x9  }
0x7c: {  	_ =	swait.ge @!p1 [sflag:s19], $0x800  }
0x7d: {  	s20 =	simm.s32 @!p0 $0x80;
	s21 =	simm.s32 @!p0 $0x2800;
	[sflag:s19] =	ssyncset.done @!p1 $0x0  }
0x7e: {  	s22 =	simm.s32 @!p1 $0xA;
	[sflag:s19] =	ssyncadd.s32 @!p1 $0xFFFFF800;
	s19 =	sshra.s32 @!p0 s13, $0x2  }
0x7f: {  	[tilespmem:s21], [sflag:$0x1] =	stream.indirect.gather @!p0 [hbm4b:s6+s20], $0x10, s19, s20, $0xb8;
	[tilespmem:$0x13000] =	vst v63  }
0x80: {  	_ =	swait.ge @!p1 [sflag:s22], $0x800  }
0x81: {  	s23 =	simm.s32 @!p0 $0x3000;
	[sflag:s22] =	ssyncset.done @!p1 $0x0  }
0x82: {  	p2 =	por !p2, p0;
	[sflag:s22] =	ssyncadd.s32 @!p1 $0xFFFFF800;
	s22 =	sadd.s32 @!p0 $0x80, s19  }
0x83: {  	[tilespmem:s23], [sflag:$0x2] =	stream.indirect.gather @!p0 [hbm4b:s6+s20], $0x10, s22, s20, $0xb8;
	[tilespmem:$0x13000] =	vst v63  }
0x84: {  	s24 =	simm.s32 @!p2 $0x100;
	s4 =	simm.s32 @!p2 $0x3800;
	s22 =	simm.s32 @!p2 $0x80  }
0x85: {  	[tilespmem:s4], [sflag:$0x3] =	stream.indirect.gather @!p2 [hbm4b:s6+s22], $0x10, s24, s22, $0xb8;
	[tilespmem:$0x13000] =	vst v63  }
0x86: {  	s4 =	simm.s32 @!p1 $0xB  }
0x87: {  	_ =	swait.ge @!p1 [sflag:s4], $0x800  }
0x88: {  	[sflag:s4] =	ssyncset.done @!p1 $0x0  }
0x89: {  	[sflag:s4] =	ssyncadd.s32 @!p1 $0xFFFFF800;
	s4 =	sshra.s32 @!p1 s13, $0x2  }
0x8a: {  	s22 =	simm.s32 @!p1 $0x80;
	s24 =	simm.s32 @!p1 $0x3800;
	s4 =	sadd.s32 @!p1 $0x100, s4  }
0x8b: {  	[tilespmem:s24], [sflag:$0x3] =	stream.indirect.gather @!p1 [hbm4b:s6+s22], $0x10, s4, s22, $0xb8;
	[tilespmem:$0x13000] =	vst v63  }
0x8c: {  	s4 =	simm.s32 @!p1 $0xC  }
0x8d: {  	_ =	swait.ge @!p1 [sflag:s4], $0x800  }
0x8e: {  	[sflag:s4] =	ssyncset.done @!p1 $0x0  }
0x8f: {  	s22 =	simm.s32 @!p0 $0x4000;
	[sflag:s4] =	ssyncadd.s32 @!p1 $0xFFFFF800;
	s4 =	sadd.s32 @!p0 $0x180, s19  }
0x90: {  	[tilespmem:s22], [sflag:$0x4] =	stream.indirect.gather @!p0 [hbm4b:s6+s20], $0x10, s4, s20, $0xb8;
	[tilespmem:$0x13000] =	vst v63  }
0x91: {  	s4 =	simm.s32 @!p0 $0x1  }
0x92: {  	_ =	swait.ge @!p0 [sflag:s4], $0x800  }
0x93: {  	[sflag:s4] =	ssyncset.done @!p0 $0x0  }
0x94: {  	[sflag:s4] =	ssyncadd.s32 @!p0 $0xFFFFF800;
	s4 =	sadd.s32 @!p0 $0x1400, s19  }
0x95: {  	[spmem:s3] =	stream.indirect.scatter.add.f32 @!p0 [tilespmem:s21], [sflag:$0x9], $0x10, s4, s20, $0xb8;
	[tilespmem:$0x13000] =	vst v63  }
0x96: {  	s4 =	simm.s32 @!p0 $0x2  }
0x97: {  	_ =	swait.ge @!p0 [sflag:s4], $0x800  }
0x98: {  	[sflag:s4] =	ssyncset.done @!p0 $0x0  }
0x99: {  	[sflag:s4] =	ssyncadd.s32 @!p0 $0xFFFFF800;
	s4 =	sadd.s32 @!p0 $0x1480, s19  }
0x9a: {  	[spmem:s3] =	stream.indirect.scatter.add.f32 @!p0 [tilespmem:s23], [sflag:$0xA], $0x10, s4, s20, $0xb8;
	[tilespmem:$0x13000] =	vst v63  }
0x9b: {  	s4 =	simm.s32 @!p0 $0x3  }
0x9c: {  	_ =	swait.ge @!p0 [sflag:s4], $0x800  }
0x9d: {  	[sflag:s4] =	ssyncset.done @!p0 $0x0  }
0x9e: {  	s21 =	simm.s32 @!p0 $0x3800;
	[sflag:s4] =	ssyncadd.s32 @!p0 $0xFFFFF800;
	s4 =	sadd.s32 @!p0 $0x1500, s19  }
0x9f: {  	[spmem:s3] =	stream.indirect.scatter.add.f32 @!p0 [tilespmem:s21], [sflag:$0xB], $0x10, s4, s20, $0xb8;
	[tilespmem:$0x13000] =	vst v63  }
0xa0: {  	s4 =	simm.s32 @!p0 $0x4  }
0xa1: {  	_ =	swait.ge @!p0 [sflag:s4], $0x800  }
0xa2: {  	[sflag:s4] =	ssyncset.done @!p0 $0x0  }
0xa3: {  	p1 =	seq.s32 @!p0 s18, $0x0;
	[sflag:s4] =	ssyncadd.s32 @!p0 $0xFFFFF800;
	s4 =	sadd.s32 @!p0 $0x1580, s19  }
0xa4: {  	[spmem:s3] =	stream.indirect.scatter.add.f32 @!p0 [tilespmem:s22], [sflag:$0xC], $0x10, s4, s20, $0xb8;
	[tilespmem:$0x13000] =	vst v63  }
0xa5: {  	p0 =	por p0, !p1  }
.Ltmp8:
0xa6: {  	_ = 	snop;
	(pc) =	sbr.rel @!p0 .LBB2_9-.Ltmp8, $1  }
0xa7: {  	_ =	sdelay $0x3  }
0xa8: {  	p0 =	slt.u32 s17, $0x2  }
0xa9: {  	s4 =	simm.s32 @!p0 $0xD  }
0xaa: {  	_ =	swait.ge @!p0 [sflag:s4], $0x800  }
0xab: {  	[sflag:s4] =	ssyncset.done @!p0 $0x0  }
0xac: {  	s18 =	simm.s32 @!p0 $0xE;
	[sflag:s4] =	ssyncadd.s32 @!p0 $0xFFFFF800;
	s4 =	sshra.s32 s13, $0x2  }
0xad: {  	[tilespmem:s26], [sflag:$0x5] =	stream.indirect.gather [hbm4b:s6+s25], $0x10, s4, s25, $0xb8;
	[tilespmem:$0x13000] =	vst v63  }
0xae: {  	_ =	swait.ge @!p0 [sflag:s18], $0x800  }
0xaf: {  	[sflag:s18] =	ssyncset.done @!p0 $0x0  }
0xb0: {  	s20 =	sadd.s32 $0x80, s4;
	[sflag:s18] =	ssyncadd.s32 @!p0 $0xFFFFF800;
	s18 =	sshra.s32 @p0 s13, $0x2  }
0xb1: {  	[tilespmem:s28], [sflag:$0x6] =	stream.indirect.gather [hbm4b:s6+s25], $0x10, s20, s25, $0xb8;
	[tilespmem:$0x13000] =	vst v63  }
0xb2: {  	s19 =	simm.s32 @p0 $0x80;
	s18 =	sadd.s32 @p0 $0x100, s18;
	s20 =	simm.s32 @p0 $0x5800  }
0xb3: {  	[tilespmem:s20], [sflag:$0x7] =	stream.indirect.gather @p0 [hbm4b:s6+s19], $0x10, s18, s19, $0xb8;
	[tilespmem:$0x13000] =	vst v63  }
0xb4: {  	s18 =	simm.s32 @!p0 $0xF  }
0xb5: {  	_ =	swait.ge @!p0 [sflag:s18], $0x800  }
0xb6: {  	[sflag:s18] =	ssyncset.done @!p0 $0x0  }
0xb7: {  	[sflag:s18] =	ssyncadd.s32 @!p0 $0xFFFFF800;
	s18 =	sshra.s32 @!p0 s13, $0x2  }
0xb8: {  	s19 =	simm.s32 @!p0 $0x80;
	s20 =	simm.s32 @!p0 $0x5800;
	s18 =	sadd.s32 @!p0 $0x100, s18  }
0xb9: {  	[tilespmem:s20], [sflag:$0x7] =	stream.indirect.gather @!p0 [hbm4b:s6+s19], $0x10, s18, s19, $0xb8;
	[tilespmem:$0x13000] =	vst v63  }
0xba: {  	s18 =	simm.s32 @!p0 $0x10  }
0xbb: {  	_ =	swait.ge @!p0 [sflag:s18], $0x800  }
0xbc: {  	[sflag:s18] =	ssyncset.done @!p0 $0x0  }
0xbd: {  	s21 =	sadd.s32 $0x180, s4;
	[sflag:s18] =	ssyncadd.s32 @!p0 $0xFFFFF800  }
0xbe: {  	[tilespmem:s29], [sflag:$0x8] =	stream.indirect.gather [hbm4b:s6+s25], $0x10, s21, s25, $0xb8;
	[tilespmem:$0x13000] =	vst v63  }
0xbf: {  	_ =	swait.ge [sflag:s30], $0x800  }
0xc0: {  	[sflag:s30] =	ssyncset.done $0x0  }
0xc1: {  	s22 =	sadd.s32 $0x1400, s4;
	[sflag:s30] =	ssyncadd.s32 $0xFFFFF800  }
0xc2: {  	[spmem:s3] =	stream.indirect.scatter.add.f32 [tilespmem:s26], [sflag:$0xD], $0x10, s22, s25, $0xb8;
	[tilespmem:$0x13000] =	vst v63  }
0xc3: {  	_ =	swait.ge [sflag:s31], $0x800  }
0xc4: {  	[sflag:s31] =	ssyncset.done $0x0  }
0xc5: {  	s23 =	sadd.s32 $0x1480, s4;
	[sflag:s31] =	ssyncadd.s32 $0xFFFFF800  }
0xc6: {  	[spmem:s3] =	stream.indirect.scatter.add.f32 [tilespmem:s28], [sflag:$0xE], $0x10, s23, s25, $0xb8;
	[tilespmem:$0x13000] =	vst v63  }
0xc7: {  	_ =	swait.ge [sflag:s0], $0x800  }
0xc8: {  	[sflag:s0] =	ssyncset.done $0x0  }
0xc9: {  	s24 =	sadd.s32 $0x1500, s4;
	[sflag:s0] =	ssyncadd.s32 $0xFFFFF800  }
0xca: {  	[spmem:s3] =	stream.indirect.scatter.add.f32 [tilespmem:s2], [sflag:$0xF], $0x10, s24, s25, $0xb8;
	[tilespmem:$0x13000] =	vst v63  }
.Ltmp9:
0xcb: {  	_ = 	snop;
	(pc) =	sbr.rel .LBB2_9-.Ltmp9, $4  }
0xcc: {  	_ =	swait.ge [sflag:s10], $0x800  }
0xcd: {  	[sflag:s10] =	ssyncset.done $0x0  }
0xce: {  	s4 =	sadd.s32 $0x1580, s4;
	[sflag:s10] =	ssyncadd.s32 $0xFFFFF800  }
0xcf: {  	[spmem:s3] =	stream.indirect.scatter.add.f32 [tilespmem:s29], [sflag:$0x10], $0x10, s4, s25, $0xb8;
	[tilespmem:$0x13000] =	vst v63  }
.LBB2_11:
0xd0: {  	s4 =	simm.s32 $0x9  }
0xd1: {  	_ =	swait.ge [sflag:s4], $0x800  }
0xd2: {  	[sflag:s4] =	ssyncset.done $0x0  }
0xd3: {  	s12 =	simm.s32 $0xA;
	[sflag:s4] =	ssyncadd.s32 $0xFFFFF800  }
0xd4: {  	_ =	swait.ge [sflag:s12], $0x800  }
0xd5: {  	[sflag:s12] =	ssyncset.done $0x0  }
0xd6: {  	s13 =	simm.s32 $0xB;
	[sflag:s12] =	ssyncadd.s32 $0xFFFFF800  }
0xd7: {  	_ =	swait.ge [sflag:s13], $0x800  }
0xd8: {  	[sflag:s13] =	ssyncset.done $0x0  }
0xd9: {  	s17 =	simm.s32 $0xC;
	[sflag:s13] =	ssyncadd.s32 $0xFFFFF800  }
0xda: {  	_ =	swait.ge [sflag:s17], $0x800  }
0xdb: {  	[sflag:s17] =	ssyncset.done $0x0  }
0xdc: {  	s18 =	simm.s32 $0xD;
	[sflag:s17] =	ssyncadd.s32 $0xFFFFF800  }
0xdd: {  	_ =	swait.ge [sflag:s18], $0x800  }
0xde: {  	[sflag:s18] =	ssyncset.done $0x0  }
0xdf: {  	s19 =	simm.s32 $0xE;
	[sflag:s18] =	ssyncadd.s32 $0xFFFFF800  }
0xe0: {  	_ =	swait.ge [sflag:s19], $0x800  }
0xe1: {  	[sflag:s19] =	ssyncset.done $0x0  }
0xe2: {  	s20 =	simm.s32 $0xF;
	[sflag:s19] =	ssyncadd.s32 $0xFFFFF800  }
0xe3: {  	_ =	swait.ge [sflag:s20], $0x800  }
0xe4: {  	[sflag:s20] =	ssyncset.done $0x0  }
0xe5: {  	s21 =	simm.s32 $0x10;
	[sflag:s20] =	ssyncadd.s32 $0xFFFFF800  }
0xe6: {  	_ =	swait.ge [sflag:s21], $0x800  }
0xe7: {  	[sflag:s21] =	ssyncset.done $0x0  }
0xe8: {  	[sflag:s21] =	ssyncadd.s32 $0xFFFFF800  }
0xe9: {  	s22 =	stileid.u32;
	[bflag:$0x0] =	sbarrier.arrive $0xFFFF  }
0xea: {  	s4 =	sshll.u32 s22, $0x6;
	s23 =	rddreg [dreg:$0x6]  }
0xeb: {  	s11 =	sor.u32 $0x1C11, s4;
	s24 =	rddreg [dreg:$0x5]  }
0xec: {  	[dreg:$0x9] =	wrdreg s11;
	s12 =	sshrl.u32 s23, $0x3  }
0xed: {  	[dreg:$0xa] =	wrdreg s12  }
0xee: {  	[hbm:s24], [sflag:s11] =	dma.local [spmem:s12], $0x1900  }
0xef: {  	_ =	swait.ge [sflag:s15], $0x1900  }
0xf0: {  	[sflag:s15] =	ssyncset.done $0x0  }
0xf1: {  	s13 =	simm.s32 $0x40;
	s17 =	simm.s32 $0x0;
	[sflag:s15] =	ssyncadd.s32 $0xFFFFE700  }
.LBB2_12:
0xf2: {  	p0 =	sne.s32 s13, $0x1FC0;
	[tilespmem:s17+$0x2800] =	vst v0;
	s4 =	smov.u32 s13;
	s13 =	sadd.s32 $0x40, s13  }
.Ltmp10:
0xf3: {  	(pc) =	sbr.rel @p0 .LBB2_12-.Ltmp10, $2  }
0xf4: {  	_ =	sdelay $0x2  }
0xf5: {  	s17 =	sshra.s32 s4, $0x2  }
0xf6: {  	[tilespmem:s17+$0x2800] =	vst v0;
	s4 =	sadd.s32 $0x0, s9  }
0xf7: {  	[spmem:s4] =	stream.linear.scatter [tilespmem:s14], [sflag:$0x11], $0x800, $0x38;
	[tilespmem:$0x13000] =	vst v63  }
0xf8: {  	s13 =	simm.s32 $0x2000;
	_ =	swait.ge [sflag:s15], $0x800  }
.LBB2_14:
0xf9: {  	s4 =	sshra.s32 s13, $0x2;
	[sflag:s15] =	ssyncset.done $0x0;
	p0 =	sne.s32 s13, $0x30000  }
.Ltmp11:
0xfa: {  	s4 =	sadd.s32 s4, s9;
	[sflag:s15] =	ssyncadd.s32 $0xFFFFF800;
	(pc) =	sbr.rel @p0 .LBB2_14-.Ltmp11, $3  }
0xfb: {  	[spmem:s4] =	stream.linear.scatter [tilespmem:s14], [sflag:$0x11], $0x800, $0x38;
	[tilespmem:$0x13000] =	vst v63  }
0xfc: {  	s13 =	sadd.s32 $0x2000, s13;
	_ =	sdelay $0x1  }
0xfd: {  	_ =	swait.ge [sflag:s15], $0x800  }
.Ltmp12:
0xfe: {  	(pc) =	sbr.rel .LBB2_16-.Ltmp12, $4  }
0xff: {  	[sflag:s15] =	ssyncset.done $0x0  }
0x100: {  	[sflag:s15] =	ssyncadd.s32 $0xFFFFF800  }
0x101: {  	[bflag:$0x0] =	sbarrier.arrive $0xFFFF  }
0x102: {  	s13 =	simm.s32 $0x0;
	s17 =	simm.s32 $0x0  }
.LBB2_20:
0x103: {  	s17 =	sadd.s32 $0x1, s17  }
0x104: {  	p0 =	sne.s32 s17, $0xA  }
.Ltmp13:
0x105: {  	_ = 	snop;
	(pc) =	sbr.rel @!p0 .LBB2_21-.Ltmp13, $1  }
0x106: {  	_ =	sdelay $0x3  }
.LBB2_16:
0x107: {  	p0 =	seq.s32 s17, $0x0  }
0x108: {  	s4 =	simm.s32 @!p0 $0x9  }
0x109: {  	_ =	swait.ge @!p0 [sflag:s4], $0x800  }
0x10a: {  	[sflag:s4] =	ssyncset.done @!p0 $0x0  }
0x10b: {  	[sflag:s4] =	ssyncadd.s32 @!p0 $0xFFFFF800;
	s4 =	simm.s32 @!p0 $0xA  }
0x10c: {  	_ =	swait.ge @!p0 [sflag:s4], $0x800  }
0x10d: {  	[sflag:s4] =	ssyncset.done @!p0 $0x0  }
0x10e: {  	[sflag:s4] =	ssyncadd.s32 @!p0 $0xFFFFF800;
	s4 =	simm.s32 @!p0 $0xB  }
0x10f: {  	_ =	swait.ge @!p0 [sflag:s4], $0x800  }
0x110: {  	[sflag:s4] =	ssyncset.done @!p0 $0x0  }
0x111: {  	[sflag:s4] =	ssyncadd.s32 @!p0 $0xFFFFF800;
	s4 =	simm.s32 @!p0 $0xC  }
0x112: {  	_ =	swait.ge @!p0 [sflag:s4], $0x800  }
0x113: {  	[sflag:s4] =	ssyncset.done @!p0 $0x0  }
0x114: {  	[sflag:s4] =	ssyncadd.s32 @!p0 $0xFFFFF800;
	s4 =	simm.s32 @!p0 $0xD  }
0x115: {  	_ =	swait.ge @!p0 [sflag:s4], $0x800  }
0x116: {  	[sflag:s4] =	ssyncset.done @!p0 $0x0  }
0x117: {  	[sflag:s4] =	ssyncadd.s32 @!p0 $0xFFFFF800;
	s4 =	simm.s32 @!p0 $0xE  }
0x118: {  	_ =	swait.ge @!p0 [sflag:s4], $0x800  }
0x119: {  	[sflag:s4] =	ssyncset.done @!p0 $0x0  }
0x11a: {  	[sflag:s4] =	ssyncadd.s32 @!p0 $0xFFFFF800;
	s4 =	simm.s32 @!p0 $0xF  }
0x11b: {  	_ =	swait.ge @!p0 [sflag:s4], $0x800  }
0x11c: {  	s18 =	smul.u32 $0x28, s17;
	[sflag:s4] =	ssyncset.done @!p0 $0x0  }
0x11d: {  	[sflag:s4] =	ssyncadd.s32 @!p0 $0xFFFFF800;
	s4 =	simm.s32 @!p0 $0x10  }
0x11e: {  	s18 =	sadd.s32 s8, s18;
	_ =	swait.ge @!p0 [sflag:s4], $0x800  }
0x11f: {  	s18 =	sshll.u32 s18, $0x4;
	[sflag:s4] =	ssyncset.done @!p0 $0x0  }
0x120: {  	s23 =	sadd.s32 s5, s18;
	[sflag:s4] =	ssyncadd.s32 @!p0 $0xFFFFF800  }
0x121: {  	[tilespmem:s13], [sflag:$0x11] =	stream.linear.gather [hbm4b:s23+s13], $0x1400, $0x38;
	[tilespmem:$0x13000] =	vst v63  }
0x122: {  	_ =	swait.ge [sflag:s15], $0x1400  }
0x123: {  	[sflag:s15] =	ssyncset.done $0x0  }
.Ltmp14:
0x124: {  	s24 =	sadd.s32 s1, s18;
	[sflag:s15] =	ssyncadd.s32 $0xFFFFEC00;
	(pc) =	sbr.rel .LBB2_17-.Ltmp14, $4  }
0x125: {  	[tilespmem:s16], [sflag:$0x11] =	stream.linear.gather [hbm4b:s24+s13], $0x1400, $0x38;
	[tilespmem:$0x13000] =	vst v63  }
0x126: {  	_ =	swait.ge [sflag:s15], $0x1400  }
0x127: {  	[sflag:s15] =	ssyncset.done $0x0  }
0x128: {  	s19 =	simm.s32 $0x0;
	s18 =	simm.s32 $0x0;
	[sflag:s15] =	ssyncadd.s32 $0xFFFFEC00  }
.LBB2_19:
0x129: {  	s18 =	sadd.s32 $0x800, s18  }
0x12a: {  	p0 =	sne.s32 s18, $0x5000  }
.Ltmp15:
0x12b: {  	_ = 	snop;
	(pc) =	sbr.rel @!p0 .LBB2_20-.Ltmp15, $2  }
0x12c: {  	_ =	sdelay $0x2  }
0x12d: {  	s19 =	sadd.s32 $0x1, s19  }
.LBB2_17:
0x12e: {  	s20 =	sand.u32 $0x1, s19  }
0x12f: {  	p0 =	seq.s32 s20, $0x1  }
0x130: {  	p2 =	slt.u32 @!p0 s19, $0x2  }
0x131: {  	p1 =	por p2, p0  }
0x132: {  	s4 =	simm.s32 @!p1 $0x9  }
0x133: {  	_ =	swait.ge @!p1 [sflag:s4], $0x800  }
0x134: {  	s21 =	simm.s32 @!p0 $0x80;
	s22 =	simm.s32 @!p0 $0x2800;
	[sflag:s4] =	ssyncset.done @!p1 $0x0  }
0x135: {  	s23 =	simm.s32 @!p1 $0xA;
	[sflag:s4] =	ssyncadd.s32 @!p1 $0xFFFFF800;
	s4 =	sshra.s32 @!p0 s18, $0x2  }
0x136: {  	[tilespmem:s22], [sflag:$0x1] =	stream.indirect.gather @!p0 [hbm4b:s7+s21], $0x10, s4, s21, $0xb8;
	[tilespmem:$0x13000] =	vst v63  }
0x137: {  	_ =	swait.ge @!p1 [sflag:s23], $0x800  }
0x138: {  	s24 =	simm.s32 @!p0 $0x3000;
	[sflag:s23] =	ssyncset.done @!p1 $0x0  }
0x139: {  	p2 =	por !p2, p0;
	[sflag:s23] =	ssyncadd.s32 @!p1 $0xFFFFF800;
	s23 =	sadd.s32 @!p0 $0x80, s4  }
0x13a: {  	[tilespmem:s24], [sflag:$0x2] =	stream.indirect.gather @!p0 [hbm4b:s7+s21], $0x10, s23, s21, $0xb8;
	[tilespmem:$0x13000] =	vst v63  }
0x13b: {  	s11 =	simm.s32 @!p2 $0x100;
	s12 =	simm.s32 @!p2 $0x3800;
	s23 =	simm.s32 @!p2 $0x80  }
0x13c: {  	[tilespmem:s12], [sflag:$0x3] =	stream.indirect.gather @!p2 [hbm4b:s7+s23], $0x10, s11, s23, $0xb8;
	[tilespmem:$0x13000] =	vst v63  }
0x13d: {  	s11 =	simm.s32 @!p1 $0xB  }
0x13e: {  	_ =	swait.ge @!p1 [sflag:s11], $0x800  }
0x13f: {  	[sflag:s11] =	ssyncset.done @!p1 $0x0  }
0x140: {  	[sflag:s11] =	ssyncadd.s32 @!p1 $0xFFFFF800;
	s11 =	sshra.s32 @!p1 s18, $0x2  }
0x141: {  	s12 =	simm.s32 @!p1 $0x80;
	s23 =	simm.s32 @!p1 $0x3800;
	s11 =	sadd.s32 @!p1 $0x100, s11  }
0x142: {  	[tilespmem:s23], [sflag:$0x3] =	stream.indirect.gather @!p1 [hbm4b:s7+s12], $0x10, s11, s12, $0xb8;
	[tilespmem:$0x13000] =	vst v63  }
0x143: {  	s11 =	simm.s32 @!p1 $0xC  }
0x144: {  	_ =	swait.ge @!p1 [sflag:s11], $0x800  }
0x145: {  	[sflag:s11] =	ssyncset.done @!p1 $0x0  }
0x146: {  	s12 =	simm.s32 @!p0 $0x4000;
	[sflag:s11] =	ssyncadd.s32 @!p1 $0xFFFFF800;
	s11 =	sadd.s32 @!p0 $0x180, s4  }
0x147: {  	[tilespmem:s12], [sflag:$0x4] =	stream.indirect.gather @!p0 [hbm4b:s7+s21], $0x10, s11, s21, $0xb8;
	[tilespmem:$0x13000] =	vst v63  }
0x148: {  	s11 =	simm.s32 @!p0 $0x1  }
0x149: {  	_ =	swait.ge @!p0 [sflag:s11], $0x800  }
0x14a: {  	[sflag:s11] =	ssyncset.done @!p0 $0x0  }
0x14b: {  	[sflag:s11] =	ssyncadd.s32 @!p0 $0xFFFFF800;
	s11 =	sadd.s32 @!p0 $0x1400, s4  }
0x14c: {  	[spmem:s3] =	stream.indirect.scatter.add.f32 @!p0 [tilespmem:s22], [sflag:$0x9], $0x10, s11, s21, $0xb8;
	[tilespmem:$0x13000] =	vst v63  }
0x14d: {  	s11 =	simm.s32 @!p0 $0x2  }
0x14e: {  	_ =	swait.ge @!p0 [sflag:s11], $0x800  }
0x14f: {  	[sflag:s11] =	ssyncset.done @!p0 $0x0  }
0x150: {  	[sflag:s11] =	ssyncadd.s32 @!p0 $0xFFFFF800;
	s11 =	sadd.s32 @!p0 $0x1480, s4  }
0x151: {  	[spmem:s3] =	stream.indirect.scatter.add.f32 @!p0 [tilespmem:s24], [sflag:$0xA], $0x10, s11, s21, $0xb8;
	[tilespmem:$0x13000] =	vst v63  }
0x152: {  	s11 =	simm.s32 @!p0 $0x3  }
0x153: {  	_ =	swait.ge @!p0 [sflag:s11], $0x800  }
0x154: {  	[sflag:s11] =	ssyncset.done @!p0 $0x0  }
0x155: {  	s22 =	simm.s32 @!p0 $0x3800;
	[sflag:s11] =	ssyncadd.s32 @!p0 $0xFFFFF800;
	s11 =	sadd.s32 @!p0 $0x1500, s4  }
0x156: {  	[spmem:s3] =	stream.indirect.scatter.add.f32 @!p0 [tilespmem:s22], [sflag:$0xB], $0x10, s11, s21, $0xb8;
	[tilespmem:$0x13000] =	vst v63  }
0x157: {  	s11 =	simm.s32 @!p0 $0x4  }
0x158: {  	_ =	swait.ge @!p0 [sflag:s11], $0x800  }
0x159: {  	[sflag:s11] =	ssyncset.done @!p0 $0x0  }
0x15a: {  	p1 =	seq.s32 @!p0 s20, $0x0;
	s4 =	sadd.s32 @!p0 $0x1580, s4;
	[sflag:s11] =	ssyncadd.s32 @!p0 $0xFFFFF800  }
0x15b: {  	[spmem:s3] =	stream.indirect.scatter.add.f32 @!p0 [tilespmem:s12], [sflag:$0xC], $0x10, s4, s21, $0xb8;
	[tilespmem:$0x13000] =	vst v63  }
0x15c: {  	p0 =	por p0, !p1  }
.Ltmp16:
0x15d: {  	_ = 	snop;
	(pc) =	sbr.rel @!p0 .LBB2_19-.Ltmp16, $1  }
0x15e: {  	_ =	sdelay $0x3  }
0x15f: {  	p0 =	slt.u32 s19, $0x2  }
0x160: {  	s4 =	simm.s32 @!p0 $0xD  }
0x161: {  	_ =	swait.ge @!p0 [sflag:s4], $0x800  }
0x162: {  	[sflag:s4] =	ssyncset.done @!p0 $0x0  }
0x163: {  	s11 =	simm.s32 @!p0 $0xE;
	[sflag:s4] =	ssyncadd.s32 @!p0 $0xFFFFF800;
	s4 =	sshra.s32 s18, $0x2  }
0x164: {  	[tilespmem:s26], [sflag:$0x5] =	stream.indirect.gather [hbm4b:s7+s25], $0x10, s4, s25, $0xb8;
	[tilespmem:$0x13000] =	vst v63  }
0x165: {  	_ =	swait.ge @!p0 [sflag:s11], $0x800  }
0x166: {  	[sflag:s11] =	ssyncset.done @!p0 $0x0  }
0x167: {  	s20 =	sadd.s32 $0x80, s4;
	[sflag:s11] =	ssyncadd.s32 @!p0 $0xFFFFF800;
	s11 =	sshra.s32 @p0 s18, $0x2  }
0x168: {  	[tilespmem:s28], [sflag:$0x6] =	stream.indirect.gather [hbm4b:s7+s25], $0x10, s20, s25, $0xb8;
	[tilespmem:$0x13000] =	vst v63  }
0x169: {  	s12 =	simm.s32 @p0 $0x80;
	s11 =	sadd.s32 @p0 $0x100, s11;
	s20 =	simm.s32 @p0 $0x5800  }
0x16a: {  	[tilespmem:s20], [sflag:$0x7] =	stream.indirect.gather @p0 [hbm4b:s7+s12], $0x10, s11, s12, $0xb8;
	[tilespmem:$0x13000] =	vst v63  }
0x16b: {  	s11 =	simm.s32 @!p0 $0xF  }
0x16c: {  	_ =	swait.ge @!p0 [sflag:s11], $0x800  }
0x16d: {  	[sflag:s11] =	ssyncset.done @!p0 $0x0  }
0x16e: {  	[sflag:s11] =	ssyncadd.s32 @!p0 $0xFFFFF800;
	s11 =	sshra.s32 @!p0 s18, $0x2  }
0x16f: {  	s12 =	simm.s32 @!p0 $0x80;
	s20 =	simm.s32 @!p0 $0x5800;
	s11 =	sadd.s32 @!p0 $0x100, s11  }
0x170: {  	[tilespmem:s20], [sflag:$0x7] =	stream.indirect.gather @!p0 [hbm4b:s7+s12], $0x10, s11, s12, $0xb8;
	[tilespmem:$0x13000] =	vst v63  }
0x171: {  	s11 =	simm.s32 @!p0 $0x10  }
0x172: {  	_ =	swait.ge @!p0 [sflag:s11], $0x800  }
0x173: {  	[sflag:s11] =	ssyncset.done @!p0 $0x0  }
0x174: {  	s21 =	sadd.s32 $0x180, s4;
	[sflag:s11] =	ssyncadd.s32 @!p0 $0xFFFFF800  }
0x175: {  	[tilespmem:s29], [sflag:$0x8] =	stream.indirect.gather [hbm4b:s7+s25], $0x10, s21, s25, $0xb8;
	[tilespmem:$0x13000] =	vst v63  }
0x176: {  	_ =	swait.ge [sflag:s30], $0x800  }
0x177: {  	[sflag:s30] =	ssyncset.done $0x0  }
0x178: {  	s22 =	sadd.s32 $0x1400, s4;
	[sflag:s30] =	ssyncadd.s32 $0xFFFFF800  }
0x179: {  	[spmem:s3] =	stream.indirect.scatter.add.f32 [tilespmem:s26], [sflag:$0xD], $0x10, s22, s25, $0xb8;
	[tilespmem:$0x13000] =	vst v63  }
0x17a: {  	_ =	swait.ge [sflag:s31], $0x800  }
0x17b: {  	[sflag:s31] =	ssyncset.done $0x0  }
0x17c: {  	s23 =	sadd.s32 $0x1480, s4;
	[sflag:s31] =	ssyncadd.s32 $0xFFFFF800  }
0x17d: {  	[spmem:s3] =	stream.indirect.scatter.add.f32 [tilespmem:s28], [sflag:$0xE], $0x10, s23, s25, $0xb8;
	[tilespmem:$0x13000] =	vst v63  }
0x17e: {  	_ =	swait.ge [sflag:s0], $0x800  }
0x17f: {  	[sflag:s0] =	ssyncset.done $0x0  }
0x180: {  	s24 =	sadd.s32 $0x1500, s4;
	[sflag:s0] =	ssyncadd.s32 $0xFFFFF800  }
0x181: {  	[spmem:s3] =	stream.indirect.scatter.add.f32 [tilespmem:s2], [sflag:$0xF], $0x10, s24, s25, $0xb8;
	[tilespmem:$0x13000] =	vst v63  }
.Ltmp17:
0x182: {  	_ = 	snop;
	(pc) =	sbr.rel .LBB2_19-.Ltmp17, $4  }
0x183: {  	_ =	swait.ge [sflag:s10], $0x800  }
0x184: {  	[sflag:s10] =	ssyncset.done $0x0  }
0x185: {  	s4 =	sadd.s32 $0x1580, s4;
	[sflag:s10] =	ssyncadd.s32 $0xFFFFF800  }
0x186: {  	[spmem:s3] =	stream.indirect.scatter.add.f32 [tilespmem:s29], [sflag:$0x10], $0x10, s4, s25, $0xb8;
	[tilespmem:$0x13000] =	vst v63  }
.LBB2_22:
0x187: {  	_ =	sfence.sel $0x180000  }
0x188: {  	[bflag:$0x0] =	sbarrier.arrive $0xFFFF  }
0x189: {  	_ =	strace $0x9000004A  }
0x18a: {  	s0 =	stileid.u32;
	[bflag:$0x2] =	sbarrier.arrive $0xFFFF  }
0x18b: {  	p0 =	sne.s32 s0, $0x0;
	s0 =	rddreg [dreg:$0x3]  }
0x18c: {  	s0 =	sadd.s32 @!p0 $0x100000, s0  }
0x18d: {  	[sflag:s0] =	ssyncadd.tile.s32 @!p0 $0x1;
	_ =	shalt  }
.Lfunc_end2:
_tile_overlayer_lowered:
.L_overlay_start_2:
0x18e: {  	(tag) =	ssettag $0x2  }
0x18f: {  	s0 =	rddreg [dreg:$0x0];
	s2 =	stileid.u32  }
0x190: {  	s1 =	rddreg [dreg:$0x1];
	p0 =	sne.s32 s2, $0x0  }
0x191: {  	s3 =	rddreg [dreg:$0x2];
	[bflag:$0x3] =	sbarrier.arrive $0xFFFF;
	s2 =	simm.s32 @!p0 $0x1C11  }
0x192: {  	[timem:s3], [sflag:s2] =	dma.local @!p0 [hbm:s0], s1  }
0x193: {  	s0 =	simm.s32 @!p0 $0x11  }
0x194: {  	_ =	swait.ge @!p0 [sflag:s0], s1  }
0x195: {  	s1 =	ssub.s32 @!p0 $0x0, s1;
	[sflag:s0] =	ssyncset.done @!p0 $0x0  }
0x196: {  	[sflag:s0] =	ssyncadd.s32 @!p0 s1  }
0x197: {  	[bflag:$0x3] =	sbarrier.arrive $0xFFFF  }
0x198: {  	_ =	shalt  }

// kernel: kernel.15.cloned.1.call-start
scs
__scs_entry_jumppad:
0x0: {  	(pc) =	sbr.rel $0x88, $3  }
0x1: {  	(tag) =	ssettag $0x0;
	lr =	simm.s32 $0x1  }
0x2: {  	[smem:$0x3F9A] =	sst lr;
	_ =	strace $0xD0000000  }
0x3: {  	_ = 	snop  }
0x4: {  	_ = 	snop  }
0x5: {  	_ = 	snop  }
0x6: {  	_ = 	snop  }
0x7: {  	_ = 	snop  }
__scs_overlays_trampoline_lowered:
0x8: {  	[smem:$0x3FA9] =	sst s0  }
0x9: {  	[smem:$0x3FAA] =	sst s1  }
0xa: {  	[smem:$0x3FAB] =	sst s2  }
0xb: {  	[smem:$0x3FAC] =	sst s3  }
0xc: {  	[smem:$0x3FAD] =	sst s4  }
0xd: {  	[smem:$0x3FAE] =	sst s5  }
0xe: {  	[smem:$0x3FAF] =	sst s6  }
0xf: {  	[smem:$0x3FB0] =	sst s7  }
0x10: {  	[smem:$0x3FB1] =	sst s8  }
0x11: {  	[smem:$0x3FB2] =	sst s9;
	s0 =	simm.s32 @!p0 $0x0  }
0x12: {  	s1 =	sld [smem:$0x3F98];
	s0 =	simm.s32 @p0 $0x1  }
0x13: {  	[smem:$0x3FB3] =	sst s0;
	s0 =	simm.s32 @!p1 $0x0  }
0x14: {  	s2 =	sld [smem:$0x3F97];
	s0 =	simm.s32 @p1 $0x1  }
0x15: {  	[smem:$0x3FB4] =	sst s0;
	s0 =	simm.s32 @!p2 $0x0  }
0x16: {  	s3 =	sld [smem:$0x3FDB];
	s0 =	simm.s32 @p2 $0x1  }
0x17: {  	s4 =	simm.s32 $0x1BF5;
	[smem:$0x3FB6] =	sst s0  }
0x18: {  	s0 =	sld [smem:$0x3F99];
	_ =	swait.ge [sflag:s4], $0x0  }
0x19: {  	s7 =	sld [smem:$0x3F9A]  }
0x1a: {  	s8 =	sadd.s32 $0xFFFFE003, lr  }
0x1b: {  	s9 =	sadd.s32 $0xFFFFFEF7, lr;
	s5 =	simm.s32 $0xFFFFFFFF;
	p2 =	slt.u32 s8, $0xFFFFF086  }
0x1c: {  	p1 =	slt.u32 s9, $0xF7A;
	s5 =	simm.s32 @!p2 $0x0  }
0x1d: {  	s5 =	simm.s32 @p1 $0x1;
	p0 =	seq.s32 s7, s2  }
0x1e: {  	s7 =	smul.u32 @!p0 $0xF7A, s2;
	p2 =	seq.s32 @!p0 s5, $0x0  }
0x1f: {  	s9 =	smul.u32 $0xF7A, s1;
	s8 =	simm.s32 @!p0 $0x1BF5;
	p2 =	por !p2, p0  }
0x20: {  	[sflag:s8] =	ssyncset.s32 @!p0 $0xFFFFF086;
	s6 =	sadd.s32 @!p0 s3, s7;
	s7 =	simm.s32 @!p0 $0x108  }
0x21: {  	s3 =	sadd.s32 s3, s9;
	s6 =	sadd.s32 @!p0 $0x88, s6;
	s7 =	simm.s32 @p2 $0x1082  }
0x22: {  	[simem:s7], [sflag:s8] =	dma.local @!p0 [hbm:s6], $0xF7A  }
0x23: {  	s9 =	sor.u32 $0xD0000000, s2;
	s6 =	simm.s32 $0x108;
	_ =	swait.ge @!p0 [sflag:s8], $0x0  }
0x24: {  	s3 =	sadd.s32 $0x88, s3;
	s6 =	simm.s32 @!p1 $0x1082;
	[sflag:s4] =	ssyncset.s32 $0xFFFFF086  }
0x25: {  	[simem:s6], [sflag:s4] =	dma.local [hbm:s3], $0xF7A  }
0x26: {  	[smem:$0x3F9A] =	sst s1;
	(tag) =	ssettag s2;
	_ =	strace s9  }
0x27: {  	s1 =	sld [smem:$0x3FAA]  }
0x28: {  	s2 =	sld [smem:$0x3FAB]  }
0x29: {  	s4 =	sld [smem:$0x3FAD]  }
0x2a: {  	p0 =	seq.s32 s5, $0x0;
	s5 =	sld [smem:$0x3FAE]  }
0x2b: {  	s6 =	sld [smem:$0x3FAF]  }
0x2c: {  	s7 =	sld [smem:$0x3FB0]  }
0x2d: {  	s3 =	simm.s32 $0x108;
	s8 =	sld [smem:$0x3FB1]  }
0x2e: {  	s3 =	simm.s32 @!p0 $0x1082;
	s9 =	sld [smem:$0x3FB2]  }
0x2f: {  	lr =	sadd.s32 s0, s3;
	s0 =	sld [smem:$0x3FA9]  }
0x30: {  	s3 =	sld [smem:$0x3FAC]  }
0x31: {  	[smem:$0x3FB5] =	sst s10  }
0x32: {  	s10 =	sld [smem:$0x3FB3];
	_ =	sdelay $0x3  }
0x33: {  	p0 =	seq.s32 s10, $0x1;
	s10 =	sld [smem:$0x3FB5];
	_ =	sdelay $0x3  }
0x34: {  	[smem:$0x3FB5] =	sst s10  }
0x35: {  	s10 =	sld [smem:$0x3FB4];
	_ =	sdelay $0x3  }
0x36: {  	p1 =	seq.s32 s10, $0x1;
	s10 =	sld [smem:$0x3FB5];
	_ =	sdelay $0x3  }
0x37: {  	[smem:$0x3FB5] =	sst s10  }
0x38: {  	s10 =	sld [smem:$0x3FB6]  }
0x39: {  	_ = 	snop;
	(pc) =	sbr.ind lr, $3  }
0x3a: {  	_ = 	snop  }
0x3b: {  	_ = 	snop  }
0x3c: {  	p2 =	seq.s32 s10, $0x1;
	s10 =	sld [smem:$0x3FB5]  }
0x3d: {  	_ =	shalt  }
0x3e: {  	_ =	shalt  }
0x3f: {  	_ =	shalt  }
0x40: {  	_ =	shalt  }
0x41: {  	_ =	shalt  }
0x42: {  	_ =	shalt  }
0x43: {  	_ =	shalt  }
0x44: {  	_ =	shalt  }
0x45: {  	_ =	shalt  }
0x46: {  	_ =	shalt  }
0x47: {  	_ =	shalt  }
0x48: {  	_ =	shalt  }
0x49: {  	_ =	shalt  }
0x4a: {  	_ =	shalt  }
0x4b: {  	_ =	shalt  }
0x4c: {  	_ =	shalt  }
0x4d: {  	_ =	shalt  }
0x4e: {  	_ =	shalt  }
0x4f: {  	_ =	shalt  }
0x50: {  	_ =	shalt  }
0x51: {  	_ =	shalt  }
0x52: {  	_ =	shalt  }
0x53: {  	_ =	shalt  }
0x54: {  	_ =	shalt  }
0x55: {  	_ =	shalt  }
0x56: {  	_ =	shalt  }
0x57: {  	_ =	shalt  }
0x58: {  	_ =	shalt  }
0x59: {  	_ =	shalt  }
0x5a: {  	_ =	shalt  }
0x5b: {  	_ =	shalt  }
0x5c: {  	_ =	shalt  }
0x5d: {  	_ =	shalt  }
0x5e: {  	_ =	shalt  }
0x5f: {  	_ =	shalt  }
0x60: {  	_ =	shalt  }
0x61: {  	_ =	shalt  }
0x62: {  	_ =	shalt  }
0x63: {  	_ =	shalt  }
0x64: {  	_ =	shalt  }
0x65: {  	_ =	shalt  }
0x66: {  	_ =	shalt  }
0x67: {  	_ =	shalt  }
0x68: {  	_ =	shalt  }
0x69: {  	_ =	shalt  }
0x6a: {  	_ =	shalt  }
0x6b: {  	_ =	shalt  }
0x6c: {  	_ =	shalt  }
0x6d: {  	_ =	shalt  }
0x6e: {  	_ =	shalt  }
0x6f: {  	_ =	shalt  }
0x70: {  	_ =	shalt  }
0x71: {  	_ =	shalt  }
0x72: {  	_ =	shalt  }
0x73: {  	_ =	shalt  }
0x74: {  	_ =	shalt  }
0x75: {  	_ =	shalt  }
0x76: {  	_ =	shalt  }
0x77: {  	_ =	shalt  }
0x78: {  	_ =	shalt  }
0x79: {  	_ =	shalt  }
0x7a: {  	_ =	shalt  }
0x7b: {  	_ =	shalt  }
0x7c: {  	_ =	shalt  }
0x7d: {  	_ =	shalt  }
0x7e: {  	_ =	shalt  }
0x7f: {  	_ =	shalt  }
0x80: {  	_ =	shalt  }
0x81: {  	_ =	shalt  }
0x82: {  	_ =	shalt  }
0x83: {  	_ =	shalt  }
0x84: {  	_ =	shalt  }
0x85: {  	_ =	shalt  }
0x86: {  	_ =	shalt  }
0x87: {  	_ =	shalt  }
.Lfunc_end0:
.L_simem_size_0:
called_computation.2_lowered:
.L_overlay_start_0:
0x88: {  	s2 =	sld [smem:$0x3FD9]  }
0x89: {  	s3 =	sld [smem:$0x3FFE];
	_ =	sdelay $0x1  }
0x8a: {  	s1 =	srdreg.scid  }
0x8b: {  	s0 =	sand.u32 $0x1, s1  }
0x8c: {  	s14 =	sshll.u32 s0, $0xA;
	s2 =	sadd.s32 s3, s2  }
0x8d: {  	s2 =	sadd.s32 s2, s14  }
0x8e: {  	[smem:$0x3FC1] =	sst s2  }
0x8f: {  	_ = 	snop  }
0x90: {  	s2 =	sld [smem:$0x3FD0];
	_ =	sdelay $0x2  }
0x91: {  	s15 =	simm.s32 $0xA;
	s4 =	simm.s32 $0x10  }
0x92: {  	[smem:s4], [sflag:s15] =	dma.local [hbm:s2], $0x1  }
0x93: {  	_ =	swait.eq [sflag:s15], $0x1  }
0x94: {  	[sflag:s15] =	ssyncset.done $0x0  }
0x95: {  	[sflag:s15] =	ssyncadd.s32 $0xFFFFFFFF  }
0x96: {  	s16 =	sld [smem:$0x11];
	(tm) =	ssettm $0x1  }
0x97: {  	s17 =	sld [smem:$0x3FFB];
	_ =	sdelay $0x3  }
0x98: {  	_ =	strace s17  }
0x99: {  	s3 =	sld [smem:$0x3FFC];
	_ =	sdelay $0x3  }
0x9a: {  	_ =	strace s3  }
0x9b: {  	s3 =	sld [smem:$0x3FFD];
	_ =	sdelay $0x3  }
0x9c: {  	_ =	strace s3  }
0x9d: {  	_ =	strace $0x8FFFFFFF  }
0x9e: {  	s18 =	sld [smem:$0x3FDB];
	_ =	sdelay $0x1  }
0x9f: {  	s19 =	simm.s32 $_scs_section_size  }
0xa0: {  	s5 =	simm.s32 $_size__tile_overlayer_lowered;
	s6 =	simm.s32 $_tile_overlayer_lowered  }
0xa1: {  	s22 =	simm.s32 $0x1BFF;
	s21 =	sshll.u32 s6, $0x1;
	s3 =	sadd.s32 s19, s18  }
0xa2: {  	s7 =	simm.s32 $0x0;
	s20 =	sshll.u32 s5, $0x1;
	s5 =	sadd.s32 s21, s3  }
0xa3: {  	[timem:s7], [sflag:s22] =	dma.local [hbm:s5], s20  }
0xa4: {  	_ =	swait.ge [sflag:s22], s20  }
0xa5: {  	s4 =	ssub.s32 $0x0, s20;
	[sflag:s22] =	ssyncset.done $0x0  }
0xa6: {  	[sflag:s22] =	ssyncadd.s32 s4;
	_ =	sdelay $0x1  }
0xa7: {  	s23 =	simm.s32 $0x1B8B  }
0xa8: {  	_ =	swait.ge [sflag:s23], $0x1  }
0xa9: {  	[sflag:s23] =	ssyncset.done $0x0  }
0xaa: {  	s25 =	simm.s32 $0x1B8E;
	s24 =	sld [smem:$0x3FFE];
	[sflag:s23] =	ssyncadd.s32 $0xFFFFFFFF  }
0xab: {  	s26 =	simm.s32 $execute0_lowered;
	[smem:$0x3FD2] =	sst s25  }
0xac: {  	s5 =	sshll.u32 s26, $0x1;
	_ =	strace $0x8000004C;
	[dreg:$0x1] =	wrdreg $0xFFFFFFFF  }
0xad: {  	s28 =	simm.s32 $_size_execute0_lowered;
	s3 =	sadd.s32 s3, s5;
	[dreg:$0x0] =	wrdreg $0x0  }
0xae: {  	s5 =	sshll.u32 s28, $0x1;
	[dreg:$0x2] =	wrdreg s3  }
0xaf: {  	[dreg:$0x3] =	wrdreg s5  }
0xb0: {  	[dreg:$0x4] =	wrdreg $0xC0  }
0xb1: {  	_ =	task [dreg:s7], $0x5FFFF  }
0xb2: {  	[dreg:$0x1] =	wrdreg $0xFFFFFFFF  }
0xb3: {  	[dreg:$0x0] =	wrdreg $0x60  }
0xb4: {  	[dreg:$0x2] =	wrdreg s24  }
0xb5: {  	[dreg:$0x3] =	wrdreg s16  }
0xb6: {  	[dreg:$0x4] =	wrdreg $0x68000  }
0xb7: {  	[dreg:$0x5] =	wrdreg $0x9  }
0xb8: {  	_ =	task.clear_ibuf [dreg:s7], $0x6FFFF;
	_ =	strace $0x9000004C  }
0xb9: {  	s29 =	simm.s32 $0x9;
	_ =	strace $0x8000004E  }
0xba: {  	_ =	swait.ge [sflag:s29], $0x1  }
0xbb: {  	[sflag:s29] =	ssyncadd.s32 $0xFFFFFFFF  }
0xbc: {  	_ =	strace $0x9000004E  }
0xbd: {  	_ =	sfence  }
0xbe: {  	s30 =	sld [smem:$0x0];
	_ =	sdelay $0x2  }
0xbf: {  	s31 =	sshll.u32 s1, $0xD;
	s1 =	sshrl.u32 s1, $0x2  }
0xc0: {  	s3 =	sand.u32 $0x4000, s31;
	s1 =	sadd.s32 s1, s30  }
0xc1: {  	s0 =	sor.u32 s3, s0;
	s1 =	sshll.u32 s1, $0x11  }
0xc2: {  	s0 =	sor.u32 s1, s0  }
0xc3: {  	s0 =	sadd.s32 $0x8F2B, s0  }
0xc4: {  	[sflag:s0] =	ssyncadd.remote.s32 $0x1  }
0xc5: {  	_ =	sfence.sel $0xFFFF  }
0xc6: {  	[dreg:$0x0] =	wrdreg $0xFFFFFFFF;
	(pc) =	sbr.abs _section_cstart, $3  }
0xc7: {  	[dreg:$0x1] =	wrdreg $0xFFFFFFFF  }
0xc8: {  	_ =	task.clear_ibuf [dreg:s7], $0x2FFFF;
	_ =	strace $0x9FFFFFFF  }
0xc9: {  	(tm) =	ssettm $0x7FFFFFFF  }
tec
execute0_lowered:
.L_overlay_start_1:
0x0: {  	(tag) =	ssettag $0x1  }
0x1: {  	s0 =	rddreg [dreg:$0x0]  }
0x2: {  	s1 =	rddreg [dreg:$0x1]  }
0x3: {  	s3 =	rddreg [dreg:$0x2];
	s17 =	simm.s32 $0x0;
	s2 =	srdreg.scid  }
0x4: {  	s4 =	stileid.u32;
	s14 =	simm.s32 $0x2800;
	s15 =	simm.s32 $0x11  }
0x5: {  	s16 =	simm.s32 $0x1400;
	s28 =	simm.s32 $0x5000;
	s29 =	simm.s32 $0x6000  }
0x6: {  	s30 =	simm.s32 $0x5;
	s31 =	simm.s32 $0x6;
	[smem:$0x7FF] =	sst s17  }
0x7: {  	s2 =	sand.u32 $0x1, s2;
	s10 =	smul.u32 $0xC800, s4;
	s5 =	sadd.s32 $0x3800, s0  }
0x8: {  	s11 =	sadd.s32 $0x35800, s0;
	s12 =	sadd.s32 $0x4E800, s0;
	s9 =	smul.u32 $0x32000, s4  }
0x9: {  	s6 =	sadd.s32 $0x80800, s0;
	_ =	strace $0x8000004D;
	s7 =	smul.u32 $0x190000, s2  }
0xa: {  	s13 =	ssub.s32 $0x2, s2;
	p0 =	seq.s32 s2, $0x0;
	s2 =	simm.s32 $0x5800  }
0xb: {  	s23 =	sshrl.u32 s13, $0x1;
	s9 =	sshrl.u32 s9, $0x2;
	s25 =	sadd.s32 s10, s3  }
0xc: {  	s6 =	smov.u32 @p0 s11;
	s8 =	sadd.s32 s10, s7;
	s7 =	sadd.s32 $0x1C800, s0  }
0xd: {  	s13 =	ssub.s32 s13, s23;
	s9 =	sadd.s32 s9, s3;
	[dreg:$0x6] =	wrdreg s25  }
.Ltmp0:
0xe: {  	s25 =	simm.s32 $0x80;
	s8 =	sshrl.u32 s8, $0x3;
	(pc) =	sbr.rel .LBB2_1-.Ltmp0, $4  }
0xf: {  	s10 =	simm.s32 $0x8;
	s26 =	smax.u32 s13, $0x1;
	s0 =	sadd.s32 s8, s0  }
0x10: {  	s7 =	smov.u32 @p0 s12;
	[dreg:$0x8] =	wrdreg s26;
	s24 =	sadd.s32 $0xFD800, s0  }
0x11: {  	s8 =	smul.u32 $0x190, s4;
	s0 =	sadd.s32 $0x116800, s0;
	[dreg:$0x5] =	wrdreg s24  }
0x12: {  	v0 =	vimm.f32 $0.0e+00;
	s26 =	simm.s32 $0x4800;
	[dreg:$0x7] =	wrdreg s0;
	s0 =	simm.s32 $0x7  }
.LBB2_21:
0x13: {  	s4 =	simm.s32 $0x9  }
0x14: {  	_ =	swait.ge [sflag:s4], $0x800  }
0x15: {  	[sflag:s4] =	ssyncset.done $0x0  }
0x16: {  	s13 =	simm.s32 $0xA;
	[sflag:s4] =	ssyncadd.s32 $0xFFFFF800  }
0x17: {  	_ =	swait.ge [sflag:s13], $0x800  }
0x18: {  	[sflag:s13] =	ssyncset.done $0x0  }
0x19: {  	s17 =	simm.s32 $0xB;
	[sflag:s13] =	ssyncadd.s32 $0xFFFFF800  }
0x1a: {  	_ =	swait.ge [sflag:s17], $0x800  }
0x1b: {  	[sflag:s17] =	ssyncset.done $0x0  }
0x1c: {  	s18 =	simm.s32 $0xC;
	[sflag:s17] =	ssyncadd.s32 $0xFFFFF800  }
0x1d: {  	_ =	swait.ge [sflag:s18], $0x800  }
0x1e: {  	[sflag:s18] =	ssyncset.done $0x0  }
0x1f: {  	s19 =	simm.s32 $0xD;
	[sflag:s18] =	ssyncadd.s32 $0xFFFFF800  }
0x20: {  	_ =	swait.ge [sflag:s19], $0x800  }
0x21: {  	[sflag:s19] =	ssyncset.done $0x0  }
0x22: {  	s20 =	simm.s32 $0xE;
	[sflag:s19] =	ssyncadd.s32 $0xFFFFF800  }
0x23: {  	_ =	swait.ge [sflag:s20], $0x800  }
0x24: {  	[sflag:s20] =	ssyncset.done $0x0  }
0x25: {  	s21 =	simm.s32 $0xF;
	[sflag:s20] =	ssyncadd.s32 $0xFFFFF800  }
0x26: {  	_ =	swait.ge [sflag:s21], $0x800  }
0x27: {  	[sflag:s21] =	ssyncset.done $0x0  }
0x28: {  	s22 =	simm.s32 $0x10;
	[sflag:s21] =	ssyncadd.s32 $0xFFFFF800  }
0x29: {  	_ =	swait.ge [sflag:s22], $0x800  }
0x2a: {  	[sflag:s22] =	ssyncset.done $0x0  }
0x2b: {  	[sflag:s22] =	ssyncadd.s32 $0xFFFFF800  }
0x2c: {  	[bflag:$0x0] =	sbarrier.arrive $0xFFFF  }
0x2d: {  	s23 =	rddreg [dreg:$0x7]  }
0x2e: {  	s11 =	rddreg [dreg:$0x9]  }
0x2f: {  	s12 =	rddreg [dreg:$0xa]  }
0x30: {  	[hbm:s23], [sflag:s11] =	dma.local [spmem:s12], $0x1900  }
0x31: {  	_ =	swait.ge [sflag:s15], $0x1900  }
0x32: {  	s17 =	rddreg [dreg:$0x4]  }
0x33: {  	s24 =	rddreg [dreg:$0x8];
	s17 =	sadd.s32 $0x1, s17  }
0x34: {  	p0 =	sne.s32 s17, s24  }
.Ltmp1:
0x35: {  	_ = 	snop;
	(pc) =	sbr.rel @!p0 .LBB2_22-.Ltmp1, $3  }
0x36: {  	_ =	sdelay $0x1  }
0x37: {  	[sflag:s15] =	ssyncset.done $0x0  }
0x38: {  	[sflag:s15] =	ssyncadd.s32 $0xFFFFE700  }
.LBB2_1:
0x39: {  	s11 =	simm.s32 $0x0  }
.LBB2_2:
0x3a: {  	p0 =	sne.s32 s11, $0x1FC0  }
.Ltmp2:
0x3b: {  	_ = 	snop;
	(pc) =	sbr.rel @p0 .LBB2_2-.Ltmp2, $3  }
0x3c: {  	_ =	sdelay $0x1  }
0x3d: {  	s12 =	sshra.s32 s11, $0x2  }
0x3e: {  	s11 =	sadd.s32 $0x40, s11;
	[tilespmem:s12+$0x2800] =	vst v0  }
0x3f: {  	[dreg:$0x4] =	wrdreg s17;
	s11 =	sadd.s32 $0x0, s9  }
0x40: {  	[spmem:s11] =	stream.linear.scatter [tilespmem:s14], [sflag:$0x11], $0x800, $0x38;
	[tilespmem:$0x13000] =	vst v63  }
0x41: {  	s11 =	simm.s32 $0x2000;
	_ =	swait.ge [sflag:s15], $0x800  }
.LBB2_4:
0x42: {  	s12 =	sshra.s32 s11, $0x2;
	[sflag:s15] =	ssyncset.done $0x0;
	p0 =	sne.s32 s11, $0x30000  }
.Ltmp3:
0x43: {  	s12 =	sadd.s32 s12, s9;
	[sflag:s15] =	ssyncadd.s32 $0xFFFFF800;
	(pc) =	sbr.rel @p0 .LBB2_4-.Ltmp3, $3  }
0x44: {  	[spmem:s12] =	stream.linear.scatter [tilespmem:s14], [sflag:$0x11], $0x800, $0x38;
	[tilespmem:$0x13000] =	vst v63  }
0x45: {  	s11 =	sadd.s32 $0x2000, s11;
	_ =	sdelay $0x1  }
0x46: {  	_ =	swait.ge [sflag:s15], $0x800  }
.Ltmp4:
0x47: {  	(pc) =	sbr.rel .LBB2_6-.Ltmp4, $4  }
0x48: {  	[sflag:s15] =	ssyncset.done $0x0  }
0x49: {  	[sflag:s15] =	ssyncadd.s32 $0xFFFFF800  }
0x4a: {  	[bflag:$0x0] =	sbarrier.arrive $0xFFFF  }
0x4b: {  	s11 =	simm.s32 $0x0;
	s12 =	simm.s32 $0x0  }
.LBB2_10:
0x4c: {  	s12 =	sadd.s32 $0x1, s12  }
0x4d: {  	p0 =	sne.s32 s12, $0xA  }
.Ltmp5:
0x4e: {  	_ = 	snop;
	(pc) =	sbr.rel @!p0 .LBB2_11-.Ltmp5, $1  }
0x4f: {  	_ =	sdelay $0x3  }
.LBB2_6:
0x50: {  	p0 =	seq.s32 s12, $0x0  }
0x51: {  	s13 =	simm.s32 @!p0 $0x9  }
0x52: {  	_ =	swait.ge @!p0 [sflag:s13], $0x800  }
0x53: {  	[sflag:s13] =	ssyncset.done @!p0 $0x0  }
0x54: {  	[sflag:s13] =	ssyncadd.s32 @!p0 $0xFFFFF800;
	s13 =	simm.s32 @!p0 $0xA  }
0x55: {  	_ =	swait.ge @!p0 [sflag:s13], $0x800  }
0x56: {  	[sflag:s13] =	ssyncset.done @!p0 $0x0  }
0x57: {  	[sflag:s13] =	ssyncadd.s32 @!p0 $0xFFFFF800;
	s13 =	simm.s32 @!p0 $0xB  }
0x58: {  	_ =	swait.ge @!p0 [sflag:s13], $0x800  }
0x59: {  	[sflag:s13] =	ssyncset.done @!p0 $0x0  }
0x5a: {  	[sflag:s13] =	ssyncadd.s32 @!p0 $0xFFFFF800;
	s13 =	simm.s32 @!p0 $0xC  }
0x5b: {  	_ =	swait.ge @!p0 [sflag:s13], $0x800  }
0x5c: {  	[sflag:s13] =	ssyncset.done @!p0 $0x0  }
0x5d: {  	[sflag:s13] =	ssyncadd.s32 @!p0 $0xFFFFF800;
	s13 =	simm.s32 @!p0 $0xD  }
0x5e: {  	_ =	swait.ge @!p0 [sflag:s13], $0x800  }
0x5f: {  	[sflag:s13] =	ssyncset.done @!p0 $0x0  }
0x60: {  	[sflag:s13] =	ssyncadd.s32 @!p0 $0xFFFFF800;
	s13 =	simm.s32 @!p0 $0xE  }
0x61: {  	_ =	swait.ge @!p0 [sflag:s13], $0x800  }
0x62: {  	[sflag:s13] =	ssyncset.done @!p0 $0x0  }
0x63: {  	[sflag:s13] =	ssyncadd.s32 @!p0 $0xFFFFF800;
	s13 =	simm.s32 @!p0 $0xF  }
0x64: {  	_ =	swait.ge @!p0 [sflag:s13], $0x800  }
0x65: {  	s17 =	smul.u32 $0x28, s12;
	[sflag:s13] =	ssyncset.done @!p0 $0x0  }
0x66: {  	[sflag:s13] =	ssyncadd.s32 @!p0 $0xFFFFF800;
	s13 =	simm.s32 @!p0 $0x10  }
0x67: {  	s17 =	sadd.s32 s8, s17;
	_ =	swait.ge @!p0 [sflag:s13], $0x800  }
0x68: {  	s17 =	sshll.u32 s17, $0x4;
	[sflag:s13] =	ssyncset.done @!p0 $0x0  }
0x69: {  	s23 =	sadd.s32 s5, s17;
	[sflag:s13] =	ssyncadd.s32 @!p0 $0xFFFFF800  }
0x6a: {  	[tilespmem:s11], [sflag:$0x11] =	stream.linear.gather [hbm4b:s23+s11], $0x1400, $0x38;
	[tilespmem:$0x13000] =	vst v63  }
0x6b: {  	_ =	swait.ge [sflag:s15], $0x1400  }
0x6c: {  	[sflag:s15] =	ssyncset.done $0x0  }
.Ltmp6:
0x6d: {  	s24 =	sadd.s32 s1, s17;
	[sflag:s15] =	ssyncadd.s32 $0xFFFFEC00;
	(pc) =	sbr.rel .LBB2_7-.Ltmp6, $4  }
0x6e: {  	[tilespmem:s16], [sflag:$0x11] =	stream.linear.gather [hbm4b:s24+s11], $0x1400, $0x38;
	[tilespmem:$0x13000] =	vst v63  }
0x6f: {  	_ =	swait.ge [sflag:s15], $0x1400  }
0x70: {  	[sflag:s15] =	ssyncset.done $0x0  }
0x71: {  	s17 =	simm.s32 $0x0;
	s13 =	simm.s32 $0x0;
	[sflag:s15] =	ssyncadd.s32 $0xFFFFEC00  }
.LBB2_9:
0x72: {  	s13 =	sadd.s32 $0x800, s13  }
0x73: {  	p0 =	sne.s32 s13, $0x5000  }
.Ltmp7:
0x74: {  	_ = 	snop;
	(pc) =	sbr.rel @!p0 .LBB2_10-.Ltmp7, $2  }
0x75: {  	_ =	sdelay $0x2  }
0x76: {  	s17 =	sadd.s32 $0x1, s17  }
.LBB2_7:
0x77: {  	s18 =	sand.u32 $0x1, s17  }
0x78: {  	p0 =	seq.s32 s18, $0x1  }
0x79: {  	p2 =	slt.u32 @!p0 s17, $0x2  }
0x7a: {  	p1 =	por p2, p0  }
0x7b: {  	s19 =	simm.s32 @!p1 $0x9  }
0x7c: {  	_ =	swait.ge @!p1 [sflag:s19], $0x800  }
0x7d: {  	s20 =	simm.s32 @!p0 $0x80;
	s21 =	simm.s32 @!p0 $0x2800;
	[sflag:s19] =	ssyncset.done @!p1 $0x0  }
0x7e: {  	s22 =	simm.s32 @!p1 $0xA;
	[sflag:s19] =	ssyncadd.s32 @!p1 $0xFFFFF800;
	s19 =	sshra.s32 @!p0 s13, $0x2  }
0x7f: {  	[tilespmem:s21], [sflag:$0x1] =	stream.indirect.gather @!p0 [hbm4b:s6+s20], $0x10, s19, s20, $0xb8;
	[tilespmem:$0x13000] =	vst v63  }
0x80: {  	_ =	swait.ge @!p1 [sflag:s22], $0x800  }
0x81: {  	s23 =	simm.s32 @!p0 $0x3000;
	[sflag:s22] =	ssyncset.done @!p1 $0x0  }
0x82: {  	p2 =	por !p2, p0;
	[sflag:s22] =	ssyncadd.s32 @!p1 $0xFFFFF800;
	s22 =	sadd.s32 @!p0 $0x80, s19  }
0x83: {  	[tilespmem:s23], [sflag:$0x2] =	stream.indirect.gather @!p0 [hbm4b:s6+s20], $0x10, s22, s20, $0xb8;
	[tilespmem:$0x13000] =	vst v63  }
0x84: {  	s24 =	simm.s32 @!p2 $0x100;
	s4 =	simm.s32 @!p2 $0x3800;
	s22 =	simm.s32 @!p2 $0x80  }
0x85: {  	[tilespmem:s4], [sflag:$0x3] =	stream.indirect.gather @!p2 [hbm4b:s6+s22], $0x10, s24, s22, $0xb8;
	[tilespmem:$0x13000] =	vst v63  }
0x86: {  	s4 =	simm.s32 @!p1 $0xB  }
0x87: {  	_ =	swait.ge @!p1 [sflag:s4], $0x800  }
0x88: {  	[sflag:s4] =	ssyncset.done @!p1 $0x0  }
0x89: {  	[sflag:s4] =	ssyncadd.s32 @!p1 $0xFFFFF800;
	s4 =	sshra.s32 @!p1 s13, $0x2  }
0x8a: {  	s22 =	simm.s32 @!p1 $0x80;
	s24 =	simm.s32 @!p1 $0x3800;
	s4 =	sadd.s32 @!p1 $0x100, s4  }
0x8b: {  	[tilespmem:s24], [sflag:$0x3] =	stream.indirect.gather @!p1 [hbm4b:s6+s22], $0x10, s4, s22, $0xb8;
	[tilespmem:$0x13000] =	vst v63  }
0x8c: {  	s4 =	simm.s32 @!p1 $0xC  }
0x8d: {  	_ =	swait.ge @!p1 [sflag:s4], $0x800  }
0x8e: {  	[sflag:s4] =	ssyncset.done @!p1 $0x0  }
0x8f: {  	s22 =	simm.s32 @!p0 $0x4000;
	[sflag:s4] =	ssyncadd.s32 @!p1 $0xFFFFF800;
	s4 =	sadd.s32 @!p0 $0x180, s19  }
0x90: {  	[tilespmem:s22], [sflag:$0x4] =	stream.indirect.gather @!p0 [hbm4b:s6+s20], $0x10, s4, s20, $0xb8;
	[tilespmem:$0x13000] =	vst v63  }
0x91: {  	s4 =	simm.s32 @!p0 $0x1  }
0x92: {  	_ =	swait.ge @!p0 [sflag:s4], $0x800  }
0x93: {  	[sflag:s4] =	ssyncset.done @!p0 $0x0  }
0x94: {  	[sflag:s4] =	ssyncadd.s32 @!p0 $0xFFFFF800;
	s4 =	sadd.s32 @!p0 $0x1400, s19  }
0x95: {  	[spmem:s3] =	stream.indirect.scatter.add.f32 @!p0 [tilespmem:s21], [sflag:$0x9], $0x10, s4, s20, $0xb8;
	[tilespmem:$0x13000] =	vst v63  }
0x96: {  	s4 =	simm.s32 @!p0 $0x2  }
0x97: {  	_ =	swait.ge @!p0 [sflag:s4], $0x800  }
0x98: {  	[sflag:s4] =	ssyncset.done @!p0 $0x0  }
0x99: {  	[sflag:s4] =	ssyncadd.s32 @!p0 $0xFFFFF800;
	s4 =	sadd.s32 @!p0 $0x1480, s19  }
0x9a: {  	[spmem:s3] =	stream.indirect.scatter.add.f32 @!p0 [tilespmem:s23], [sflag:$0xA], $0x10, s4, s20, $0xb8;
	[tilespmem:$0x13000] =	vst v63  }
0x9b: {  	s4 =	simm.s32 @!p0 $0x3  }
0x9c: {  	_ =	swait.ge @!p0 [sflag:s4], $0x800  }
0x9d: {  	[sflag:s4] =	ssyncset.done @!p0 $0x0  }
0x9e: {  	s21 =	simm.s32 @!p0 $0x3800;
	[sflag:s4] =	ssyncadd.s32 @!p0 $0xFFFFF800;
	s4 =	sadd.s32 @!p0 $0x1500, s19  }
0x9f: {  	[spmem:s3] =	stream.indirect.scatter.add.f32 @!p0 [tilespmem:s21], [sflag:$0xB], $0x10, s4, s20, $0xb8;
	[tilespmem:$0x13000] =	vst v63  }
0xa0: {  	s4 =	simm.s32 @!p0 $0x4  }
0xa1: {  	_ =	swait.ge @!p0 [sflag:s4], $0x800  }
0xa2: {  	[sflag:s4] =	ssyncset.done @!p0 $0x0  }
0xa3: {  	p1 =	seq.s32 @!p0 s18, $0x0;
	[sflag:s4] =	ssyncadd.s32 @!p0 $0xFFFFF800;
	s4 =	sadd.s32 @!p0 $0x1580, s19  }
0xa4: {  	[spmem:s3] =	stream.indirect.scatter.add.f32 @!p0 [tilespmem:s22], [sflag:$0xC], $0x10, s4, s20, $0xb8;
	[tilespmem:$0x13000] =	vst v63  }
0xa5: {  	p0 =	por p0, !p1  }
.Ltmp8:
0xa6: {  	_ = 	snop;
	(pc) =	sbr.rel @!p0 .LBB2_9-.Ltmp8, $1  }
0xa7: {  	_ =	sdelay $0x3  }
0xa8: {  	p0 =	slt.u32 s17, $0x2  }
0xa9: {  	s4 =	simm.s32 @!p0 $0xD  }
0xaa: {  	_ =	swait.ge @!p0 [sflag:s4], $0x800  }
0xab: {  	[sflag:s4] =	ssyncset.done @!p0 $0x0  }
0xac: {  	s18 =	simm.s32 @!p0 $0xE;
	[sflag:s4] =	ssyncadd.s32 @!p0 $0xFFFFF800;
	s4 =	sshra.s32 s13, $0x2  }
0xad: {  	[tilespmem:s26], [sflag:$0x5] =	stream.indirect.gather [hbm4b:s6+s25], $0x10, s4, s25, $0xb8;
	[tilespmem:$0x13000] =	vst v63  }
0xae: {  	_ =	swait.ge @!p0 [sflag:s18], $0x800  }
0xaf: {  	[sflag:s18] =	ssyncset.done @!p0 $0x0  }
0xb0: {  	s20 =	sadd.s32 $0x80, s4;
	[sflag:s18] =	ssyncadd.s32 @!p0 $0xFFFFF800;
	s18 =	sshra.s32 @p0 s13, $0x2  }
0xb1: {  	[tilespmem:s28], [sflag:$0x6] =	stream.indirect.gather [hbm4b:s6+s25], $0x10, s20, s25, $0xb8;
	[tilespmem:$0x13000] =	vst v63  }
0xb2: {  	s19 =	simm.s32 @p0 $0x80;
	s18 =	sadd.s32 @p0 $0x100, s18;
	s20 =	simm.s32 @p0 $0x5800  }
0xb3: {  	[tilespmem:s20], [sflag:$0x7] =	stream.indirect.gather @p0 [hbm4b:s6+s19], $0x10, s18, s19, $0xb8;
	[tilespmem:$0x13000] =	vst v63  }
0xb4: {  	s18 =	simm.s32 @!p0 $0xF  }
0xb5: {  	_ =	swait.ge @!p0 [sflag:s18], $0x800  }
0xb6: {  	[sflag:s18] =	ssyncset.done @!p0 $0x0  }
0xb7: {  	[sflag:s18] =	ssyncadd.s32 @!p0 $0xFFFFF800;
	s18 =	sshra.s32 @!p0 s13, $0x2  }
0xb8: {  	s19 =	simm.s32 @!p0 $0x80;
	s20 =	simm.s32 @!p0 $0x5800;
	s18 =	sadd.s32 @!p0 $0x100, s18  }
0xb9: {  	[tilespmem:s20], [sflag:$0x7] =	stream.indirect.gather @!p0 [hbm4b:s6+s19], $0x10, s18, s19, $0xb8;
	[tilespmem:$0x13000] =	vst v63  }
0xba: {  	s18 =	simm.s32 @!p0 $0x10  }
0xbb: {  	_ =	swait.ge @!p0 [sflag:s18], $0x800  }
0xbc: {  	[sflag:s18] =	ssyncset.done @!p0 $0x0  }
0xbd: {  	s21 =	sadd.s32 $0x180, s4;
	[sflag:s18] =	ssyncadd.s32 @!p0 $0xFFFFF800  }
0xbe: {  	[tilespmem:s29], [sflag:$0x8] =	stream.indirect.gather [hbm4b:s6+s25], $0x10, s21, s25, $0xb8;
	[tilespmem:$0x13000] =	vst v63  }
0xbf: {  	_ =	swait.ge [sflag:s30], $0x800  }
0xc0: {  	[sflag:s30] =	ssyncset.done $0x0  }
0xc1: {  	s22 =	sadd.s32 $0x1400, s4;
	[sflag:s30] =	ssyncadd.s32 $0xFFFFF800  }
0xc2: {  	[spmem:s3] =	stream.indirect.scatter.add.f32 [tilespmem:s26], [sflag:$0xD], $0x10, s22, s25, $0xb8;
	[tilespmem:$0x13000] =	vst v63  }
0xc3: {  	_ =	swait.ge [sflag:s31], $0x800  }
0xc4: {  	[sflag:s31] =	ssyncset.done $0x0  }
0xc5: {  	s23 =	sadd.s32 $0x1480, s4;
	[sflag:s31] =	ssyncadd.s32 $0xFFFFF800  }
0xc6: {  	[spmem:s3] =	stream.indirect.scatter.add.f32 [tilespmem:s28], [sflag:$0xE], $0x10, s23, s25, $0xb8;
	[tilespmem:$0x13000] =	vst v63  }
0xc7: {  	_ =	swait.ge [sflag:s0], $0x800  }
0xc8: {  	[sflag:s0] =	ssyncset.done $0x0  }
0xc9: {  	s24 =	sadd.s32 $0x1500, s4;
	[sflag:s0] =	ssyncadd.s32 $0xFFFFF800  }
0xca: {  	[spmem:s3] =	stream.indirect.scatter.add.f32 [tilespmem:s2], [sflag:$0xF], $0x10, s24, s25, $0xb8;
	[tilespmem:$0x13000] =	vst v63  }
.Ltmp9:
0xcb: {  	_ = 	snop;
	(pc) =	sbr.rel .LBB2_9-.Ltmp9, $4  }
0xcc: {  	_ =	swait.ge [sflag:s10], $0x800  }
0xcd: {  	[sflag:s10] =	ssyncset.done $0x0  }
0xce: {  	s4 =	sadd.s32 $0x1580, s4;
	[sflag:s10] =	ssyncadd.s32 $0xFFFFF800  }
0xcf: {  	[spmem:s3] =	stream.indirect.scatter.add.f32 [tilespmem:s29], [sflag:$0x10], $0x10, s4, s25, $0xb8;
	[tilespmem:$0x13000] =	vst v63  }
.LBB2_11:
0xd0: {  	s4 =	simm.s32 $0x9  }
0xd1: {  	_ =	swait.ge [sflag:s4], $0x800  }
0xd2: {  	[sflag:s4] =	ssyncset.done $0x0  }
0xd3: {  	s12 =	simm.s32 $0xA;
	[sflag:s4] =	ssyncadd.s32 $0xFFFFF800  }
0xd4: {  	_ =	swait.ge [sflag:s12], $0x800  }
0xd5: {  	[sflag:s12] =	ssyncset.done $0x0  }
0xd6: {  	s13 =	simm.s32 $0xB;
	[sflag:s12] =	ssyncadd.s32 $0xFFFFF800  }
0xd7: {  	_ =	swait.ge [sflag:s13], $0x800  }
0xd8: {  	[sflag:s13] =	ssyncset.done $0x0  }
0xd9: {  	s17 =	simm.s32 $0xC;
	[sflag:s13] =	ssyncadd.s32 $0xFFFFF800  }
0xda: {  	_ =	swait.ge [sflag:s17], $0x800  }
0xdb: {  	[sflag:s17] =	ssyncset.done $0x0  }
0xdc: {  	s18 =	simm.s32 $0xD;
	[sflag:s17] =	ssyncadd.s32 $0xFFFFF800  }
0xdd: {  	_ =	swait.ge [sflag:s18], $0x800  }
0xde: {  	[sflag:s18] =	ssyncset.done $0x0  }
0xdf: {  	s19 =	simm.s32 $0xE;
	[sflag:s18] =	ssyncadd.s32 $0xFFFFF800  }
0xe0: {  	_ =	swait.ge [sflag:s19], $0x800  }
0xe1: {  	[sflag:s19] =	ssyncset.done $0x0  }
0xe2: {  	s20 =	simm.s32 $0xF;
	[sflag:s19] =	ssyncadd.s32 $0xFFFFF800  }
0xe3: {  	_ =	swait.ge [sflag:s20], $0x800  }
0xe4: {  	[sflag:s20] =	ssyncset.done $0x0  }
0xe5: {  	s21 =	simm.s32 $0x10;
	[sflag:s20] =	ssyncadd.s32 $0xFFFFF800  }
0xe6: {  	_ =	swait.ge [sflag:s21], $0x800  }
0xe7: {  	[sflag:s21] =	ssyncset.done $0x0  }
0xe8: {  	[sflag:s21] =	ssyncadd.s32 $0xFFFFF800  }
0xe9: {  	s22 =	stileid.u32;
	[bflag:$0x0] =	sbarrier.arrive $0xFFFF  }
0xea: {  	s4 =	sshll.u32 s22, $0x6;
	s23 =	rddreg [dreg:$0x6]  }
0xeb: {  	s11 =	sor.u32 $0x1C11, s4;
	s24 =	rddreg [dreg:$0x5]  }
0xec: {  	[dreg:$0x9] =	wrdreg s11;
	s12 =	sshrl.u32 s23, $0x3  }
0xed: {  	[dreg:$0xa] =	wrdreg s12  }
0xee: {  	[hbm:s24], [sflag:s11] =	dma.local [spmem:s12], $0x1900  }
0xef: {  	_ =	swait.ge [sflag:s15], $0x1900  }
0xf0: {  	[sflag:s15] =	ssyncset.done $0x0  }
0xf1: {  	s13 =	simm.s32 $0x40;
	s17 =	simm.s32 $0x0;
	[sflag:s15] =	ssyncadd.s32 $0xFFFFE700  }
.LBB2_12:
0xf2: {  	p0 =	sne.s32 s13, $0x1FC0;
	[tilespmem:s17+$0x2800] =	vst v0;
	s4 =	smov.u32 s13;
	s13 =	sadd.s32 $0x40, s13  }
.Ltmp10:
0xf3: {  	(pc) =	sbr.rel @p0 .LBB2_12-.Ltmp10, $2  }
0xf4: {  	_ =	sdelay $0x2  }
0xf5: {  	s17 =	sshra.s32 s4, $0x2  }
0xf6: {  	[tilespmem:s17+$0x2800] =	vst v0;
	s4 =	sadd.s32 $0x0, s9  }
0xf7: {  	[spmem:s4] =	stream.linear.scatter [tilespmem:s14], [sflag:$0x11], $0x800, $0x38;
	[tilespmem:$0x13000] =	vst v63  }
0xf8: {  	s13 =	simm.s32 $0x2000;
	_ =	swait.ge [sflag:s15], $0x800  }
.LBB2_14:
0xf9: {  	s4 =	sshra.s32 s13, $0x2;
	[sflag:s15] =	ssyncset.done $0x0;
	p0 =	sne.s32 s13, $0x30000  }
.Ltmp11:
0xfa: {  	s4 =	sadd.s32 s4, s9;
	[sflag:s15] =	ssyncadd.s32 $0xFFFFF800;
	(pc) =	sbr.rel @p0 .LBB2_14-.Ltmp11, $3  }
0xfb: {  	[spmem:s4] =	stream.linear.scatter [tilespmem:s14], [sflag:$0x11], $0x800, $0x38;
	[tilespmem:$0x13000] =	vst v63  }
0xfc: {  	s13 =	sadd.s32 $0x2000, s13;
	_ =	sdelay $0x1  }
0xfd: {  	_ =	swait.ge [sflag:s15], $0x800  }
.Ltmp12:
0xfe: {  	(pc) =	sbr.rel .LBB2_16-.Ltmp12, $4  }
0xff: {  	[sflag:s15] =	ssyncset.done $0x0  }
0x100: {  	[sflag:s15] =	ssyncadd.s32 $0xFFFFF800  }
0x101: {  	[bflag:$0x0] =	sbarrier.arrive $0xFFFF  }
0x102: {  	s13 =	simm.s32 $0x0;
	s17 =	simm.s32 $0x0  }
.LBB2_20:
0x103: {  	s17 =	sadd.s32 $0x1, s17  }
0x104: {  	p0 =	sne.s32 s17, $0xA  }
.Ltmp13:
0x105: {  	_ = 	snop;
	(pc) =	sbr.rel @!p0 .LBB2_21-.Ltmp13, $1  }
0x106: {  	_ =	sdelay $0x3  }
.LBB2_16:
0x107: {  	p0 =	seq.s32 s17, $0x0  }
0x108: {  	s4 =	simm.s32 @!p0 $0x9  }
0x109: {  	_ =	swait.ge @!p0 [sflag:s4], $0x800  }
0x10a: {  	[sflag:s4] =	ssyncset.done @!p0 $0x0  }
0x10b: {  	[sflag:s4] =	ssyncadd.s32 @!p0 $0xFFFFF800;
	s4 =	simm.s32 @!p0 $0xA  }
0x10c: {  	_ =	swait.ge @!p0 [sflag:s4], $0x800  }
0x10d: {  	[sflag:s4] =	ssyncset.done @!p0 $0x0  }
0x10e: {  	[sflag:s4] =	ssyncadd.s32 @!p0 $0xFFFFF800;
	s4 =	simm.s32 @!p0 $0xB  }
0x10f: {  	_ =	swait.ge @!p0 [sflag:s4], $0x800  }
0x110: {  	[sflag:s4] =	ssyncset.done @!p0 $0x0  }
0x111: {  	[sflag:s4] =	ssyncadd.s32 @!p0 $0xFFFFF800;
	s4 =	simm.s32 @!p0 $0xC  }
0x112: {  	_ =	swait.ge @!p0 [sflag:s4], $0x800  }
0x113: {  	[sflag:s4] =	ssyncset.done @!p0 $0x0  }
0x114: {  	[sflag:s4] =	ssyncadd.s32 @!p0 $0xFFFFF800;
	s4 =	simm.s32 @!p0 $0xD  }
0x115: {  	_ =	swait.ge @!p0 [sflag:s4], $0x800  }
0x116: {  	[sflag:s4] =	ssyncset.done @!p0 $0x0  }
0x117: {  	[sflag:s4] =	ssyncadd.s32 @!p0 $0xFFFFF800;
	s4 =	simm.s32 @!p0 $0xE  }
0x118: {  	_ =	swait.ge @!p0 [sflag:s4], $0x800  }
0x119: {  	[sflag:s4] =	ssyncset.done @!p0 $0x0  }
0x11a: {  	[sflag:s4] =	ssyncadd.s32 @!p0 $0xFFFFF800;
	s4 =	simm.s32 @!p0 $0xF  }
0x11b: {  	_ =	swait.ge @!p0 [sflag:s4], $0x800  }
0x11c: {  	s18 =	smul.u32 $0x28, s17;
	[sflag:s4] =	ssyncset.done @!p0 $0x0  }
0x11d: {  	[sflag:s4] =	ssyncadd.s32 @!p0 $0xFFFFF800;
	s4 =	simm.s32 @!p0 $0x10  }
0x11e: {  	s18 =	sadd.s32 s8, s18;
	_ =	swait.ge @!p0 [sflag:s4], $0x800  }
0x11f: {  	s18 =	sshll.u32 s18, $0x4;
	[sflag:s4] =	ssyncset.done @!p0 $0x0  }
0x120: {  	s23 =	sadd.s32 s5, s18;
	[sflag:s4] =	ssyncadd.s32 @!p0 $0xFFFFF800  }
0x121: {  	[tilespmem:s13], [sflag:$0x11] =	stream.linear.gather [hbm4b:s23+s13], $0x1400, $0x38;
	[tilespmem:$0x13000] =	vst v63  }
0x122: {  	_ =	swait.ge [sflag:s15], $0x1400  }
0x123: {  	[sflag:s15] =	ssyncset.done $0x0  }
.Ltmp14:
0x124: {  	s24 =	sadd.s32 s1, s18;
	[sflag:s15] =	ssyncadd.s32 $0xFFFFEC00;
	(pc) =	sbr.rel .LBB2_17-.Ltmp14, $4  }
0x125: {  	[tilespmem:s16], [sflag:$0x11] =	stream.linear.gather [hbm4b:s24+s13], $0x1400, $0x38;
	[tilespmem:$0x13000] =	vst v63  }
0x126: {  	_ =	swait.ge [sflag:s15], $0x1400  }
0x127: {  	[sflag:s15] =	ssyncset.done $0x0  }
0x128: {  	s19 =	simm.s32 $0x0;
	s18 =	simm.s32 $0x0;
	[sflag:s15] =	ssyncadd.s32 $0xFFFFEC00  }
.LBB2_19:
0x129: {  	s18 =	sadd.s32 $0x800, s18  }
0x12a: {  	p0 =	sne.s32 s18, $0x5000  }
.Ltmp15:
0x12b: {  	_ = 	snop;
	(pc) =	sbr.rel @!p0 .LBB2_20-.Ltmp15, $2  }
0x12c: {  	_ =	sdelay $0x2  }
0x12d: {  	s19 =	sadd.s32 $0x1, s19  }
.LBB2_17:
0x12e: {  	s20 =	sand.u32 $0x1, s19  }
0x12f: {  	p0 =	seq.s32 s20, $0x1  }
0x130: {  	p2 =	slt.u32 @!p0 s19, $0x2  }
0x131: {  	p1 =	por p2, p0  }
0x132: {  	s4 =	simm.s32 @!p1 $0x9  }
0x133: {  	_ =	swait.ge @!p1 [sflag:s4], $0x800  }
0x134: {  	s21 =	simm.s32 @!p0 $0x80;
	s22 =	simm.s32 @!p0 $0x2800;
	[sflag:s4] =	ssyncset.done @!p1 $0x0  }
0x135: {  	s23 =	simm.s32 @!p1 $0xA;
	[sflag:s4] =	ssyncadd.s32 @!p1 $0xFFFFF800;
	s4 =	sshra.s32 @!p0 s18, $0x2  }
0x136: {  	[tilespmem:s22], [sflag:$0x1] =	stream.indirect.gather @!p0 [hbm4b:s7+s21], $0x10, s4, s21, $0xb8;
	[tilespmem:$0x13000] =	vst v63  }
0x137: {  	_ =	swait.ge @!p1 [sflag:s23], $0x800  }
0x138: {  	s24 =	simm.s32 @!p0 $0x3000;
	[sflag:s23] =	ssyncset.done @!p1 $0x0  }
0x139: {  	p2 =	por !p2, p0;
	[sflag:s23] =	ssyncadd.s32 @!p1 $0xFFFFF800;
	s23 =	sadd.s32 @!p0 $0x80, s4  }
0x13a: {  	[tilespmem:s24], [sflag:$0x2] =	stream.indirect.gather @!p0 [hbm4b:s7+s21], $0x10, s23, s21, $0xb8;
	[tilespmem:$0x13000] =	vst v63  }
0x13b: {  	s11 =	simm.s32 @!p2 $0x100;
	s12 =	simm.s32 @!p2 $0x3800;
	s23 =	simm.s32 @!p2 $0x80  }
0x13c: {  	[tilespmem:s12], [sflag:$0x3] =	stream.indirect.gather @!p2 [hbm4b:s7+s23], $0x10, s11, s23, $0xb8;
	[tilespmem:$0x13000] =	vst v63  }
0x13d: {  	s11 =	simm.s32 @!p1 $0xB  }
0x13e: {  	_ =	swait.ge @!p1 [sflag:s11], $0x800  }
0x13f: {  	[sflag:s11] =	ssyncset.done @!p1 $0x0  }
0x140: {  	[sflag:s11] =	ssyncadd.s32 @!p1 $0xFFFFF800;
	s11 =	sshra.s32 @!p1 s18, $0x2  }
0x141: {  	s12 =	simm.s32 @!p1 $0x80;
	s23 =	simm.s32 @!p1 $0x3800;
	s11 =	sadd.s32 @!p1 $0x100, s11  }
0x142: {  	[tilespmem:s23], [sflag:$0x3] =	stream.indirect.gather @!p1 [hbm4b:s7+s12], $0x10, s11, s12, $0xb8;
	[tilespmem:$0x13000] =	vst v63  }
0x143: {  	s11 =	simm.s32 @!p1 $0xC  }
0x144: {  	_ =	swait.ge @!p1 [sflag:s11], $0x800  }
0x145: {  	[sflag:s11] =	ssyncset.done @!p1 $0x0  }
0x146: {  	s12 =	simm.s32 @!p0 $0x4000;
	[sflag:s11] =	ssyncadd.s32 @!p1 $0xFFFFF800;
	s11 =	sadd.s32 @!p0 $0x180, s4  }
0x147: {  	[tilespmem:s12], [sflag:$0x4] =	stream.indirect.gather @!p0 [hbm4b:s7+s21], $0x10, s11, s21, $0xb8;
	[tilespmem:$0x13000] =	vst v63  }
0x148: {  	s11 =	simm.s32 @!p0 $0x1  }
0x149: {  	_ =	swait.ge @!p0 [sflag:s11], $0x800  }
0x14a: {  	[sflag:s11] =	ssyncset.done @!p0 $0x0  }
0x14b: {  	[sflag:s11] =	ssyncadd.s32 @!p0 $0xFFFFF800;
	s11 =	sadd.s32 @!p0 $0x1400, s4  }
0x14c: {  	[spmem:s3] =	stream.indirect.scatter.add.f32 @!p0 [tilespmem:s22], [sflag:$0x9], $0x10, s11, s21, $0xb8;
	[tilespmem:$0x13000] =	vst v63  }
0x14d: {  	s11 =	simm.s32 @!p0 $0x2  }
0x14e: {  	_ =	swait.ge @!p0 [sflag:s11], $0x800  }
0x14f: {  	[sflag:s11] =	ssyncset.done @!p0 $0x0  }
0x150: {  	[sflag:s11] =	ssyncadd.s32 @!p0 $0xFFFFF800;
	s11 =	sadd.s32 @!p0 $0x1480, s4  }
0x151: {  	[spmem:s3] =	stream.indirect.scatter.add.f32 @!p0 [tilespmem:s24], [sflag:$0xA], $0x10, s11, s21, $0xb8;
	[tilespmem:$0x13000] =	vst v63  }
0x152: {  	s11 =	simm.s32 @!p0 $0x3  }
0x153: {  	_ =	swait.ge @!p0 [sflag:s11], $0x800  }
0x154: {  	[sflag:s11] =	ssyncset.done @!p0 $0x0  }
0x155: {  	s22 =	simm.s32 @!p0 $0x3800;
	[sflag:s11] =	ssyncadd.s32 @!p0 $0xFFFFF800;
	s11 =	sadd.s32 @!p0 $0x1500, s4  }
0x156: {  	[spmem:s3] =	stream.indirect.scatter.add.f32 @!p0 [tilespmem:s22], [sflag:$0xB], $0x10, s11, s21, $0xb8;
	[tilespmem:$0x13000] =	vst v63  }
0x157: {  	s11 =	simm.s32 @!p0 $0x4  }
0x158: {  	_ =	swait.ge @!p0 [sflag:s11], $0x800  }
0x159: {  	[sflag:s11] =	ssyncset.done @!p0 $0x0  }
0x15a: {  	p1 =	seq.s32 @!p0 s20, $0x0;
	s4 =	sadd.s32 @!p0 $0x1580, s4;
	[sflag:s11] =	ssyncadd.s32 @!p0 $0xFFFFF800  }
0x15b: {  	[spmem:s3] =	stream.indirect.scatter.add.f32 @!p0 [tilespmem:s12], [sflag:$0xC], $0x10, s4, s21, $0xb8;
	[tilespmem:$0x13000] =	vst v63  }
0x15c: {  	p0 =	por p0, !p1  }
.Ltmp16:
0x15d: {  	_ = 	snop;
	(pc) =	sbr.rel @!p0 .LBB2_19-.Ltmp16, $1  }
0x15e: {  	_ =	sdelay $0x3  }
0x15f: {  	p0 =	slt.u32 s19, $0x2  }
0x160: {  	s4 =	simm.s32 @!p0 $0xD  }
0x161: {  	_ =	swait.ge @!p0 [sflag:s4], $0x800  }
0x162: {  	[sflag:s4] =	ssyncset.done @!p0 $0x0  }
0x163: {  	s11 =	simm.s32 @!p0 $0xE;
	[sflag:s4] =	ssyncadd.s32 @!p0 $0xFFFFF800;
	s4 =	sshra.s32 s18, $0x2  }
0x164: {  	[tilespmem:s26], [sflag:$0x5] =	stream.indirect.gather [hbm4b:s7+s25], $0x10, s4, s25, $0xb8;
	[tilespmem:$0x13000] =	vst v63  }
0x165: {  	_ =	swait.ge @!p0 [sflag:s11], $0x800  }
0x166: {  	[sflag:s11] =	ssyncset.done @!p0 $0x0  }
0x167: {  	s20 =	sadd.s32 $0x80, s4;
	[sflag:s11] =	ssyncadd.s32 @!p0 $0xFFFFF800;
	s11 =	sshra.s32 @p0 s18, $0x2  }
0x168: {  	[tilespmem:s28], [sflag:$0x6] =	stream.indirect.gather [hbm4b:s7+s25], $0x10, s20, s25, $0xb8;
	[tilespmem:$0x13000] =	vst v63  }
0x169: {  	s12 =	simm.s32 @p0 $0x80;
	s11 =	sadd.s32 @p0 $0x100, s11;
	s20 =	simm.s32 @p0 $0x5800  }
0x16a: {  	[tilespmem:s20], [sflag:$0x7] =	stream.indirect.gather @p0 [hbm4b:s7+s12], $0x10, s11, s12, $0xb8;
	[tilespmem:$0x13000] =	vst v63  }
0x16b: {  	s11 =	simm.s32 @!p0 $0xF  }
0x16c: {  	_ =	swait.ge @!p0 [sflag:s11], $0x800  }
0x16d: {  	[sflag:s11] =	ssyncset.done @!p0 $0x0  }
0x16e: {  	[sflag:s11] =	ssyncadd.s32 @!p0 $0xFFFFF800;
	s11 =	sshra.s32 @!p0 s18, $0x2  }
0x16f: {  	s12 =	simm.s32 @!p0 $0x80;
	s20 =	simm.s32 @!p0 $0x5800;
	s11 =	sadd.s32 @!p0 $0x100, s11  }
0x170: {  	[tilespmem:s20], [sflag:$0x7] =	stream.indirect.gather @!p0 [hbm4b:s7+s12], $0x10, s11, s12, $0xb8;
	[tilespmem:$0x13000] =	vst v63  }
0x171: {  	s11 =	simm.s32 @!p0 $0x10  }
0x172: {  	_ =	swait.ge @!p0 [sflag:s11], $0x800  }
0x173: {  	[sflag:s11] =	ssyncset.done @!p0 $0x0  }
0x174: {  	s21 =	sadd.s32 $0x180, s4;
	[sflag:s11] =	ssyncadd.s32 @!p0 $0xFFFFF800  }
0x175: {  	[tilespmem:s29], [sflag:$0x8] =	stream.indirect.gather [hbm4b:s7+s25], $0x10, s21, s25, $0xb8;
	[tilespmem:$0x13000] =	vst v63  }
0x176: {  	_ =	swait.ge [sflag:s30], $0x800  }
0x177: {  	[sflag:s30] =	ssyncset.done $0x0  }
0x178: {  	s22 =	sadd.s32 $0x1400, s4;
	[sflag:s30] =	ssyncadd.s32 $0xFFFFF800  }
0x179: {  	[spmem:s3] =	stream.indirect.scatter.add.f32 [tilespmem:s26], [sflag:$0xD], $0x10, s22, s25, $0xb8;
	[tilespmem:$0x13000] =	vst v63  }
0x17a: {  	_ =	swait.ge [sflag:s31], $0x800  }
0x17b: {  	[sflag:s31] =	ssyncset.done $0x0  }
0x17c: {  	s23 =	sadd.s32 $0x1480, s4;
	[sflag:s31] =	ssyncadd.s32 $0xFFFFF800  }
0x17d: {  	[spmem:s3] =	stream.indirect.scatter.add.f32 [tilespmem:s28], [sflag:$0xE], $0x10, s23, s25, $0xb8;
	[tilespmem:$0x13000] =	vst v63  }
0x17e: {  	_ =	swait.ge [sflag:s0], $0x800  }
0x17f: {  	[sflag:s0] =	ssyncset.done $0x0  }
0x180: {  	s24 =	sadd.s32 $0x1500, s4;
	[sflag:s0] =	ssyncadd.s32 $0xFFFFF800  }
0x181: {  	[spmem:s3] =	stream.indirect.scatter.add.f32 [tilespmem:s2], [sflag:$0xF], $0x10, s24, s25, $0xb8;
	[tilespmem:$0x13000] =	vst v63  }
.Ltmp17:
0x182: {  	_ = 	snop;
	(pc) =	sbr.rel .LBB2_19-.Ltmp17, $4  }
0x183: {  	_ =	swait.ge [sflag:s10], $0x800  }
0x184: {  	[sflag:s10] =	ssyncset.done $0x0  }
0x185: {  	s4 =	sadd.s32 $0x1580, s4;
	[sflag:s10] =	ssyncadd.s32 $0xFFFFF800  }
0x186: {  	[spmem:s3] =	stream.indirect.scatter.add.f32 [tilespmem:s29], [sflag:$0x10], $0x10, s4, s25, $0xb8;
	[tilespmem:$0x13000] =	vst v63  }
.LBB2_22:
0x187: {  	_ =	sfence.sel $0x180000  }
0x188: {  	[bflag:$0x0] =	sbarrier.arrive $0xFFFF  }
0x189: {  	_ =	strace $0x9000004D  }
0x18a: {  	s0 =	stileid.u32;
	[bflag:$0x2] =	sbarrier.arrive $0xFFFF  }
0x18b: {  	p0 =	sne.s32 s0, $0x0;
	s0 =	rddreg [dreg:$0x3]  }
0x18c: {  	s0 =	sadd.s32 @!p0 $0x100000, s0  }
0x18d: {  	[sflag:s0] =	ssyncadd.tile.s32 @!p0 $0x1;
	_ =	shalt  }
.Lfunc_end2:
_tile_overlayer_lowered:
.L_overlay_start_2:
0x18e: {  	(tag) =	ssettag $0x2  }
0x18f: {  	s0 =	rddreg [dreg:$0x0];
	s2 =	stileid.u32  }
0x190: {  	s1 =	rddreg [dreg:$0x1];
	p0 =	sne.s32 s2, $0x0  }
0x191: {  	s3 =	rddreg [dreg:$0x2];
	[bflag:$0x3] =	sbarrier.arrive $0xFFFF;
	s2 =	simm.s32 @!p0 $0x1C11  }
0x192: {  	[timem:s3], [sflag:s2] =	dma.local @!p0 [hbm:s0], s1  }
0x193: {  	s0 =	simm.s32 @!p0 $0x11  }
0x194: {  	_ =	swait.ge @!p0 [sflag:s0], s1  }
0x195: {  	s1 =	ssub.s32 @!p0 $0x0, s1;
	[sflag:s0] =	ssyncset.done @!p0 $0x0  }
0x196: {  	[sflag:s0] =	ssyncadd.s32 @!p0 s1  }
0x197: {  	[bflag:$0x3] =	sbarrier.arrive $0xFFFF  }
0x198: {  	_ =	shalt  }

// kernel: kernel.9.cloned.1.call-start
scs
__scs_entry_jumppad:
0x0: {  	(pc) =	sbr.rel $0x88, $3  }
0x1: {  	(tag) =	ssettag $0x0;
	lr =	simm.s32 $0x1  }
0x2: {  	[smem:$0x3F9A] =	sst lr;
	_ =	strace $0xD0000000  }
0x3: {  	_ = 	snop  }
0x4: {  	_ = 	snop  }
0x5: {  	_ = 	snop  }
0x6: {  	_ = 	snop  }
0x7: {  	_ = 	snop  }
__scs_overlays_trampoline_lowered:
0x8: {  	[smem:$0x3FA9] =	sst s0  }
0x9: {  	[smem:$0x3FAA] =	sst s1  }
0xa: {  	[smem:$0x3FAB] =	sst s2  }
0xb: {  	[smem:$0x3FAC] =	sst s3  }
0xc: {  	[smem:$0x3FAD] =	sst s4  }
0xd: {  	[smem:$0x3FAE] =	sst s5  }
0xe: {  	[smem:$0x3FAF] =	sst s6  }
0xf: {  	[smem:$0x3FB0] =	sst s7  }
0x10: {  	[smem:$0x3FB1] =	sst s8  }
0x11: {  	[smem:$0x3FB2] =	sst s9;
	s0 =	simm.s32 @!p0 $0x0  }
0x12: {  	s1 =	sld [smem:$0x3F98];
	s0 =	simm.s32 @p0 $0x1  }
0x13: {  	[smem:$0x3FB3] =	sst s0;
	s0 =	simm.s32 @!p1 $0x0  }
0x14: {  	s2 =	sld [smem:$0x3F97];
	s0 =	simm.s32 @p1 $0x1  }
0x15: {  	[smem:$0x3FB4] =	sst s0;
	s0 =	simm.s32 @!p2 $0x0  }
0x16: {  	s3 =	sld [smem:$0x3FDB];
	s0 =	simm.s32 @p2 $0x1  }
0x17: {  	s4 =	simm.s32 $0x1BF5;
	[smem:$0x3FB6] =	sst s0  }
0x18: {  	s0 =	sld [smem:$0x3F99];
	_ =	swait.ge [sflag:s4], $0x0  }
0x19: {  	s7 =	sld [smem:$0x3F9A]  }
0x1a: {  	s8 =	sadd.s32 $0xFFFFE003, lr  }
0x1b: {  	s9 =	sadd.s32 $0xFFFFFEF7, lr;
	s5 =	simm.s32 $0xFFFFFFFF;
	p2 =	slt.u32 s8, $0xFFFFF086  }
0x1c: {  	p1 =	slt.u32 s9, $0xF7A;
	s5 =	simm.s32 @!p2 $0x0  }
0x1d: {  	s5 =	simm.s32 @p1 $0x1;
	p0 =	seq.s32 s7, s2  }
0x1e: {  	s7 =	smul.u32 @!p0 $0xF7A, s2;
	p2 =	seq.s32 @!p0 s5, $0x0  }
0x1f: {  	s9 =	smul.u32 $0xF7A, s1;
	s8 =	simm.s32 @!p0 $0x1BF5;
	p2 =	por !p2, p0  }
0x20: {  	[sflag:s8] =	ssyncset.s32 @!p0 $0xFFFFF086;
	s6 =	sadd.s32 @!p0 s3, s7;
	s7 =	simm.s32 @!p0 $0x108  }
0x21: {  	s3 =	sadd.s32 s3, s9;
	s6 =	sadd.s32 @!p0 $0x88, s6;
	s7 =	simm.s32 @p2 $0x1082  }
0x22: {  	[simem:s7], [sflag:s8] =	dma.local @!p0 [hbm:s6], $0xF7A  }
0x23: {  	s9 =	sor.u32 $0xD0000000, s2;
	s6 =	simm.s32 $0x108;
	_ =	swait.ge @!p0 [sflag:s8], $0x0  }
0x24: {  	s3 =	sadd.s32 $0x88, s3;
	s6 =	simm.s32 @!p1 $0x1082;
	[sflag:s4] =	ssyncset.s32 $0xFFFFF086  }
0x25: {  	[simem:s6], [sflag:s4] =	dma.local [hbm:s3], $0xF7A  }
0x26: {  	[smem:$0x3F9A] =	sst s1;
	(tag) =	ssettag s2;
	_ =	strace s9  }
0x27: {  	s1 =	sld [smem:$0x3FAA]  }
0x28: {  	s2 =	sld [smem:$0x3FAB]  }
0x29: {  	s4 =	sld [smem:$0x3FAD]  }
0x2a: {  	p0 =	seq.s32 s5, $0x0;
	s5 =	sld [smem:$0x3FAE]  }
0x2b: {  	s6 =	sld [smem:$0x3FAF]  }
0x2c: {  	s7 =	sld [smem:$0x3FB0]  }
0x2d: {  	s3 =	simm.s32 $0x108;
	s8 =	sld [smem:$0x3FB1]  }
0x2e: {  	s3 =	simm.s32 @!p0 $0x1082;
	s9 =	sld [smem:$0x3FB2]  }
0x2f: {  	lr =	sadd.s32 s0, s3;
	s0 =	sld [smem:$0x3FA9]  }
0x30: {  	s3 =	sld [smem:$0x3FAC]  }
0x31: {  	[smem:$0x3FB5] =	sst s10  }
0x32: {  	s10 =	sld [smem:$0x3FB3];
	_ =	sdelay $0x3  }
0x33: {  	p0 =	seq.s32 s10, $0x1;
	s10 =	sld [smem:$0x3FB5];
	_ =	sdelay $0x3  }
0x34: {  	[smem:$0x3FB5] =	sst s10  }
0x35: {  	s10 =	sld [smem:$0x3FB4];
	_ =	sdelay $0x3  }
0x36: {  	p1 =	seq.s32 s10, $0x1;
	s10 =	sld [smem:$0x3FB5];
	_ =	sdelay $0x3  }
0x37: {  	[smem:$0x3FB5] =	sst s10  }
0x38: {  	s10 =	sld [smem:$0x3FB6]  }
0x39: {  	_ = 	snop;
	(pc) =	sbr.ind lr, $3  }
0x3a: {  	_ = 	snop  }
0x3b: {  	_ = 	snop  }
0x3c: {  	p2 =	seq.s32 s10, $0x1;
	s10 =	sld [smem:$0x3FB5]  }
0x3d: {  	_ =	shalt  }
0x3e: {  	_ =	shalt  }
0x3f: {  	_ =	shalt  }
0x40: {  	_ =	shalt  }
0x41: {  	_ =	shalt  }
0x42: {  	_ =	shalt  }
0x43: {  	_ =	shalt  }
0x44: {  	_ =	shalt  }
0x45: {  	_ =	shalt  }
0x46: {  	_ =	shalt  }
0x47: {  	_ =	shalt  }
0x48: {  	_ =	shalt  }
0x49: {  	_ =	shalt  }
0x4a: {  	_ =	shalt  }
0x4b: {  	_ =	shalt  }
0x4c: {  	_ =	shalt  }
0x4d: {  	_ =	shalt  }
0x4e: {  	_ =	shalt  }
0x4f: {  	_ =	shalt  }
0x50: {  	_ =	shalt  }
0x51: {  	_ =	shalt  }
0x52: {  	_ =	shalt  }
0x53: {  	_ =	shalt  }
0x54: {  	_ =	shalt  }
0x55: {  	_ =	shalt  }
0x56: {  	_ =	shalt  }
0x57: {  	_ =	shalt  }
0x58: {  	_ =	shalt  }
0x59: {  	_ =	shalt  }
0x5a: {  	_ =	shalt  }
0x5b: {  	_ =	shalt  }
0x5c: {  	_ =	shalt  }
0x5d: {  	_ =	shalt  }
0x5e: {  	_ =	shalt  }
0x5f: {  	_ =	shalt  }
0x60: {  	_ =	shalt  }
0x61: {  	_ =	shalt  }
0x62: {  	_ =	shalt  }
0x63: {  	_ =	shalt  }
0x64: {  	_ =	shalt  }
0x65: {  	_ =	shalt  }
0x66: {  	_ =	shalt  }
0x67: {  	_ =	shalt  }
0x68: {  	_ =	shalt  }
0x69: {  	_ =	shalt  }
0x6a: {  	_ =	shalt  }
0x6b: {  	_ =	shalt  }
0x6c: {  	_ =	shalt  }
0x6d: {  	_ =	shalt  }
0x6e: {  	_ =	shalt  }
0x6f: {  	_ =	shalt  }
0x70: {  	_ =	shalt  }
0x71: {  	_ =	shalt  }
0x72: {  	_ =	shalt  }
0x73: {  	_ =	shalt  }
0x74: {  	_ =	shalt  }
0x75: {  	_ =	shalt  }
0x76: {  	_ =	shalt  }
0x77: {  	_ =	shalt  }
0x78: {  	_ =	shalt  }
0x79: {  	_ =	shalt  }
0x7a: {  	_ =	shalt  }
0x7b: {  	_ =	shalt  }
0x7c: {  	_ =	shalt  }
0x7d: {  	_ =	shalt  }
0x7e: {  	_ =	shalt  }
0x7f: {  	_ =	shalt  }
0x80: {  	_ =	shalt  }
0x81: {  	_ =	shalt  }
0x82: {  	_ =	shalt  }
0x83: {  	_ =	shalt  }
0x84: {  	_ =	shalt  }
0x85: {  	_ =	shalt  }
0x86: {  	_ =	shalt  }
0x87: {  	_ =	shalt  }
.Lfunc_end0:
.L_simem_size_0:
called_computation_lowered:
.L_overlay_start_0:
0x88: {  	s2 =	sld [smem:$0x3FD9]  }
0x89: {  	s3 =	sld [smem:$0x3FFE];
	_ =	sdelay $0x1  }
0x8a: {  	s1 =	srdreg.scid  }
0x8b: {  	s0 =	sand.u32 $0x1, s1  }
0x8c: {  	s15 =	sshll.u32 s0, $0xA;
	s2 =	sadd.s32 s3, s2  }
0x8d: {  	s2 =	sadd.s32 s2, s15  }
0x8e: {  	[smem:$0x3FC1] =	sst s2  }
0x8f: {  	_ = 	snop  }
0x90: {  	s2 =	sld [smem:$0x3FD0];
	_ =	sdelay $0x2  }
0x91: {  	s16 =	simm.s32 $0xA;
	s4 =	simm.s32 $0x10  }
0x92: {  	[smem:s4], [sflag:s16] =	dma.local [hbm:s2], $0x1  }
0x93: {  	_ =	swait.eq [sflag:s16], $0x1  }
0x94: {  	[sflag:s16] =	ssyncset.done $0x0  }
0x95: {  	s17 =	sld [smem:$0x10];
	[sflag:s16] =	ssyncadd.s32 $0xFFFFFFFF  }
0x96: {  	s18 =	sld [smem:$0x11];
	(tm) =	ssettm $0x1  }
0x97: {  	s19 =	sld [smem:$0x3FFB];
	_ =	sdelay $0x3  }
0x98: {  	_ =	strace s19  }
0x99: {  	s4 =	sld [smem:$0x3FFC];
	_ =	sdelay $0x3  }
0x9a: {  	_ =	strace s4  }
0x9b: {  	s4 =	sld [smem:$0x3FFD];
	_ =	sdelay $0x3  }
0x9c: {  	_ =	strace s4  }
0x9d: {  	_ =	strace $0x8FFFFFFF  }
0x9e: {  	s20 =	sld [smem:$0x3FDB];
	_ =	sdelay $0x1  }
0x9f: {  	s5 =	simm.s32 $_scs_section_size  }
0xa0: {  	s6 =	simm.s32 $_size__tile_overlayer_lowered;
	s7 =	simm.s32 $_tile_overlayer_lowered  }
0xa1: {  	s23 =	simm.s32 $0x1BFF;
	s22 =	sshll.u32 s7, $0x1;
	s4 =	sadd.s32 s5, s20  }
0xa2: {  	s8 =	simm.s32 $0x0;
	s21 =	sshll.u32 s6, $0x1;
	s6 =	sadd.s32 s22, s4  }
0xa3: {  	[timem:s8], [sflag:s23] =	dma.local [hbm:s6], s21  }
0xa4: {  	_ =	swait.ge [sflag:s23], s21  }
0xa5: {  	s5 =	ssub.s32 $0x0, s21;
	[sflag:s23] =	ssyncset.done $0x0  }
0xa6: {  	[sflag:s23] =	ssyncadd.s32 s5;
	_ =	sdelay $0x1  }
0xa7: {  	s24 =	simm.s32 $0x1B8B  }
0xa8: {  	_ =	swait.ge [sflag:s24], $0x1  }
0xa9: {  	[sflag:s24] =	ssyncset.done $0x0  }
0xaa: {  	s25 =	simm.s32 $0x1B8E;
	[sflag:s24] =	ssyncadd.s32 $0xFFFFFFFF  }
0xab: {  	s26 =	simm.s32 $execute0_lowered;
	[smem:$0x3FD2] =	sst s25  }
0xac: {  	s5 =	sshll.u32 s26, $0x1;
	_ =	strace $0x80000046;
	[dreg:$0x1] =	wrdreg $0xFFFFFFFF  }
0xad: {  	s28 =	simm.s32 $_size_execute0_lowered;
	s4 =	sadd.s32 s4, s5;
	[dreg:$0x0] =	wrdreg $0x0  }
0xae: {  	s5 =	sshll.u32 s28, $0x1;
	[dreg:$0x2] =	wrdreg s4  }
0xaf: {  	[dreg:$0x3] =	wrdreg s5  }
0xb0: {  	[dreg:$0x4] =	wrdreg $0xC0  }
0xb1: {  	_ =	task [dreg:s8], $0x5FFFF  }
0xb2: {  	[dreg:$0x1] =	wrdreg $0xFFFFFFFF  }
0xb3: {  	[dreg:$0x0] =	wrdreg $0x60  }
0xb4: {  	[dreg:$0x2] =	wrdreg s18  }
0xb5: {  	[dreg:$0x3] =	wrdreg s17  }
0xb6: {  	[dreg:$0x4] =	wrdreg $0x24000  }
0xb7: {  	[dreg:$0x5] =	wrdreg $0x9  }
0xb8: {  	_ =	task.clear_ibuf [dreg:s8], $0x6FFFF;
	_ =	strace $0x90000046  }
0xb9: {  	s29 =	simm.s32 $0x9;
	_ =	strace $0x80000048  }
0xba: {  	_ =	swait.ge [sflag:s29], $0x1  }
0xbb: {  	[sflag:s29] =	ssyncadd.s32 $0xFFFFFFFF  }
0xbc: {  	_ =	strace $0x90000048  }
0xbd: {  	_ =	sfence  }
0xbe: {  	s30 =	sld [smem:$0x0];
	_ =	sdelay $0x2  }
0xbf: {  	s31 =	sshll.u32 s1, $0xD;
	s1 =	sshrl.u32 s1, $0x2  }
0xc0: {  	s3 =	sand.u32 $0x4000, s31;
	s1 =	sadd.s32 s1, s30  }
0xc1: {  	s0 =	sor.u32 s3, s0;
	s1 =	sshll.u32 s1, $0x11  }
0xc2: {  	s0 =	sor.u32 s1, s0  }
0xc3: {  	s0 =	sadd.s32 $0x8F2B, s0  }
0xc4: {  	[sflag:s0] =	ssyncadd.remote.s32 $0x1  }
0xc5: {  	_ =	sfence.sel $0xFFFF  }
0xc6: {  	[dreg:$0x0] =	wrdreg $0xFFFFFFFF;
	(pc) =	sbr.abs _section_cstart, $3  }
0xc7: {  	[dreg:$0x1] =	wrdreg $0xFFFFFFFF  }
0xc8: {  	_ =	task.clear_ibuf [dreg:s8], $0x2FFFF;
	_ =	strace $0x9FFFFFFF  }
0xc9: {  	(tm) =	ssettm $0x7FFFFFFF  }
tec
execute0_lowered:
.L_overlay_start_1:
0x0: {  	(tag) =	ssettag $0x1  }
0x1: {  	s7 =	rddreg [dreg:$0x0];
	s1 =	srdreg.scid  }
0x2: {  	s0 =	stileid.u32;
	s5 =	rddreg [dreg:$0x1]  }
0x3: {  	s2 =	rddreg [dreg:$0x2];
	s3 =	simm.s32 $0x0;
	s6 =	smul.u32 $0x32000, s0  }
0x4: {  	s13 =	simm.s32 $0x1;
	s14 =	simm.s32 $0x80;
	s10 =	smul.u32 $0xC800, s0  }
0x5: {  	s4 =	sand.u32 $0x1, s1;
	s1 =	rddreg [dreg:$0x3];
	s12 =	smul.u32 $0xC8, s0  }
0x6: {  	s15 =	simm.s32 $0x1400;
	[smem:$0x7FF] =	sst s3;
	s8 =	smul.u32 $0xC80, s4  }
0x7: {  	s9 =	smul.u32 $0xC8000, s4;
	s4 =	ssub.s32 $0x2, s4;
	_ =	strace $0x80000047  }
0x8: {  	s11 =	sshrl.u32 s4, $0x1;
	s6 =	sshrl.u32 s6, $0x2;
	s16 =	sadd.s32 s10, s2  }
0x9: {  	s11 =	ssub.s32 s4, s11;
	s31 =	sadd.s32 s10, s9;
	s8 =	sadd.s32 s12, s8  }
0xa: {  	s4 =	sadd.s32 s6, s2;
	s12 =	simm.s32 $0x1C00;
	s8 =	sshll.u32 s8, $0x4  }
0xb: {  	s16 =	sshrl.u32 s16, $0x3;
	s9 =	sshrl.u32 s31, $0x3;
	s7 =	sadd.s32 s7, s8  }
0xc: {  	s6 =	smax.u32 s11, $0x1;
	s5 =	sadd.s32 s5, s9;
	s8 =	sadd.s32 $0x280, s7  }
0xd: {  	v0 =	vimm.f32 $1.000000000e+00;
	v1 =	vimm.f32 $0.0e+00;
	s9 =	sadd.s32 $0x500, s7;
	s10 =	sadd.s32 $0x780, s7;
	s11 =	sadd.s32 $0xA00, s7  }
.LBB2_1:
0xe: {  	s17 =	simm.s32 $0x0  }
.LBB2_2:
0xf: {  	p0 =	sne.s32 s17, $0x1FC0  }
.Ltmp0:
0x10: {  	_ = 	snop;
	(pc) =	sbr.rel @p0 .LBB2_2-.Ltmp0, $4  }
0x11: {  	_ = 	snop  }
0x12: {  	s18 =	sshra.s32 s17, $0x2  }
0x13: {  	[tilespmem:s18+$0x1400] =	vst v0  }
0x14: {  	s17 =	sadd.s32 $0x40, s17;
	[tilespmem:s18+$0x1C00] =	vst v1  }
0x15: {  	s17 =	sadd.s32 $0x0, s4  }
0x16: {  	[spmem:s17] =	stream.linear.scatter [tilespmem:s12], [sflag:$0x1], $0x800, $0x38;
	[tilespmem:$0xEC00] =	vst v63  }
0x17: {  	s17 =	simm.s32 $0x2000;
	_ =	swait.ge [sflag:s13], $0x800  }
.LBB2_4:
0x18: {  	s18 =	sshra.s32 s17, $0x2;
	[sflag:s13] =	ssyncset.done $0x0;
	p0 =	sne.s32 s17, $0x30000  }
.Ltmp1:
0x19: {  	s18 =	sadd.s32 s18, s4;
	[sflag:s13] =	ssyncadd.s32 $0xFFFFF800;
	(pc) =	sbr.rel @p0 .LBB2_4-.Ltmp1, $3  }
0x1a: {  	[spmem:s18] =	stream.linear.scatter [tilespmem:s12], [sflag:$0x1], $0x800, $0x38;
	[tilespmem:$0xEC00] =	vst v63  }
0x1b: {  	s17 =	sadd.s32 $0x2000, s17;
	_ =	sdelay $0x1  }
0x1c: {  	_ =	swait.ge [sflag:s13], $0x800  }
0x1d: {  	[sflag:s13] =	ssyncset.done $0x0  }
0x1e: {  	[sflag:s13] =	ssyncadd.s32 $0xFFFFF800  }
0x1f: {  	s17 =	simm.s32 $0x0;
	[bflag:$0x0] =	sbarrier.arrive $0xFFFF  }
0x20: {  	[tilespmem:s17], [sflag:$0x1] =	stream.linear.gather [hbm4b:s7+s17], $0x1400, $0x38;
	[tilespmem:$0xEC00] =	vst v63  }
0x21: {  	_ =	swait.ge [sflag:s13], $0x1400  }
0x22: {  	[sflag:s13] =	ssyncset.done $0x0  }
0x23: {  	s31 =	simm.s32 $0x0;
	[sflag:s13] =	ssyncadd.s32 $0xFFFFEC00  }
0x24: {  	[spmem:s2] =	stream.indirect.scatter.add.f32 [tilespmem:s15], [sflag:$0x1], $0x10, s31, s14, $0xb8;
	[tilespmem:$0xEC00] =	vst v63  }
0x25: {  	_ =	swait.ge [sflag:s13], $0x800  }
0x26: {  	s17 =	simm.s32 $0x200;
	[sflag:s13] =	ssyncset.done $0x0  }
.LBB2_6:
0x27: {  	s18 =	sshra.s32 s17, $0x2;
	[sflag:s13] =	ssyncadd.s32 $0xFFFFF800;
	p0 =	sne.s32 s17, $0x4E00  }
0x28: {  	[spmem:s2] =	stream.indirect.scatter.add.f32 [tilespmem:s15], [sflag:$0x1], $0x10, s18, s14, $0xb8;
	[tilespmem:$0xEC00] =	vst v63  }
.Ltmp2:
0x29: {  	_ = 	snop;
	(pc) =	sbr.rel @p0 .LBB2_6-.Ltmp2, $4  }
0x2a: {  	_ = 	snop  }
0x2b: {  	s17 =	sadd.s32 $0x200, s17  }
0x2c: {  	_ =	swait.ge [sflag:s13], $0x800  }
0x2d: {  	[sflag:s13] =	ssyncset.done $0x0  }
0x2e: {  	[sflag:s13] =	ssyncadd.s32 $0xFFFFF800;
	s17 =	simm.s32 $0x0  }
0x2f: {  	[tilespmem:s17], [sflag:$0x1] =	stream.linear.gather [hbm4b:s8+s17], $0x1400, $0x38;
	[tilespmem:$0xEC00] =	vst v63  }
0x30: {  	_ =	swait.ge [sflag:s13], $0x1400  }
0x31: {  	[sflag:s13] =	ssyncset.done $0x0  }
0x32: {  	s31 =	simm.s32 $0x0;
	[sflag:s13] =	ssyncadd.s32 $0xFFFFEC00  }
0x33: {  	[spmem:s2] =	stream.indirect.scatter.add.f32 [tilespmem:s15], [sflag:$0x1], $0x10, s31, s14, $0xb8;
	[tilespmem:$0xEC00] =	vst v63  }
0x34: {  	_ =	swait.ge [sflag:s13], $0x800  }
0x35: {  	s17 =	simm.s32 $0x200;
	[sflag:s13] =	ssyncset.done $0x0  }
.LBB2_8:
0x36: {  	s18 =	sshra.s32 s17, $0x2;
	[sflag:s13] =	ssyncadd.s32 $0xFFFFF800;
	p0 =	sne.s32 s17, $0x4E00  }
0x37: {  	[spmem:s2] =	stream.indirect.scatter.add.f32 [tilespmem:s15], [sflag:$0x1], $0x10, s18, s14, $0xb8;
	[tilespmem:$0xEC00] =	vst v63  }
.Ltmp3:
0x38: {  	_ = 	snop;
	(pc) =	sbr.rel @p0 .LBB2_8-.Ltmp3, $4  }
0x39: {  	_ = 	snop  }
0x3a: {  	s17 =	sadd.s32 $0x200, s17  }
0x3b: {  	_ =	swait.ge [sflag:s13], $0x800  }
0x3c: {  	[sflag:s13] =	ssyncset.done $0x0  }
0x3d: {  	[sflag:s13] =	ssyncadd.s32 $0xFFFFF800;
	s17 =	simm.s32 $0x0  }
0x3e: {  	[tilespmem:s17], [sflag:$0x1] =	stream.linear.gather [hbm4b:s9+s17], $0x1400, $0x38;
	[tilespmem:$0xEC00] =	vst v63  }
0x3f: {  	_ =	swait.ge [sflag:s13], $0x1400  }
0x40: {  	[sflag:s13] =	ssyncset.done $0x0  }
0x41: {  	s31 =	simm.s32 $0x0;
	[sflag:s13] =	ssyncadd.s32 $0xFFFFEC00  }
0x42: {  	[spmem:s2] =	stream.indirect.scatter.add.f32 [tilespmem:s15], [sflag:$0x1], $0x10, s31, s14, $0xb8;
	[tilespmem:$0xEC00] =	vst v63  }
0x43: {  	_ =	swait.ge [sflag:s13], $0x800  }
0x44: {  	s17 =	simm.s32 $0x200;
	[sflag:s13] =	ssyncset.done $0x0  }
.LBB2_10:
0x45: {  	s18 =	sshra.s32 s17, $0x2;
	[sflag:s13] =	ssyncadd.s32 $0xFFFFF800;
	p0 =	sne.s32 s17, $0x4E00  }
0x46: {  	[spmem:s2] =	stream.indirect.scatter.add.f32 [tilespmem:s15], [sflag:$0x1], $0x10, s18, s14, $0xb8;
	[tilespmem:$0xEC00] =	vst v63  }
.Ltmp4:
0x47: {  	_ = 	snop;
	(pc) =	sbr.rel @p0 .LBB2_10-.Ltmp4, $4  }
0x48: {  	_ = 	snop  }
0x49: {  	s17 =	sadd.s32 $0x200, s17  }
0x4a: {  	_ =	swait.ge [sflag:s13], $0x800  }
0x4b: {  	[sflag:s13] =	ssyncset.done $0x0  }
0x4c: {  	[sflag:s13] =	ssyncadd.s32 $0xFFFFF800;
	s17 =	simm.s32 $0x0  }
0x4d: {  	[tilespmem:s17], [sflag:$0x1] =	stream.linear.gather [hbm4b:s10+s17], $0x1400, $0x38;
	[tilespmem:$0xEC00] =	vst v63  }
0x4e: {  	_ =	swait.ge [sflag:s13], $0x1400  }
0x4f: {  	[sflag:s13] =	ssyncset.done $0x0  }
0x50: {  	s31 =	simm.s32 $0x0;
	[sflag:s13] =	ssyncadd.s32 $0xFFFFEC00  }
0x51: {  	[spmem:s2] =	stream.indirect.scatter.add.f32 [tilespmem:s15], [sflag:$0x1], $0x10, s31, s14, $0xb8;
	[tilespmem:$0xEC00] =	vst v63  }
0x52: {  	_ =	swait.ge [sflag:s13], $0x800  }
0x53: {  	s17 =	simm.s32 $0x200;
	[sflag:s13] =	ssyncset.done $0x0  }
.LBB2_12:
0x54: {  	s18 =	sshra.s32 s17, $0x2;
	[sflag:s13] =	ssyncadd.s32 $0xFFFFF800;
	p0 =	sne.s32 s17, $0x4E00  }
0x55: {  	[spmem:s2] =	stream.indirect.scatter.add.f32 [tilespmem:s15], [sflag:$0x1], $0x10, s18, s14, $0xb8;
	[tilespmem:$0xEC00] =	vst v63  }
.Ltmp5:
0x56: {  	_ = 	snop;
	(pc) =	sbr.rel @p0 .LBB2_12-.Ltmp5, $4  }
0x57: {  	_ = 	snop  }
0x58: {  	s17 =	sadd.s32 $0x200, s17  }
0x59: {  	_ =	swait.ge [sflag:s13], $0x800  }
0x5a: {  	[sflag:s13] =	ssyncset.done $0x0  }
0x5b: {  	[sflag:s13] =	ssyncadd.s32 $0xFFFFF800;
	s17 =	simm.s32 $0x0  }
0x5c: {  	[tilespmem:s17], [sflag:$0x1] =	stream.linear.gather [hbm4b:s11+s17], $0x1400, $0x38;
	[tilespmem:$0xEC00] =	vst v63  }
0x5d: {  	_ =	swait.ge [sflag:s13], $0x1400  }
0x5e: {  	[sflag:s13] =	ssyncset.done $0x0  }
0x5f: {  	s31 =	simm.s32 $0x0;
	[sflag:s13] =	ssyncadd.s32 $0xFFFFEC00  }
0x60: {  	[spmem:s2] =	stream.indirect.scatter.add.f32 [tilespmem:s15], [sflag:$0x1], $0x10, s31, s14, $0xb8;
	[tilespmem:$0xEC00] =	vst v63  }
0x61: {  	_ =	swait.ge [sflag:s13], $0x800  }
0x62: {  	s17 =	simm.s32 $0x200;
	[sflag:s13] =	ssyncset.done $0x0  }
.LBB2_14:
0x63: {  	s18 =	sshra.s32 s17, $0x2;
	[sflag:s13] =	ssyncadd.s32 $0xFFFFF800;
	p0 =	sne.s32 s17, $0x4E00  }
0x64: {  	[spmem:s2] =	stream.indirect.scatter.add.f32 [tilespmem:s15], [sflag:$0x1], $0x10, s18, s14, $0xb8;
	[tilespmem:$0xEC00] =	vst v63  }
.Ltmp6:
0x65: {  	_ = 	snop;
	(pc) =	sbr.rel @p0 .LBB2_14-.Ltmp6, $4  }
0x66: {  	_ = 	snop  }
0x67: {  	s17 =	sadd.s32 $0x200, s17  }
0x68: {  	_ =	swait.ge [sflag:s13], $0x800  }
0x69: {  	[sflag:s13] =	ssyncset.done $0x0  }
0x6a: {  	s3 =	sadd.s32 $0x1, s3  }
0x6b: {  	[sflag:s13] =	ssyncadd.s32 $0xFFFFF800;
	s17 =	sshll.u32 s0, $0x6;
	p0 =	sne.s32 s3, s6  }
.Ltmp7:
0x6c: {  	[bflag:$0x0] =	sbarrier.arrive $0xFFFF;
	s17 =	sor.u32 $0x1C01, s17;
	(pc) =	sbr.rel @p0 .LBB2_1-.Ltmp7, $4  }
0x6d: {  	[hbm:s5], [sflag:s17] =	dma.local [spmem:s16], $0x1900  }
0x6e: {  	_ =	swait.ge [sflag:s13], $0x1900  }
0x6f: {  	[sflag:s13] =	ssyncset.done $0x0  }
0x70: {  	[sflag:s13] =	ssyncadd.s32 $0xFFFFE700  }
0x71: {  	_ =	sfence.sel $0x180000  }
0x72: {  	[bflag:$0x0] =	sbarrier.arrive $0xFFFF  }
0x73: {  	p0 =	sne.s32 s0, $0x0;
	_ =	strace $0x90000047  }
0x74: {  	s0 =	sadd.s32 @!p0 $0x100000, s1;
	[bflag:$0x2] =	sbarrier.arrive $0xFFFF  }
0x75: {  	[sflag:s0] =	ssyncadd.tile.s32 @!p0 $0x1;
	_ =	shalt  }
.Lfunc_end2:
_tile_overlayer_lowered:
.L_overlay_start_2:
0x76: {  	(tag) =	ssettag $0x2  }
0x77: {  	s0 =	rddreg [dreg:$0x0];
	s2 =	stileid.u32  }
0x78: {  	s1 =	rddreg [dreg:$0x1];
	p0 =	sne.s32 s2, $0x0  }
0x79: {  	s3 =	rddreg [dreg:$0x2];
	[bflag:$0x3] =	sbarrier.arrive $0xFFFF;
	s2 =	simm.s32 @!p0 $0x1C01  }
0x7a: {  	[timem:s3], [sflag:s2] =	dma.local @!p0 [hbm:s0], s1  }
0x7b: {  	s0 =	simm.s32 @!p0 $0x1  }
0x7c: {  	_ =	swait.ge @!p0 [sflag:s0], s1  }
0x7d: {  	s1 =	ssub.s32 @!p0 $0x0, s1;
	[sflag:s0] =	ssyncset.done @!p0 $0x0  }
0x7e: {  	[sflag:s0] =	ssyncadd.s32 @!p0 s1  }
0x7f: {  	[bflag:$0x3] =	sbarrier.arrive $0xFFFF  }
0x80: {  	_ =	shalt  }

</sc_bundles>
